<compile_context>
chip_gen: v7x
topology: tpu7x:2x2x1
jax: 0.10.2.dev20260603
libtpu: 0.0.44.dev20260713+nightly
codegen_flags: <defaults>
</compile_context>

<pallas_src>
import jax
import jax.numpy as jnp
from jax import lax
from jax.experimental import pallas as pl
from jax.experimental.pallas import tpu as pltpu
from jax.experimental.pallas import tpu_sc as plsc

N = 10000
E = 160000
IN_DIM = 384
HID = 256
HH = 128
NB = 64
NC = 2
NS = 16
CH = 128
CHUNKS = 80
PER_TILE = CH * CHUNKS
E_PAD = NS * PER_TILE
ACC_ROWS = 10112
RPT = ACC_ROWS // NS
R = 2000
GRID = N // R
HALF = CHUNKS // 2



def _sc_round_body(table, srcs, dsts, zrow,
                   out_sum,
                   acc, src_v, dst_v, rows_a, rows_b, sem_a, sem_b):
    c = lax.axis_index("c")
    t = lax.axis_index("s")
    pltpu.sync_copy(zrow, acc.at[pl.ds(t * RPT, RPT)])
    plsc.subcore_barrier()

    for h in range(2):
        pltpu.sync_copy(srcs.at[c, t, pl.ds(h * HALF, HALF)], src_v)
        pltpu.sync_copy(dsts.at[t, pl.ds(h * HALF, HALF)], dst_v)
        pltpu.async_copy(table.at[src_v.at[0]], rows_a, sem_a)

        def pair(g, carry):
            j = g * 2
            pltpu.async_copy(table.at[src_v.at[j + 1]], rows_b, sem_b)
            pltpu.make_async_copy(table.at[src_v.at[j]], rows_a, sem_a).wait()
            pltpu.sync_copy(rows_a, acc.at[dst_v.at[j]], add=True)

            @pl.when(j + 2 < HALF)
            def _():
                pltpu.async_copy(table.at[src_v.at[j + 2]], rows_a, sem_a)

            pltpu.make_async_copy(table.at[src_v.at[j + 1]], rows_b,
                                  sem_b).wait()
            pltpu.sync_copy(rows_b, acc.at[dst_v.at[j + 1]], add=True)
            return carry

        lax.fori_loop(0, HALF // 2, pair, 0)

    plsc.subcore_barrier()
    pltpu.sync_copy(acc.at[pl.ds(t * RPT, RPT)],
                    out_sum.at[c, pl.ds(t * RPT, RPT)])


def _sc_count_body(dsts, zcnt, ones_h,
                   out_cnt,
                   cnt, dst_v, ones_v):
    c = lax.axis_index("c")
    t = lax.axis_index("s")

    @pl.when(c == 0)
    def _():
        pltpu.sync_copy(zcnt, cnt.at[pl.ds(t * RPT, RPT)])
        pltpu.sync_copy(dsts.at[t], dst_v)
        pltpu.sync_copy(ones_h, ones_v)

    plsc.subcore_barrier()

    @pl.when(c == 0)
    def _():
        def step(j, carry):
            pltpu.sync_copy(ones_v, cnt.at[dst_v.at[j]], add=True)
            return carry

        lax.fori_loop(0, CHUNKS, step, 0)

    plsc.subcore_barrier()

    @pl.when(c == 0)
    def _():
        pltpu.sync_copy(cnt.at[pl.ds(t * RPT, RPT)],
                        out_cnt.at[pl.ds(t * RPT, RPT)])


_sc_cache = {}


def _get_sc_round():
    if "round" not in _sc_cache:
        _sc_cache["round"] = pl.kernel(
            _sc_round_body,
            out_type=jax.ShapeDtypeStruct((NC, ACC_ROWS, HH), jnp.float32),
            mesh=plsc.VectorSubcoreMesh(core_axis_name="c",
                                        subcore_axis_name="s",
                                        num_cores=NC, num_subcores=NS),
            scratch_types=[
                pltpu.VMEM_SHARED((ACC_ROWS, HH), jnp.float32),
                pltpu.VMEM((HALF, CH), jnp.int32),
                pltpu.VMEM((HALF, CH), jnp.int32),
                pltpu.VMEM((CH, HH), jnp.float32),
                pltpu.VMEM((CH, HH), jnp.float32),
                pltpu.SemaphoreType.DMA,
                pltpu.SemaphoreType.DMA,
            ],
        )
    return _sc_cache["round"]


def _get_sc_count():
    if "count" not in _sc_cache:
        _sc_cache["count"] = pl.kernel(
            _sc_count_body,
            out_type=jax.ShapeDtypeStruct((ACC_ROWS, HH), jnp.float32),
            mesh=plsc.VectorSubcoreMesh(core_axis_name="c",
                                        subcore_axis_name="s",
                                        num_cores=NC, num_subcores=NS),
            scratch_types=[
                pltpu.VMEM_SHARED((ACC_ROWS, HH), jnp.float32),
                pltpu.VMEM((CHUNKS, CH), jnp.int32),
                pltpu.VMEM((CH, HH), jnp.float32),
            ],
        )
    return _sc_cache["count"]


def _run_sc_round(table, srcs, dsts, zrow):
    return _get_sc_round()(table, srcs, dsts, zrow)


def _run_sc_count(dsts, zcnt, ones_h):
    return _get_sc_count()(dsts, zcnt, ones_h)



def _proj_body(x_ref, w_ref, b_ref, lo_ref, hi_ref):
    h = lax.dot_general(x_ref[...], w_ref[...], (((1,), (1,)), ((), ())),
                        preferred_element_type=jnp.float32) + b_ref[...]
    lo_ref[...] = h[:, :HH]
    hi_ref[...] = h[:, HH:]


def _proj(x, w, b):
    return pl.pallas_call(
        _proj_body,
        grid=(GRID,),
        in_specs=[
            pl.BlockSpec((R, IN_DIM), lambda i: (i, 0)),
            pl.BlockSpec((HID, IN_DIM), lambda i: (0, 0)),
            pl.BlockSpec((1, HID), lambda i: (0, 0)),
        ],
        out_specs=[
            pl.BlockSpec((R, HH), lambda i: (i, 0)),
            pl.BlockSpec((R, HH), lambda i: (i, 0)),
        ],
        out_shape=[jax.ShapeDtypeStruct((N, HH), jnp.float32),
                   jax.ShapeDtypeStruct((N, HH), jnp.float32)],
    )(x, w, b.reshape(1, HID))


def _upd_body(s_lo_ref, s_hi_ref, cnt_ref, h_lo_ref, h_hi_ref,
              wl_ref, wr_ref, bias_ref, o_lo_ref, o_hi_ref):
    c = jnp.maximum(cnt_ref[:, 0:1], 1.0)
    mean = jnp.concatenate([s_lo_ref[0], s_hi_ref[0]], axis=1) / c
    h = jnp.concatenate([h_lo_ref[...], h_hi_ref[...]], axis=1)
    o = (lax.dot_general(mean, wl_ref[...], (((1,), (1,)), ((), ())),
                         preferred_element_type=jnp.float32)
         + lax.dot_general(h, wr_ref[...], (((1,), (1,)), ((), ())),
                           preferred_element_type=jnp.float32)
         + bias_ref[...])
    nh = jnp.maximum(o, 0.0) + h
    o_lo_ref[...] = nh[:, :HH]
    o_hi_ref[...] = nh[:, HH:]


def _upd(s2, cnt, h_lo, h_hi, wl, wr, bias):
    return pl.pallas_call(
        _upd_body,
        grid=(GRID,),
        in_specs=[
            pl.BlockSpec((1, R, HH), lambda i: (0, i, 0)),
            pl.BlockSpec((1, R, HH), lambda i: (1, i, 0)),
            pl.BlockSpec((R, HH), lambda i: (i, 0)),
            pl.BlockSpec((R, HH), lambda i: (i, 0)),
            pl.BlockSpec((R, HH), lambda i: (i, 0)),
            pl.BlockSpec((HID, HID), lambda i: (0, 0)),
            pl.BlockSpec((HID, HID), lambda i: (0, 0)),
            pl.BlockSpec((1, HID), lambda i: (0, 0)),
        ],
        out_specs=[
            pl.BlockSpec((R, HH), lambda i: (i, 0)),
            pl.BlockSpec((R, HH), lambda i: (i, 0)),
        ],
        out_shape=[jax.ShapeDtypeStruct((N, HH), jnp.float32),
                   jax.ShapeDtypeStruct((N, HH), jnp.float32)],
    )(s2, s2, cnt, h_lo, h_hi, wl, wr, bias)


def _pool_body(bu_ref, bi_ref, hu_lo_ref, hu_hi_ref, hi_lo_ref, hi_hi_ref,
               wout_ref, bout_ref, out_ref, su, si, cu, ci):
    i = pl.program_id(0)
    ones_r8 = jnp.ones((R, 8), jnp.float32)
    iota = lax.broadcasted_iota(jnp.int32, (NB, R), 0)

    oh_u = (iota == bu_ref[0]).astype(jnp.float32)
    oh_i = (iota == bi_ref[0]).astype(jnp.float32)
    hu = jnp.concatenate([hu_lo_ref[...], hu_hi_ref[...]], axis=1)
    hi = jnp.concatenate([hi_lo_ref[...], hi_hi_ref[...]], axis=1)
    dn = (((1,), (0,)), ((), ()))
    su_p = lax.dot_general(oh_u, hu, dn, preferred_element_type=jnp.float32)
    si_p = lax.dot_general(oh_i, hi, dn, preferred_element_type=jnp.float32)
    cu_p = lax.dot_general(oh_u, ones_r8, dn, preferred_element_type=jnp.float32)
    ci_p = lax.dot_general(oh_i, ones_r8, dn, preferred_element_type=jnp.float32)

    @pl.when(i == 0)
    def _():
        su[...] = su_p
        si[...] = si_p
        cu[...] = cu_p
        ci[...] = ci_p

    @pl.when(i > 0)
    def _():
        su[...] += su_p
        si[...] += si_p
        cu[...] += cu_p
        ci[...] += ci_p

    @pl.when(i == GRID - 1)
    def _():
        mu = su[...] / jnp.maximum(cu[...][:, 0:1], 1.0)
        mi = si[...] / jnp.maximum(ci[...][:, 0:1], 1.0)
        g = (mu + mi) * 0.5
        out_ref[...] = (lax.dot_general(g, wout_ref[...],
                                        (((1,), (1,)), ((), ())),
                                        preferred_element_type=jnp.float32)
                        + bout_ref[...])


def _pool(bu3, bi3, hu_lo, hu_hi, hi_lo, hi_hi, wout, bout):
    return pl.pallas_call(
        _pool_body,
        grid=(GRID,),
        in_specs=[
            pl.BlockSpec((1, 1, R), lambda i: (i, 0, 0)),
            pl.BlockSpec((1, 1, R), lambda i: (i, 0, 0)),
            pl.BlockSpec((R, HH), lambda i: (i, 0)),
            pl.BlockSpec((R, HH), lambda i: (i, 0)),
            pl.BlockSpec((R, HH), lambda i: (i, 0)),
            pl.BlockSpec((R, HH), lambda i: (i, 0)),
            pl.BlockSpec((HID, HID), lambda i: (0, 0)),
            pl.BlockSpec((1, HID), lambda i: (0, 0)),
        ],
        out_specs=pl.BlockSpec((NB, HID), lambda i: (0, 0)),
        out_shape=jax.ShapeDtypeStruct((NB, HID), jnp.float32),
        scratch_shapes=[
            pltpu.VMEM((NB, HID), jnp.float32),
            pltpu.VMEM((NB, HID), jnp.float32),
            pltpu.VMEM((NB, 8), jnp.float32),
            pltpu.VMEM((NB, 8), jnp.float32),
        ],
    )(bu3, bi3, hu_lo, hu_hi, hi_lo, hi_hi, wout, bout.reshape(1, HID))



def _prep_edges(ei):
    src = ei[0].astype(jnp.int32)
    dst = ei[1].astype(jnp.int32)
    pad = E_PAD - E
    src_p = jnp.concatenate([src, jnp.zeros((pad,), jnp.int32)])
    dst_p = jnp.concatenate([dst, jnp.full((pad,), N, jnp.int32)])
    srcs = jnp.stack([src_p, src_p + N]).reshape(NC, NS, CHUNKS, CH)
    dsts = dst_p.reshape(NS, CHUNKS, CH)
    return srcs, dsts


def kernel(x_user, x_item, edge_index_ui, edge_index_iu, batch_user, batch_item,
           Wp_user, bp_user, Wp_item, bp_item,
           Wl_ui_0, bl_ui_0, Wr_ui_0, br_ui_0,
           Wl_iu_0, bl_iu_0, Wr_iu_0, br_iu_0,
           Wl_ui_1, bl_ui_1, Wr_ui_1, br_ui_1,
           Wl_iu_1, bl_iu_1, Wr_iu_1, br_iu_1,
           Wout, bout):
    hu_lo, hu_hi = _proj(x_user, Wp_user, bp_user)
    hi_lo, hi_hi = _proj(x_item, Wp_item, bp_item)

    srcs_ui, dsts_ui = _prep_edges(edge_index_ui)
    srcs_iu, dsts_iu = _prep_edges(edge_index_iu)
    zrow = jnp.zeros((RPT, HH), jnp.float32)
    ones_h = jnp.ones((CH, HH), jnp.float32)
    c_i = _run_sc_count(dsts_ui, zrow, ones_h)
    c_u = _run_sc_count(dsts_iu, zrow, ones_h)

    layer_w = [(Wl_ui_0, Wr_ui_0, (bl_ui_0 + br_ui_0).reshape(1, HID),
                Wl_iu_0, Wr_iu_0, (bl_iu_0 + br_iu_0).reshape(1, HID)),
               (Wl_ui_1, Wr_ui_1, (bl_ui_1 + br_ui_1).reshape(1, HID),
                Wl_iu_1, Wr_iu_1, (bl_iu_1 + br_iu_1).reshape(1, HID))]

    for (wl_ui, wr_ui, b_ui, wl_iu, wr_iu, b_iu) in layer_w:
        table_u = jnp.concatenate([hu_lo, hu_hi], axis=0)
        table_i = jnp.concatenate([hi_lo, hi_hi], axis=0)
        s_i = _run_sc_round(table_u, srcs_ui, dsts_ui, zrow)
        s_u = _run_sc_round(table_i, srcs_iu, dsts_iu, zrow)
        hi_lo, hi_hi = _upd(s_i, c_i[:N], hi_lo, hi_hi, wl_ui, wr_ui, b_ui)
        hu_lo, hu_hi = _upd(s_u, c_u[:N], hu_lo, hu_hi, wl_iu, wr_iu, b_iu)

    bu3 = batch_user.astype(jnp.int32).reshape(GRID, 1, R)
    bi3 = batch_item.astype(jnp.int32).reshape(GRID, 1, R)
    return _pool(bu3, bi3, hu_lo, hu_hi, hi_lo, hi_hi, Wout, bout)

# --- scband reference (transcript-rebuilt; emitter-appended) ---
"""Pipeline reference for scband-hetero-graph-encoder-4037269258811 (READ-ONLY COPY).

The authoritative reference and input builder live on the scoring server;
editing this copy changes nothing except your own understanding.
"""

import jax, jax.numpy as jnp
import numpy as np

N_USER = 10000
N_ITEM = 10000
E = 160000
IN_DIM = 384
HID = 256
OUT = 256
B = 64
NLAYERS = 2


def _lin(key, out_d, in_d):
    k1, k2 = jax.random.split(key)
    s = 1.0 / np.sqrt(in_d)
    W = jax.random.uniform(k1, (out_d, in_d), jnp.float32, -s, s)
    b = jax.random.uniform(k2, (out_d,), jnp.float32, -s, s)
    return W, b


def setup_inputs(seed: int = 0) -> dict:
    key = jax.random.key(seed)
    ks = jax.random.split(key, 32)
    inp = {}
    inp["x_user"] = jax.random.normal(ks[0], (N_USER, IN_DIM), jnp.float32)
    inp["x_item"] = jax.random.normal(ks[1], (N_ITEM, IN_DIM), jnp.float32)
    inp["edge_index_ui"] = jax.random.randint(ks[2], (2, E), 0, N_USER)
    inp["edge_index_iu"] = jax.random.randint(ks[3], (2, E), 0, N_ITEM)
    inp["batch_user"] = jnp.sort(jax.random.randint(ks[4], (N_USER,), 0, B))
    inp["batch_item"] = jnp.sort(jax.random.randint(ks[5], (N_ITEM,), 0, B))
    inp["Wp_user"], inp["bp_user"] = _lin(ks[6], HID, IN_DIM)
    inp["Wp_item"], inp["bp_item"] = _lin(ks[7], HID, IN_DIM)
    i = 8
    for l in range(NLAYERS):
        for et in ("ui", "iu"):
            inp[f"Wl_{et}_{l}"], inp[f"bl_{et}_{l}"] = _lin(ks[i], HID, HID); i += 1
            inp[f"Wr_{et}_{l}"], inp[f"br_{et}_{l}"] = _lin(ks[i], HID, HID); i += 1
    inp["Wout"], inp["bout"] = _lin(ks[i], OUT, HID)
    return inp


def _sage(x_src, x_dst, ei, Wl, bl, Wr, br):
    # PyG SAGEConv (mean aggregation, bipartite): lin_l(mean_msgs) + lin_r(x_dst)
    src, dst = ei[0], ei[1]
    m = jnp.take(x_src, src, axis=0)
    s = jax.ops.segment_sum(m, dst, num_segments=x_dst.shape[0])
    c = jax.ops.segment_sum(jnp.ones((ei.shape[1],), jnp.float32), dst, num_segments=x_dst.shape[0])
    mean = s / jnp.maximum(c, 1.0)[:, None]
    return mean @ Wl.T + bl + x_dst @ Wr.T + br


def _seg_mean(h, seg, n):
    s = jax.ops.segment_sum(h, seg, num_segments=n)
    c = jax.ops.segment_sum(jnp.ones((h.shape[0],), jnp.float32), seg, num_segments=n)
    return s / jnp.maximum(c, 1.0)[:, None]


def _forward(fl, ints):
    h_u = fl["x_user"] @ fl["Wp_user"].T + fl["bp_user"]
    h_i = fl["x_item"] @ fl["Wp_item"].T + fl["bp_item"]
    for l in range(NLAYERS):
        # edge type (user,to,item): messages from user -> aggregated at item
        o_i = _sage(h_u, h_i, ints["edge_index_ui"], fl[f"Wl_ui_{l}"], fl[f"bl_ui_{l}"], fl[f"Wr_ui_{l}"], fl[f"br_ui_{l}"])
        # edge type (item,to,user): messages from item -> aggregated at user
        o_u = _sage(h_i, h_u, ints["edge_index_iu"], fl[f"Wl_iu_{l}"], fl[f"bl_iu_{l}"], fl[f"Wr_iu_{l}"], fl[f"br_iu_{l}"])
        h_u = jax.nn.relu(o_u) + h_u
        h_i = jax.nn.relu(o_i) + h_i
    pu = _seg_mean(h_u, ints["batch_user"], B)
    pi = _seg_mean(h_i, ints["batch_item"], B)
    h_graph = (pu + pi) / 2.0  # stack over node types then mean(dim=0)
    return h_graph @ fl["Wout"].T + fl["bout"]


def reference(x_user, x_item, edge_index_ui, edge_index_iu, batch_user, batch_item,
              Wp_user, bp_user, Wp_item, bp_item,
              Wl_ui_0, bl_ui_0, Wr_ui_0, br_ui_0,
              Wl_iu_0, bl_iu_0, Wr_iu_0, br_iu_0,
              Wl_ui_1, bl_ui_1, Wr_ui_1, br_ui_1,
              Wl_iu_1, bl_iu_1, Wr_iu_1, br_iu_1,
              Wout, bout):
    inp = {
        "x_user": x_user, "x_item": x_item,
        "edge_index_ui": edge_index_ui, "edge_index_iu": edge_index_iu,
        "batch_user": batch_user, "batch_item": batch_item,
        "Wp_user": Wp_user, "bp_user": bp_user,
        "Wp_item": Wp_item, "bp_item": bp_item,
        "Wl_ui_0": Wl_ui_0, "bl_ui_0": bl_ui_0, "Wr_ui_0": Wr_ui_0, "br_ui_0": br_ui_0,
        "Wl_iu_0": Wl_iu_0, "bl_iu_0": bl_iu_0, "Wr_iu_0": Wr_iu_0, "br_iu_0": br_iu_0,
        "Wl_ui_1": Wl_ui_1, "bl_ui_1": bl_ui_1, "Wr_ui_1": Wr_ui_1, "br_ui_1": br_ui_1,
        "Wl_iu_1": Wl_iu_1, "bl_iu_1": bl_iu_1, "Wr_iu_1": Wr_iu_1, "br_iu_1": br_iu_1,
        "Wout": Wout, "bout": bout,
    }
    int_keys = ("edge_index_ui", "edge_index_iu", "batch_user", "batch_item")
    ints = {k: inp[k] for k in int_keys}
    fl = {k: v for k, v in inp.items() if k not in int_keys}
    return _forward(fl, ints)

if __name__ == "__main__":
    import jax
    _d = setup_inputs()
    print(jax.jit(kernel)(*tuple(_d.values())))

</pallas_src>

<mosaic_0001>
#map = affine_map<(d0, d1) -> (0, 0, 0)>
#map1 = affine_map<(d0, d1) -> (0, 0)>
module attributes {stable_mosaic.version = 14 : i64} {
  func.func @_sc_count_body(%arg0: i32, %arg1: i32, %arg2: memref<16x80x128xi32, #tpu.memory_space<hbm>>, %arg3: memref<632x128xf32, #tpu.memory_space<hbm>>, %arg4: memref<128x128xf32, #tpu.memory_space<hbm>>, %arg5: memref<10112x128xf32, #tpu.memory_space<hbm>>, %arg6: memref<10112x128xf32, #tpu.memory_space<vmem_shared>>, %arg7: memref<80x128xi32, #tpu.memory_space<vmem>>, %arg8: memref<128x128xf32, #tpu.memory_space<vmem>>) attributes {dimension_semantics = [#tpu.dimension_semantics<core_parallel>, #tpu.dimension_semantics<subcore_parallel>], iteration_bounds = array<i64: 2, 16>, scalar_prefetch = 0 : i64, scratch_operands = 3 : i64, tpu.core_type = #tpu.core_type<sc_vector_subcore>, window_params = [{transform_indices = #map}, {transform_indices = #map1}, {transform_indices = #map1}, {transform_indices = #map1}]} {
    %eq3A = arith.constant 0 : i32
    %eq3A_0 = arith.cmpi eq, %arg0, %eq3A : i32
    %convert_element_type3A = arith.extui %eq3A_0 : i1 to i32
    %cond3A = arith.constant 0 : i32
    %cond3A_1 = arith.cmpi ne, %convert_element_type3A, %cond3A : i32
    scf.if %cond3A_1 {
      %mul3A = arith.constant 632 : i32
      %mul3A_13 = arith.muli %arg1, %mul3A : i32
      "tpu.region"() ({
        %run_scoped3A = tpu.sem_alloc : memref<!tpu.dma_semaphore, #tpu.memory_space<semaphore_mem>>
        %dma_start3A = arith.constant 0 : i32
        %dma_start3A_14 = tpu.memref_slice %arg6[%mul3A_13, %dma_start3A] : memref<10112x128xf32, #tpu.memory_space<vmem_shared>> -> memref<632x128xf32, #tpu.memory_space<vmem_shared>>
        tpu.enqueue_dma source(%arg3 : memref<632x128xf32, #tpu.memory_space<hbm>>) target(%dma_start3A_14 : memref<632x128xf32, #tpu.memory_space<vmem_shared>>) target_semaphore(%run_scoped3A : memref<!tpu.dma_semaphore, #tpu.memory_space<semaphore_mem>>)
        %dma_wait3A = arith.constant 0 : i32
        %dma_wait3A_15 = tpu.memref_slice %arg6[%mul3A_13, %dma_wait3A] : memref<10112x128xf32, #tpu.memory_space<vmem_shared>> -> memref<632x128xf32, #tpu.memory_space<vmem_shared>>
        tpu.wait_dma2 semaphore(%run_scoped3A : memref<!tpu.dma_semaphore, #tpu.memory_space<semaphore_mem>>) src(%arg3 : memref<632x128xf32, #tpu.memory_space<hbm>>) dst(%dma_wait3A_15 : memref<632x128xf32, #tpu.memory_space<vmem_shared>>)
        tpu.yield
      }) : () -> ()
      "tpu.region"() ({
        %run_scoped3A = tpu.sem_alloc : memref<!tpu.dma_semaphore, #tpu.memory_space<semaphore_mem>>
        %dma_start3A = arith.constant 0 : i32
        %dma_start3A_14 = arith.constant 0 : i32
        %dma_start3A_15 = tpu.memref_slice %arg2[%arg1, %dma_start3A, %dma_start3A_14] : memref<16x80x128xi32, #tpu.memory_space<hbm>> -> memref<1x80x128xi32, #tpu.memory_space<hbm>>
        %dma_start3A_16 = tpu.memref_squeeze %dma_start3A_15 : memref<1x80x128xi32, #tpu.memory_space<hbm>> -> memref<80x128xi32, #tpu.memory_space<hbm>>
        %dma_start3A_17 = arith.constant 0 : i32
        %dma_start3A_18 = arith.constant 0 : i32
        %dma_start3A_19 = tpu.memref_slice %arg2[%arg1, %dma_start3A_17, %dma_start3A_18] : memref<16x80x128xi32, #tpu.memory_space<hbm>> -> memref<1x80x128xi32, #tpu.memory_space<hbm>>
        %dma_start3A_20 = tpu.memref_squeeze %dma_start3A_19 : memref<1x80x128xi32, #tpu.memory_space<hbm>> -> memref<80x128xi32, #tpu.memory_space<hbm>>
        tpu.enqueue_dma source(%dma_start3A_20 : memref<80x128xi32, #tpu.memory_space<hbm>>) target(%arg7 : memref<80x128xi32, #tpu.memory_space<vmem>>) target_semaphore(%run_scoped3A : memref<!tpu.dma_semaphore, #tpu.memory_space<semaphore_mem>>)
        %dma_wait3A = arith.constant 0 : i32
        %dma_wait3A_21 = arith.constant 0 : i32
        %dma_wait3A_22 = tpu.memref_slice %arg2[%arg1, %dma_wait3A, %dma_wait3A_21] : memref<16x80x128xi32, #tpu.memory_space<hbm>> -> memref<1x80x128xi32, #tpu.memory_space<hbm>>
        %dma_wait3A_23 = tpu.memref_squeeze %dma_wait3A_22 : memref<1x80x128xi32, #tpu.memory_space<hbm>> -> memref<80x128xi32, #tpu.memory_space<hbm>>
        %dma_wait3A_24 = arith.constant 0 : i32
        %dma_wait3A_25 = arith.constant 0 : i32
        %dma_wait3A_26 = tpu.memref_slice %arg2[%arg1, %dma_wait3A_24, %dma_wait3A_25] : memref<16x80x128xi32, #tpu.memory_space<hbm>> -> memref<1x80x128xi32, #tpu.memory_space<hbm>>
        %dma_wait3A_27 = tpu.memref_squeeze %dma_wait3A_26 : memref<1x80x128xi32, #tpu.memory_space<hbm>> -> memref<80x128xi32, #tpu.memory_space<hbm>>
        tpu.wait_dma2 semaphore(%run_scoped3A : memref<!tpu.dma_semaphore, #tpu.memory_space<semaphore_mem>>) src(%dma_wait3A_27 : memref<80x128xi32, #tpu.memory_space<hbm>>) dst(%arg7 : memref<80x128xi32, #tpu.memory_space<vmem>>)
        tpu.yield
      }) : () -> ()
      "tpu.region"() ({
        %run_scoped3A = tpu.sem_alloc : memref<!tpu.dma_semaphore, #tpu.memory_space<semaphore_mem>>
        tpu.enqueue_dma source(%arg4 : memref<128x128xf32, #tpu.memory_space<hbm>>) target(%arg8 : memref<128x128xf32, #tpu.memory_space<vmem>>) target_semaphore(%run_scoped3A : memref<!tpu.dma_semaphore, #tpu.memory_space<semaphore_mem>>)
        tpu.wait_dma2 semaphore(%run_scoped3A : memref<!tpu.dma_semaphore, #tpu.memory_space<semaphore_mem>>) src(%arg4 : memref<128x128xf32, #tpu.memory_space<hbm>>) dst(%arg8 : memref<128x128xf32, #tpu.memory_space<vmem>>)
        tpu.yield
      }) : () -> ()
    } else {
    }
    %barrier3A = arith.constant 0 : index
    tpu.barrier barrier_id(%barrier3A)
    %eq3A_2 = arith.constant 0 : i32
    %eq3A_3 = arith.cmpi eq, %arg0, %eq3A_2 : i32
    %convert_element_type3A_4 = arith.extui %eq3A_3 : i1 to i32
    %cond3A_5 = arith.constant 0 : i32
    %cond3A_6 = arith.cmpi ne, %convert_element_type3A_4, %cond3A_5 : i32
    scf.if %cond3A_6 {
      %scan3A = arith.constant 0 : i32
      %scan3A_13 = arith.constant 0 : i32
      %scan3A_14 = arith.constant 80 : i32
      %scan3A_15 = arith.addi %scan3A_13, %scan3A_14 : i32
      %scan3A_16 = arith.constant 1 : i32
      scf.for %scan3A_18 = %scan3A_13 to %scan3A_15 step %scan3A_16  : i32 {
        "tpu.region"() ({
          %run_scoped3A = tpu.sem_alloc : memref<!tpu.dma_semaphore, #tpu.memory_space<semaphore_mem>>
          %dma_start3A = arith.constant 0 : i32
          %dma_start3A_19 = tpu.memref_slice %arg7[%scan3A_18, %dma_start3A] : memref<80x128xi32, #tpu.memory_space<vmem>> -> memref<1x128xi32, #tpu.memory_space<vmem>>
          %dma_start3A_20 = tpu.memref_squeeze %dma_start3A_19 : memref<1x128xi32, #tpu.memory_space<vmem>> -> memref<128xi32, #tpu.memory_space<vmem>>
          %dma_start3A_21 = arith.constant 0 : i32
          %dma_start3A_22 = arith.constant 0 : i32
          %dma_start3A_23 = tpu.memref_slice %arg6[%dma_start3A_21, %dma_start3A_22] : memref<10112x128xf32, #tpu.memory_space<vmem_shared>> -> memref<10112x128xf32, #tpu.memory_space<vmem_shared>>
          tpu.enqueue_indirect_dma source(%arg8 : memref<128x128xf32, #tpu.memory_space<vmem>>) target(%dma_start3A_23 : memref<10112x128xf32, #tpu.memory_space<vmem_shared>>) offsets(%dma_start3A_20 : memref<128xi32, #tpu.memory_space<vmem>>) semaphore(%run_scoped3A : memref<!tpu.dma_semaphore, #tpu.memory_space<semaphore_mem>>) {add = true}
          %dma_wait3A = arith.constant 0 : i32
          %dma_wait3A_24 = tpu.memref_slice %arg7[%scan3A_18, %dma_wait3A] : memref<80x128xi32, #tpu.memory_space<vmem>> -> memref<1x128xi32, #tpu.memory_space<vmem>>
          %dma_wait3A_25 = tpu.memref_squeeze %dma_wait3A_24 : memref<1x128xi32, #tpu.memory_space<vmem>> -> memref<128xi32, #tpu.memory_space<vmem>>
          %dma_wait3A_26 = arith.constant 0 : i32
          %dma_wait3A_27 = arith.constant 0 : i32
          %dma_wait3A_28 = tpu.memref_slice %arg6[%dma_wait3A_26, %dma_wait3A_27] : memref<10112x128xf32, #tpu.memory_space<vmem_shared>> -> memref<10112x128xf32, #tpu.memory_space<vmem_shared>>
          tpu.wait_indirect_dma semaphore(%run_scoped3A : memref<!tpu.dma_semaphore, #tpu.memory_space<semaphore_mem>>) src(%arg8 : memref<128x128xf32, #tpu.memory_space<vmem>>) dst(%dma_wait3A_28 : memref<10112x128xf32, #tpu.memory_space<vmem_shared>>)
          tpu.yield
        }) : () -> ()
      }
      %scan3A_17 = arith.constant 80 : i32
    } else {
    }
    %barrier3A_7 = arith.constant 0 : index
    tpu.barrier barrier_id(%barrier3A_7)
    %eq3A_8 = arith.constant 0 : i32
    %eq3A_9 = arith.cmpi eq, %arg0, %eq3A_8 : i32
    %convert_element_type3A_10 = arith.extui %eq3A_9 : i1 to i32
    %cond3A_11 = arith.constant 0 : i32
    %cond3A_12 = arith.cmpi ne, %convert_element_type3A_10, %cond3A_11 : i32
    scf.if %cond3A_12 {
      %mul3A = arith.constant 632 : i32
      %mul3A_13 = arith.muli %arg1, %mul3A : i32
      %mul3A_14 = arith.constant 632 : i32
      %mul3A_15 = arith.muli %arg1, %mul3A_14 : i32
      "tpu.region"() ({
        %run_scoped3A = tpu.sem_alloc : memref<!tpu.dma_semaphore, #tpu.memory_space<semaphore_mem>>
        %dma_start3A = arith.constant 0 : i32
        %dma_start3A_16 = tpu.memref_slice %arg5[%mul3A_15, %dma_start3A] : memref<10112x128xf32, #tpu.memory_space<hbm>> -> memref<632x128xf32, #tpu.memory_space<hbm>>
        %dma_start3A_17 = arith.constant 0 : i32
        %dma_start3A_18 = tpu.memref_slice %arg6[%mul3A_13, %dma_start3A_17] : memref<10112x128xf32, #tpu.memory_space<vmem_shared>> -> memref<632x128xf32, #tpu.memory_space<vmem_shared>>
        tpu.enqueue_dma source(%dma_start3A_18 : memref<632x128xf32, #tpu.memory_space<vmem_shared>>) target(%dma_start3A_16 : memref<632x128xf32, #tpu.memory_space<hbm>>) target_semaphore(%run_scoped3A : memref<!tpu.dma_semaphore, #tpu.memory_space<semaphore_mem>>)
        %dma_wait3A = arith.constant 0 : i32
        %dma_wait3A_19 = tpu.memref_slice %arg5[%mul3A_15, %dma_wait3A] : memref<10112x128xf32, #tpu.memory_space<hbm>> -> memref<632x128xf32, #tpu.memory_space<hbm>>
        %dma_wait3A_20 = arith.constant 0 : i32
        %dma_wait3A_21 = tpu.memref_slice %arg6[%mul3A_13, %dma_wait3A_20] : memref<10112x128xf32, #tpu.memory_space<vmem_shared>> -> memref<632x128xf32, #tpu.memory_space<vmem_shared>>
        tpu.wait_dma2 semaphore(%run_scoped3A : memref<!tpu.dma_semaphore, #tpu.memory_space<semaphore_mem>>) src(%dma_wait3A_21 : memref<632x128xf32, #tpu.memory_space<vmem_shared>>) dst(%dma_wait3A_19 : memref<632x128xf32, #tpu.memory_space<hbm>>)
        tpu.yield
      }) : () -> ()
    } else {
    }
    return
  }
}

#map = affine_map<(d0, d1) -> (0, 0)>
#map1 = affine_map<(d0, d1) -> (0, 0, 0, 0)>
#map2 = affine_map<(d0, d1) -> (0, 0, 0)>
module attributes {stable_mosaic.version = 14 : i64} {
  func.func @_sc_round_body(%arg0: i32, %arg1: i32, %arg2: memref<20000x128xf32, #tpu.memory_space<hbm>>, %arg3: memref<2x16x80x128xi32, #tpu.memory_space<hbm>>, %arg4: memref<16x80x128xi32, #tpu.memory_space<hbm>>, %arg5: memref<632x128xf32, #tpu.memory_space<hbm>>, %arg6: memref<2x10112x128xf32, #tpu.memory_space<hbm>>, %arg7: memref<10112x128xf32, #tpu.memory_space<vmem_shared>>, %arg8: memref<40x128xi32, #tpu.memory_space<vmem>>, %arg9: memref<40x128xi32, #tpu.memory_space<vmem>>, %arg10: memref<128x128xf32, #tpu.memory_space<vmem>>, %arg11: memref<128x128xf32, #tpu.memory_space<vmem>>, %arg12: memref<!tpu.dma_semaphore, #tpu.memory_space<semaphore_mem>>, %arg13: memref<!tpu.dma_semaphore, #tpu.memory_space<semaphore_mem>>) attributes {dimension_semantics = [#tpu.dimension_semantics<core_parallel>, #tpu.dimension_semantics<subcore_parallel>], iteration_bounds = array<i64: 2, 16>, scalar_prefetch = 0 : i64, scratch_operands = 7 : i64, tpu.core_type = #tpu.core_type<sc_vector_subcore>, window_params = [{transform_indices = #map}, {transform_indices = #map1}, {transform_indices = #map2}, {transform_indices = #map}, {transform_indices = #map2}]} {
    %mul3A = arith.constant 632 : i32
    %mul3A_0 = arith.muli %arg1, %mul3A : i32
    "tpu.region"() ({
      %run_scoped3A = tpu.sem_alloc : memref<!tpu.dma_semaphore, #tpu.memory_space<semaphore_mem>>
      %dma_start3A_30 = arith.constant 0 : i32
      %dma_start3A_31 = tpu.memref_slice %arg7[%mul3A_0, %dma_start3A_30] : memref<10112x128xf32, #tpu.memory_space<vmem_shared>> -> memref<632x128xf32, #tpu.memory_space<vmem_shared>>
      tpu.enqueue_dma source(%arg5 : memref<632x128xf32, #tpu.memory_space<hbm>>) target(%dma_start3A_31 : memref<632x128xf32, #tpu.memory_space<vmem_shared>>) target_semaphore(%run_scoped3A : memref<!tpu.dma_semaphore, #tpu.memory_space<semaphore_mem>>)
      %dma_wait3A = arith.constant 0 : i32
      %dma_wait3A_32 = tpu.memref_slice %arg7[%mul3A_0, %dma_wait3A] : memref<10112x128xf32, #tpu.memory_space<vmem_shared>> -> memref<632x128xf32, #tpu.memory_space<vmem_shared>>
      tpu.wait_dma2 semaphore(%run_scoped3A : memref<!tpu.dma_semaphore, #tpu.memory_space<semaphore_mem>>) src(%arg5 : memref<632x128xf32, #tpu.memory_space<hbm>>) dst(%dma_wait3A_32 : memref<632x128xf32, #tpu.memory_space<vmem_shared>>)
      tpu.yield
    }) : () -> ()
    %barrier3A = arith.constant 0 : index
    tpu.barrier barrier_id(%barrier3A)
    "tpu.region"() ({
      %run_scoped3A = tpu.sem_alloc : memref<!tpu.dma_semaphore, #tpu.memory_space<semaphore_mem>>
      %dma_start3A_30 = arith.constant 0 : i32
      %dma_start3A_31 = arith.constant 0 : i32
      %dma_start3A_32 = tpu.memref_slice %arg3[%arg0, %arg1, %dma_start3A_30, %dma_start3A_31] : memref<2x16x80x128xi32, #tpu.memory_space<hbm>> -> memref<1x1x40x128xi32, #tpu.memory_space<hbm>>
      %dma_start3A_33 = tpu.memref_squeeze %dma_start3A_32 : memref<1x1x40x128xi32, #tpu.memory_space<hbm>> -> memref<40x128xi32, #tpu.memory_space<hbm>>
      %dma_start3A_34 = arith.constant 0 : i32
      %dma_start3A_35 = arith.constant 0 : i32
      %dma_start3A_36 = tpu.memref_slice %arg3[%arg0, %arg1, %dma_start3A_34, %dma_start3A_35] : memref<2x16x80x128xi32, #tpu.memory_space<hbm>> -> memref<1x1x40x128xi32, #tpu.memory_space<hbm>>
      %dma_start3A_37 = tpu.memref_squeeze %dma_start3A_36 : memref<1x1x40x128xi32, #tpu.memory_space<hbm>> -> memref<40x128xi32, #tpu.memory_space<hbm>>
      tpu.enqueue_dma source(%dma_start3A_37 : memref<40x128xi32, #tpu.memory_space<hbm>>) target(%arg8 : memref<40x128xi32, #tpu.memory_space<vmem>>) target_semaphore(%run_scoped3A : memref<!tpu.dma_semaphore, #tpu.memory_space<semaphore_mem>>)
      %dma_wait3A = arith.constant 0 : i32
      %dma_wait3A_38 = arith.constant 0 : i32
      %dma_wait3A_39 = tpu.memref_slice %arg3[%arg0, %arg1, %dma_wait3A, %dma_wait3A_38] : memref<2x16x80x128xi32, #tpu.memory_space<hbm>> -> memref<1x1x40x128xi32, #tpu.memory_space<hbm>>
      %dma_wait3A_40 = tpu.memref_squeeze %dma_wait3A_39 : memref<1x1x40x128xi32, #tpu.memory_space<hbm>> -> memref<40x128xi32, #tpu.memory_space<hbm>>
      %dma_wait3A_41 = arith.constant 0 : i32
      %dma_wait3A_42 = arith.constant 0 : i32
      %dma_wait3A_43 = tpu.memref_slice %arg3[%arg0, %arg1, %dma_wait3A_41, %dma_wait3A_42] : memref<2x16x80x128xi32, #tpu.memory_space<hbm>> -> memref<1x1x40x128xi32, #tpu.memory_space<hbm>>
      %dma_wait3A_44 = tpu.memref_squeeze %dma_wait3A_43 : memref<1x1x40x128xi32, #tpu.memory_space<hbm>> -> memref<40x128xi32, #tpu.memory_space<hbm>>
      tpu.wait_dma2 semaphore(%run_scoped3A : memref<!tpu.dma_semaphore, #tpu.memory_space<semaphore_mem>>) src(%dma_wait3A_44 : memref<40x128xi32, #tpu.memory_space<hbm>>) dst(%arg8 : memref<40x128xi32, #tpu.memory_space<vmem>>)
      tpu.yield
    }) : () -> ()
    "tpu.region"() ({
      %run_scoped3A = tpu.sem_alloc : memref<!tpu.dma_semaphore, #tpu.memory_space<semaphore_mem>>
      %dma_start3A_30 = arith.constant 0 : i32
      %dma_start3A_31 = arith.constant 0 : i32
      %dma_start3A_32 = tpu.memref_slice %arg4[%arg1, %dma_start3A_30, %dma_start3A_31] : memref<16x80x128xi32, #tpu.memory_space<hbm>> -> memref<1x40x128xi32, #tpu.memory_space<hbm>>
      %dma_start3A_33 = tpu.memref_squeeze %dma_start3A_32 : memref<1x40x128xi32, #tpu.memory_space<hbm>> -> memref<40x128xi32, #tpu.memory_space<hbm>>
      %dma_start3A_34 = arith.constant 0 : i32
      %dma_start3A_35 = arith.constant 0 : i32
      %dma_start3A_36 = tpu.memref_slice %arg4[%arg1, %dma_start3A_34, %dma_start3A_35] : memref<16x80x128xi32, #tpu.memory_space<hbm>> -> memref<1x40x128xi32, #tpu.memory_space<hbm>>
      %dma_start3A_37 = tpu.memref_squeeze %dma_start3A_36 : memref<1x40x128xi32, #tpu.memory_space<hbm>> -> memref<40x128xi32, #tpu.memory_space<hbm>>
      tpu.enqueue_dma source(%dma_start3A_37 : memref<40x128xi32, #tpu.memory_space<hbm>>) target(%arg9 : memref<40x128xi32, #tpu.memory_space<vmem>>) target_semaphore(%run_scoped3A : memref<!tpu.dma_semaphore, #tpu.memory_space<semaphore_mem>>)
      %dma_wait3A = arith.constant 0 : i32
      %dma_wait3A_38 = arith.constant 0 : i32
      %dma_wait3A_39 = tpu.memref_slice %arg4[%arg1, %dma_wait3A, %dma_wait3A_38] : memref<16x80x128xi32, #tpu.memory_space<hbm>> -> memref<1x40x128xi32, #tpu.memory_space<hbm>>
      %dma_wait3A_40 = tpu.memref_squeeze %dma_wait3A_39 : memref<1x40x128xi32, #tpu.memory_space<hbm>> -> memref<40x128xi32, #tpu.memory_space<hbm>>
      %dma_wait3A_41 = arith.constant 0 : i32
      %dma_wait3A_42 = arith.constant 0 : i32
      %dma_wait3A_43 = tpu.memref_slice %arg4[%arg1, %dma_wait3A_41, %dma_wait3A_42] : memref<16x80x128xi32, #tpu.memory_space<hbm>> -> memref<1x40x128xi32, #tpu.memory_space<hbm>>
      %dma_wait3A_44 = tpu.memref_squeeze %dma_wait3A_43 : memref<1x40x128xi32, #tpu.memory_space<hbm>> -> memref<40x128xi32, #tpu.memory_space<hbm>>
      tpu.wait_dma2 semaphore(%run_scoped3A : memref<!tpu.dma_semaphore, #tpu.memory_space<semaphore_mem>>) src(%dma_wait3A_44 : memref<40x128xi32, #tpu.memory_space<hbm>>) dst(%arg9 : memref<40x128xi32, #tpu.memory_space<vmem>>)
      tpu.yield
    }) : () -> ()
    %dma_start3A = arith.constant 0 : i32
    %dma_start3A_1 = arith.constant 0 : i32
    %dma_start3A_2 = tpu.memref_slice %arg8[%dma_start3A, %dma_start3A_1] : memref<40x128xi32, #tpu.memory_space<vmem>> -> memref<1x128xi32, #tpu.memory_space<vmem>>
    %dma_start3A_3 = tpu.memref_squeeze %dma_start3A_2 : memref<1x128xi32, #tpu.memory_space<vmem>> -> memref<128xi32, #tpu.memory_space<vmem>>
    %dma_start3A_4 = arith.constant 0 : i32
    %dma_start3A_5 = arith.constant 0 : i32
    %dma_start3A_6 = tpu.memref_slice %arg2[%dma_start3A_4, %dma_start3A_5] : memref<20000x128xf32, #tpu.memory_space<hbm>> -> memref<20000x128xf32, #tpu.memory_space<hbm>>
    tpu.enqueue_indirect_dma source(%dma_start3A_6 : memref<20000x128xf32, #tpu.memory_space<hbm>>) target(%arg10 : memref<128x128xf32, #tpu.memory_space<vmem>>) offsets(%dma_start3A_3 : memref<128xi32, #tpu.memory_space<vmem>>) semaphore(%arg12 : memref<!tpu.dma_semaphore, #tpu.memory_space<semaphore_mem>>)
    %scan3A = arith.constant 0 : i32
    %scan3A_7 = arith.constant 0 : i32
    %scan3A_8 = arith.constant 20 : i32
    %scan3A_9 = arith.addi %scan3A_7, %scan3A_8 : i32
    %scan3A_10 = arith.constant 1 : i32
    scf.for %scan3A_30 = %scan3A_7 to %scan3A_9 step %scan3A_10  : i32 {
      %mul3A_31 = arith.constant 2 : i32
      %mul3A_32 = arith.muli %scan3A_30, %mul3A_31 : i32
      %add3A = arith.constant 1 : i32
      %add3A_33 = arith.addi %mul3A_32, %add3A : i32
      %dma_start3A_34 = arith.constant 0 : i32
      %dma_start3A_35 = tpu.memref_slice %arg8[%add3A_33, %dma_start3A_34] : memref<40x128xi32, #tpu.memory_space<vmem>> -> memref<1x128xi32, #tpu.memory_space<vmem>>
      %dma_start3A_36 = tpu.memref_squeeze %dma_start3A_35 : memref<1x128xi32, #tpu.memory_space<vmem>> -> memref<128xi32, #tpu.memory_space<vmem>>
      %dma_start3A_37 = arith.constant 0 : i32
      %dma_start3A_38 = arith.constant 0 : i32
      %dma_start3A_39 = tpu.memref_slice %arg2[%dma_start3A_37, %dma_start3A_38] : memref<20000x128xf32, #tpu.memory_space<hbm>> -> memref<20000x128xf32, #tpu.memory_space<hbm>>
      tpu.enqueue_indirect_dma source(%dma_start3A_39 : memref<20000x128xf32, #tpu.memory_space<hbm>>) target(%arg11 : memref<128x128xf32, #tpu.memory_space<vmem>>) offsets(%dma_start3A_36 : memref<128xi32, #tpu.memory_space<vmem>>) semaphore(%arg13 : memref<!tpu.dma_semaphore, #tpu.memory_space<semaphore_mem>>)
      %dma_wait3A = arith.constant 0 : i32
      %dma_wait3A_40 = tpu.memref_slice %arg8[%mul3A_32, %dma_wait3A] : memref<40x128xi32, #tpu.memory_space<vmem>> -> memref<1x128xi32, #tpu.memory_space<vmem>>
      %dma_wait3A_41 = tpu.memref_squeeze %dma_wait3A_40 : memref<1x128xi32, #tpu.memory_space<vmem>> -> memref<128xi32, #tpu.memory_space<vmem>>
      %dma_wait3A_42 = arith.constant 0 : i32
      %dma_wait3A_43 = arith.constant 0 : i32
      %dma_wait3A_44 = tpu.memref_slice %arg2[%dma_wait3A_42, %dma_wait3A_43] : memref<20000x128xf32, #tpu.memory_space<hbm>> -> memref<20000x128xf32, #tpu.memory_space<hbm>>
      tpu.wait_indirect_dma semaphore(%arg12 : memref<!tpu.dma_semaphore, #tpu.memory_space<semaphore_mem>>) src(%dma_wait3A_44 : memref<20000x128xf32, #tpu.memory_space<hbm>>) dst(%arg10 : memref<128x128xf32, #tpu.memory_space<vmem>>)
      "tpu.region"() ({
        %run_scoped3A = tpu.sem_alloc : memref<!tpu.dma_semaphore, #tpu.memory_space<semaphore_mem>>
        %dma_start3A_59 = arith.constant 0 : i32
        %dma_start3A_60 = tpu.memref_slice %arg9[%mul3A_32, %dma_start3A_59] : memref<40x128xi32, #tpu.memory_space<vmem>> -> memref<1x128xi32, #tpu.memory_space<vmem>>
        %dma_start3A_61 = tpu.memref_squeeze %dma_start3A_60 : memref<1x128xi32, #tpu.memory_space<vmem>> -> memref<128xi32, #tpu.memory_space<vmem>>
        %dma_start3A_62 = arith.constant 0 : i32
        %dma_start3A_63 = arith.constant 0 : i32
        %dma_start3A_64 = tpu.memref_slice %arg7[%dma_start3A_62, %dma_start3A_63] : memref<10112x128xf32, #tpu.memory_space<vmem_shared>> -> memref<10112x128xf32, #tpu.memory_space<vmem_shared>>
        tpu.enqueue_indirect_dma source(%arg10 : memref<128x128xf32, #tpu.memory_space<vmem>>) target(%dma_start3A_64 : memref<10112x128xf32, #tpu.memory_space<vmem_shared>>) offsets(%dma_start3A_61 : memref<128xi32, #tpu.memory_space<vmem>>) semaphore(%run_scoped3A : memref<!tpu.dma_semaphore, #tpu.memory_space<semaphore_mem>>) {add = true}
        %dma_wait3A_65 = arith.constant 0 : i32
        %dma_wait3A_66 = tpu.memref_slice %arg9[%mul3A_32, %dma_wait3A_65] : memref<40x128xi32, #tpu.memory_space<vmem>> -> memref<1x128xi32, #tpu.memory_space<vmem>>
        %dma_wait3A_67 = tpu.memref_squeeze %dma_wait3A_66 : memref<1x128xi32, #tpu.memory_space<vmem>> -> memref<128xi32, #tpu.memory_space<vmem>>
        %dma_wait3A_68 = arith.constant 0 : i32
        %dma_wait3A_69 = arith.constant 0 : i32
        %dma_wait3A_70 = tpu.memref_slice %arg7[%dma_wait3A_68, %dma_wait3A_69] : memref<10112x128xf32, #tpu.memory_space<vmem_shared>> -> memref<10112x128xf32, #tpu.memory_space<vmem_shared>>
        tpu.wait_indirect_dma semaphore(%run_scoped3A : memref<!tpu.dma_semaphore, #tpu.memory_space<semaphore_mem>>) src(%arg10 : memref<128x128xf32, #tpu.memory_space<vmem>>) dst(%dma_wait3A_70 : memref<10112x128xf32, #tpu.memory_space<vmem_shared>>)
        tpu.yield
      }) : () -> ()
      %add3A_45 = arith.constant 2 : i32
      %add3A_46 = arith.addi %mul3A_32, %add3A_45 : i32
      %lt3A = arith.constant 40 : i32
      %lt3A_47 = arith.cmpi slt, %add3A_46, %lt3A : i32
      %convert_element_type3A = arith.extui %lt3A_47 : i1 to i32
      %cond3A = arith.constant 0 : i32
      %cond3A_48 = arith.cmpi ne, %convert_element_type3A, %cond3A : i32
      scf.if %cond3A_48 {
        %add3A_59 = arith.constant 2 : i32
        %add3A_60 = arith.addi %mul3A_32, %add3A_59 : i32
        %dma_start3A_61 = arith.constant 0 : i32
        %dma_start3A_62 = tpu.memref_slice %arg8[%add3A_60, %dma_start3A_61] : memref<40x128xi32, #tpu.memory_space<vmem>> -> memref<1x128xi32, #tpu.memory_space<vmem>>
        %dma_start3A_63 = tpu.memref_squeeze %dma_start3A_62 : memref<1x128xi32, #tpu.memory_space<vmem>> -> memref<128xi32, #tpu.memory_space<vmem>>
        %dma_start3A_64 = arith.constant 0 : i32
        %dma_start3A_65 = arith.constant 0 : i32
        %dma_start3A_66 = tpu.memref_slice %arg2[%dma_start3A_64, %dma_start3A_65] : memref<20000x128xf32, #tpu.memory_space<hbm>> -> memref<20000x128xf32, #tpu.memory_space<hbm>>
        tpu.enqueue_indirect_dma source(%dma_start3A_66 : memref<20000x128xf32, #tpu.memory_space<hbm>>) target(%arg10 : memref<128x128xf32, #tpu.memory_space<vmem>>) offsets(%dma_start3A_63 : memref<128xi32, #tpu.memory_space<vmem>>) semaphore(%arg12 : memref<!tpu.dma_semaphore, #tpu.memory_space<semaphore_mem>>)
      } else {
      }
      %add3A_49 = arith.constant 1 : i32
      %add3A_50 = arith.addi %mul3A_32, %add3A_49 : i32
      %dma_wait3A_51 = arith.constant 0 : i32
      %dma_wait3A_52 = tpu.memref_slice %arg8[%add3A_50, %dma_wait3A_51] : memref<40x128xi32, #tpu.memory_space<vmem>> -> memref<1x128xi32, #tpu.memory_space<vmem>>
      %dma_wait3A_53 = tpu.memref_squeeze %dma_wait3A_52 : memref<1x128xi32, #tpu.memory_space<vmem>> -> memref<128xi32, #tpu.memory_space<vmem>>
      %dma_wait3A_54 = arith.constant 0 : i32
      %dma_wait3A_55 = arith.constant 0 : i32
      %dma_wait3A_56 = tpu.memref_slice %arg2[%dma_wait3A_54, %dma_wait3A_55] : memref<20000x128xf32, #tpu.memory_space<hbm>> -> memref<20000x128xf32, #tpu.memory_space<hbm>>
      tpu.wait_indirect_dma semaphore(%arg13 : memref<!tpu.dma_semaphore, #tpu.memory_space<semaphore_mem>>) src(%dma_wait3A_56 : memref<20000x128xf32, #tpu.memory_space<hbm>>) dst(%arg11 : memref<128x128xf32, #tpu.memory_space<vmem>>)
      %add3A_57 = arith.constant 1 : i32
      %add3A_58 = arith.addi %mul3A_32, %add3A_57 : i32
      "tpu.region"() ({
        %run_scoped3A = tpu.sem_alloc : memref<!tpu.dma_semaphore, #tpu.memory_space<semaphore_mem>>
        %dma_start3A_59 = arith.constant 0 : i32
        %dma_start3A_60 = tpu.memref_slice %arg9[%add3A_58, %dma_start3A_59] : memref<40x128xi32, #tpu.memory_space<vmem>> -> memref<1x128xi32, #tpu.memory_space<vmem>>
        %dma_start3A_61 = tpu.memref_squeeze %dma_start3A_60 : memref<1x128xi32, #tpu.memory_space<vmem>> -> memref<128xi32, #tpu.memory_space<vmem>>
        %dma_start3A_62 = arith.constant 0 : i32
        %dma_start3A_63 = arith.constant 0 : i32
        %dma_start3A_64 = tpu.memref_slice %arg7[%dma_start3A_62, %dma_start3A_63] : memref<10112x128xf32, #tpu.memory_space<vmem_shared>> -> memref<10112x128xf32, #tpu.memory_space<vmem_shared>>
        tpu.enqueue_indirect_dma source(%arg11 : memref<128x128xf32, #tpu.memory_space<vmem>>) target(%dma_start3A_64 : memref<10112x128xf32, #tpu.memory_space<vmem_shared>>) offsets(%dma_start3A_61 : memref<128xi32, #tpu.memory_space<vmem>>) semaphore(%run_scoped3A : memref<!tpu.dma_semaphore, #tpu.memory_space<semaphore_mem>>) {add = true}
        %dma_wait3A_65 = arith.constant 0 : i32
        %dma_wait3A_66 = tpu.memref_slice %arg9[%add3A_58, %dma_wait3A_65] : memref<40x128xi32, #tpu.memory_space<vmem>> -> memref<1x128xi32, #tpu.memory_space<vmem>>
        %dma_wait3A_67 = tpu.memref_squeeze %dma_wait3A_66 : memref<1x128xi32, #tpu.memory_space<vmem>> -> memref<128xi32, #tpu.memory_space<vmem>>
        %dma_wait3A_68 = arith.constant 0 : i32
        %dma_wait3A_69 = arith.constant 0 : i32
        %dma_wait3A_70 = tpu.memref_slice %arg7[%dma_wait3A_68, %dma_wait3A_69] : memref<10112x128xf32, #tpu.memory_space<vmem_shared>> -> memref<10112x128xf32, #tpu.memory_space<vmem_shared>>
        tpu.wait_indirect_dma semaphore(%run_scoped3A : memref<!tpu.dma_semaphore, #tpu.memory_space<semaphore_mem>>) src(%arg11 : memref<128x128xf32, #tpu.memory_space<vmem>>) dst(%dma_wait3A_70 : memref<10112x128xf32, #tpu.memory_space<vmem_shared>>)
        tpu.yield
      }) : () -> ()
    }
    %scan3A_11 = arith.constant 20 : i32
    "tpu.region"() ({
      %run_scoped3A = tpu.sem_alloc : memref<!tpu.dma_semaphore, #tpu.memory_space<semaphore_mem>>
      %dma_start3A_30 = arith.constant 40 : i32
      %dma_start3A_31 = arith.constant 0 : i32
      %dma_start3A_32 = tpu.memref_slice %arg3[%arg0, %arg1, %dma_start3A_30, %dma_start3A_31] : memref<2x16x80x128xi32, #tpu.memory_space<hbm>> -> memref<1x1x40x128xi32, #tpu.memory_space<hbm>>
      %dma_start3A_33 = tpu.memref_squeeze %dma_start3A_32 : memref<1x1x40x128xi32, #tpu.memory_space<hbm>> -> memref<40x128xi32, #tpu.memory_space<hbm>>
      %dma_start3A_34 = arith.constant 40 : i32
      %dma_start3A_35 = arith.constant 0 : i32
      %dma_start3A_36 = tpu.memref_slice %arg3[%arg0, %arg1, %dma_start3A_34, %dma_start3A_35] : memref<2x16x80x128xi32, #tpu.memory_space<hbm>> -> memref<1x1x40x128xi32, #tpu.memory_space<hbm>>
      %dma_start3A_37 = tpu.memref_squeeze %dma_start3A_36 : memref<1x1x40x128xi32, #tpu.memory_space<hbm>> -> memref<40x128xi32, #tpu.memory_space<hbm>>
      tpu.enqueue_dma source(%dma_start3A_37 : memref<40x128xi32, #tpu.memory_space<hbm>>) target(%arg8 : memref<40x128xi32, #tpu.memory_space<vmem>>) target_semaphore(%run_scoped3A : memref<!tpu.dma_semaphore, #tpu.memory_space<semaphore_mem>>)
      %dma_wait3A = arith.constant 40 : i32
      %dma_wait3A_38 = arith.constant 0 : i32
      %dma_wait3A_39 = tpu.memref_slice %arg3[%arg0, %arg1, %dma_wait3A, %dma_wait3A_38] : memref<2x16x80x128xi32, #tpu.memory_space<hbm>> -> memref<1x1x40x128xi32, #tpu.memory_space<hbm>>
      %dma_wait3A_40 = tpu.memref_squeeze %dma_wait3A_39 : memref<1x1x40x128xi32, #tpu.memory_space<hbm>> -> memref<40x128xi32, #tpu.memory_space<hbm>>
      %dma_wait3A_41 = arith.constant 40 : i32
      %dma_wait3A_42 = arith.constant 0 : i32
      %dma_wait3A_43 = tpu.memref_slice %arg3[%arg0, %arg1, %dma_wait3A_41, %dma_wait3A_42] : memref<2x16x80x128xi32, #tpu.memory_space<hbm>> -> memref<1x1x40x128xi32, #tpu.memory_space<hbm>>
      %dma_wait3A_44 = tpu.memref_squeeze %dma_wait3A_43 : memref<1x1x40x128xi32, #tpu.memory_space<hbm>> -> memref<40x128xi32, #tpu.memory_space<hbm>>
      tpu.wait_dma2 semaphore(%run_scoped3A : memref<!tpu.dma_semaphore, #tpu.memory_space<semaphore_mem>>) src(%dma_wait3A_44 : memref<40x128xi32, #tpu.memory_space<hbm>>) dst(%arg8 : memref<40x128xi32, #tpu.memory_space<vmem>>)
      tpu.yield
    }) : () -> ()
    "tpu.region"() ({
      %run_scoped3A = tpu.sem_alloc : memref<!tpu.dma_semaphore, #tpu.memory_space<semaphore_mem>>
      %dma_start3A_30 = arith.constant 40 : i32
      %dma_start3A_31 = arith.constant 0 : i32
      %dma_start3A_32 = tpu.memref_slice %arg4[%arg1, %dma_start3A_30, %dma_start3A_31] : memref<16x80x128xi32, #tpu.memory_space<hbm>> -> memref<1x40x128xi32, #tpu.memory_space<hbm>>
      %dma_start3A_33 = tpu.memref_squeeze %dma_start3A_32 : memref<1x40x128xi32, #tpu.memory_space<hbm>> -> memref<40x128xi32, #tpu.memory_space<hbm>>
      %dma_start3A_34 = arith.constant 40 : i32
      %dma_start3A_35 = arith.constant 0 : i32
      %dma_start3A_36 = tpu.memref_slice %arg4[%arg1, %dma_start3A_34, %dma_start3A_35] : memref<16x80x128xi32, #tpu.memory_space<hbm>> -> memref<1x40x128xi32, #tpu.memory_space<hbm>>
      %dma_start3A_37 = tpu.memref_squeeze %dma_start3A_36 : memref<1x40x128xi32, #tpu.memory_space<hbm>> -> memref<40x128xi32, #tpu.memory_space<hbm>>
      tpu.enqueue_dma source(%dma_start3A_37 : memref<40x128xi32, #tpu.memory_space<hbm>>) target(%arg9 : memref<40x128xi32, #tpu.memory_space<vmem>>) target_semaphore(%run_scoped3A : memref<!tpu.dma_semaphore, #tpu.memory_space<semaphore_mem>>)
      %dma_wait3A = arith.constant 40 : i32
      %dma_wait3A_38 = arith.constant 0 : i32
      %dma_wait3A_39 = tpu.memref_slice %arg4[%arg1, %dma_wait3A, %dma_wait3A_38] : memref<16x80x128xi32, #tpu.memory_space<hbm>> -> memref<1x40x128xi32, #tpu.memory_space<hbm>>
      %dma_wait3A_40 = tpu.memref_squeeze %dma_wait3A_39 : memref<1x40x128xi32, #tpu.memory_space<hbm>> -> memref<40x128xi32, #tpu.memory_space<hbm>>
      %dma_wait3A_41 = arith.constant 40 : i32
      %dma_wait3A_42 = arith.constant 0 : i32
      %dma_wait3A_43 = tpu.memref_slice %arg4[%arg1, %dma_wait3A_41, %dma_wait3A_42] : memref<16x80x128xi32, #tpu.memory_space<hbm>> -> memref<1x40x128xi32, #tpu.memory_space<hbm>>
      %dma_wait3A_44 = tpu.memref_squeeze %dma_wait3A_43 : memref<1x40x128xi32, #tpu.memory_space<hbm>> -> memref<40x128xi32, #tpu.memory_space<hbm>>
      tpu.wait_dma2 semaphore(%run_scoped3A : memref<!tpu.dma_semaphore, #tpu.memory_space<semaphore_mem>>) src(%dma_wait3A_44 : memref<40x128xi32, #tpu.memory_space<hbm>>) dst(%arg9 : memref<40x128xi32, #tpu.memory_space<vmem>>)
      tpu.yield
    }) : () -> ()
    %dma_start3A_12 = arith.constant 0 : i32
    %dma_start3A_13 = arith.constant 0 : i32
    %dma_start3A_14 = tpu.memref_slice %arg8[%dma_start3A_12, %dma_start3A_13] : memref<40x128xi32, #tpu.memory_space<vmem>> -> memref<1x128xi32, #tpu.memory_space<vmem>>
    %dma_start3A_15 = tpu.memref_squeeze %dma_start3A_14 : memref<1x128xi32, #tpu.memory_space<vmem>> -> memref<128xi32, #tpu.memory_space<vmem>>
    %dma_start3A_16 = arith.constant 0 : i32
    %dma_start3A_17 = arith.constant 0 : i32
    %dma_start3A_18 = tpu.memref_slice %arg2[%dma_start3A_16, %dma_start3A_17] : memref<20000x128xf32, #tpu.memory_space<hbm>> -> memref<20000x128xf32, #tpu.memory_space<hbm>>
    tpu.enqueue_indirect_dma source(%dma_start3A_18 : memref<20000x128xf32, #tpu.memory_space<hbm>>) target(%arg10 : memref<128x128xf32, #tpu.memory_space<vmem>>) offsets(%dma_start3A_15 : memref<128xi32, #tpu.memory_space<vmem>>) semaphore(%arg12 : memref<!tpu.dma_semaphore, #tpu.memory_space<semaphore_mem>>)
    %scan3A_19 = arith.constant 0 : i32
    %scan3A_20 = arith.constant 0 : i32
    %scan3A_21 = arith.constant 20 : i32
    %scan3A_22 = arith.addi %scan3A_20, %scan3A_21 : i32
    %scan3A_23 = arith.constant 1 : i32
    scf.for %scan3A_30 = %scan3A_20 to %scan3A_22 step %scan3A_23  : i32 {
      %mul3A_31 = arith.constant 2 : i32
      %mul3A_32 = arith.muli %scan3A_30, %mul3A_31 : i32
      %add3A = arith.constant 1 : i32
      %add3A_33 = arith.addi %mul3A_32, %add3A : i32
      %dma_start3A_34 = arith.constant 0 : i32
      %dma_start3A_35 = tpu.memref_slice %arg8[%add3A_33, %dma_start3A_34] : memref<40x128xi32, #tpu.memory_space<vmem>> -> memref<1x128xi32, #tpu.memory_space<vmem>>
      %dma_start3A_36 = tpu.memref_squeeze %dma_start3A_35 : memref<1x128xi32, #tpu.memory_space<vmem>> -> memref<128xi32, #tpu.memory_space<vmem>>
      %dma_start3A_37 = arith.constant 0 : i32
      %dma_start3A_38 = arith.constant 0 : i32
      %dma_start3A_39 = tpu.memref_slice %arg2[%dma_start3A_37, %dma_start3A_38] : memref<20000x128xf32, #tpu.memory_space<hbm>> -> memref<20000x128xf32, #tpu.memory_space<hbm>>
      tpu.enqueue_indirect_dma source(%dma_start3A_39 : memref<20000x128xf32, #tpu.memory_space<hbm>>) target(%arg11 : memref<128x128xf32, #tpu.memory_space<vmem>>) offsets(%dma_start3A_36 : memref<128xi32, #tpu.memory_space<vmem>>) semaphore(%arg13 : memref<!tpu.dma_semaphore, #tpu.memory_space<semaphore_mem>>)
      %dma_wait3A = arith.constant 0 : i32
      %dma_wait3A_40 = tpu.memref_slice %arg8[%mul3A_32, %dma_wait3A] : memref<40x128xi32, #tpu.memory_space<vmem>> -> memref<1x128xi32, #tpu.memory_space<vmem>>
      %dma_wait3A_41 = tpu.memref_squeeze %dma_wait3A_40 : memref<1x128xi32, #tpu.memory_space<vmem>> -> memref<128xi32, #tpu.memory_space<vmem>>
      %dma_wait3A_42 = arith.constant 0 : i32
      %dma_wait3A_43 = arith.constant 0 : i32
      %dma_wait3A_44 = tpu.memref_slice %arg2[%dma_wait3A_42, %dma_wait3A_43] : memref<20000x128xf32, #tpu.memory_space<hbm>> -> memref<20000x128xf32, #tpu.memory_space<hbm>>
      tpu.wait_indirect_dma semaphore(%arg12 : memref<!tpu.dma_semaphore, #tpu.memory_space<semaphore_mem>>) src(%dma_wait3A_44 : memref<20000x128xf32, #tpu.memory_space<hbm>>) dst(%arg10 : memref<128x128xf32, #tpu.memory_space<vmem>>)
      "tpu.region"() ({
        %run_scoped3A = tpu.sem_alloc : memref<!tpu.dma_semaphore, #tpu.memory_space<semaphore_mem>>
        %dma_start3A_59 = arith.constant 0 : i32
        %dma_start3A_60 = tpu.memref_slice %arg9[%mul3A_32, %dma_start3A_59] : memref<40x128xi32, #tpu.memory_space<vmem>> -> memref<1x128xi32, #tpu.memory_space<vmem>>
        %dma_start3A_61 = tpu.memref_squeeze %dma_start3A_60 : memref<1x128xi32, #tpu.memory_space<vmem>> -> memref<128xi32, #tpu.memory_space<vmem>>
        %dma_start3A_62 = arith.constant 0 : i32
        %dma_start3A_63 = arith.constant 0 : i32
        %dma_start3A_64 = tpu.memref_slice %arg7[%dma_start3A_62, %dma_start3A_63] : memref<10112x128xf32, #tpu.memory_space<vmem_shared>> -> memref<10112x128xf32, #tpu.memory_space<vmem_shared>>
        tpu.enqueue_indirect_dma source(%arg10 : memref<128x128xf32, #tpu.memory_space<vmem>>) target(%dma_start3A_64 : memref<10112x128xf32, #tpu.memory_space<vmem_shared>>) offsets(%dma_start3A_61 : memref<128xi32, #tpu.memory_space<vmem>>) semaphore(%run_scoped3A : memref<!tpu.dma_semaphore, #tpu.memory_space<semaphore_mem>>) {add = true}
        %dma_wait3A_65 = arith.constant 0 : i32
        %dma_wait3A_66 = tpu.memref_slice %arg9[%mul3A_32, %dma_wait3A_65] : memref<40x128xi32, #tpu.memory_space<vmem>> -> memref<1x128xi32, #tpu.memory_space<vmem>>
        %dma_wait3A_67 = tpu.memref_squeeze %dma_wait3A_66 : memref<1x128xi32, #tpu.memory_space<vmem>> -> memref<128xi32, #tpu.memory_space<vmem>>
        %dma_wait3A_68 = arith.constant 0 : i32
        %dma_wait3A_69 = arith.constant 0 : i32
        %dma_wait3A_70 = tpu.memref_slice %arg7[%dma_wait3A_68, %dma_wait3A_69] : memref<10112x128xf32, #tpu.memory_space<vmem_shared>> -> memref<10112x128xf32, #tpu.memory_space<vmem_shared>>
        tpu.wait_indirect_dma semaphore(%run_scoped3A : memref<!tpu.dma_semaphore, #tpu.memory_space<semaphore_mem>>) src(%arg10 : memref<128x128xf32, #tpu.memory_space<vmem>>) dst(%dma_wait3A_70 : memref<10112x128xf32, #tpu.memory_space<vmem_shared>>)
        tpu.yield
      }) : () -> ()
      %add3A_45 = arith.constant 2 : i32
      %add3A_46 = arith.addi %mul3A_32, %add3A_45 : i32
      %lt3A = arith.constant 40 : i32
      %lt3A_47 = arith.cmpi slt, %add3A_46, %lt3A : i32
      %convert_element_type3A = arith.extui %lt3A_47 : i1 to i32
      %cond3A = arith.constant 0 : i32
      %cond3A_48 = arith.cmpi ne, %convert_element_type3A, %cond3A : i32
      scf.if %cond3A_48 {
        %add3A_59 = arith.constant 2 : i32
        %add3A_60 = arith.addi %mul3A_32, %add3A_59 : i32
        %dma_start3A_61 = arith.constant 0 : i32
        %dma_start3A_62 = tpu.memref_slice %arg8[%add3A_60, %dma_start3A_61] : memref<40x128xi32, #tpu.memory_space<vmem>> -> memref<1x128xi32, #tpu.memory_space<vmem>>
        %dma_start3A_63 = tpu.memref_squeeze %dma_start3A_62 : memref<1x128xi32, #tpu.memory_space<vmem>> -> memref<128xi32, #tpu.memory_space<vmem>>
        %dma_start3A_64 = arith.constant 0 : i32
        %dma_start3A_65 = arith.constant 0 : i32
        %dma_start3A_66 = tpu.memref_slice %arg2[%dma_start3A_64, %dma_start3A_65] : memref<20000x128xf32, #tpu.memory_space<hbm>> -> memref<20000x128xf32, #tpu.memory_space<hbm>>
        tpu.enqueue_indirect_dma source(%dma_start3A_66 : memref<20000x128xf32, #tpu.memory_space<hbm>>) target(%arg10 : memref<128x128xf32, #tpu.memory_space<vmem>>) offsets(%dma_start3A_63 : memref<128xi32, #tpu.memory_space<vmem>>) semaphore(%arg12 : memref<!tpu.dma_semaphore, #tpu.memory_space<semaphore_mem>>)
      } else {
      }
      %add3A_49 = arith.constant 1 : i32
      %add3A_50 = arith.addi %mul3A_32, %add3A_49 : i32
      %dma_wait3A_51 = arith.constant 0 : i32
      %dma_wait3A_52 = tpu.memref_slice %arg8[%add3A_50, %dma_wait3A_51] : memref<40x128xi32, #tpu.memory_space<vmem>> -> memref<1x128xi32, #tpu.memory_space<vmem>>
      %dma_wait3A_53 = tpu.memref_squeeze %dma_wait3A_52 : memref<1x128xi32, #tpu.memory_space<vmem>> -> memref<128xi32, #tpu.memory_space<vmem>>
      %dma_wait3A_54 = arith.constant 0 : i32
      %dma_wait3A_55 = arith.constant 0 : i32
      %dma_wait3A_56 = tpu.memref_slice %arg2[%dma_wait3A_54, %dma_wait3A_55] : memref<20000x128xf32, #tpu.memory_space<hbm>> -> memref<20000x128xf32, #tpu.memory_space<hbm>>
      tpu.wait_indirect_dma semaphore(%arg13 : memref<!tpu.dma_semaphore, #tpu.memory_space<semaphore_mem>>) src(%dma_wait3A_56 : memref<20000x128xf32, #tpu.memory_space<hbm>>) dst(%arg11 : memref<128x128xf32, #tpu.memory_space<vmem>>)
      %add3A_57 = arith.constant 1 : i32
      %add3A_58 = arith.addi %mul3A_32, %add3A_57 : i32
      "tpu.region"() ({
        %run_scoped3A = tpu.sem_alloc : memref<!tpu.dma_semaphore, #tpu.memory_space<semaphore_mem>>
        %dma_start3A_59 = arith.constant 0 : i32
        %dma_start3A_60 = tpu.memref_slice %arg9[%add3A_58, %dma_start3A_59] : memref<40x128xi32, #tpu.memory_space<vmem>> -> memref<1x128xi32, #tpu.memory_space<vmem>>
        %dma_start3A_61 = tpu.memref_squeeze %dma_start3A_60 : memref<1x128xi32, #tpu.memory_space<vmem>> -> memref<128xi32, #tpu.memory_space<vmem>>
        %dma_start3A_62 = arith.constant 0 : i32
        %dma_start3A_63 = arith.constant 0 : i32
        %dma_start3A_64 = tpu.memref_slice %arg7[%dma_start3A_62, %dma_start3A_63] : memref<10112x128xf32, #tpu.memory_space<vmem_shared>> -> memref<10112x128xf32, #tpu.memory_space<vmem_shared>>
        tpu.enqueue_indirect_dma source(%arg11 : memref<128x128xf32, #tpu.memory_space<vmem>>) target(%dma_start3A_64 : memref<10112x128xf32, #tpu.memory_space<vmem_shared>>) offsets(%dma_start3A_61 : memref<128xi32, #tpu.memory_space<vmem>>) semaphore(%run_scoped3A : memref<!tpu.dma_semaphore, #tpu.memory_space<semaphore_mem>>) {add = true}
        %dma_wait3A_65 = arith.constant 0 : i32
        %dma_wait3A_66 = tpu.memref_slice %arg9[%add3A_58, %dma_wait3A_65] : memref<40x128xi32, #tpu.memory_space<vmem>> -> memref<1x128xi32, #tpu.memory_space<vmem>>
        %dma_wait3A_67 = tpu.memref_squeeze %dma_wait3A_66 : memref<1x128xi32, #tpu.memory_space<vmem>> -> memref<128xi32, #tpu.memory_space<vmem>>
        %dma_wait3A_68 = arith.constant 0 : i32
        %dma_wait3A_69 = arith.constant 0 : i32
        %dma_wait3A_70 = tpu.memref_slice %arg7[%dma_wait3A_68, %dma_wait3A_69] : memref<10112x128xf32, #tpu.memory_space<vmem_shared>> -> memref<10112x128xf32, #tpu.memory_space<vmem_shared>>
        tpu.wait_indirect_dma semaphore(%run_scoped3A : memref<!tpu.dma_semaphore, #tpu.memory_space<semaphore_mem>>) src(%arg11 : memref<128x128xf32, #tpu.memory_space<vmem>>) dst(%dma_wait3A_70 : memref<10112x128xf32, #tpu.memory_space<vmem_shared>>)
        tpu.yield
      }) : () -> ()
    }
    %scan3A_24 = arith.constant 20 : i32
    %barrier3A_25 = arith.constant 0 : index
    tpu.barrier barrier_id(%barrier3A_25)
    %mul3A_26 = arith.constant 632 : i32
    %mul3A_27 = arith.muli %arg1, %mul3A_26 : i32
    %mul3A_28 = arith.constant 632 : i32
    %mul3A_29 = arith.muli %arg1, %mul3A_28 : i32
    "tpu.region"() ({
      %run_scoped3A = tpu.sem_alloc : memref<!tpu.dma_semaphore, #tpu.memory_space<semaphore_mem>>
      %dma_start3A_30 = arith.constant 0 : i32
      %dma_start3A_31 = tpu.memref_slice %arg6[%arg0, %mul3A_29, %dma_start3A_30] : memref<2x10112x128xf32, #tpu.memory_space<hbm>> -> memref<1x632x128xf32, #tpu.memory_space<hbm>>
      %dma_start3A_32 = tpu.memref_squeeze %dma_start3A_31 : memref<1x632x128xf32, #tpu.memory_space<hbm>> -> memref<632x128xf32, #tpu.memory_space<hbm>>
      %dma_start3A_33 = arith.constant 0 : i32
      %dma_start3A_34 = tpu.memref_slice %arg7[%mul3A_27, %dma_start3A_33] : memref<10112x128xf32, #tpu.memory_space<vmem_shared>> -> memref<632x128xf32, #tpu.memory_space<vmem_shared>>
      tpu.enqueue_dma source(%dma_start3A_34 : memref<632x128xf32, #tpu.memory_space<vmem_shared>>) target(%dma_start3A_32 : memref<632x128xf32, #tpu.memory_space<hbm>>) target_semaphore(%run_scoped3A : memref<!tpu.dma_semaphore, #tpu.memory_space<semaphore_mem>>)
      %dma_wait3A = arith.constant 0 : i32
      %dma_wait3A_35 = tpu.memref_slice %arg6[%arg0, %mul3A_29, %dma_wait3A] : memref<2x10112x128xf32, #tpu.memory_space<hbm>> -> memref<1x632x128xf32, #tpu.memory_space<hbm>>
      %dma_wait3A_36 = tpu.memref_squeeze %dma_wait3A_35 : memref<1x632x128xf32, #tpu.memory_space<hbm>> -> memref<632x128xf32, #tpu.memory_space<hbm>>
      %dma_wait3A_37 = arith.constant 0 : i32
      %dma_wait3A_38 = tpu.memref_slice %arg7[%mul3A_27, %dma_wait3A_37] : memref<10112x128xf32, #tpu.memory_space<vmem_shared>> -> memref<632x128xf32, #tpu.memory_space<vmem_shared>>
      tpu.wait_dma2 semaphore(%run_scoped3A : memref<!tpu.dma_semaphore, #tpu.memory_space<semaphore_mem>>) src(%dma_wait3A_38 : memref<632x128xf32, #tpu.memory_space<vmem_shared>>) dst(%dma_wait3A_36 : memref<632x128xf32, #tpu.memory_space<hbm>>)
      tpu.yield
    }) : () -> ()
    return
  }
}

#map = affine_map<(d0, d1) -> (0, 0, 0)>
#map1 = affine_map<(d0, d1) -> (0, 0)>
module attributes {stable_mosaic.version = 14 : i64} {
  func.func @_sc_count_body(%arg0: i32, %arg1: i32, %arg2: memref<16x80x128xi32, #tpu.memory_space<hbm>>, %arg3: memref<632x128xf32, #tpu.memory_space<hbm>>, %arg4: memref<128x128xf32, #tpu.memory_space<hbm>>, %arg5: memref<10112x128xf32, #tpu.memory_space<hbm>>, %arg6: memref<10112x128xf32, #tpu.memory_space<vmem_shared>>, %arg7: memref<80x128xi32, #tpu.memory_space<vmem>>, %arg8: memref<128x128xf32, #tpu.memory_space<vmem>>) attributes {dimension_semantics = [#tpu.dimension_semantics<core_parallel>, #tpu.dimension_semantics<subcore_parallel>], iteration_bounds = array<i64: 2, 16>, scalar_prefetch = 0 : i64, scratch_operands = 3 : i64, tpu.core_type = #tpu.core_type<sc_vector_subcore>, window_params = [{transform_indices = #map}, {transform_indices = #map1}, {transform_indices = #map1}, {transform_indices = #map1}]} {
    %eq3A = arith.constant 0 : i32
    %eq3A_0 = arith.cmpi eq, %arg0, %eq3A : i32
    %convert_element_type3A = arith.extui %eq3A_0 : i1 to i32
    %cond3A = arith.constant 0 : i32
    %cond3A_1 = arith.cmpi ne, %convert_element_type3A, %cond3A : i32
    scf.if %cond3A_1 {
      %mul3A = arith.constant 632 : i32
      %mul3A_13 = arith.muli %arg1, %mul3A : i32
      "tpu.region"() ({
        %run_scoped3A = tpu.sem_alloc : memref<!tpu.dma_semaphore, #tpu.memory_space<semaphore_mem>>
        %dma_start3A = arith.constant 0 : i32
        %dma_start3A_14 = tpu.memref_slice %arg6[%mul3A_13, %dma_start3A] : memref<10112x128xf32, #tpu.memory_space<vmem_shared>> -> memref<632x128xf32, #tpu.memory_space<vmem_shared>>
        tpu.enqueue_dma source(%arg3 : memref<632x128xf32, #tpu.memory_space<hbm>>) target(%dma_start3A_14 : memref<632x128xf32, #tpu.memory_space<vmem_shared>>) target_semaphore(%run_scoped3A : memref<!tpu.dma_semaphore, #tpu.memory_space<semaphore_mem>>)
        %dma_wait3A = arith.constant 0 : i32
        %dma_wait3A_15 = tpu.memref_slice %arg6[%mul3A_13, %dma_wait3A] : memref<10112x128xf32, #tpu.memory_space<vmem_shared>> -> memref<632x128xf32, #tpu.memory_space<vmem_shared>>
        tpu.wait_dma2 semaphore(%run_scoped3A : memref<!tpu.dma_semaphore, #tpu.memory_space<semaphore_mem>>) src(%arg3 : memref<632x128xf32, #tpu.memory_space<hbm>>) dst(%dma_wait3A_15 : memref<632x128xf32, #tpu.memory_space<vmem_shared>>)
        tpu.yield
      }) : () -> ()
      "tpu.region"() ({
        %run_scoped3A = tpu.sem_alloc : memref<!tpu.dma_semaphore, #tpu.memory_space<semaphore_mem>>
        %dma_start3A = arith.constant 0 : i32
        %dma_start3A_14 = arith.constant 0 : i32
        %dma_start3A_15 = tpu.memref_slice %arg2[%arg1, %dma_start3A, %dma_start3A_14] : memref<16x80x128xi32, #tpu.memory_space<hbm>> -> memref<1x80x128xi32, #tpu.memory_space<hbm>>
        %dma_start3A_16 = tpu.memref_squeeze %dma_start3A_15 : memref<1x80x128xi32, #tpu.memory_space<hbm>> -> memref<80x128xi32, #tpu.memory_space<hbm>>
        %dma_start3A_17 = arith.constant 0 : i32
        %dma_start3A_18 = arith.constant 0 : i32
        %dma_start3A_19 = tpu.memref_slice %arg2[%arg1, %dma_start3A_17, %dma_start3A_18] : memref<16x80x128xi32, #tpu.memory_space<hbm>> -> memref<1x80x128xi32, #tpu.memory_space<hbm>>
        %dma_start3A_20 = tpu.memref_squeeze %dma_start3A_19 : memref<1x80x128xi32, #tpu.memory_space<hbm>> -> memref<80x128xi32, #tpu.memory_space<hbm>>
        tpu.enqueue_dma source(%dma_start3A_20 : memref<80x128xi32, #tpu.memory_space<hbm>>) target(%arg7 : memref<80x128xi32, #tpu.memory_space<vmem>>) target_semaphore(%run_scoped3A : memref<!tpu.dma_semaphore, #tpu.memory_space<semaphore_mem>>)
        %dma_wait3A = arith.constant 0 : i32
        %dma_wait3A_21 = arith.constant 0 : i32
        %dma_wait3A_22 = tpu.memref_slice %arg2[%arg1, %dma_wait3A, %dma_wait3A_21] : memref<16x80x128xi32, #tpu.memory_space<hbm>> -> memref<1x80x128xi32, #tpu.memory_space<hbm>>
        %dma_wait3A_23 = tpu.memref_squeeze %dma_wait3A_22 : memref<1x80x128xi32, #tpu.memory_space<hbm>> -> memref<80x128xi32, #tpu.memory_space<hbm>>
        %dma_wait3A_24 = arith.constant 0 : i32
        %dma_wait3A_25 = arith.constant 0 : i32
        %dma_wait3A_26 = tpu.memref_slice %arg2[%arg1, %dma_wait3A_24, %dma_wait3A_25] : memref<16x80x128xi32, #tpu.memory_space<hbm>> -> memref<1x80x128xi32, #tpu.memory_space<hbm>>
        %dma_wait3A_27 = tpu.memref_squeeze %dma_wait3A_26 : memref<1x80x128xi32, #tpu.memory_space<hbm>> -> memref<80x128xi32, #tpu.memory_space<hbm>>
        tpu.wait_dma2 semaphore(%run_scoped3A : memref<!tpu.dma_semaphore, #tpu.memory_space<semaphore_mem>>) src(%dma_wait3A_27 : memref<80x128xi32, #tpu.memory_space<hbm>>) dst(%arg7 : memref<80x128xi32, #tpu.memory_space<vmem>>)
        tpu.yield
      }) : () -> ()
      "tpu.region"() ({
        %run_scoped3A = tpu.sem_alloc : memref<!tpu.dma_semaphore, #tpu.memory_space<semaphore_mem>>
        tpu.enqueue_dma source(%arg4 : memref<128x128xf32, #tpu.memory_space<hbm>>) target(%arg8 : memref<128x128xf32, #tpu.memory_space<vmem>>) target_semaphore(%run_scoped3A : memref<!tpu.dma_semaphore, #tpu.memory_space<semaphore_mem>>)
        tpu.wait_dma2 semaphore(%run_scoped3A : memref<!tpu.dma_semaphore, #tpu.memory_space<semaphore_mem>>) src(%arg4 : memref<128x128xf32, #tpu.memory_space<hbm>>) dst(%arg8 : memref<128x128xf32, #tpu.memory_space<vmem>>)
        tpu.yield
      }) : () -> ()
    } else {
    }
    %barrier3A = arith.constant 0 : index
    tpu.barrier barrier_id(%barrier3A)
    %eq3A_2 = arith.constant 0 : i32
    %eq3A_3 = arith.cmpi eq, %arg0, %eq3A_2 : i32
    %convert_element_type3A_4 = arith.extui %eq3A_3 : i1 to i32
    %cond3A_5 = arith.constant 0 : i32
    %cond3A_6 = arith.cmpi ne, %convert_element_type3A_4, %cond3A_5 : i32
    scf.if %cond3A_6 {
      %scan3A = arith.constant 0 : i32
      %scan3A_13 = arith.constant 0 : i32
      %scan3A_14 = arith.constant 80 : i32
      %scan3A_15 = arith.addi %scan3A_13, %scan3A_14 : i32
      %scan3A_16 = arith.constant 1 : i32
      scf.for %scan3A_18 = %scan3A_13 to %scan3A_15 step %scan3A_16  : i32 {
        "tpu.region"() ({
          %run_scoped3A = tpu.sem_alloc : memref<!tpu.dma_semaphore, #tpu.memory_space<semaphore_mem>>
          %dma_start3A = arith.constant 0 : i32
          %dma_start3A_19 = tpu.memref_slice %arg7[%scan3A_18, %dma_start3A] : memref<80x128xi32, #tpu.memory_space<vmem>> -> memref<1x128xi32, #tpu.memory_space<vmem>>
          %dma_start3A_20 = tpu.memref_squeeze %dma_start3A_19 : memref<1x128xi32, #tpu.memory_space<vmem>> -> memref<128xi32, #tpu.memory_space<vmem>>
          %dma_start3A_21 = arith.constant 0 : i32
          %dma_start3A_22 = arith.constant 0 : i32
          %dma_start3A_23 = tpu.memref_slice %arg6[%dma_start3A_21, %dma_start3A_22] : memref<10112x128xf32, #tpu.memory_space<vmem_shared>> -> memref<10112x128xf32, #tpu.memory_space<vmem_shared>>
          tpu.enqueue_indirect_dma source(%arg8 : memref<128x128xf32, #tpu.memory_space<vmem>>) target(%dma_start3A_23 : memref<10112x128xf32, #tpu.memory_space<vmem_shared>>) offsets(%dma_start3A_20 : memref<128xi32, #tpu.memory_space<vmem>>) semaphore(%run_scoped3A : memref<!tpu.dma_semaphore, #tpu.memory_space<semaphore_mem>>) {add = true}
          %dma_wait3A = arith.constant 0 : i32
          %dma_wait3A_24 = tpu.memref_slice %arg7[%scan3A_18, %dma_wait3A] : memref<80x128xi32, #tpu.memory_space<vmem>> -> memref<1x128xi32, #tpu.memory_space<vmem>>
          %dma_wait3A_25 = tpu.memref_squeeze %dma_wait3A_24 : memref<1x128xi32, #tpu.memory_space<vmem>> -> memref<128xi32, #tpu.memory_space<vmem>>
          %dma_wait3A_26 = arith.constant 0 : i32
          %dma_wait3A_27 = arith.constant 0 : i32
          %dma_wait3A_28 = tpu.memref_slice %arg6[%dma_wait3A_26, %dma_wait3A_27] : memref<10112x128xf32, #tpu.memory_space<vmem_shared>> -> memref<10112x128xf32, #tpu.memory_space<vmem_shared>>
          tpu.wait_indirect_dma semaphore(%run_scoped3A : memref<!tpu.dma_semaphore, #tpu.memory_space<semaphore_mem>>) src(%arg8 : memref<128x128xf32, #tpu.memory_space<vmem>>) dst(%dma_wait3A_28 : memref<10112x128xf32, #tpu.memory_space<vmem_shared>>)
          tpu.yield
        }) : () -> ()
      }
      %scan3A_17 = arith.constant 80 : i32
    } else {
    }
    %barrier3A_7 = arith.constant 0 : index
    tpu.barrier barrier_id(%barrier3A_7)
    %eq3A_8 = arith.constant 0 : i32
    %eq3A_9 = arith.cmpi eq, %arg0, %eq3A_8 : i32
    %convert_element_type3A_10 = arith.extui %eq3A_9 : i1 to i32
    %cond3A_11 = arith.constant 0 : i32
    %cond3A_12 = arith.cmpi ne, %convert_element_type3A_10, %cond3A_11 : i32
    scf.if %cond3A_12 {
      %mul3A = arith.constant 632 : i32
      %mul3A_13 = arith.muli %arg1, %mul3A : i32
      %mul3A_14 = arith.constant 632 : i32
      %mul3A_15 = arith.muli %arg1, %mul3A_14 : i32
      "tpu.region"() ({
        %run_scoped3A = tpu.sem_alloc : memref<!tpu.dma_semaphore, #tpu.memory_space<semaphore_mem>>
        %dma_start3A = arith.constant 0 : i32
        %dma_start3A_16 = tpu.memref_slice %arg5[%mul3A_15, %dma_start3A] : memref<10112x128xf32, #tpu.memory_space<hbm>> -> memref<632x128xf32, #tpu.memory_space<hbm>>
        %dma_start3A_17 = arith.constant 0 : i32
        %dma_start3A_18 = tpu.memref_slice %arg6[%mul3A_13, %dma_start3A_17] : memref<10112x128xf32, #tpu.memory_space<vmem_shared>> -> memref<632x128xf32, #tpu.memory_space<vmem_shared>>
        tpu.enqueue_dma source(%dma_start3A_18 : memref<632x128xf32, #tpu.memory_space<vmem_shared>>) target(%dma_start3A_16 : memref<632x128xf32, #tpu.memory_space<hbm>>) target_semaphore(%run_scoped3A : memref<!tpu.dma_semaphore, #tpu.memory_space<semaphore_mem>>)
        %dma_wait3A = arith.constant 0 : i32
        %dma_wait3A_19 = tpu.memref_slice %arg5[%mul3A_15, %dma_wait3A] : memref<10112x128xf32, #tpu.memory_space<hbm>> -> memref<632x128xf32, #tpu.memory_space<hbm>>
        %dma_wait3A_20 = arith.constant 0 : i32
        %dma_wait3A_21 = tpu.memref_slice %arg6[%mul3A_13, %dma_wait3A_20] : memref<10112x128xf32, #tpu.memory_space<vmem_shared>> -> memref<632x128xf32, #tpu.memory_space<vmem_shared>>
        tpu.wait_dma2 semaphore(%run_scoped3A : memref<!tpu.dma_semaphore, #tpu.memory_space<semaphore_mem>>) src(%dma_wait3A_21 : memref<632x128xf32, #tpu.memory_space<vmem_shared>>) dst(%dma_wait3A_19 : memref<632x128xf32, #tpu.memory_space<hbm>>)
        tpu.yield
      }) : () -> ()
    } else {
    }
    return
  }
}

#map = affine_map<(d0, d1) -> (0, 0)>
#map1 = affine_map<(d0, d1) -> (0, 0, 0, 0)>
#map2 = affine_map<(d0, d1) -> (0, 0, 0)>
module attributes {stable_mosaic.version = 14 : i64} {
  func.func @_sc_round_body(%arg0: i32, %arg1: i32, %arg2: memref<20000x128xf32, #tpu.memory_space<hbm>>, %arg3: memref<2x16x80x128xi32, #tpu.memory_space<hbm>>, %arg4: memref<16x80x128xi32, #tpu.memory_space<hbm>>, %arg5: memref<632x128xf32, #tpu.memory_space<hbm>>, %arg6: memref<2x10112x128xf32, #tpu.memory_space<hbm>>, %arg7: memref<10112x128xf32, #tpu.memory_space<vmem_shared>>, %arg8: memref<40x128xi32, #tpu.memory_space<vmem>>, %arg9: memref<40x128xi32, #tpu.memory_space<vmem>>, %arg10: memref<128x128xf32, #tpu.memory_space<vmem>>, %arg11: memref<128x128xf32, #tpu.memory_space<vmem>>, %arg12: memref<!tpu.dma_semaphore, #tpu.memory_space<semaphore_mem>>, %arg13: memref<!tpu.dma_semaphore, #tpu.memory_space<semaphore_mem>>) attributes {dimension_semantics = [#tpu.dimension_semantics<core_parallel>, #tpu.dimension_semantics<subcore_parallel>], iteration_bounds = array<i64: 2, 16>, scalar_prefetch = 0 : i64, scratch_operands = 7 : i64, tpu.core_type = #tpu.core_type<sc_vector_subcore>, window_params = [{transform_indices = #map}, {transform_indices = #map1}, {transform_indices = #map2}, {transform_indices = #map}, {transform_indices = #map2}]} {
    %mul3A = arith.constant 632 : i32
    %mul3A_0 = arith.muli %arg1, %mul3A : i32
    "tpu.region"() ({
      %run_scoped3A = tpu.sem_alloc : memref<!tpu.dma_semaphore, #tpu.memory_space<semaphore_mem>>
      %dma_start3A_30 = arith.constant 0 : i32
      %dma_start3A_31 = tpu.memref_slice %arg7[%mul3A_0, %dma_start3A_30] : memref<10112x128xf32, #tpu.memory_space<vmem_shared>> -> memref<632x128xf32, #tpu.memory_space<vmem_shared>>
      tpu.enqueue_dma source(%arg5 : memref<632x128xf32, #tpu.memory_space<hbm>>) target(%dma_start3A_31 : memref<632x128xf32, #tpu.memory_space<vmem_shared>>) target_semaphore(%run_scoped3A : memref<!tpu.dma_semaphore, #tpu.memory_space<semaphore_mem>>)
      %dma_wait3A = arith.constant 0 : i32
      %dma_wait3A_32 = tpu.memref_slice %arg7[%mul3A_0, %dma_wait3A] : memref<10112x128xf32, #tpu.memory_space<vmem_shared>> -> memref<632x128xf32, #tpu.memory_space<vmem_shared>>
      tpu.wait_dma2 semaphore(%run_scoped3A : memref<!tpu.dma_semaphore, #tpu.memory_space<semaphore_mem>>) src(%arg5 : memref<632x128xf32, #tpu.memory_space<hbm>>) dst(%dma_wait3A_32 : memref<632x128xf32, #tpu.memory_space<vmem_shared>>)
      tpu.yield
    }) : () -> ()
    %barrier3A = arith.constant 0 : index
    tpu.barrier barrier_id(%barrier3A)
    "tpu.region"() ({
      %run_scoped3A = tpu.sem_alloc : memref<!tpu.dma_semaphore, #tpu.memory_space<semaphore_mem>>
      %dma_start3A_30 = arith.constant 0 : i32
      %dma_start3A_31 = arith.constant 0 : i32
      %dma_start3A_32 = tpu.memref_slice %arg3[%arg0, %arg1, %dma_start3A_30, %dma_start3A_31] : memref<2x16x80x128xi32, #tpu.memory_space<hbm>> -> memref<1x1x40x128xi32, #tpu.memory_space<hbm>>
      %dma_start3A_33 = tpu.memref_squeeze %dma_start3A_32 : memref<1x1x40x128xi32, #tpu.memory_space<hbm>> -> memref<40x128xi32, #tpu.memory_space<hbm>>
      %dma_start3A_34 = arith.constant 0 : i32
      %dma_start3A_35 = arith.constant 0 : i32
      %dma_start3A_36 = tpu.memref_slice %arg3[%arg0, %arg1, %dma_start3A_34, %dma_start3A_35] : memref<2x16x80x128xi32, #tpu.memory_space<hbm>> -> memref<1x1x40x128xi32, #tpu.memory_space<hbm>>
      %dma_start3A_37 = tpu.memref_squeeze %dma_start3A_36 : memref<1x1x40x128xi32, #tpu.memory_space<hbm>> -> memref<40x128xi32, #tpu.memory_space<hbm>>
      tpu.enqueue_dma source(%dma_start3A_37 : memref<40x128xi32, #tpu.memory_space<hbm>>) target(%arg8 : memref<40x128xi32, #tpu.memory_space<vmem>>) target_semaphore(%run_scoped3A : memref<!tpu.dma_semaphore, #tpu.memory_space<semaphore_mem>>)
      %dma_wait3A = arith.constant 0 : i32
      %dma_wait3A_38 = arith.constant 0 : i32
      %dma_wait3A_39 = tpu.memref_slice %arg3[%arg0, %arg1, %dma_wait3A, %dma_wait3A_38] : memref<2x16x80x128xi32, #tpu.memory_space<hbm>> -> memref<1x1x40x128xi32, #tpu.memory_space<hbm>>
      %dma_wait3A_40 = tpu.memref_squeeze %dma_wait3A_39 : memref<1x1x40x128xi32, #tpu.memory_space<hbm>> -> memref<40x128xi32, #tpu.memory_space<hbm>>
      %dma_wait3A_41 = arith.constant 0 : i32
      %dma_wait3A_42 = arith.constant 0 : i32
      %dma_wait3A_43 = tpu.memref_slice %arg3[%arg0, %arg1, %dma_wait3A_41, %dma_wait3A_42] : memref<2x16x80x128xi32, #tpu.memory_space<hbm>> -> memref<1x1x40x128xi32, #tpu.memory_space<hbm>>
      %dma_wait3A_44 = tpu.memref_squeeze %dma_wait3A_43 : memref<1x1x40x128xi32, #tpu.memory_space<hbm>> -> memref<40x128xi32, #tpu.memory_space<hbm>>
      tpu.wait_dma2 semaphore(%run_scoped3A : memref<!tpu.dma_semaphore, #tpu.memory_space<semaphore_mem>>) src(%dma_wait3A_44 : memref<40x128xi32, #tpu.memory_space<hbm>>) dst(%arg8 : memref<40x128xi32, #tpu.memory_space<vmem>>)
      tpu.yield
    }) : () -> ()
    "tpu.region"() ({
      %run_scoped3A = tpu.sem_alloc : memref<!tpu.dma_semaphore, #tpu.memory_space<semaphore_mem>>
      %dma_start3A_30 = arith.constant 0 : i32
      %dma_start3A_31 = arith.constant 0 : i32
      %dma_start3A_32 = tpu.memref_slice %arg4[%arg1, %dma_start3A_30, %dma_start3A_31] : memref<16x80x128xi32, #tpu.memory_space<hbm>> -> memref<1x40x128xi32, #tpu.memory_space<hbm>>
      %dma_start3A_33 = tpu.memref_squeeze %dma_start3A_32 : memref<1x40x128xi32, #tpu.memory_space<hbm>> -> memref<40x128xi32, #tpu.memory_space<hbm>>
      %dma_start3A_34 = arith.constant 0 : i32
      %dma_start3A_35 = arith.constant 0 : i32
      %dma_start3A_36 = tpu.memref_slice %arg4[%arg1, %dma_start3A_34, %dma_start3A_35] : memref<16x80x128xi32, #tpu.memory_space<hbm>> -> memref<1x40x128xi32, #tpu.memory_space<hbm>>
      %dma_start3A_37 = tpu.memref_squeeze %dma_start3A_36 : memref<1x40x128xi32, #tpu.memory_space<hbm>> -> memref<40x128xi32, #tpu.memory_space<hbm>>
      tpu.enqueue_dma source(%dma_start3A_37 : memref<40x128xi32, #tpu.memory_space<hbm>>) target(%arg9 : memref<40x128xi32, #tpu.memory_space<vmem>>) target_semaphore(%run_scoped3A : memref<!tpu.dma_semaphore, #tpu.memory_space<semaphore_mem>>)
      %dma_wait3A = arith.constant 0 : i32
      %dma_wait3A_38 = arith.constant 0 : i32
      %dma_wait3A_39 = tpu.memref_slice %arg4[%arg1, %dma_wait3A, %dma_wait3A_38] : memref<16x80x128xi32, #tpu.memory_space<hbm>> -> memref<1x40x128xi32, #tpu.memory_space<hbm>>
      %dma_wait3A_40 = tpu.memref_squeeze %dma_wait3A_39 : memref<1x40x128xi32, #tpu.memory_space<hbm>> -> memref<40x128xi32, #tpu.memory_space<hbm>>
      %dma_wait3A_41 = arith.constant 0 : i32
      %dma_wait3A_42 = arith.constant 0 : i32
      %dma_wait3A_43 = tpu.memref_slice %arg4[%arg1, %dma_wait3A_41, %dma_wait3A_42] : memref<16x80x128xi32, #tpu.memory_space<hbm>> -> memref<1x40x128xi32, #tpu.memory_space<hbm>>
      %dma_wait3A_44 = tpu.memref_squeeze %dma_wait3A_43 : memref<1x40x128xi32, #tpu.memory_space<hbm>> -> memref<40x128xi32, #tpu.memory_space<hbm>>
      tpu.wait_dma2 semaphore(%run_scoped3A : memref<!tpu.dma_semaphore, #tpu.memory_space<semaphore_mem>>) src(%dma_wait3A_44 : memref<40x128xi32, #tpu.memory_space<hbm>>) dst(%arg9 : memref<40x128xi32, #tpu.memory_space<vmem>>)
      tpu.yield
    }) : () -> ()
    %dma_start3A = arith.constant 0 : i32
    %dma_start3A_1 = arith.constant 0 : i32
    %dma_start3A_2 = tpu.memref_slice %arg8[%dma_start3A, %dma_start3A_1] : memref<40x128xi32, #tpu.memory_space<vmem>> -> memref<1x128xi32, #tpu.memory_space<vmem>>
    %dma_start3A_3 = tpu.memref_squeeze %dma_start3A_2 : memref<1x128xi32, #tpu.memory_space<vmem>> -> memref<128xi32, #tpu.memory_space<vmem>>
    %dma_start3A_4 = arith.constant 0 : i32
    %dma_start3A_5 = arith.constant 0 : i32
    %dma_start3A_6 = tpu.memref_slice %arg2[%dma_start3A_4, %dma_start3A_5] : memref<20000x128xf32, #tpu.memory_space<hbm>> -> memref<20000x128xf32, #tpu.memory_space<hbm>>
    tpu.enqueue_indirect_dma source(%dma_start3A_6 : memref<20000x128xf32, #tpu.memory_space<hbm>>) target(%arg10 : memref<128x128xf32, #tpu.memory_space<vmem>>) offsets(%dma_start3A_3 : memref<128xi32, #tpu.memory_space<vmem>>) semaphore(%arg12 : memref<!tpu.dma_semaphore, #tpu.memory_space<semaphore_mem>>)
    %scan3A = arith.constant 0 : i32
    %scan3A_7 = arith.constant 0 : i32
    %scan3A_8 = arith.constant 20 : i32
    %scan3A_9 = arith.addi %scan3A_7, %scan3A_8 : i32
    %scan3A_10 = arith.constant 1 : i32
    scf.for %scan3A_30 = %scan3A_7 to %scan3A_9 step %scan3A_10  : i32 {
      %mul3A_31 = arith.constant 2 : i32
      %mul3A_32 = arith.muli %scan3A_30, %mul3A_31 : i32
      %add3A = arith.constant 1 : i32
      %add3A_33 = arith.addi %mul3A_32, %add3A : i32
      %dma_start3A_34 = arith.constant 0 : i32
      %dma_start3A_35 = tpu.memref_slice %arg8[%add3A_33, %dma_start3A_34] : memref<40x128xi32, #tpu.memory_space<vmem>> -> memref<1x128xi32, #tpu.memory_space<vmem>>
      %dma_start3A_36 = tpu.memref_squeeze %dma_start3A_35 : memref<1x128xi32, #tpu.memory_space<vmem>> -> memref<128xi32, #tpu.memory_space<vmem>>
      %dma_start3A_37 = arith.constant 0 : i32
      %dma_start3A_38 = arith.constant 0 : i32
      %dma_start3A_39 = tpu.memref_slice %arg2[%dma_start3A_37, %dma_start3A_38] : memref<20000x128xf32, #tpu.memory_space<hbm>> -> memref<20000x128xf32, #tpu.memory_space<hbm>>
      tpu.enqueue_indirect_dma source(%dma_start3A_39 : memref<20000x128xf32, #tpu.memory_space<hbm>>) target(%arg11 : memref<128x128xf32, #tpu.memory_space<vmem>>) offsets(%dma_start3A_36 : memref<128xi32, #tpu.memory_space<vmem>>) semaphore(%arg13 : memref<!tpu.dma_semaphore, #tpu.memory_space<semaphore_mem>>)
      %dma_wait3A = arith.constant 0 : i32
      %dma_wait3A_40 = tpu.memref_slice %arg8[%mul3A_32, %dma_wait3A] : memref<40x128xi32, #tpu.memory_space<vmem>> -> memref<1x128xi32, #tpu.memory_space<vmem>>
      %dma_wait3A_41 = tpu.memref_squeeze %dma_wait3A_40 : memref<1x128xi32, #tpu.memory_space<vmem>> -> memref<128xi32, #tpu.memory_space<vmem>>
      %dma_wait3A_42 = arith.constant 0 : i32
      %dma_wait3A_43 = arith.constant 0 : i32
      %dma_wait3A_44 = tpu.memref_slice %arg2[%dma_wait3A_42, %dma_wait3A_43] : memref<20000x128xf32, #tpu.memory_space<hbm>> -> memref<20000x128xf32, #tpu.memory_space<hbm>>
      tpu.wait_indirect_dma semaphore(%arg12 : memref<!tpu.dma_semaphore, #tpu.memory_space<semaphore_mem>>) src(%dma_wait3A_44 : memref<20000x128xf32, #tpu.memory_space<hbm>>) dst(%arg10 : memref<128x128xf32, #tpu.memory_space<vmem>>)
      "tpu.region"() ({
        %run_scoped3A = tpu.sem_alloc : memref<!tpu.dma_semaphore, #tpu.memory_space<semaphore_mem>>
        %dma_start3A_59 = arith.constant 0 : i32
        %dma_start3A_60 = tpu.memref_slice %arg9[%mul3A_32, %dma_start3A_59] : memref<40x128xi32, #tpu.memory_space<vmem>> -> memref<1x128xi32, #tpu.memory_space<vmem>>
        %dma_start3A_61 = tpu.memref_squeeze %dma_start3A_60 : memref<1x128xi32, #tpu.memory_space<vmem>> -> memref<128xi32, #tpu.memory_space<vmem>>
        %dma_start3A_62 = arith.constant 0 : i32
        %dma_start3A_63 = arith.constant 0 : i32
        %dma_start3A_64 = tpu.memref_slice %arg7[%dma_start3A_62, %dma_start3A_63] : memref<10112x128xf32, #tpu.memory_space<vmem_shared>> -> memref<10112x128xf32, #tpu.memory_space<vmem_shared>>
        tpu.enqueue_indirect_dma source(%arg10 : memref<128x128xf32, #tpu.memory_space<vmem>>) target(%dma_start3A_64 : memref<10112x128xf32, #tpu.memory_space<vmem_shared>>) offsets(%dma_start3A_61 : memref<128xi32, #tpu.memory_space<vmem>>) semaphore(%run_scoped3A : memref<!tpu.dma_semaphore, #tpu.memory_space<semaphore_mem>>) {add = true}
        %dma_wait3A_65 = arith.constant 0 : i32
        %dma_wait3A_66 = tpu.memref_slice %arg9[%mul3A_32, %dma_wait3A_65] : memref<40x128xi32, #tpu.memory_space<vmem>> -> memref<1x128xi32, #tpu.memory_space<vmem>>
        %dma_wait3A_67 = tpu.memref_squeeze %dma_wait3A_66 : memref<1x128xi32, #tpu.memory_space<vmem>> -> memref<128xi32, #tpu.memory_space<vmem>>
        %dma_wait3A_68 = arith.constant 0 : i32
        %dma_wait3A_69 = arith.constant 0 : i32
        %dma_wait3A_70 = tpu.memref_slice %arg7[%dma_wait3A_68, %dma_wait3A_69] : memref<10112x128xf32, #tpu.memory_space<vmem_shared>> -> memref<10112x128xf32, #tpu.memory_space<vmem_shared>>
        tpu.wait_indirect_dma semaphore(%run_scoped3A : memref<!tpu.dma_semaphore, #tpu.memory_space<semaphore_mem>>) src(%arg10 : memref<128x128xf32, #tpu.memory_space<vmem>>) dst(%dma_wait3A_70 : memref<10112x128xf32, #tpu.memory_space<vmem_shared>>)
        tpu.yield
      }) : () -> ()
      %add3A_45 = arith.constant 2 : i32
      %add3A_46 = arith.addi %mul3A_32, %add3A_45 : i32
      %lt3A = arith.constant 40 : i32
      %lt3A_47 = arith.cmpi slt, %add3A_46, %lt3A : i32
      %convert_element_type3A = arith.extui %lt3A_47 : i1 to i32
      %cond3A = arith.constant 0 : i32
      %cond3A_48 = arith.cmpi ne, %convert_element_type3A, %cond3A : i32
      scf.if %cond3A_48 {
        %add3A_59 = arith.constant 2 : i32
        %add3A_60 = arith.addi %mul3A_32, %add3A_59 : i32
        %dma_start3A_61 = arith.constant 0 : i32
        %dma_start3A_62 = tpu.memref_slice %arg8[%add3A_60, %dma_start3A_61] : memref<40x128xi32, #tpu.memory_space<vmem>> -> memref<1x128xi32, #tpu.memory_space<vmem>>
        %dma_start3A_63 = tpu.memref_squeeze %dma_start3A_62 : memref<1x128xi32, #tpu.memory_space<vmem>> -> memref<128xi32, #tpu.memory_space<vmem>>
        %dma_start3A_64 = arith.constant 0 : i32
        %dma_start3A_65 = arith.constant 0 : i32
        %dma_start3A_66 = tpu.memref_slice %arg2[%dma_start3A_64, %dma_start3A_65] : memref<20000x128xf32, #tpu.memory_space<hbm>> -> memref<20000x128xf32, #tpu.memory_space<hbm>>
        tpu.enqueue_indirect_dma source(%dma_start3A_66 : memref<20000x128xf32, #tpu.memory_space<hbm>>) target(%arg10 : memref<128x128xf32, #tpu.memory_space<vmem>>) offsets(%dma_start3A_63 : memref<128xi32, #tpu.memory_space<vmem>>) semaphore(%arg12 : memref<!tpu.dma_semaphore, #tpu.memory_space<semaphore_mem>>)
      } else {
      }
      %add3A_49 = arith.constant 1 : i32
      %add3A_50 = arith.addi %mul3A_32, %add3A_49 : i32
      %dma_wait3A_51 = arith.constant 0 : i32
      %dma_wait3A_52 = tpu.memref_slice %arg8[%add3A_50, %dma_wait3A_51] : memref<40x128xi32, #tpu.memory_space<vmem>> -> memref<1x128xi32, #tpu.memory_space<vmem>>
      %dma_wait3A_53 = tpu.memref_squeeze %dma_wait3A_52 : memref<1x128xi32, #tpu.memory_space<vmem>> -> memref<128xi32, #tpu.memory_space<vmem>>
      %dma_wait3A_54 = arith.constant 0 : i32
      %dma_wait3A_55 = arith.constant 0 : i32
      %dma_wait3A_56 = tpu.memref_slice %arg2[%dma_wait3A_54, %dma_wait3A_55] : memref<20000x128xf32, #tpu.memory_space<hbm>> -> memref<20000x128xf32, #tpu.memory_space<hbm>>
      tpu.wait_indirect_dma semaphore(%arg13 : memref<!tpu.dma_semaphore, #tpu.memory_space<semaphore_mem>>) src(%dma_wait3A_56 : memref<20000x128xf32, #tpu.memory_space<hbm>>) dst(%arg11 : memref<128x128xf32, #tpu.memory_space<vmem>>)
      %add3A_57 = arith.constant 1 : i32
      %add3A_58 = arith.addi %mul3A_32, %add3A_57 : i32
      "tpu.region"() ({
        %run_scoped3A = tpu.sem_alloc : memref<!tpu.dma_semaphore, #tpu.memory_space<semaphore_mem>>
        %dma_start3A_59 = arith.constant 0 : i32
        %dma_start3A_60 = tpu.memref_slice %arg9[%add3A_58, %dma_start3A_59] : memref<40x128xi32, #tpu.memory_space<vmem>> -> memref<1x128xi32, #tpu.memory_space<vmem>>
        %dma_start3A_61 = tpu.memref_squeeze %dma_start3A_60 : memref<1x128xi32, #tpu.memory_space<vmem>> -> memref<128xi32, #tpu.memory_space<vmem>>
        %dma_start3A_62 = arith.constant 0 : i32
        %dma_start3A_63 = arith.constant 0 : i32
        %dma_start3A_64 = tpu.memref_slice %arg7[%dma_start3A_62, %dma_start3A_63] : memref<10112x128xf32, #tpu.memory_space<vmem_shared>> -> memref<10112x128xf32, #tpu.memory_space<vmem_shared>>
        tpu.enqueue_indirect_dma source(%arg11 : memref<128x128xf32, #tpu.memory_space<vmem>>) target(%dma_start3A_64 : memref<10112x128xf32, #tpu.memory_space<vmem_shared>>) offsets(%dma_start3A_61 : memref<128xi32, #tpu.memory_space<vmem>>) semaphore(%run_scoped3A : memref<!tpu.dma_semaphore, #tpu.memory_space<semaphore_mem>>) {add = true}
        %dma_wait3A_65 = arith.constant 0 : i32
        %dma_wait3A_66 = tpu.memref_slice %arg9[%add3A_58, %dma_wait3A_65] : memref<40x128xi32, #tpu.memory_space<vmem>> -> memref<1x128xi32, #tpu.memory_space<vmem>>
        %dma_wait3A_67 = tpu.memref_squeeze %dma_wait3A_66 : memref<1x128xi32, #tpu.memory_space<vmem>> -> memref<128xi32, #tpu.memory_space<vmem>>
        %dma_wait3A_68 = arith.constant 0 : i32
        %dma_wait3A_69 = arith.constant 0 : i32
        %dma_wait3A_70 = tpu.memref_slice %arg7[%dma_wait3A_68, %dma_wait3A_69] : memref<10112x128xf32, #tpu.memory_space<vmem_shared>> -> memref<10112x128xf32, #tpu.memory_space<vmem_shared>>
        tpu.wait_indirect_dma semaphore(%run_scoped3A : memref<!tpu.dma_semaphore, #tpu.memory_space<semaphore_mem>>) src(%arg11 : memref<128x128xf32, #tpu.memory_space<vmem>>) dst(%dma_wait3A_70 : memref<10112x128xf32, #tpu.memory_space<vmem_shared>>)
        tpu.yield
      }) : () -> ()
    }
    %scan3A_11 = arith.constant 20 : i32
    "tpu.region"() ({
      %run_scoped3A = tpu.sem_alloc : memref<!tpu.dma_semaphore, #tpu.memory_space<semaphore_mem>>
      %dma_start3A_30 = arith.constant 40 : i32
      %dma_start3A_31 = arith.constant 0 : i32
      %dma_start3A_32 = tpu.memref_slice %arg3[%arg0, %arg1, %dma_start3A_30, %dma_start3A_31] : memref<2x16x80x128xi32, #tpu.memory_space<hbm>> -> memref<1x1x40x128xi32, #tpu.memory_space<hbm>>
      %dma_start3A_33 = tpu.memref_squeeze %dma_start3A_32 : memref<1x1x40x128xi32, #tpu.memory_space<hbm>> -> memref<40x128xi32, #tpu.memory_space<hbm>>
      %dma_start3A_34 = arith.constant 40 : i32
      %dma_start3A_35 = arith.constant 0 : i32
      %dma_start3A_36 = tpu.memref_slice %arg3[%arg0, %arg1, %dma_start3A_34, %dma_start3A_35] : memref<2x16x80x128xi32, #tpu.memory_space<hbm>> -> memref<1x1x40x128xi32, #tpu.memory_space<hbm>>
      %dma_start3A_37 = tpu.memref_squeeze %dma_start3A_36 : memref<1x1x40x128xi32, #tpu.memory_space<hbm>> -> memref<40x128xi32, #tpu.memory_space<hbm>>
      tpu.enqueue_dma source(%dma_start3A_37 : memref<40x128xi32, #tpu.memory_space<hbm>>) target(%arg8 : memref<40x128xi32, #tpu.memory_space<vmem>>) target_semaphore(%run_scoped3A : memref<!tpu.dma_semaphore, #tpu.memory_space<semaphore_mem>>)
      %dma_wait3A = arith.constant 40 : i32
      %dma_wait3A_38 = arith.constant 0 : i32
      %dma_wait3A_39 = tpu.memref_slice %arg3[%arg0, %arg1, %dma_wait3A, %dma_wait3A_38] : memref<2x16x80x128xi32, #tpu.memory_space<hbm>> -> memref<1x1x40x128xi32, #tpu.memory_space<hbm>>
      %dma_wait3A_40 = tpu.memref_squeeze %dma_wait3A_39 : memref<1x1x40x128xi32, #tpu.memory_space<hbm>> -> memref<40x128xi32, #tpu.memory_space<hbm>>
      %dma_wait3A_41 = arith.constant 40 : i32
      %dma_wait3A_42 = arith.constant 0 : i32
      %dma_wait3A_43 = tpu.memref_slice %arg3[%arg0, %arg1, %dma_wait3A_41, %dma_wait3A_42] : memref<2x16x80x128xi32, #tpu.memory_space<hbm>> -> memref<1x1x40x128xi32, #tpu.memory_space<hbm>>
      %dma_wait3A_44 = tpu.memref_squeeze %dma_wait3A_43 : memref<1x1x40x128xi32, #tpu.memory_space<hbm>> -> memref<40x128xi32, #tpu.memory_space<hbm>>
      tpu.wait_dma2 semaphore(%run_scoped3A : memref<!tpu.dma_semaphore, #tpu.memory_space<semaphore_mem>>) src(%dma_wait3A_44 : memref<40x128xi32, #tpu.memory_space<hbm>>) dst(%arg8 : memref<40x128xi32, #tpu.memory_space<vmem>>)
      tpu.yield
    }) : () -> ()
    "tpu.region"() ({
      %run_scoped3A = tpu.sem_alloc : memref<!tpu.dma_semaphore, #tpu.memory_space<semaphore_mem>>
      %dma_start3A_30 = arith.constant 40 : i32
      %dma_start3A_31 = arith.constant 0 : i32
      %dma_start3A_32 = tpu.memref_slice %arg4[%arg1, %dma_start3A_30, %dma_start3A_31] : memref<16x80x128xi32, #tpu.memory_space<hbm>> -> memref<1x40x128xi32, #tpu.memory_space<hbm>>
      %dma_start3A_33 = tpu.memref_squeeze %dma_start3A_32 : memref<1x40x128xi32, #tpu.memory_space<hbm>> -> memref<40x128xi32, #tpu.memory_space<hbm>>
      %dma_start3A_34 = arith.constant 40 : i32
      %dma_start3A_35 = arith.constant 0 : i32
      %dma_start3A_36 = tpu.memref_slice %arg4[%arg1, %dma_start3A_34, %dma_start3A_35] : memref<16x80x128xi32, #tpu.memory_space<hbm>> -> memref<1x40x128xi32, #tpu.memory_space<hbm>>
      %dma_start3A_37 = tpu.memref_squeeze %dma_start3A_36 : memref<1x40x128xi32, #tpu.memory_space<hbm>> -> memref<40x128xi32, #tpu.memory_space<hbm>>
      tpu.enqueue_dma source(%dma_start3A_37 : memref<40x128xi32, #tpu.memory_space<hbm>>) target(%arg9 : memref<40x128xi32, #tpu.memory_space<vmem>>) target_semaphore(%run_scoped3A : memref<!tpu.dma_semaphore, #tpu.memory_space<semaphore_mem>>)
      %dma_wait3A = arith.constant 40 : i32
      %dma_wait3A_38 = arith.constant 0 : i32
      %dma_wait3A_39 = tpu.memref_slice %arg4[%arg1, %dma_wait3A, %dma_wait3A_38] : memref<16x80x128xi32, #tpu.memory_space<hbm>> -> memref<1x40x128xi32, #tpu.memory_space<hbm>>
      %dma_wait3A_40 = tpu.memref_squeeze %dma_wait3A_39 : memref<1x40x128xi32, #tpu.memory_space<hbm>> -> memref<40x128xi32, #tpu.memory_space<hbm>>
      %dma_wait3A_41 = arith.constant 40 : i32
      %dma_wait3A_42 = arith.constant 0 : i32
      %dma_wait3A_43 = tpu.memref_slice %arg4[%arg1, %dma_wait3A_41, %dma_wait3A_42] : memref<16x80x128xi32, #tpu.memory_space<hbm>> -> memref<1x40x128xi32, #tpu.memory_space<hbm>>
      %dma_wait3A_44 = tpu.memref_squeeze %dma_wait3A_43 : memref<1x40x128xi32, #tpu.memory_space<hbm>> -> memref<40x128xi32, #tpu.memory_space<hbm>>
      tpu.wait_dma2 semaphore(%run_scoped3A : memref<!tpu.dma_semaphore, #tpu.memory_space<semaphore_mem>>) src(%dma_wait3A_44 : memref<40x128xi32, #tpu.memory_space<hbm>>) dst(%arg9 : memref<40x128xi32, #tpu.memory_space<vmem>>)
      tpu.yield
    }) : () -> ()
    %dma_start3A_12 = arith.constant 0 : i32
    %dma_start3A_13 = arith.constant 0 : i32
    %dma_start3A_14 = tpu.memref_slice %arg8[%dma_start3A_12, %dma_start3A_13] : memref<40x128xi32, #tpu.memory_space<vmem>> -> memref<1x128xi32, #tpu.memory_space<vmem>>
    %dma_start3A_15 = tpu.memref_squeeze %dma_start3A_14 : memref<1x128xi32, #tpu.memory_space<vmem>> -> memref<128xi32, #tpu.memory_space<vmem>>
    %dma_start3A_16 = arith.constant 0 : i32
    %dma_start3A_17 = arith.constant 0 : i32
    %dma_start3A_18 = tpu.memref_slice %arg2[%dma_start3A_16, %dma_start3A_17] : memref<20000x128xf32, #tpu.memory_space<hbm>> -> memref<20000x128xf32, #tpu.memory_space<hbm>>
    tpu.enqueue_indirect_dma source(%dma_start3A_18 : memref<20000x128xf32, #tpu.memory_space<hbm>>) target(%arg10 : memref<128x128xf32, #tpu.memory_space<vmem>>) offsets(%dma_start3A_15 : memref<128xi32, #tpu.memory_space<vmem>>) semaphore(%arg12 : memref<!tpu.dma_semaphore, #tpu.memory_space<semaphore_mem>>)
    %scan3A_19 = arith.constant 0 : i32
    %scan3A_20 = arith.constant 0 : i32
    %scan3A_21 = arith.constant 20 : i32
    %scan3A_22 = arith.addi %scan3A_20, %scan3A_21 : i32
    %scan3A_23 = arith.constant 1 : i32
    scf.for %scan3A_30 = %scan3A_20 to %scan3A_22 step %scan3A_23  : i32 {
      %mul3A_31 = arith.constant 2 : i32
      %mul3A_32 = arith.muli %scan3A_30, %mul3A_31 : i32
      %add3A = arith.constant 1 : i32
      %add3A_33 = arith.addi %mul3A_32, %add3A : i32
      %dma_start3A_34 = arith.constant 0 : i32
      %dma_start3A_35 = tpu.memref_slice %arg8[%add3A_33, %dma_start3A_34] : memref<40x128xi32, #tpu.memory_space<vmem>> -> memref<1x128xi32, #tpu.memory_space<vmem>>
      %dma_start3A_36 = tpu.memref_squeeze %dma_start3A_35 : memref<1x128xi32, #tpu.memory_space<vmem>> -> memref<128xi32, #tpu.memory_space<vmem>>
      %dma_start3A_37 = arith.constant 0 : i32
      %dma_start3A_38 = arith.constant 0 : i32
      %dma_start3A_39 = tpu.memref_slice %arg2[%dma_start3A_37, %dma_start3A_38] : memref<20000x128xf32, #tpu.memory_space<hbm>> -> memref<20000x128xf32, #tpu.memory_space<hbm>>
      tpu.enqueue_indirect_dma source(%dma_start3A_39 : memref<20000x128xf32, #tpu.memory_space<hbm>>) target(%arg11 : memref<128x128xf32, #tpu.memory_space<vmem>>) offsets(%dma_start3A_36 : memref<128xi32, #tpu.memory_space<vmem>>) semaphore(%arg13 : memref<!tpu.dma_semaphore, #tpu.memory_space<semaphore_mem>>)
      %dma_wait3A = arith.constant 0 : i32
      %dma_wait3A_40 = tpu.memref_slice %arg8[%mul3A_32, %dma_wait3A] : memref<40x128xi32, #tpu.memory_space<vmem>> -> memref<1x128xi32, #tpu.memory_space<vmem>>
      %dma_wait3A_41 = tpu.memref_squeeze %dma_wait3A_40 : memref<1x128xi32, #tpu.memory_space<vmem>> -> memref<128xi32, #tpu.memory_space<vmem>>
      %dma_wait3A_42 = arith.constant 0 : i32
      %dma_wait3A_43 = arith.constant 0 : i32
      %dma_wait3A_44 = tpu.memref_slice %arg2[%dma_wait3A_42, %dma_wait3A_43] : memref<20000x128xf32, #tpu.memory_space<hbm>> -> memref<20000x128xf32, #tpu.memory_space<hbm>>
      tpu.wait_indirect_dma semaphore(%arg12 : memref<!tpu.dma_semaphore, #tpu.memory_space<semaphore_mem>>) src(%dma_wait3A_44 : memref<20000x128xf32, #tpu.memory_space<hbm>>) dst(%arg10 : memref<128x128xf32, #tpu.memory_space<vmem>>)
      "tpu.region"() ({
        %run_scoped3A = tpu.sem_alloc : memref<!tpu.dma_semaphore, #tpu.memory_space<semaphore_mem>>
        %dma_start3A_59 = arith.constant 0 : i32
        %dma_start3A_60 = tpu.memref_slice %arg9[%mul3A_32, %dma_start3A_59] : memref<40x128xi32, #tpu.memory_space<vmem>> -> memref<1x128xi32, #tpu.memory_space<vmem>>
        %dma_start3A_61 = tpu.memref_squeeze %dma_start3A_60 : memref<1x128xi32, #tpu.memory_space<vmem>> -> memref<128xi32, #tpu.memory_space<vmem>>
        %dma_start3A_62 = arith.constant 0 : i32
        %dma_start3A_63 = arith.constant 0 : i32
        %dma_start3A_64 = tpu.memref_slice %arg7[%dma_start3A_62, %dma_start3A_63] : memref<10112x128xf32, #tpu.memory_space<vmem_shared>> -> memref<10112x128xf32, #tpu.memory_space<vmem_shared>>
        tpu.enqueue_indirect_dma source(%arg10 : memref<128x128xf32, #tpu.memory_space<vmem>>) target(%dma_start3A_64 : memref<10112x128xf32, #tpu.memory_space<vmem_shared>>) offsets(%dma_start3A_61 : memref<128xi32, #tpu.memory_space<vmem>>) semaphore(%run_scoped3A : memref<!tpu.dma_semaphore, #tpu.memory_space<semaphore_mem>>) {add = true}
        %dma_wait3A_65 = arith.constant 0 : i32
        %dma_wait3A_66 = tpu.memref_slice %arg9[%mul3A_32, %dma_wait3A_65] : memref<40x128xi32, #tpu.memory_space<vmem>> -> memref<1x128xi32, #tpu.memory_space<vmem>>
        %dma_wait3A_67 = tpu.memref_squeeze %dma_wait3A_66 : memref<1x128xi32, #tpu.memory_space<vmem>> -> memref<128xi32, #tpu.memory_space<vmem>>
        %dma_wait3A_68 = arith.constant 0 : i32
        %dma_wait3A_69 = arith.constant 0 : i32
        %dma_wait3A_70 = tpu.memref_slice %arg7[%dma_wait3A_68, %dma_wait3A_69] : memref<10112x128xf32, #tpu.memory_space<vmem_shared>> -> memref<10112x128xf32, #tpu.memory_space<vmem_shared>>
        tpu.wait_indirect_dma semaphore(%run_scoped3A : memref<!tpu.dma_semaphore, #tpu.memory_space<semaphore_mem>>) src(%arg10 : memref<128x128xf32, #tpu.memory_space<vmem>>) dst(%dma_wait3A_70 : memref<10112x128xf32, #tpu.memory_space<vmem_shared>>)
        tpu.yield
      }) : () -> ()
      %add3A_45 = arith.constant 2 : i32
      %add3A_46 = arith.addi %mul3A_32, %add3A_45 : i32
      %lt3A = arith.constant 40 : i32
      %lt3A_47 = arith.cmpi slt, %add3A_46, %lt3A : i32
      %convert_element_type3A = arith.extui %lt3A_47 : i1 to i32
      %cond3A = arith.constant 0 : i32
      %cond3A_48 = arith.cmpi ne, %convert_element_type3A, %cond3A : i32
      scf.if %cond3A_48 {
        %add3A_59 = arith.constant 2 : i32
        %add3A_60 = arith.addi %mul3A_32, %add3A_59 : i32
        %dma_start3A_61 = arith.constant 0 : i32
        %dma_start3A_62 = tpu.memref_slice %arg8[%add3A_60, %dma_start3A_61] : memref<40x128xi32, #tpu.memory_space<vmem>> -> memref<1x128xi32, #tpu.memory_space<vmem>>
        %dma_start3A_63 = tpu.memref_squeeze %dma_start3A_62 : memref<1x128xi32, #tpu.memory_space<vmem>> -> memref<128xi32, #tpu.memory_space<vmem>>
        %dma_start3A_64 = arith.constant 0 : i32
        %dma_start3A_65 = arith.constant 0 : i32
        %dma_start3A_66 = tpu.memref_slice %arg2[%dma_start3A_64, %dma_start3A_65] : memref<20000x128xf32, #tpu.memory_space<hbm>> -> memref<20000x128xf32, #tpu.memory_space<hbm>>
        tpu.enqueue_indirect_dma source(%dma_start3A_66 : memref<20000x128xf32, #tpu.memory_space<hbm>>) target(%arg10 : memref<128x128xf32, #tpu.memory_space<vmem>>) offsets(%dma_start3A_63 : memref<128xi32, #tpu.memory_space<vmem>>) semaphore(%arg12 : memref<!tpu.dma_semaphore, #tpu.memory_space<semaphore_mem>>)
      } else {
      }
      %add3A_49 = arith.constant 1 : i32
      %add3A_50 = arith.addi %mul3A_32, %add3A_49 : i32
      %dma_wait3A_51 = arith.constant 0 : i32
      %dma_wait3A_52 = tpu.memref_slice %arg8[%add3A_50, %dma_wait3A_51] : memref<40x128xi32, #tpu.memory_space<vmem>> -> memref<1x128xi32, #tpu.memory_space<vmem>>
      %dma_wait3A_53 = tpu.memref_squeeze %dma_wait3A_52 : memref<1x128xi32, #tpu.memory_space<vmem>> -> memref<128xi32, #tpu.memory_space<vmem>>
      %dma_wait3A_54 = arith.constant 0 : i32
      %dma_wait3A_55 = arith.constant 0 : i32
      %dma_wait3A_56 = tpu.memref_slice %arg2[%dma_wait3A_54, %dma_wait3A_55] : memref<20000x128xf32, #tpu.memory_space<hbm>> -> memref<20000x128xf32, #tpu.memory_space<hbm>>
      tpu.wait_indirect_dma semaphore(%arg13 : memref<!tpu.dma_semaphore, #tpu.memory_space<semaphore_mem>>) src(%dma_wait3A_56 : memref<20000x128xf32, #tpu.memory_space<hbm>>) dst(%arg11 : memref<128x128xf32, #tpu.memory_space<vmem>>)
      %add3A_57 = arith.constant 1 : i32
      %add3A_58 = arith.addi %mul3A_32, %add3A_57 : i32
      "tpu.region"() ({
        %run_scoped3A = tpu.sem_alloc : memref<!tpu.dma_semaphore, #tpu.memory_space<semaphore_mem>>
        %dma_start3A_59 = arith.constant 0 : i32
        %dma_start3A_60 = tpu.memref_slice %arg9[%add3A_58, %dma_start3A_59] : memref<40x128xi32, #tpu.memory_space<vmem>> -> memref<1x128xi32, #tpu.memory_space<vmem>>
        %dma_start3A_61 = tpu.memref_squeeze %dma_start3A_60 : memref<1x128xi32, #tpu.memory_space<vmem>> -> memref<128xi32, #tpu.memory_space<vmem>>
        %dma_start3A_62 = arith.constant 0 : i32
        %dma_start3A_63 = arith.constant 0 : i32
        %dma_start3A_64 = tpu.memref_slice %arg7[%dma_start3A_62, %dma_start3A_63] : memref<10112x128xf32, #tpu.memory_space<vmem_shared>> -> memref<10112x128xf32, #tpu.memory_space<vmem_shared>>
        tpu.enqueue_indirect_dma source(%arg11 : memref<128x128xf32, #tpu.memory_space<vmem>>) target(%dma_start3A_64 : memref<10112x128xf32, #tpu.memory_space<vmem_shared>>) offsets(%dma_start3A_61 : memref<128xi32, #tpu.memory_space<vmem>>) semaphore(%run_scoped3A : memref<!tpu.dma_semaphore, #tpu.memory_space<semaphore_mem>>) {add = true}
        %dma_wait3A_65 = arith.constant 0 : i32
        %dma_wait3A_66 = tpu.memref_slice %arg9[%add3A_58, %dma_wait3A_65] : memref<40x128xi32, #tpu.memory_space<vmem>> -> memref<1x128xi32, #tpu.memory_space<vmem>>
        %dma_wait3A_67 = tpu.memref_squeeze %dma_wait3A_66 : memref<1x128xi32, #tpu.memory_space<vmem>> -> memref<128xi32, #tpu.memory_space<vmem>>
        %dma_wait3A_68 = arith.constant 0 : i32
        %dma_wait3A_69 = arith.constant 0 : i32
        %dma_wait3A_70 = tpu.memref_slice %arg7[%dma_wait3A_68, %dma_wait3A_69] : memref<10112x128xf32, #tpu.memory_space<vmem_shared>> -> memref<10112x128xf32, #tpu.memory_space<vmem_shared>>
        tpu.wait_indirect_dma semaphore(%run_scoped3A : memref<!tpu.dma_semaphore, #tpu.memory_space<semaphore_mem>>) src(%arg11 : memref<128x128xf32, #tpu.memory_space<vmem>>) dst(%dma_wait3A_70 : memref<10112x128xf32, #tpu.memory_space<vmem_shared>>)
        tpu.yield
      }) : () -> ()
    }
    %scan3A_24 = arith.constant 20 : i32
    %barrier3A_25 = arith.constant 0 : index
    tpu.barrier barrier_id(%barrier3A_25)
    %mul3A_26 = arith.constant 632 : i32
    %mul3A_27 = arith.muli %arg1, %mul3A_26 : i32
    %mul3A_28 = arith.constant 632 : i32
    %mul3A_29 = arith.muli %arg1, %mul3A_28 : i32
    "tpu.region"() ({
      %run_scoped3A = tpu.sem_alloc : memref<!tpu.dma_semaphore, #tpu.memory_space<semaphore_mem>>
      %dma_start3A_30 = arith.constant 0 : i32
      %dma_start3A_31 = tpu.memref_slice %arg6[%arg0, %mul3A_29, %dma_start3A_30] : memref<2x10112x128xf32, #tpu.memory_space<hbm>> -> memref<1x632x128xf32, #tpu.memory_space<hbm>>
      %dma_start3A_32 = tpu.memref_squeeze %dma_start3A_31 : memref<1x632x128xf32, #tpu.memory_space<hbm>> -> memref<632x128xf32, #tpu.memory_space<hbm>>
      %dma_start3A_33 = arith.constant 0 : i32
      %dma_start3A_34 = tpu.memref_slice %arg7[%mul3A_27, %dma_start3A_33] : memref<10112x128xf32, #tpu.memory_space<vmem_shared>> -> memref<632x128xf32, #tpu.memory_space<vmem_shared>>
      tpu.enqueue_dma source(%dma_start3A_34 : memref<632x128xf32, #tpu.memory_space<vmem_shared>>) target(%dma_start3A_32 : memref<632x128xf32, #tpu.memory_space<hbm>>) target_semaphore(%run_scoped3A : memref<!tpu.dma_semaphore, #tpu.memory_space<semaphore_mem>>)
      %dma_wait3A = arith.constant 0 : i32
      %dma_wait3A_35 = tpu.memref_slice %arg6[%arg0, %mul3A_29, %dma_wait3A] : memref<2x10112x128xf32, #tpu.memory_space<hbm>> -> memref<1x632x128xf32, #tpu.memory_space<hbm>>
      %dma_wait3A_36 = tpu.memref_squeeze %dma_wait3A_35 : memref<1x632x128xf32, #tpu.memory_space<hbm>> -> memref<632x128xf32, #tpu.memory_space<hbm>>
      %dma_wait3A_37 = arith.constant 0 : i32
      %dma_wait3A_38 = tpu.memref_slice %arg7[%mul3A_27, %dma_wait3A_37] : memref<10112x128xf32, #tpu.memory_space<vmem_shared>> -> memref<632x128xf32, #tpu.memory_space<vmem_shared>>
      tpu.wait_dma2 semaphore(%run_scoped3A : memref<!tpu.dma_semaphore, #tpu.memory_space<semaphore_mem>>) src(%dma_wait3A_38 : memref<632x128xf32, #tpu.memory_space<vmem_shared>>) dst(%dma_wait3A_36 : memref<632x128xf32, #tpu.memory_space<hbm>>)
      tpu.yield
    }) : () -> ()
    return
  }
}

#map = affine_map<(d0, d1) -> (0, 0)>
#map1 = affine_map<(d0, d1) -> (0, 0, 0, 0)>
#map2 = affine_map<(d0, d1) -> (0, 0, 0)>
module attributes {stable_mosaic.version = 14 : i64} {
  func.func @_sc_round_body(%arg0: i32, %arg1: i32, %arg2: memref<20000x128xf32, #tpu.memory_space<hbm>>, %arg3: memref<2x16x80x128xi32, #tpu.memory_space<hbm>>, %arg4: memref<16x80x128xi32, #tpu.memory_space<hbm>>, %arg5: memref<632x128xf32, #tpu.memory_space<hbm>>, %arg6: memref<2x10112x128xf32, #tpu.memory_space<hbm>>, %arg7: memref<10112x128xf32, #tpu.memory_space<vmem_shared>>, %arg8: memref<40x128xi32, #tpu.memory_space<vmem>>, %arg9: memref<40x128xi32, #tpu.memory_space<vmem>>, %arg10: memref<128x128xf32, #tpu.memory_space<vmem>>, %arg11: memref<128x128xf32, #tpu.memory_space<vmem>>, %arg12: memref<!tpu.dma_semaphore, #tpu.memory_space<semaphore_mem>>, %arg13: memref<!tpu.dma_semaphore, #tpu.memory_space<semaphore_mem>>) attributes {dimension_semantics = [#tpu.dimension_semantics<core_parallel>, #tpu.dimension_semantics<subcore_parallel>], iteration_bounds = array<i64: 2, 16>, scalar_prefetch = 0 : i64, scratch_operands = 7 : i64, tpu.core_type = #tpu.core_type<sc_vector_subcore>, window_params = [{transform_indices = #map}, {transform_indices = #map1}, {transform_indices = #map2}, {transform_indices = #map}, {transform_indices = #map2}]} {
    %mul3A = arith.constant 632 : i32
    %mul3A_0 = arith.muli %arg1, %mul3A : i32
    "tpu.region"() ({
      %run_scoped3A = tpu.sem_alloc : memref<!tpu.dma_semaphore, #tpu.memory_space<semaphore_mem>>
      %dma_start3A_30 = arith.constant 0 : i32
      %dma_start3A_31 = tpu.memref_slice %arg7[%mul3A_0, %dma_start3A_30] : memref<10112x128xf32, #tpu.memory_space<vmem_shared>> -> memref<632x128xf32, #tpu.memory_space<vmem_shared>>
      tpu.enqueue_dma source(%arg5 : memref<632x128xf32, #tpu.memory_space<hbm>>) target(%dma_start3A_31 : memref<632x128xf32, #tpu.memory_space<vmem_shared>>) target_semaphore(%run_scoped3A : memref<!tpu.dma_semaphore, #tpu.memory_space<semaphore_mem>>)
      %dma_wait3A = arith.constant 0 : i32
      %dma_wait3A_32 = tpu.memref_slice %arg7[%mul3A_0, %dma_wait3A] : memref<10112x128xf32, #tpu.memory_space<vmem_shared>> -> memref<632x128xf32, #tpu.memory_space<vmem_shared>>
      tpu.wait_dma2 semaphore(%run_scoped3A : memref<!tpu.dma_semaphore, #tpu.memory_space<semaphore_mem>>) src(%arg5 : memref<632x128xf32, #tpu.memory_space<hbm>>) dst(%dma_wait3A_32 : memref<632x128xf32, #tpu.memory_space<vmem_shared>>)
      tpu.yield
    }) : () -> ()
    %barrier3A = arith.constant 0 : index
    tpu.barrier barrier_id(%barrier3A)
    "tpu.region"() ({
      %run_scoped3A = tpu.sem_alloc : memref<!tpu.dma_semaphore, #tpu.memory_space<semaphore_mem>>
      %dma_start3A_30 = arith.constant 0 : i32
      %dma_start3A_31 = arith.constant 0 : i32
      %dma_start3A_32 = tpu.memref_slice %arg3[%arg0, %arg1, %dma_start3A_30, %dma_start3A_31] : memref<2x16x80x128xi32, #tpu.memory_space<hbm>> -> memref<1x1x40x128xi32, #tpu.memory_space<hbm>>
      %dma_start3A_33 = tpu.memref_squeeze %dma_start3A_32 : memref<1x1x40x128xi32, #tpu.memory_space<hbm>> -> memref<40x128xi32, #tpu.memory_space<hbm>>
      %dma_start3A_34 = arith.constant 0 : i32
      %dma_start3A_35 = arith.constant 0 : i32
      %dma_start3A_36 = tpu.memref_slice %arg3[%arg0, %arg1, %dma_start3A_34, %dma_start3A_35] : memref<2x16x80x128xi32, #tpu.memory_space<hbm>> -> memref<1x1x40x128xi32, #tpu.memory_space<hbm>>
      %dma_start3A_37 = tpu.memref_squeeze %dma_start3A_36 : memref<1x1x40x128xi32, #tpu.memory_space<hbm>> -> memref<40x128xi32, #tpu.memory_space<hbm>>
      tpu.enqueue_dma source(%dma_start3A_37 : memref<40x128xi32, #tpu.memory_space<hbm>>) target(%arg8 : memref<40x128xi32, #tpu.memory_space<vmem>>) target_semaphore(%run_scoped3A : memref<!tpu.dma_semaphore, #tpu.memory_space<semaphore_mem>>)
      %dma_wait3A = arith.constant 0 : i32
      %dma_wait3A_38 = arith.constant 0 : i32
      %dma_wait3A_39 = tpu.memref_slice %arg3[%arg0, %arg1, %dma_wait3A, %dma_wait3A_38] : memref<2x16x80x128xi32, #tpu.memory_space<hbm>> -> memref<1x1x40x128xi32, #tpu.memory_space<hbm>>
      %dma_wait3A_40 = tpu.memref_squeeze %dma_wait3A_39 : memref<1x1x40x128xi32, #tpu.memory_space<hbm>> -> memref<40x128xi32, #tpu.memory_space<hbm>>
      %dma_wait3A_41 = arith.constant 0 : i32
      %dma_wait3A_42 = arith.constant 0 : i32
      %dma_wait3A_43 = tpu.memref_slice %arg3[%arg0, %arg1, %dma_wait3A_41, %dma_wait3A_42] : memref<2x16x80x128xi32, #tpu.memory_space<hbm>> -> memref<1x1x40x128xi32, #tpu.memory_space<hbm>>
      %dma_wait3A_44 = tpu.memref_squeeze %dma_wait3A_43 : memref<1x1x40x128xi32, #tpu.memory_space<hbm>> -> memref<40x128xi32, #tpu.memory_space<hbm>>
      tpu.wait_dma2 semaphore(%run_scoped3A : memref<!tpu.dma_semaphore, #tpu.memory_space<semaphore_mem>>) src(%dma_wait3A_44 : memref<40x128xi32, #tpu.memory_space<hbm>>) dst(%arg8 : memref<40x128xi32, #tpu.memory_space<vmem>>)
      tpu.yield
    }) : () -> ()
    "tpu.region"() ({
      %run_scoped3A = tpu.sem_alloc : memref<!tpu.dma_semaphore, #tpu.memory_space<semaphore_mem>>
      %dma_start3A_30 = arith.constant 0 : i32
      %dma_start3A_31 = arith.constant 0 : i32
      %dma_start3A_32 = tpu.memref_slice %arg4[%arg1, %dma_start3A_30, %dma_start3A_31] : memref<16x80x128xi32, #tpu.memory_space<hbm>> -> memref<1x40x128xi32, #tpu.memory_space<hbm>>
      %dma_start3A_33 = tpu.memref_squeeze %dma_start3A_32 : memref<1x40x128xi32, #tpu.memory_space<hbm>> -> memref<40x128xi32, #tpu.memory_space<hbm>>
      %dma_start3A_34 = arith.constant 0 : i32
      %dma_start3A_35 = arith.constant 0 : i32
      %dma_start3A_36 = tpu.memref_slice %arg4[%arg1, %dma_start3A_34, %dma_start3A_35] : memref<16x80x128xi32, #tpu.memory_space<hbm>> -> memref<1x40x128xi32, #tpu.memory_space<hbm>>
      %dma_start3A_37 = tpu.memref_squeeze %dma_start3A_36 : memref<1x40x128xi32, #tpu.memory_space<hbm>> -> memref<40x128xi32, #tpu.memory_space<hbm>>
      tpu.enqueue_dma source(%dma_start3A_37 : memref<40x128xi32, #tpu.memory_space<hbm>>) target(%arg9 : memref<40x128xi32, #tpu.memory_space<vmem>>) target_semaphore(%run_scoped3A : memref<!tpu.dma_semaphore, #tpu.memory_space<semaphore_mem>>)
      %dma_wait3A = arith.constant 0 : i32
      %dma_wait3A_38 = arith.constant 0 : i32
      %dma_wait3A_39 = tpu.memref_slice %arg4[%arg1, %dma_wait3A, %dma_wait3A_38] : memref<16x80x128xi32, #tpu.memory_space<hbm>> -> memref<1x40x128xi32, #tpu.memory_space<hbm>>
      %dma_wait3A_40 = tpu.memref_squeeze %dma_wait3A_39 : memref<1x40x128xi32, #tpu.memory_space<hbm>> -> memref<40x128xi32, #tpu.memory_space<hbm>>
      %dma_wait3A_41 = arith.constant 0 : i32
      %dma_wait3A_42 = arith.constant 0 : i32
      %dma_wait3A_43 = tpu.memref_slice %arg4[%arg1, %dma_wait3A_41, %dma_wait3A_42] : memref<16x80x128xi32, #tpu.memory_space<hbm>> -> memref<1x40x128xi32, #tpu.memory_space<hbm>>
      %dma_wait3A_44 = tpu.memref_squeeze %dma_wait3A_43 : memref<1x40x128xi32, #tpu.memory_space<hbm>> -> memref<40x128xi32, #tpu.memory_space<hbm>>
      tpu.wait_dma2 semaphore(%run_scoped3A : memref<!tpu.dma_semaphore, #tpu.memory_space<semaphore_mem>>) src(%dma_wait3A_44 : memref<40x128xi32, #tpu.memory_space<hbm>>) dst(%arg9 : memref<40x128xi32, #tpu.memory_space<vmem>>)
      tpu.yield
    }) : () -> ()
    %dma_start3A = arith.constant 0 : i32
    %dma_start3A_1 = arith.constant 0 : i32
    %dma_start3A_2 = tpu.memref_slice %arg8[%dma_start3A, %dma_start3A_1] : memref<40x128xi32, #tpu.memory_space<vmem>> -> memref<1x128xi32, #tpu.memory_space<vmem>>
    %dma_start3A_3 = tpu.memref_squeeze %dma_start3A_2 : memref<1x128xi32, #tpu.memory_space<vmem>> -> memref<128xi32, #tpu.memory_space<vmem>>
    %dma_start3A_4 = arith.constant 0 : i32
    %dma_start3A_5 = arith.constant 0 : i32
    %dma_start3A_6 = tpu.memref_slice %arg2[%dma_start3A_4, %dma_start3A_5] : memref<20000x128xf32, #tpu.memory_space<hbm>> -> memref<20000x128xf32, #tpu.memory_space<hbm>>
    tpu.enqueue_indirect_dma source(%dma_start3A_6 : memref<20000x128xf32, #tpu.memory_space<hbm>>) target(%arg10 : memref<128x128xf32, #tpu.memory_space<vmem>>) offsets(%dma_start3A_3 : memref<128xi32, #tpu.memory_space<vmem>>) semaphore(%arg12 : memref<!tpu.dma_semaphore, #tpu.memory_space<semaphore_mem>>)
    %scan3A = arith.constant 0 : i32
    %scan3A_7 = arith.constant 0 : i32
    %scan3A_8 = arith.constant 20 : i32
    %scan3A_9 = arith.addi %scan3A_7, %scan3A_8 : i32
    %scan3A_10 = arith.constant 1 : i32
    scf.for %scan3A_30 = %scan3A_7 to %scan3A_9 step %scan3A_10  : i32 {
      %mul3A_31 = arith.constant 2 : i32
      %mul3A_32 = arith.muli %scan3A_30, %mul3A_31 : i32
      %add3A = arith.constant 1 : i32
      %add3A_33 = arith.addi %mul3A_32, %add3A : i32
      %dma_start3A_34 = arith.constant 0 : i32
      %dma_start3A_35 = tpu.memref_slice %arg8[%add3A_33, %dma_start3A_34] : memref<40x128xi32, #tpu.memory_space<vmem>> -> memref<1x128xi32, #tpu.memory_space<vmem>>
      %dma_start3A_36 = tpu.memref_squeeze %dma_start3A_35 : memref<1x128xi32, #tpu.memory_space<vmem>> -> memref<128xi32, #tpu.memory_space<vmem>>
      %dma_start3A_37 = arith.constant 0 : i32
      %dma_start3A_38 = arith.constant 0 : i32
      %dma_start3A_39 = tpu.memref_slice %arg2[%dma_start3A_37, %dma_start3A_38] : memref<20000x128xf32, #tpu.memory_space<hbm>> -> memref<20000x128xf32, #tpu.memory_space<hbm>>
      tpu.enqueue_indirect_dma source(%dma_start3A_39 : memref<20000x128xf32, #tpu.memory_space<hbm>>) target(%arg11 : memref<128x128xf32, #tpu.memory_space<vmem>>) offsets(%dma_start3A_36 : memref<128xi32, #tpu.memory_space<vmem>>) semaphore(%arg13 : memref<!tpu.dma_semaphore, #tpu.memory_space<semaphore_mem>>)
      %dma_wait3A = arith.constant 0 : i32
      %dma_wait3A_40 = tpu.memref_slice %arg8[%mul3A_32, %dma_wait3A] : memref<40x128xi32, #tpu.memory_space<vmem>> -> memref<1x128xi32, #tpu.memory_space<vmem>>
      %dma_wait3A_41 = tpu.memref_squeeze %dma_wait3A_40 : memref<1x128xi32, #tpu.memory_space<vmem>> -> memref<128xi32, #tpu.memory_space<vmem>>
      %dma_wait3A_42 = arith.constant 0 : i32
      %dma_wait3A_43 = arith.constant 0 : i32
      %dma_wait3A_44 = tpu.memref_slice %arg2[%dma_wait3A_42, %dma_wait3A_43] : memref<20000x128xf32, #tpu.memory_space<hbm>> -> memref<20000x128xf32, #tpu.memory_space<hbm>>
      tpu.wait_indirect_dma semaphore(%arg12 : memref<!tpu.dma_semaphore, #tpu.memory_space<semaphore_mem>>) src(%dma_wait3A_44 : memref<20000x128xf32, #tpu.memory_space<hbm>>) dst(%arg10 : memref<128x128xf32, #tpu.memory_space<vmem>>)
      "tpu.region"() ({
        %run_scoped3A = tpu.sem_alloc : memref<!tpu.dma_semaphore, #tpu.memory_space<semaphore_mem>>
        %dma_start3A_59 = arith.constant 0 : i32
        %dma_start3A_60 = tpu.memref_slice %arg9[%mul3A_32, %dma_start3A_59] : memref<40x128xi32, #tpu.memory_space<vmem>> -> memref<1x128xi32, #tpu.memory_space<vmem>>
        %dma_start3A_61 = tpu.memref_squeeze %dma_start3A_60 : memref<1x128xi32, #tpu.memory_space<vmem>> -> memref<128xi32, #tpu.memory_space<vmem>>
        %dma_start3A_62 = arith.constant 0 : i32
        %dma_start3A_63 = arith.constant 0 : i32
        %dma_start3A_64 = tpu.memref_slice %arg7[%dma_start3A_62, %dma_start3A_63] : memref<10112x128xf32, #tpu.memory_space<vmem_shared>> -> memref<10112x128xf32, #tpu.memory_space<vmem_shared>>
        tpu.enqueue_indirect_dma source(%arg10 : memref<128x128xf32, #tpu.memory_space<vmem>>) target(%dma_start3A_64 : memref<10112x128xf32, #tpu.memory_space<vmem_shared>>) offsets(%dma_start3A_61 : memref<128xi32, #tpu.memory_space<vmem>>) semaphore(%run_scoped3A : memref<!tpu.dma_semaphore, #tpu.memory_space<semaphore_mem>>) {add = true}
        %dma_wait3A_65 = arith.constant 0 : i32
        %dma_wait3A_66 = tpu.memref_slice %arg9[%mul3A_32, %dma_wait3A_65] : memref<40x128xi32, #tpu.memory_space<vmem>> -> memref<1x128xi32, #tpu.memory_space<vmem>>
        %dma_wait3A_67 = tpu.memref_squeeze %dma_wait3A_66 : memref<1x128xi32, #tpu.memory_space<vmem>> -> memref<128xi32, #tpu.memory_space<vmem>>
        %dma_wait3A_68 = arith.constant 0 : i32
        %dma_wait3A_69 = arith.constant 0 : i32
        %dma_wait3A_70 = tpu.memref_slice %arg7[%dma_wait3A_68, %dma_wait3A_69] : memref<10112x128xf32, #tpu.memory_space<vmem_shared>> -> memref<10112x128xf32, #tpu.memory_space<vmem_shared>>
        tpu.wait_indirect_dma semaphore(%run_scoped3A : memref<!tpu.dma_semaphore, #tpu.memory_space<semaphore_mem>>) src(%arg10 : memref<128x128xf32, #tpu.memory_space<vmem>>) dst(%dma_wait3A_70 : memref<10112x128xf32, #tpu.memory_space<vmem_shared>>)
        tpu.yield
      }) : () -> ()
      %add3A_45 = arith.constant 2 : i32
      %add3A_46 = arith.addi %mul3A_32, %add3A_45 : i32
      %lt3A = arith.constant 40 : i32
      %lt3A_47 = arith.cmpi slt, %add3A_46, %lt3A : i32
      %convert_element_type3A = arith.extui %lt3A_47 : i1 to i32
      %cond3A = arith.constant 0 : i32
      %cond3A_48 = arith.cmpi ne, %convert_element_type3A, %cond3A : i32
      scf.if %cond3A_48 {
        %add3A_59 = arith.constant 2 : i32
        %add3A_60 = arith.addi %mul3A_32, %add3A_59 : i32
        %dma_start3A_61 = arith.constant 0 : i32
        %dma_start3A_62 = tpu.memref_slice %arg8[%add3A_60, %dma_start3A_61] : memref<40x128xi32, #tpu.memory_space<vmem>> -> memref<1x128xi32, #tpu.memory_space<vmem>>
        %dma_start3A_63 = tpu.memref_squeeze %dma_start3A_62 : memref<1x128xi32, #tpu.memory_space<vmem>> -> memref<128xi32, #tpu.memory_space<vmem>>
        %dma_start3A_64 = arith.constant 0 : i32
        %dma_start3A_65 = arith.constant 0 : i32
        %dma_start3A_66 = tpu.memref_slice %arg2[%dma_start3A_64, %dma_start3A_65] : memref<20000x128xf32, #tpu.memory_space<hbm>> -> memref<20000x128xf32, #tpu.memory_space<hbm>>
        tpu.enqueue_indirect_dma source(%dma_start3A_66 : memref<20000x128xf32, #tpu.memory_space<hbm>>) target(%arg10 : memref<128x128xf32, #tpu.memory_space<vmem>>) offsets(%dma_start3A_63 : memref<128xi32, #tpu.memory_space<vmem>>) semaphore(%arg12 : memref<!tpu.dma_semaphore, #tpu.memory_space<semaphore_mem>>)
      } else {
      }
      %add3A_49 = arith.constant 1 : i32
      %add3A_50 = arith.addi %mul3A_32, %add3A_49 : i32
      %dma_wait3A_51 = arith.constant 0 : i32
      %dma_wait3A_52 = tpu.memref_slice %arg8[%add3A_50, %dma_wait3A_51] : memref<40x128xi32, #tpu.memory_space<vmem>> -> memref<1x128xi32, #tpu.memory_space<vmem>>
      %dma_wait3A_53 = tpu.memref_squeeze %dma_wait3A_52 : memref<1x128xi32, #tpu.memory_space<vmem>> -> memref<128xi32, #tpu.memory_space<vmem>>
      %dma_wait3A_54 = arith.constant 0 : i32
      %dma_wait3A_55 = arith.constant 0 : i32
      %dma_wait3A_56 = tpu.memref_slice %arg2[%dma_wait3A_54, %dma_wait3A_55] : memref<20000x128xf32, #tpu.memory_space<hbm>> -> memref<20000x128xf32, #tpu.memory_space<hbm>>
      tpu.wait_indirect_dma semaphore(%arg13 : memref<!tpu.dma_semaphore, #tpu.memory_space<semaphore_mem>>) src(%dma_wait3A_56 : memref<20000x128xf32, #tpu.memory_space<hbm>>) dst(%arg11 : memref<128x128xf32, #tpu.memory_space<vmem>>)
      %add3A_57 = arith.constant 1 : i32
      %add3A_58 = arith.addi %mul3A_32, %add3A_57 : i32
      "tpu.region"() ({
        %run_scoped3A = tpu.sem_alloc : memref<!tpu.dma_semaphore, #tpu.memory_space<semaphore_mem>>
        %dma_start3A_59 = arith.constant 0 : i32
        %dma_start3A_60 = tpu.memref_slice %arg9[%add3A_58, %dma_start3A_59] : memref<40x128xi32, #tpu.memory_space<vmem>> -> memref<1x128xi32, #tpu.memory_space<vmem>>
        %dma_start3A_61 = tpu.memref_squeeze %dma_start3A_60 : memref<1x128xi32, #tpu.memory_space<vmem>> -> memref<128xi32, #tpu.memory_space<vmem>>
        %dma_start3A_62 = arith.constant 0 : i32
        %dma_start3A_63 = arith.constant 0 : i32
        %dma_start3A_64 = tpu.memref_slice %arg7[%dma_start3A_62, %dma_start3A_63] : memref<10112x128xf32, #tpu.memory_space<vmem_shared>> -> memref<10112x128xf32, #tpu.memory_space<vmem_shared>>
        tpu.enqueue_indirect_dma source(%arg11 : memref<128x128xf32, #tpu.memory_space<vmem>>) target(%dma_start3A_64 : memref<10112x128xf32, #tpu.memory_space<vmem_shared>>) offsets(%dma_start3A_61 : memref<128xi32, #tpu.memory_space<vmem>>) semaphore(%run_scoped3A : memref<!tpu.dma_semaphore, #tpu.memory_space<semaphore_mem>>) {add = true}
        %dma_wait3A_65 = arith.constant 0 : i32
        %dma_wait3A_66 = tpu.memref_slice %arg9[%add3A_58, %dma_wait3A_65] : memref<40x128xi32, #tpu.memory_space<vmem>> -> memref<1x128xi32, #tpu.memory_space<vmem>>
        %dma_wait3A_67 = tpu.memref_squeeze %dma_wait3A_66 : memref<1x128xi32, #tpu.memory_space<vmem>> -> memref<128xi32, #tpu.memory_space<vmem>>
        %dma_wait3A_68 = arith.constant 0 : i32
        %dma_wait3A_69 = arith.constant 0 : i32
        %dma_wait3A_70 = tpu.memref_slice %arg7[%dma_wait3A_68, %dma_wait3A_69] : memref<10112x128xf32, #tpu.memory_space<vmem_shared>> -> memref<10112x128xf32, #tpu.memory_space<vmem_shared>>
        tpu.wait_indirect_dma semaphore(%run_scoped3A : memref<!tpu.dma_semaphore, #tpu.memory_space<semaphore_mem>>) src(%arg11 : memref<128x128xf32, #tpu.memory_space<vmem>>) dst(%dma_wait3A_70 : memref<10112x128xf32, #tpu.memory_space<vmem_shared>>)
        tpu.yield
      }) : () -> ()
    }
    %scan3A_11 = arith.constant 20 : i32
    "tpu.region"() ({
      %run_scoped3A = tpu.sem_alloc : memref<!tpu.dma_semaphore, #tpu.memory_space<semaphore_mem>>
      %dma_start3A_30 = arith.constant 40 : i32
      %dma_start3A_31 = arith.constant 0 : i32
      %dma_start3A_32 = tpu.memref_slice %arg3[%arg0, %arg1, %dma_start3A_30, %dma_start3A_31] : memref<2x16x80x128xi32, #tpu.memory_space<hbm>> -> memref<1x1x40x128xi32, #tpu.memory_space<hbm>>
      %dma_start3A_33 = tpu.memref_squeeze %dma_start3A_32 : memref<1x1x40x128xi32, #tpu.memory_space<hbm>> -> memref<40x128xi32, #tpu.memory_space<hbm>>
      %dma_start3A_34 = arith.constant 40 : i32
      %dma_start3A_35 = arith.constant 0 : i32
      %dma_start3A_36 = tpu.memref_slice %arg3[%arg0, %arg1, %dma_start3A_34, %dma_start3A_35] : memref<2x16x80x128xi32, #tpu.memory_space<hbm>> -> memref<1x1x40x128xi32, #tpu.memory_space<hbm>>
      %dma_start3A_37 = tpu.memref_squeeze %dma_start3A_36 : memref<1x1x40x128xi32, #tpu.memory_space<hbm>> -> memref<40x128xi32, #tpu.memory_space<hbm>>
      tpu.enqueue_dma source(%dma_start3A_37 : memref<40x128xi32, #tpu.memory_space<hbm>>) target(%arg8 : memref<40x128xi32, #tpu.memory_space<vmem>>) target_semaphore(%run_scoped3A : memref<!tpu.dma_semaphore, #tpu.memory_space<semaphore_mem>>)
      %dma_wait3A = arith.constant 40 : i32
      %dma_wait3A_38 = arith.constant 0 : i32
      %dma_wait3A_39 = tpu.memref_slice %arg3[%arg0, %arg1, %dma_wait3A, %dma_wait3A_38] : memref<2x16x80x128xi32, #tpu.memory_space<hbm>> -> memref<1x1x40x128xi32, #tpu.memory_space<hbm>>
      %dma_wait3A_40 = tpu.memref_squeeze %dma_wait3A_39 : memref<1x1x40x128xi32, #tpu.memory_space<hbm>> -> memref<40x128xi32, #tpu.memory_space<hbm>>
      %dma_wait3A_41 = arith.constant 40 : i32
      %dma_wait3A_42 = arith.constant 0 : i32
      %dma_wait3A_43 = tpu.memref_slice %arg3[%arg0, %arg1, %dma_wait3A_41, %dma_wait3A_42] : memref<2x16x80x128xi32, #tpu.memory_space<hbm>> -> memref<1x1x40x128xi32, #tpu.memory_space<hbm>>
      %dma_wait3A_44 = tpu.memref_squeeze %dma_wait3A_43 : memref<1x1x40x128xi32, #tpu.memory_space<hbm>> -> memref<40x128xi32, #tpu.memory_space<hbm>>
      tpu.wait_dma2 semaphore(%run_scoped3A : memref<!tpu.dma_semaphore, #tpu.memory_space<semaphore_mem>>) src(%dma_wait3A_44 : memref<40x128xi32, #tpu.memory_space<hbm>>) dst(%arg8 : memref<40x128xi32, #tpu.memory_space<vmem>>)
      tpu.yield
    }) : () -> ()
    "tpu.region"() ({
      %run_scoped3A = tpu.sem_alloc : memref<!tpu.dma_semaphore, #tpu.memory_space<semaphore_mem>>
      %dma_start3A_30 = arith.constant 40 : i32
      %dma_start3A_31 = arith.constant 0 : i32
      %dma_start3A_32 = tpu.memref_slice %arg4[%arg1, %dma_start3A_30, %dma_start3A_31] : memref<16x80x128xi32, #tpu.memory_space<hbm>> -> memref<1x40x128xi32, #tpu.memory_space<hbm>>
      %dma_start3A_33 = tpu.memref_squeeze %dma_start3A_32 : memref<1x40x128xi32, #tpu.memory_space<hbm>> -> memref<40x128xi32, #tpu.memory_space<hbm>>
      %dma_start3A_34 = arith.constant 40 : i32
      %dma_start3A_35 = arith.constant 0 : i32
      %dma_start3A_36 = tpu.memref_slice %arg4[%arg1, %dma_start3A_34, %dma_start3A_35] : memref<16x80x128xi32, #tpu.memory_space<hbm>> -> memref<1x40x128xi32, #tpu.memory_space<hbm>>
      %dma_start3A_37 = tpu.memref_squeeze %dma_start3A_36 : memref<1x40x128xi32, #tpu.memory_space<hbm>> -> memref<40x128xi32, #tpu.memory_space<hbm>>
      tpu.enqueue_dma source(%dma_start3A_37 : memref<40x128xi32, #tpu.memory_space<hbm>>) target(%arg9 : memref<40x128xi32, #tpu.memory_space<vmem>>) target_semaphore(%run_scoped3A : memref<!tpu.dma_semaphore, #tpu.memory_space<semaphore_mem>>)
      %dma_wait3A = arith.constant 40 : i32
      %dma_wait3A_38 = arith.constant 0 : i32
      %dma_wait3A_39 = tpu.memref_slice %arg4[%arg1, %dma_wait3A, %dma_wait3A_38] : memref<16x80x128xi32, #tpu.memory_space<hbm>> -> memref<1x40x128xi32, #tpu.memory_space<hbm>>
      %dma_wait3A_40 = tpu.memref_squeeze %dma_wait3A_39 : memref<1x40x128xi32, #tpu.memory_space<hbm>> -> memref<40x128xi32, #tpu.memory_space<hbm>>
      %dma_wait3A_41 = arith.constant 40 : i32
      %dma_wait3A_42 = arith.constant 0 : i32
      %dma_wait3A_43 = tpu.memref_slice %arg4[%arg1, %dma_wait3A_41, %dma_wait3A_42] : memref<16x80x128xi32, #tpu.memory_space<hbm>> -> memref<1x40x128xi32, #tpu.memory_space<hbm>>
      %dma_wait3A_44 = tpu.memref_squeeze %dma_wait3A_43 : memref<1x40x128xi32, #tpu.memory_space<hbm>> -> memref<40x128xi32, #tpu.memory_space<hbm>>
      tpu.wait_dma2 semaphore(%run_scoped3A : memref<!tpu.dma_semaphore, #tpu.memory_space<semaphore_mem>>) src(%dma_wait3A_44 : memref<40x128xi32, #tpu.memory_space<hbm>>) dst(%arg9 : memref<40x128xi32, #tpu.memory_space<vmem>>)
      tpu.yield
    }) : () -> ()
    %dma_start3A_12 = arith.constant 0 : i32
    %dma_start3A_13 = arith.constant 0 : i32
    %dma_start3A_14 = tpu.memref_slice %arg8[%dma_start3A_12, %dma_start3A_13] : memref<40x128xi32, #tpu.memory_space<vmem>> -> memref<1x128xi32, #tpu.memory_space<vmem>>
    %dma_start3A_15 = tpu.memref_squeeze %dma_start3A_14 : memref<1x128xi32, #tpu.memory_space<vmem>> -> memref<128xi32, #tpu.memory_space<vmem>>
    %dma_start3A_16 = arith.constant 0 : i32
    %dma_start3A_17 = arith.constant 0 : i32
    %dma_start3A_18 = tpu.memref_slice %arg2[%dma_start3A_16, %dma_start3A_17] : memref<20000x128xf32, #tpu.memory_space<hbm>> -> memref<20000x128xf32, #tpu.memory_space<hbm>>
    tpu.enqueue_indirect_dma source(%dma_start3A_18 : memref<20000x128xf32, #tpu.memory_space<hbm>>) target(%arg10 : memref<128x128xf32, #tpu.memory_space<vmem>>) offsets(%dma_start3A_15 : memref<128xi32, #tpu.memory_space<vmem>>) semaphore(%arg12 : memref<!tpu.dma_semaphore, #tpu.memory_space<semaphore_mem>>)
    %scan3A_19 = arith.constant 0 : i32
    %scan3A_20 = arith.constant 0 : i32
    %scan3A_21 = arith.constant 20 : i32
    %scan3A_22 = arith.addi %scan3A_20, %scan3A_21 : i32
    %scan3A_23 = arith.constant 1 : i32
    scf.for %scan3A_30 = %scan3A_20 to %scan3A_22 step %scan3A_23  : i32 {
      %mul3A_31 = arith.constant 2 : i32
      %mul3A_32 = arith.muli %scan3A_30, %mul3A_31 : i32
      %add3A = arith.constant 1 : i32
      %add3A_33 = arith.addi %mul3A_32, %add3A : i32
      %dma_start3A_34 = arith.constant 0 : i32
      %dma_start3A_35 = tpu.memref_slice %arg8[%add3A_33, %dma_start3A_34] : memref<40x128xi32, #tpu.memory_space<vmem>> -> memref<1x128xi32, #tpu.memory_space<vmem>>
      %dma_start3A_36 = tpu.memref_squeeze %dma_start3A_35 : memref<1x128xi32, #tpu.memory_space<vmem>> -> memref<128xi32, #tpu.memory_space<vmem>>
      %dma_start3A_37 = arith.constant 0 : i32
      %dma_start3A_38 = arith.constant 0 : i32
      %dma_start3A_39 = tpu.memref_slice %arg2[%dma_start3A_37, %dma_start3A_38] : memref<20000x128xf32, #tpu.memory_space<hbm>> -> memref<20000x128xf32, #tpu.memory_space<hbm>>
      tpu.enqueue_indirect_dma source(%dma_start3A_39 : memref<20000x128xf32, #tpu.memory_space<hbm>>) target(%arg11 : memref<128x128xf32, #tpu.memory_space<vmem>>) offsets(%dma_start3A_36 : memref<128xi32, #tpu.memory_space<vmem>>) semaphore(%arg13 : memref<!tpu.dma_semaphore, #tpu.memory_space<semaphore_mem>>)
      %dma_wait3A = arith.constant 0 : i32
      %dma_wait3A_40 = tpu.memref_slice %arg8[%mul3A_32, %dma_wait3A] : memref<40x128xi32, #tpu.memory_space<vmem>> -> memref<1x128xi32, #tpu.memory_space<vmem>>
      %dma_wait3A_41 = tpu.memref_squeeze %dma_wait3A_40 : memref<1x128xi32, #tpu.memory_space<vmem>> -> memref<128xi32, #tpu.memory_space<vmem>>
      %dma_wait3A_42 = arith.constant 0 : i32
      %dma_wait3A_43 = arith.constant 0 : i32
      %dma_wait3A_44 = tpu.memref_slice %arg2[%dma_wait3A_42, %dma_wait3A_43] : memref<20000x128xf32, #tpu.memory_space<hbm>> -> memref<20000x128xf32, #tpu.memory_space<hbm>>
      tpu.wait_indirect_dma semaphore(%arg12 : memref<!tpu.dma_semaphore, #tpu.memory_space<semaphore_mem>>) src(%dma_wait3A_44 : memref<20000x128xf32, #tpu.memory_space<hbm>>) dst(%arg10 : memref<128x128xf32, #tpu.memory_space<vmem>>)
      "tpu.region"() ({
        %run_scoped3A = tpu.sem_alloc : memref<!tpu.dma_semaphore, #tpu.memory_space<semaphore_mem>>
        %dma_start3A_59 = arith.constant 0 : i32
        %dma_start3A_60 = tpu.memref_slice %arg9[%mul3A_32, %dma_start3A_59] : memref<40x128xi32, #tpu.memory_space<vmem>> -> memref<1x128xi32, #tpu.memory_space<vmem>>
        %dma_start3A_61 = tpu.memref_squeeze %dma_start3A_60 : memref<1x128xi32, #tpu.memory_space<vmem>> -> memref<128xi32, #tpu.memory_space<vmem>>
        %dma_start3A_62 = arith.constant 0 : i32
        %dma_start3A_63 = arith.constant 0 : i32
        %dma_start3A_64 = tpu.memref_slice %arg7[%dma_start3A_62, %dma_start3A_63] : memref<10112x128xf32, #tpu.memory_space<vmem_shared>> -> memref<10112x128xf32, #tpu.memory_space<vmem_shared>>
        tpu.enqueue_indirect_dma source(%arg10 : memref<128x128xf32, #tpu.memory_space<vmem>>) target(%dma_start3A_64 : memref<10112x128xf32, #tpu.memory_space<vmem_shared>>) offsets(%dma_start3A_61 : memref<128xi32, #tpu.memory_space<vmem>>) semaphore(%run_scoped3A : memref<!tpu.dma_semaphore, #tpu.memory_space<semaphore_mem>>) {add = true}
        %dma_wait3A_65 = arith.constant 0 : i32
        %dma_wait3A_66 = tpu.memref_slice %arg9[%mul3A_32, %dma_wait3A_65] : memref<40x128xi32, #tpu.memory_space<vmem>> -> memref<1x128xi32, #tpu.memory_space<vmem>>
        %dma_wait3A_67 = tpu.memref_squeeze %dma_wait3A_66 : memref<1x128xi32, #tpu.memory_space<vmem>> -> memref<128xi32, #tpu.memory_space<vmem>>
        %dma_wait3A_68 = arith.constant 0 : i32
        %dma_wait3A_69 = arith.constant 0 : i32
        %dma_wait3A_70 = tpu.memref_slice %arg7[%dma_wait3A_68, %dma_wait3A_69] : memref<10112x128xf32, #tpu.memory_space<vmem_shared>> -> memref<10112x128xf32, #tpu.memory_space<vmem_shared>>
        tpu.wait_indirect_dma semaphore(%run_scoped3A : memref<!tpu.dma_semaphore, #tpu.memory_space<semaphore_mem>>) src(%arg10 : memref<128x128xf32, #tpu.memory_space<vmem>>) dst(%dma_wait3A_70 : memref<10112x128xf32, #tpu.memory_space<vmem_shared>>)
        tpu.yield
      }) : () -> ()
      %add3A_45 = arith.constant 2 : i32
      %add3A_46 = arith.addi %mul3A_32, %add3A_45 : i32
      %lt3A = arith.constant 40 : i32
      %lt3A_47 = arith.cmpi slt, %add3A_46, %lt3A : i32
      %convert_element_type3A = arith.extui %lt3A_47 : i1 to i32
      %cond3A = arith.constant 0 : i32
      %cond3A_48 = arith.cmpi ne, %convert_element_type3A, %cond3A : i32
      scf.if %cond3A_48 {
        %add3A_59 = arith.constant 2 : i32
        %add3A_60 = arith.addi %mul3A_32, %add3A_59 : i32
        %dma_start3A_61 = arith.constant 0 : i32
        %dma_start3A_62 = tpu.memref_slice %arg8[%add3A_60, %dma_start3A_61] : memref<40x128xi32, #tpu.memory_space<vmem>> -> memref<1x128xi32, #tpu.memory_space<vmem>>
        %dma_start3A_63 = tpu.memref_squeeze %dma_start3A_62 : memref<1x128xi32, #tpu.memory_space<vmem>> -> memref<128xi32, #tpu.memory_space<vmem>>
        %dma_start3A_64 = arith.constant 0 : i32
        %dma_start3A_65 = arith.constant 0 : i32
        %dma_start3A_66 = tpu.memref_slice %arg2[%dma_start3A_64, %dma_start3A_65] : memref<20000x128xf32, #tpu.memory_space<hbm>> -> memref<20000x128xf32, #tpu.memory_space<hbm>>
        tpu.enqueue_indirect_dma source(%dma_start3A_66 : memref<20000x128xf32, #tpu.memory_space<hbm>>) target(%arg10 : memref<128x128xf32, #tpu.memory_space<vmem>>) offsets(%dma_start3A_63 : memref<128xi32, #tpu.memory_space<vmem>>) semaphore(%arg12 : memref<!tpu.dma_semaphore, #tpu.memory_space<semaphore_mem>>)
      } else {
      }
      %add3A_49 = arith.constant 1 : i32
      %add3A_50 = arith.addi %mul3A_32, %add3A_49 : i32
      %dma_wait3A_51 = arith.constant 0 : i32
      %dma_wait3A_52 = tpu.memref_slice %arg8[%add3A_50, %dma_wait3A_51] : memref<40x128xi32, #tpu.memory_space<vmem>> -> memref<1x128xi32, #tpu.memory_space<vmem>>
      %dma_wait3A_53 = tpu.memref_squeeze %dma_wait3A_52 : memref<1x128xi32, #tpu.memory_space<vmem>> -> memref<128xi32, #tpu.memory_space<vmem>>
      %dma_wait3A_54 = arith.constant 0 : i32
      %dma_wait3A_55 = arith.constant 0 : i32
      %dma_wait3A_56 = tpu.memref_slice %arg2[%dma_wait3A_54, %dma_wait3A_55] : memref<20000x128xf32, #tpu.memory_space<hbm>> -> memref<20000x128xf32, #tpu.memory_space<hbm>>
      tpu.wait_indirect_dma semaphore(%arg13 : memref<!tpu.dma_semaphore, #tpu.memory_space<semaphore_mem>>) src(%dma_wait3A_56 : memref<20000x128xf32, #tpu.memory_space<hbm>>) dst(%arg11 : memref<128x128xf32, #tpu.memory_space<vmem>>)
      %add3A_57 = arith.constant 1 : i32
      %add3A_58 = arith.addi %mul3A_32, %add3A_57 : i32
      "tpu.region"() ({
        %run_scoped3A = tpu.sem_alloc : memref<!tpu.dma_semaphore, #tpu.memory_space<semaphore_mem>>
        %dma_start3A_59 = arith.constant 0 : i32
        %dma_start3A_60 = tpu.memref_slice %arg9[%add3A_58, %dma_start3A_59] : memref<40x128xi32, #tpu.memory_space<vmem>> -> memref<1x128xi32, #tpu.memory_space<vmem>>
        %dma_start3A_61 = tpu.memref_squeeze %dma_start3A_60 : memref<1x128xi32, #tpu.memory_space<vmem>> -> memref<128xi32, #tpu.memory_space<vmem>>
        %dma_start3A_62 = arith.constant 0 : i32
        %dma_start3A_63 = arith.constant 0 : i32
        %dma_start3A_64 = tpu.memref_slice %arg7[%dma_start3A_62, %dma_start3A_63] : memref<10112x128xf32, #tpu.memory_space<vmem_shared>> -> memref<10112x128xf32, #tpu.memory_space<vmem_shared>>
        tpu.enqueue_indirect_dma source(%arg11 : memref<128x128xf32, #tpu.memory_space<vmem>>) target(%dma_start3A_64 : memref<10112x128xf32, #tpu.memory_space<vmem_shared>>) offsets(%dma_start3A_61 : memref<128xi32, #tpu.memory_space<vmem>>) semaphore(%run_scoped3A : memref<!tpu.dma_semaphore, #tpu.memory_space<semaphore_mem>>) {add = true}
        %dma_wait3A_65 = arith.constant 0 : i32
        %dma_wait3A_66 = tpu.memref_slice %arg9[%add3A_58, %dma_wait3A_65] : memref<40x128xi32, #tpu.memory_space<vmem>> -> memref<1x128xi32, #tpu.memory_space<vmem>>
        %dma_wait3A_67 = tpu.memref_squeeze %dma_wait3A_66 : memref<1x128xi32, #tpu.memory_space<vmem>> -> memref<128xi32, #tpu.memory_space<vmem>>
        %dma_wait3A_68 = arith.constant 0 : i32
        %dma_wait3A_69 = arith.constant 0 : i32
        %dma_wait3A_70 = tpu.memref_slice %arg7[%dma_wait3A_68, %dma_wait3A_69] : memref<10112x128xf32, #tpu.memory_space<vmem_shared>> -> memref<10112x128xf32, #tpu.memory_space<vmem_shared>>
        tpu.wait_indirect_dma semaphore(%run_scoped3A : memref<!tpu.dma_semaphore, #tpu.memory_space<semaphore_mem>>) src(%arg11 : memref<128x128xf32, #tpu.memory_space<vmem>>) dst(%dma_wait3A_70 : memref<10112x128xf32, #tpu.memory_space<vmem_shared>>)
        tpu.yield
      }) : () -> ()
    }
    %scan3A_24 = arith.constant 20 : i32
    %barrier3A_25 = arith.constant 0 : index
    tpu.barrier barrier_id(%barrier3A_25)
    %mul3A_26 = arith.constant 632 : i32
    %mul3A_27 = arith.muli %arg1, %mul3A_26 : i32
    %mul3A_28 = arith.constant 632 : i32
    %mul3A_29 = arith.muli %arg1, %mul3A_28 : i32
    "tpu.region"() ({
      %run_scoped3A = tpu.sem_alloc : memref<!tpu.dma_semaphore, #tpu.memory_space<semaphore_mem>>
      %dma_start3A_30 = arith.constant 0 : i32
      %dma_start3A_31 = tpu.memref_slice %arg6[%arg0, %mul3A_29, %dma_start3A_30] : memref<2x10112x128xf32, #tpu.memory_space<hbm>> -> memref<1x632x128xf32, #tpu.memory_space<hbm>>
      %dma_start3A_32 = tpu.memref_squeeze %dma_start3A_31 : memref<1x632x128xf32, #tpu.memory_space<hbm>> -> memref<632x128xf32, #tpu.memory_space<hbm>>
      %dma_start3A_33 = arith.constant 0 : i32
      %dma_start3A_34 = tpu.memref_slice %arg7[%mul3A_27, %dma_start3A_33] : memref<10112x128xf32, #tpu.memory_space<vmem_shared>> -> memref<632x128xf32, #tpu.memory_space<vmem_shared>>
      tpu.enqueue_dma source(%dma_start3A_34 : memref<632x128xf32, #tpu.memory_space<vmem_shared>>) target(%dma_start3A_32 : memref<632x128xf32, #tpu.memory_space<hbm>>) target_semaphore(%run_scoped3A : memref<!tpu.dma_semaphore, #tpu.memory_space<semaphore_mem>>)
      %dma_wait3A = arith.constant 0 : i32
      %dma_wait3A_35 = tpu.memref_slice %arg6[%arg0, %mul3A_29, %dma_wait3A] : memref<2x10112x128xf32, #tpu.memory_space<hbm>> -> memref<1x632x128xf32, #tpu.memory_space<hbm>>
      %dma_wait3A_36 = tpu.memref_squeeze %dma_wait3A_35 : memref<1x632x128xf32, #tpu.memory_space<hbm>> -> memref<632x128xf32, #tpu.memory_space<hbm>>
      %dma_wait3A_37 = arith.constant 0 : i32
      %dma_wait3A_38 = tpu.memref_slice %arg7[%mul3A_27, %dma_wait3A_37] : memref<10112x128xf32, #tpu.memory_space<vmem_shared>> -> memref<632x128xf32, #tpu.memory_space<vmem_shared>>
      tpu.wait_dma2 semaphore(%run_scoped3A : memref<!tpu.dma_semaphore, #tpu.memory_space<semaphore_mem>>) src(%dma_wait3A_38 : memref<632x128xf32, #tpu.memory_space<vmem_shared>>) dst(%dma_wait3A_36 : memref<632x128xf32, #tpu.memory_space<hbm>>)
      tpu.yield
    }) : () -> ()
    return
  }
}

#map = affine_map<(d0, d1) -> (0, 0)>
#map1 = affine_map<(d0, d1) -> (0, 0, 0, 0)>
#map2 = affine_map<(d0, d1) -> (0, 0, 0)>
module attributes {stable_mosaic.version = 14 : i64} {
  func.func @_sc_round_body(%arg0: i32, %arg1: i32, %arg2: memref<20000x128xf32, #tpu.memory_space<hbm>>, %arg3: memref<2x16x80x128xi32, #tpu.memory_space<hbm>>, %arg4: memref<16x80x128xi32, #tpu.memory_space<hbm>>, %arg5: memref<632x128xf32, #tpu.memory_space<hbm>>, %arg6: memref<2x10112x128xf32, #tpu.memory_space<hbm>>, %arg7: memref<10112x128xf32, #tpu.memory_space<vmem_shared>>, %arg8: memref<40x128xi32, #tpu.memory_space<vmem>>, %arg9: memref<40x128xi32, #tpu.memory_space<vmem>>, %arg10: memref<128x128xf32, #tpu.memory_space<vmem>>, %arg11: memref<128x128xf32, #tpu.memory_space<vmem>>, %arg12: memref<!tpu.dma_semaphore, #tpu.memory_space<semaphore_mem>>, %arg13: memref<!tpu.dma_semaphore, #tpu.memory_space<semaphore_mem>>) attributes {dimension_semantics = [#tpu.dimension_semantics<core_parallel>, #tpu.dimension_semantics<subcore_parallel>], iteration_bounds = array<i64: 2, 16>, scalar_prefetch = 0 : i64, scratch_operands = 7 : i64, tpu.core_type = #tpu.core_type<sc_vector_subcore>, window_params = [{transform_indices = #map}, {transform_indices = #map1}, {transform_indices = #map2}, {transform_indices = #map}, {transform_indices = #map2}]} {
    %mul3A = arith.constant 632 : i32
    %mul3A_0 = arith.muli %arg1, %mul3A : i32
    "tpu.region"() ({
      %run_scoped3A = tpu.sem_alloc : memref<!tpu.dma_semaphore, #tpu.memory_space<semaphore_mem>>
      %dma_start3A_30 = arith.constant 0 : i32
      %dma_start3A_31 = tpu.memref_slice %arg7[%mul3A_0, %dma_start3A_30] : memref<10112x128xf32, #tpu.memory_space<vmem_shared>> -> memref<632x128xf32, #tpu.memory_space<vmem_shared>>
      tpu.enqueue_dma source(%arg5 : memref<632x128xf32, #tpu.memory_space<hbm>>) target(%dma_start3A_31 : memref<632x128xf32, #tpu.memory_space<vmem_shared>>) target_semaphore(%run_scoped3A : memref<!tpu.dma_semaphore, #tpu.memory_space<semaphore_mem>>)
      %dma_wait3A = arith.constant 0 : i32
      %dma_wait3A_32 = tpu.memref_slice %arg7[%mul3A_0, %dma_wait3A] : memref<10112x128xf32, #tpu.memory_space<vmem_shared>> -> memref<632x128xf32, #tpu.memory_space<vmem_shared>>
      tpu.wait_dma2 semaphore(%run_scoped3A : memref<!tpu.dma_semaphore, #tpu.memory_space<semaphore_mem>>) src(%arg5 : memref<632x128xf32, #tpu.memory_space<hbm>>) dst(%dma_wait3A_32 : memref<632x128xf32, #tpu.memory_space<vmem_shared>>)
      tpu.yield
    }) : () -> ()
    %barrier3A = arith.constant 0 : index
    tpu.barrier barrier_id(%barrier3A)
    "tpu.region"() ({
      %run_scoped3A = tpu.sem_alloc : memref<!tpu.dma_semaphore, #tpu.memory_space<semaphore_mem>>
      %dma_start3A_30 = arith.constant 0 : i32
      %dma_start3A_31 = arith.constant 0 : i32
      %dma_start3A_32 = tpu.memref_slice %arg3[%arg0, %arg1, %dma_start3A_30, %dma_start3A_31] : memref<2x16x80x128xi32, #tpu.memory_space<hbm>> -> memref<1x1x40x128xi32, #tpu.memory_space<hbm>>
      %dma_start3A_33 = tpu.memref_squeeze %dma_start3A_32 : memref<1x1x40x128xi32, #tpu.memory_space<hbm>> -> memref<40x128xi32, #tpu.memory_space<hbm>>
      %dma_start3A_34 = arith.constant 0 : i32
      %dma_start3A_35 = arith.constant 0 : i32
      %dma_start3A_36 = tpu.memref_slice %arg3[%arg0, %arg1, %dma_start3A_34, %dma_start3A_35] : memref<2x16x80x128xi32, #tpu.memory_space<hbm>> -> memref<1x1x40x128xi32, #tpu.memory_space<hbm>>
      %dma_start3A_37 = tpu.memref_squeeze %dma_start3A_36 : memref<1x1x40x128xi32, #tpu.memory_space<hbm>> -> memref<40x128xi32, #tpu.memory_space<hbm>>
      tpu.enqueue_dma source(%dma_start3A_37 : memref<40x128xi32, #tpu.memory_space<hbm>>) target(%arg8 : memref<40x128xi32, #tpu.memory_space<vmem>>) target_semaphore(%run_scoped3A : memref<!tpu.dma_semaphore, #tpu.memory_space<semaphore_mem>>)
      %dma_wait3A = arith.constant 0 : i32
      %dma_wait3A_38 = arith.constant 0 : i32
      %dma_wait3A_39 = tpu.memref_slice %arg3[%arg0, %arg1, %dma_wait3A, %dma_wait3A_38] : memref<2x16x80x128xi32, #tpu.memory_space<hbm>> -> memref<1x1x40x128xi32, #tpu.memory_space<hbm>>
      %dma_wait3A_40 = tpu.memref_squeeze %dma_wait3A_39 : memref<1x1x40x128xi32, #tpu.memory_space<hbm>> -> memref<40x128xi32, #tpu.memory_space<hbm>>
      %dma_wait3A_41 = arith.constant 0 : i32
      %dma_wait3A_42 = arith.constant 0 : i32
      %dma_wait3A_43 = tpu.memref_slice %arg3[%arg0, %arg1, %dma_wait3A_41, %dma_wait3A_42] : memref<2x16x80x128xi32, #tpu.memory_space<hbm>> -> memref<1x1x40x128xi32, #tpu.memory_space<hbm>>
      %dma_wait3A_44 = tpu.memref_squeeze %dma_wait3A_43 : memref<1x1x40x128xi32, #tpu.memory_space<hbm>> -> memref<40x128xi32, #tpu.memory_space<hbm>>
      tpu.wait_dma2 semaphore(%run_scoped3A : memref<!tpu.dma_semaphore, #tpu.memory_space<semaphore_mem>>) src(%dma_wait3A_44 : memref<40x128xi32, #tpu.memory_space<hbm>>) dst(%arg8 : memref<40x128xi32, #tpu.memory_space<vmem>>)
      tpu.yield
    }) : () -> ()
    "tpu.region"() ({
      %run_scoped3A = tpu.sem_alloc : memref<!tpu.dma_semaphore, #tpu.memory_space<semaphore_mem>>
      %dma_start3A_30 = arith.constant 0 : i32
      %dma_start3A_31 = arith.constant 0 : i32
      %dma_start3A_32 = tpu.memref_slice %arg4[%arg1, %dma_start3A_30, %dma_start3A_31] : memref<16x80x128xi32, #tpu.memory_space<hbm>> -> memref<1x40x128xi32, #tpu.memory_space<hbm>>
      %dma_start3A_33 = tpu.memref_squeeze %dma_start3A_32 : memref<1x40x128xi32, #tpu.memory_space<hbm>> -> memref<40x128xi32, #tpu.memory_space<hbm>>
      %dma_start3A_34 = arith.constant 0 : i32
      %dma_start3A_35 = arith.constant 0 : i32
      %dma_start3A_36 = tpu.memref_slice %arg4[%arg1, %dma_start3A_34, %dma_start3A_35] : memref<16x80x128xi32, #tpu.memory_space<hbm>> -> memref<1x40x128xi32, #tpu.memory_space<hbm>>
      %dma_start3A_37 = tpu.memref_squeeze %dma_start3A_36 : memref<1x40x128xi32, #tpu.memory_space<hbm>> -> memref<40x128xi32, #tpu.memory_space<hbm>>
      tpu.enqueue_dma source(%dma_start3A_37 : memref<40x128xi32, #tpu.memory_space<hbm>>) target(%arg9 : memref<40x128xi32, #tpu.memory_space<vmem>>) target_semaphore(%run_scoped3A : memref<!tpu.dma_semaphore, #tpu.memory_space<semaphore_mem>>)
      %dma_wait3A = arith.constant 0 : i32
      %dma_wait3A_38 = arith.constant 0 : i32
      %dma_wait3A_39 = tpu.memref_slice %arg4[%arg1, %dma_wait3A, %dma_wait3A_38] : memref<16x80x128xi32, #tpu.memory_space<hbm>> -> memref<1x40x128xi32, #tpu.memory_space<hbm>>
      %dma_wait3A_40 = tpu.memref_squeeze %dma_wait3A_39 : memref<1x40x128xi32, #tpu.memory_space<hbm>> -> memref<40x128xi32, #tpu.memory_space<hbm>>
      %dma_wait3A_41 = arith.constant 0 : i32
      %dma_wait3A_42 = arith.constant 0 : i32
      %dma_wait3A_43 = tpu.memref_slice %arg4[%arg1, %dma_wait3A_41, %dma_wait3A_42] : memref<16x80x128xi32, #tpu.memory_space<hbm>> -> memref<1x40x128xi32, #tpu.memory_space<hbm>>
      %dma_wait3A_44 = tpu.memref_squeeze %dma_wait3A_43 : memref<1x40x128xi32, #tpu.memory_space<hbm>> -> memref<40x128xi32, #tpu.memory_space<hbm>>
      tpu.wait_dma2 semaphore(%run_scoped3A : memref<!tpu.dma_semaphore, #tpu.memory_space<semaphore_mem>>) src(%dma_wait3A_44 : memref<40x128xi32, #tpu.memory_space<hbm>>) dst(%arg9 : memref<40x128xi32, #tpu.memory_space<vmem>>)
      tpu.yield
    }) : () -> ()
    %dma_start3A = arith.constant 0 : i32
    %dma_start3A_1 = arith.constant 0 : i32
    %dma_start3A_2 = tpu.memref_slice %arg8[%dma_start3A, %dma_start3A_1] : memref<40x128xi32, #tpu.memory_space<vmem>> -> memref<1x128xi32, #tpu.memory_space<vmem>>
    %dma_start3A_3 = tpu.memref_squeeze %dma_start3A_2 : memref<1x128xi32, #tpu.memory_space<vmem>> -> memref<128xi32, #tpu.memory_space<vmem>>
    %dma_start3A_4 = arith.constant 0 : i32
    %dma_start3A_5 = arith.constant 0 : i32
    %dma_start3A_6 = tpu.memref_slice %arg2[%dma_start3A_4, %dma_start3A_5] : memref<20000x128xf32, #tpu.memory_space<hbm>> -> memref<20000x128xf32, #tpu.memory_space<hbm>>
    tpu.enqueue_indirect_dma source(%dma_start3A_6 : memref<20000x128xf32, #tpu.memory_space<hbm>>) target(%arg10 : memref<128x128xf32, #tpu.memory_space<vmem>>) offsets(%dma_start3A_3 : memref<128xi32, #tpu.memory_space<vmem>>) semaphore(%arg12 : memref<!tpu.dma_semaphore, #tpu.memory_space<semaphore_mem>>)
    %scan3A = arith.constant 0 : i32
    %scan3A_7 = arith.constant 0 : i32
    %scan3A_8 = arith.constant 20 : i32
    %scan3A_9 = arith.addi %scan3A_7, %scan3A_8 : i32
    %scan3A_10 = arith.constant 1 : i32
    scf.for %scan3A_30 = %scan3A_7 to %scan3A_9 step %scan3A_10  : i32 {
      %mul3A_31 = arith.constant 2 : i32
      %mul3A_32 = arith.muli %scan3A_30, %mul3A_31 : i32
      %add3A = arith.constant 1 : i32
      %add3A_33 = arith.addi %mul3A_32, %add3A : i32
      %dma_start3A_34 = arith.constant 0 : i32
      %dma_start3A_35 = tpu.memref_slice %arg8[%add3A_33, %dma_start3A_34] : memref<40x128xi32, #tpu.memory_space<vmem>> -> memref<1x128xi32, #tpu.memory_space<vmem>>
      %dma_start3A_36 = tpu.memref_squeeze %dma_start3A_35 : memref<1x128xi32, #tpu.memory_space<vmem>> -> memref<128xi32, #tpu.memory_space<vmem>>
      %dma_start3A_37 = arith.constant 0 : i32
      %dma_start3A_38 = arith.constant 0 : i32
      %dma_start3A_39 = tpu.memref_slice %arg2[%dma_start3A_37, %dma_start3A_38] : memref<20000x128xf32, #tpu.memory_space<hbm>> -> memref<20000x128xf32, #tpu.memory_space<hbm>>
      tpu.enqueue_indirect_dma source(%dma_start3A_39 : memref<20000x128xf32, #tpu.memory_space<hbm>>) target(%arg11 : memref<128x128xf32, #tpu.memory_space<vmem>>) offsets(%dma_start3A_36 : memref<128xi32, #tpu.memory_space<vmem>>) semaphore(%arg13 : memref<!tpu.dma_semaphore, #tpu.memory_space<semaphore_mem>>)
      %dma_wait3A = arith.constant 0 : i32
      %dma_wait3A_40 = tpu.memref_slice %arg8[%mul3A_32, %dma_wait3A] : memref<40x128xi32, #tpu.memory_space<vmem>> -> memref<1x128xi32, #tpu.memory_space<vmem>>
      %dma_wait3A_41 = tpu.memref_squeeze %dma_wait3A_40 : memref<1x128xi32, #tpu.memory_space<vmem>> -> memref<128xi32, #tpu.memory_space<vmem>>
      %dma_wait3A_42 = arith.constant 0 : i32
      %dma_wait3A_43 = arith.constant 0 : i32
      %dma_wait3A_44 = tpu.memref_slice %arg2[%dma_wait3A_42, %dma_wait3A_43] : memref<20000x128xf32, #tpu.memory_space<hbm>> -> memref<20000x128xf32, #tpu.memory_space<hbm>>
      tpu.wait_indirect_dma semaphore(%arg12 : memref<!tpu.dma_semaphore, #tpu.memory_space<semaphore_mem>>) src(%dma_wait3A_44 : memref<20000x128xf32, #tpu.memory_space<hbm>>) dst(%arg10 : memref<128x128xf32, #tpu.memory_space<vmem>>)
      "tpu.region"() ({
        %run_scoped3A = tpu.sem_alloc : memref<!tpu.dma_semaphore, #tpu.memory_space<semaphore_mem>>
        %dma_start3A_59 = arith.constant 0 : i32
        %dma_start3A_60 = tpu.memref_slice %arg9[%mul3A_32, %dma_start3A_59] : memref<40x128xi32, #tpu.memory_space<vmem>> -> memref<1x128xi32, #tpu.memory_space<vmem>>
        %dma_start3A_61 = tpu.memref_squeeze %dma_start3A_60 : memref<1x128xi32, #tpu.memory_space<vmem>> -> memref<128xi32, #tpu.memory_space<vmem>>
        %dma_start3A_62 = arith.constant 0 : i32
        %dma_start3A_63 = arith.constant 0 : i32
        %dma_start3A_64 = tpu.memref_slice %arg7[%dma_start3A_62, %dma_start3A_63] : memref<10112x128xf32, #tpu.memory_space<vmem_shared>> -> memref<10112x128xf32, #tpu.memory_space<vmem_shared>>
        tpu.enqueue_indirect_dma source(%arg10 : memref<128x128xf32, #tpu.memory_space<vmem>>) target(%dma_start3A_64 : memref<10112x128xf32, #tpu.memory_space<vmem_shared>>) offsets(%dma_start3A_61 : memref<128xi32, #tpu.memory_space<vmem>>) semaphore(%run_scoped3A : memref<!tpu.dma_semaphore, #tpu.memory_space<semaphore_mem>>) {add = true}
        %dma_wait3A_65 = arith.constant 0 : i32
        %dma_wait3A_66 = tpu.memref_slice %arg9[%mul3A_32, %dma_wait3A_65] : memref<40x128xi32, #tpu.memory_space<vmem>> -> memref<1x128xi32, #tpu.memory_space<vmem>>
        %dma_wait3A_67 = tpu.memref_squeeze %dma_wait3A_66 : memref<1x128xi32, #tpu.memory_space<vmem>> -> memref<128xi32, #tpu.memory_space<vmem>>
        %dma_wait3A_68 = arith.constant 0 : i32
        %dma_wait3A_69 = arith.constant 0 : i32
        %dma_wait3A_70 = tpu.memref_slice %arg7[%dma_wait3A_68, %dma_wait3A_69] : memref<10112x128xf32, #tpu.memory_space<vmem_shared>> -> memref<10112x128xf32, #tpu.memory_space<vmem_shared>>
        tpu.wait_indirect_dma semaphore(%run_scoped3A : memref<!tpu.dma_semaphore, #tpu.memory_space<semaphore_mem>>) src(%arg10 : memref<128x128xf32, #tpu.memory_space<vmem>>) dst(%dma_wait3A_70 : memref<10112x128xf32, #tpu.memory_space<vmem_shared>>)
        tpu.yield
      }) : () -> ()
      %add3A_45 = arith.constant 2 : i32
      %add3A_46 = arith.addi %mul3A_32, %add3A_45 : i32
      %lt3A = arith.constant 40 : i32
      %lt3A_47 = arith.cmpi slt, %add3A_46, %lt3A : i32
      %convert_element_type3A = arith.extui %lt3A_47 : i1 to i32
      %cond3A = arith.constant 0 : i32
      %cond3A_48 = arith.cmpi ne, %convert_element_type3A, %cond3A : i32
      scf.if %cond3A_48 {
        %add3A_59 = arith.constant 2 : i32
        %add3A_60 = arith.addi %mul3A_32, %add3A_59 : i32
        %dma_start3A_61 = arith.constant 0 : i32
        %dma_start3A_62 = tpu.memref_slice %arg8[%add3A_60, %dma_start3A_61] : memref<40x128xi32, #tpu.memory_space<vmem>> -> memref<1x128xi32, #tpu.memory_space<vmem>>
        %dma_start3A_63 = tpu.memref_squeeze %dma_start3A_62 : memref<1x128xi32, #tpu.memory_space<vmem>> -> memref<128xi32, #tpu.memory_space<vmem>>
        %dma_start3A_64 = arith.constant 0 : i32
        %dma_start3A_65 = arith.constant 0 : i32
        %dma_start3A_66 = tpu.memref_slice %arg2[%dma_start3A_64, %dma_start3A_65] : memref<20000x128xf32, #tpu.memory_space<hbm>> -> memref<20000x128xf32, #tpu.memory_space<hbm>>
        tpu.enqueue_indirect_dma source(%dma_start3A_66 : memref<20000x128xf32, #tpu.memory_space<hbm>>) target(%arg10 : memref<128x128xf32, #tpu.memory_space<vmem>>) offsets(%dma_start3A_63 : memref<128xi32, #tpu.memory_space<vmem>>) semaphore(%arg12 : memref<!tpu.dma_semaphore, #tpu.memory_space<semaphore_mem>>)
      } else {
      }
      %add3A_49 = arith.constant 1 : i32
      %add3A_50 = arith.addi %mul3A_32, %add3A_49 : i32
      %dma_wait3A_51 = arith.constant 0 : i32
      %dma_wait3A_52 = tpu.memref_slice %arg8[%add3A_50, %dma_wait3A_51] : memref<40x128xi32, #tpu.memory_space<vmem>> -> memref<1x128xi32, #tpu.memory_space<vmem>>
      %dma_wait3A_53 = tpu.memref_squeeze %dma_wait3A_52 : memref<1x128xi32, #tpu.memory_space<vmem>> -> memref<128xi32, #tpu.memory_space<vmem>>
      %dma_wait3A_54 = arith.constant 0 : i32
      %dma_wait3A_55 = arith.constant 0 : i32
      %dma_wait3A_56 = tpu.memref_slice %arg2[%dma_wait3A_54, %dma_wait3A_55] : memref<20000x128xf32, #tpu.memory_space<hbm>> -> memref<20000x128xf32, #tpu.memory_space<hbm>>
      tpu.wait_indirect_dma semaphore(%arg13 : memref<!tpu.dma_semaphore, #tpu.memory_space<semaphore_mem>>) src(%dma_wait3A_56 : memref<20000x128xf32, #tpu.memory_space<hbm>>) dst(%arg11 : memref<128x128xf32, #tpu.memory_space<vmem>>)
      %add3A_57 = arith.constant 1 : i32
      %add3A_58 = arith.addi %mul3A_32, %add3A_57 : i32
      "tpu.region"() ({
        %run_scoped3A = tpu.sem_alloc : memref<!tpu.dma_semaphore, #tpu.memory_space<semaphore_mem>>
        %dma_start3A_59 = arith.constant 0 : i32
        %dma_start3A_60 = tpu.memref_slice %arg9[%add3A_58, %dma_start3A_59] : memref<40x128xi32, #tpu.memory_space<vmem>> -> memref<1x128xi32, #tpu.memory_space<vmem>>
        %dma_start3A_61 = tpu.memref_squeeze %dma_start3A_60 : memref<1x128xi32, #tpu.memory_space<vmem>> -> memref<128xi32, #tpu.memory_space<vmem>>
        %dma_start3A_62 = arith.constant 0 : i32
        %dma_start3A_63 = arith.constant 0 : i32
        %dma_start3A_64 = tpu.memref_slice %arg7[%dma_start3A_62, %dma_start3A_63] : memref<10112x128xf32, #tpu.memory_space<vmem_shared>> -> memref<10112x128xf32, #tpu.memory_space<vmem_shared>>
        tpu.enqueue_indirect_dma source(%arg11 : memref<128x128xf32, #tpu.memory_space<vmem>>) target(%dma_start3A_64 : memref<10112x128xf32, #tpu.memory_space<vmem_shared>>) offsets(%dma_start3A_61 : memref<128xi32, #tpu.memory_space<vmem>>) semaphore(%run_scoped3A : memref<!tpu.dma_semaphore, #tpu.memory_space<semaphore_mem>>) {add = true}
        %dma_wait3A_65 = arith.constant 0 : i32
        %dma_wait3A_66 = tpu.memref_slice %arg9[%add3A_58, %dma_wait3A_65] : memref<40x128xi32, #tpu.memory_space<vmem>> -> memref<1x128xi32, #tpu.memory_space<vmem>>
        %dma_wait3A_67 = tpu.memref_squeeze %dma_wait3A_66 : memref<1x128xi32, #tpu.memory_space<vmem>> -> memref<128xi32, #tpu.memory_space<vmem>>
        %dma_wait3A_68 = arith.constant 0 : i32
        %dma_wait3A_69 = arith.constant 0 : i32
        %dma_wait3A_70 = tpu.memref_slice %arg7[%dma_wait3A_68, %dma_wait3A_69] : memref<10112x128xf32, #tpu.memory_space<vmem_shared>> -> memref<10112x128xf32, #tpu.memory_space<vmem_shared>>
        tpu.wait_indirect_dma semaphore(%run_scoped3A : memref<!tpu.dma_semaphore, #tpu.memory_space<semaphore_mem>>) src(%arg11 : memref<128x128xf32, #tpu.memory_space<vmem>>) dst(%dma_wait3A_70 : memref<10112x128xf32, #tpu.memory_space<vmem_shared>>)
        tpu.yield
      }) : () -> ()
    }
    %scan3A_11 = arith.constant 20 : i32
    "tpu.region"() ({
      %run_scoped3A = tpu.sem_alloc : memref<!tpu.dma_semaphore, #tpu.memory_space<semaphore_mem>>
      %dma_start3A_30 = arith.constant 40 : i32
      %dma_start3A_31 = arith.constant 0 : i32
      %dma_start3A_32 = tpu.memref_slice %arg3[%arg0, %arg1, %dma_start3A_30, %dma_start3A_31] : memref<2x16x80x128xi32, #tpu.memory_space<hbm>> -> memref<1x1x40x128xi32, #tpu.memory_space<hbm>>
      %dma_start3A_33 = tpu.memref_squeeze %dma_start3A_32 : memref<1x1x40x128xi32, #tpu.memory_space<hbm>> -> memref<40x128xi32, #tpu.memory_space<hbm>>
      %dma_start3A_34 = arith.constant 40 : i32
      %dma_start3A_35 = arith.constant 0 : i32
      %dma_start3A_36 = tpu.memref_slice %arg3[%arg0, %arg1, %dma_start3A_34, %dma_start3A_35] : memref<2x16x80x128xi32, #tpu.memory_space<hbm>> -> memref<1x1x40x128xi32, #tpu.memory_space<hbm>>
      %dma_start3A_37 = tpu.memref_squeeze %dma_start3A_36 : memref<1x1x40x128xi32, #tpu.memory_space<hbm>> -> memref<40x128xi32, #tpu.memory_space<hbm>>
      tpu.enqueue_dma source(%dma_start3A_37 : memref<40x128xi32, #tpu.memory_space<hbm>>) target(%arg8 : memref<40x128xi32, #tpu.memory_space<vmem>>) target_semaphore(%run_scoped3A : memref<!tpu.dma_semaphore, #tpu.memory_space<semaphore_mem>>)
      %dma_wait3A = arith.constant 40 : i32
      %dma_wait3A_38 = arith.constant 0 : i32
      %dma_wait3A_39 = tpu.memref_slice %arg3[%arg0, %arg1, %dma_wait3A, %dma_wait3A_38] : memref<2x16x80x128xi32, #tpu.memory_space<hbm>> -> memref<1x1x40x128xi32, #tpu.memory_space<hbm>>
      %dma_wait3A_40 = tpu.memref_squeeze %dma_wait3A_39 : memref<1x1x40x128xi32, #tpu.memory_space<hbm>> -> memref<40x128xi32, #tpu.memory_space<hbm>>
      %dma_wait3A_41 = arith.constant 40 : i32
      %dma_wait3A_42 = arith.constant 0 : i32
      %dma_wait3A_43 = tpu.memref_slice %arg3[%arg0, %arg1, %dma_wait3A_41, %dma_wait3A_42] : memref<2x16x80x128xi32, #tpu.memory_space<hbm>> -> memref<1x1x40x128xi32, #tpu.memory_space<hbm>>
      %dma_wait3A_44 = tpu.memref_squeeze %dma_wait3A_43 : memref<1x1x40x128xi32, #tpu.memory_space<hbm>> -> memref<40x128xi32, #tpu.memory_space<hbm>>
      tpu.wait_dma2 semaphore(%run_scoped3A : memref<!tpu.dma_semaphore, #tpu.memory_space<semaphore_mem>>) src(%dma_wait3A_44 : memref<40x128xi32, #tpu.memory_space<hbm>>) dst(%arg8 : memref<40x128xi32, #tpu.memory_space<vmem>>)
      tpu.yield
    }) : () -> ()
    "tpu.region"() ({
      %run_scoped3A = tpu.sem_alloc : memref<!tpu.dma_semaphore, #tpu.memory_space<semaphore_mem>>
      %dma_start3A_30 = arith.constant 40 : i32
      %dma_start3A_31 = arith.constant 0 : i32
      %dma_start3A_32 = tpu.memref_slice %arg4[%arg1, %dma_start3A_30, %dma_start3A_31] : memref<16x80x128xi32, #tpu.memory_space<hbm>> -> memref<1x40x128xi32, #tpu.memory_space<hbm>>
      %dma_start3A_33 = tpu.memref_squeeze %dma_start3A_32 : memref<1x40x128xi32, #tpu.memory_space<hbm>> -> memref<40x128xi32, #tpu.memory_space<hbm>>
      %dma_start3A_34 = arith.constant 40 : i32
      %dma_start3A_35 = arith.constant 0 : i32
      %dma_start3A_36 = tpu.memref_slice %arg4[%arg1, %dma_start3A_34, %dma_start3A_35] : memref<16x80x128xi32, #tpu.memory_space<hbm>> -> memref<1x40x128xi32, #tpu.memory_space<hbm>>
      %dma_start3A_37 = tpu.memref_squeeze %dma_start3A_36 : memref<1x40x128xi32, #tpu.memory_space<hbm>> -> memref<40x128xi32, #tpu.memory_space<hbm>>
      tpu.enqueue_dma source(%dma_start3A_37 : memref<40x128xi32, #tpu.memory_space<hbm>>) target(%arg9 : memref<40x128xi32, #tpu.memory_space<vmem>>) target_semaphore(%run_scoped3A : memref<!tpu.dma_semaphore, #tpu.memory_space<semaphore_mem>>)
      %dma_wait3A = arith.constant 40 : i32
      %dma_wait3A_38 = arith.constant 0 : i32
      %dma_wait3A_39 = tpu.memref_slice %arg4[%arg1, %dma_wait3A, %dma_wait3A_38] : memref<16x80x128xi32, #tpu.memory_space<hbm>> -> memref<1x40x128xi32, #tpu.memory_space<hbm>>
      %dma_wait3A_40 = tpu.memref_squeeze %dma_wait3A_39 : memref<1x40x128xi32, #tpu.memory_space<hbm>> -> memref<40x128xi32, #tpu.memory_space<hbm>>
      %dma_wait3A_41 = arith.constant 40 : i32
      %dma_wait3A_42 = arith.constant 0 : i32
      %dma_wait3A_43 = tpu.memref_slice %arg4[%arg1, %dma_wait3A_41, %dma_wait3A_42] : memref<16x80x128xi32, #tpu.memory_space<hbm>> -> memref<1x40x128xi32, #tpu.memory_space<hbm>>
      %dma_wait3A_44 = tpu.memref_squeeze %dma_wait3A_43 : memref<1x40x128xi32, #tpu.memory_space<hbm>> -> memref<40x128xi32, #tpu.memory_space<hbm>>
      tpu.wait_dma2 semaphore(%run_scoped3A : memref<!tpu.dma_semaphore, #tpu.memory_space<semaphore_mem>>) src(%dma_wait3A_44 : memref<40x128xi32, #tpu.memory_space<hbm>>) dst(%arg9 : memref<40x128xi32, #tpu.memory_space<vmem>>)
      tpu.yield
    }) : () -> ()
    %dma_start3A_12 = arith.constant 0 : i32
    %dma_start3A_13 = arith.constant 0 : i32
    %dma_start3A_14 = tpu.memref_slice %arg8[%dma_start3A_12, %dma_start3A_13] : memref<40x128xi32, #tpu.memory_space<vmem>> -> memref<1x128xi32, #tpu.memory_space<vmem>>
    %dma_start3A_15 = tpu.memref_squeeze %dma_start3A_14 : memref<1x128xi32, #tpu.memory_space<vmem>> -> memref<128xi32, #tpu.memory_space<vmem>>
    %dma_start3A_16 = arith.constant 0 : i32
    %dma_start3A_17 = arith.constant 0 : i32
    %dma_start3A_18 = tpu.memref_slice %arg2[%dma_start3A_16, %dma_start3A_17] : memref<20000x128xf32, #tpu.memory_space<hbm>> -> memref<20000x128xf32, #tpu.memory_space<hbm>>
    tpu.enqueue_indirect_dma source(%dma_start3A_18 : memref<20000x128xf32, #tpu.memory_space<hbm>>) target(%arg10 : memref<128x128xf32, #tpu.memory_space<vmem>>) offsets(%dma_start3A_15 : memref<128xi32, #tpu.memory_space<vmem>>) semaphore(%arg12 : memref<!tpu.dma_semaphore, #tpu.memory_space<semaphore_mem>>)
    %scan3A_19 = arith.constant 0 : i32
    %scan3A_20 = arith.constant 0 : i32
    %scan3A_21 = arith.constant 20 : i32
    %scan3A_22 = arith.addi %scan3A_20, %scan3A_21 : i32
    %scan3A_23 = arith.constant 1 : i32
    scf.for %scan3A_30 = %scan3A_20 to %scan3A_22 step %scan3A_23  : i32 {
      %mul3A_31 = arith.constant 2 : i32
      %mul3A_32 = arith.muli %scan3A_30, %mul3A_31 : i32
      %add3A = arith.constant 1 : i32
      %add3A_33 = arith.addi %mul3A_32, %add3A : i32
      %dma_start3A_34 = arith.constant 0 : i32
      %dma_start3A_35 = tpu.memref_slice %arg8[%add3A_33, %dma_start3A_34] : memref<40x128xi32, #tpu.memory_space<vmem>> -> memref<1x128xi32, #tpu.memory_space<vmem>>
      %dma_start3A_36 = tpu.memref_squeeze %dma_start3A_35 : memref<1x128xi32, #tpu.memory_space<vmem>> -> memref<128xi32, #tpu.memory_space<vmem>>
      %dma_start3A_37 = arith.constant 0 : i32
      %dma_start3A_38 = arith.constant 0 : i32
      %dma_start3A_39 = tpu.memref_slice %arg2[%dma_start3A_37, %dma_start3A_38] : memref<20000x128xf32, #tpu.memory_space<hbm>> -> memref<20000x128xf32, #tpu.memory_space<hbm>>
      tpu.enqueue_indirect_dma source(%dma_start3A_39 : memref<20000x128xf32, #tpu.memory_space<hbm>>) target(%arg11 : memref<128x128xf32, #tpu.memory_space<vmem>>) offsets(%dma_start3A_36 : memref<128xi32, #tpu.memory_space<vmem>>) semaphore(%arg13 : memref<!tpu.dma_semaphore, #tpu.memory_space<semaphore_mem>>)
      %dma_wait3A = arith.constant 0 : i32
      %dma_wait3A_40 = tpu.memref_slice %arg8[%mul3A_32, %dma_wait3A] : memref<40x128xi32, #tpu.memory_space<vmem>> -> memref<1x128xi32, #tpu.memory_space<vmem>>
      %dma_wait3A_41 = tpu.memref_squeeze %dma_wait3A_40 : memref<1x128xi32, #tpu.memory_space<vmem>> -> memref<128xi32, #tpu.memory_space<vmem>>
      %dma_wait3A_42 = arith.constant 0 : i32
      %dma_wait3A_43 = arith.constant 0 : i32
      %dma_wait3A_44 = tpu.memref_slice %arg2[%dma_wait3A_42, %dma_wait3A_43] : memref<20000x128xf32, #tpu.memory_space<hbm>> -> memref<20000x128xf32, #tpu.memory_space<hbm>>
      tpu.wait_indirect_dma semaphore(%arg12 : memref<!tpu.dma_semaphore, #tpu.memory_space<semaphore_mem>>) src(%dma_wait3A_44 : memref<20000x128xf32, #tpu.memory_space<hbm>>) dst(%arg10 : memref<128x128xf32, #tpu.memory_space<vmem>>)
      "tpu.region"() ({
        %run_scoped3A = tpu.sem_alloc : memref<!tpu.dma_semaphore, #tpu.memory_space<semaphore_mem>>
        %dma_start3A_59 = arith.constant 0 : i32
        %dma_start3A_60 = tpu.memref_slice %arg9[%mul3A_32, %dma_start3A_59] : memref<40x128xi32, #tpu.memory_space<vmem>> -> memref<1x128xi32, #tpu.memory_space<vmem>>
        %dma_start3A_61 = tpu.memref_squeeze %dma_start3A_60 : memref<1x128xi32, #tpu.memory_space<vmem>> -> memref<128xi32, #tpu.memory_space<vmem>>
        %dma_start3A_62 = arith.constant 0 : i32
        %dma_start3A_63 = arith.constant 0 : i32
        %dma_start3A_64 = tpu.memref_slice %arg7[%dma_start3A_62, %dma_start3A_63] : memref<10112x128xf32, #tpu.memory_space<vmem_shared>> -> memref<10112x128xf32, #tpu.memory_space<vmem_shared>>
        tpu.enqueue_indirect_dma source(%arg10 : memref<128x128xf32, #tpu.memory_space<vmem>>) target(%dma_start3A_64 : memref<10112x128xf32, #tpu.memory_space<vmem_shared>>) offsets(%dma_start3A_61 : memref<128xi32, #tpu.memory_space<vmem>>) semaphore(%run_scoped3A : memref<!tpu.dma_semaphore, #tpu.memory_space<semaphore_mem>>) {add = true}
        %dma_wait3A_65 = arith.constant 0 : i32
        %dma_wait3A_66 = tpu.memref_slice %arg9[%mul3A_32, %dma_wait3A_65] : memref<40x128xi32, #tpu.memory_space<vmem>> -> memref<1x128xi32, #tpu.memory_space<vmem>>
        %dma_wait3A_67 = tpu.memref_squeeze %dma_wait3A_66 : memref<1x128xi32, #tpu.memory_space<vmem>> -> memref<128xi32, #tpu.memory_space<vmem>>
        %dma_wait3A_68 = arith.constant 0 : i32
        %dma_wait3A_69 = arith.constant 0 : i32
        %dma_wait3A_70 = tpu.memref_slice %arg7[%dma_wait3A_68, %dma_wait3A_69] : memref<10112x128xf32, #tpu.memory_space<vmem_shared>> -> memref<10112x128xf32, #tpu.memory_space<vmem_shared>>
        tpu.wait_indirect_dma semaphore(%run_scoped3A : memref<!tpu.dma_semaphore, #tpu.memory_space<semaphore_mem>>) src(%arg10 : memref<128x128xf32, #tpu.memory_space<vmem>>) dst(%dma_wait3A_70 : memref<10112x128xf32, #tpu.memory_space<vmem_shared>>)
        tpu.yield
      }) : () -> ()
      %add3A_45 = arith.constant 2 : i32
      %add3A_46 = arith.addi %mul3A_32, %add3A_45 : i32
      %lt3A = arith.constant 40 : i32
      %lt3A_47 = arith.cmpi slt, %add3A_46, %lt3A : i32
      %convert_element_type3A = arith.extui %lt3A_47 : i1 to i32
      %cond3A = arith.constant 0 : i32
      %cond3A_48 = arith.cmpi ne, %convert_element_type3A, %cond3A : i32
      scf.if %cond3A_48 {
        %add3A_59 = arith.constant 2 : i32
        %add3A_60 = arith.addi %mul3A_32, %add3A_59 : i32
        %dma_start3A_61 = arith.constant 0 : i32
        %dma_start3A_62 = tpu.memref_slice %arg8[%add3A_60, %dma_start3A_61] : memref<40x128xi32, #tpu.memory_space<vmem>> -> memref<1x128xi32, #tpu.memory_space<vmem>>
        %dma_start3A_63 = tpu.memref_squeeze %dma_start3A_62 : memref<1x128xi32, #tpu.memory_space<vmem>> -> memref<128xi32, #tpu.memory_space<vmem>>
        %dma_start3A_64 = arith.constant 0 : i32
        %dma_start3A_65 = arith.constant 0 : i32
        %dma_start3A_66 = tpu.memref_slice %arg2[%dma_start3A_64, %dma_start3A_65] : memref<20000x128xf32, #tpu.memory_space<hbm>> -> memref<20000x128xf32, #tpu.memory_space<hbm>>
        tpu.enqueue_indirect_dma source(%dma_start3A_66 : memref<20000x128xf32, #tpu.memory_space<hbm>>) target(%arg10 : memref<128x128xf32, #tpu.memory_space<vmem>>) offsets(%dma_start3A_63 : memref<128xi32, #tpu.memory_space<vmem>>) semaphore(%arg12 : memref<!tpu.dma_semaphore, #tpu.memory_space<semaphore_mem>>)
      } else {
      }
      %add3A_49 = arith.constant 1 : i32
      %add3A_50 = arith.addi %mul3A_32, %add3A_49 : i32
      %dma_wait3A_51 = arith.constant 0 : i32
      %dma_wait3A_52 = tpu.memref_slice %arg8[%add3A_50, %dma_wait3A_51] : memref<40x128xi32, #tpu.memory_space<vmem>> -> memref<1x128xi32, #tpu.memory_space<vmem>>
      %dma_wait3A_53 = tpu.memref_squeeze %dma_wait3A_52 : memref<1x128xi32, #tpu.memory_space<vmem>> -> memref<128xi32, #tpu.memory_space<vmem>>
      %dma_wait3A_54 = arith.constant 0 : i32
      %dma_wait3A_55 = arith.constant 0 : i32
      %dma_wait3A_56 = tpu.memref_slice %arg2[%dma_wait3A_54, %dma_wait3A_55] : memref<20000x128xf32, #tpu.memory_space<hbm>> -> memref<20000x128xf32, #tpu.memory_space<hbm>>
      tpu.wait_indirect_dma semaphore(%arg13 : memref<!tpu.dma_semaphore, #tpu.memory_space<semaphore_mem>>) src(%dma_wait3A_56 : memref<20000x128xf32, #tpu.memory_space<hbm>>) dst(%arg11 : memref<128x128xf32, #tpu.memory_space<vmem>>)
      %add3A_57 = arith.constant 1 : i32
      %add3A_58 = arith.addi %mul3A_32, %add3A_57 : i32
      "tpu.region"() ({
        %run_scoped3A = tpu.sem_alloc : memref<!tpu.dma_semaphore, #tpu.memory_space<semaphore_mem>>
        %dma_start3A_59 = arith.constant 0 : i32
        %dma_start3A_60 = tpu.memref_slice %arg9[%add3A_58, %dma_start3A_59] : memref<40x128xi32, #tpu.memory_space<vmem>> -> memref<1x128xi32, #tpu.memory_space<vmem>>
        %dma_start3A_61 = tpu.memref_squeeze %dma_start3A_60 : memref<1x128xi32, #tpu.memory_space<vmem>> -> memref<128xi32, #tpu.memory_space<vmem>>
        %dma_start3A_62 = arith.constant 0 : i32
        %dma_start3A_63 = arith.constant 0 : i32
        %dma_start3A_64 = tpu.memref_slice %arg7[%dma_start3A_62, %dma_start3A_63] : memref<10112x128xf32, #tpu.memory_space<vmem_shared>> -> memref<10112x128xf32, #tpu.memory_space<vmem_shared>>
        tpu.enqueue_indirect_dma source(%arg11 : memref<128x128xf32, #tpu.memory_space<vmem>>) target(%dma_start3A_64 : memref<10112x128xf32, #tpu.memory_space<vmem_shared>>) offsets(%dma_start3A_61 : memref<128xi32, #tpu.memory_space<vmem>>) semaphore(%run_scoped3A : memref<!tpu.dma_semaphore, #tpu.memory_space<semaphore_mem>>) {add = true}
        %dma_wait3A_65 = arith.constant 0 : i32
        %dma_wait3A_66 = tpu.memref_slice %arg9[%add3A_58, %dma_wait3A_65] : memref<40x128xi32, #tpu.memory_space<vmem>> -> memref<1x128xi32, #tpu.memory_space<vmem>>
        %dma_wait3A_67 = tpu.memref_squeeze %dma_wait3A_66 : memref<1x128xi32, #tpu.memory_space<vmem>> -> memref<128xi32, #tpu.memory_space<vmem>>
        %dma_wait3A_68 = arith.constant 0 : i32
        %dma_wait3A_69 = arith.constant 0 : i32
        %dma_wait3A_70 = tpu.memref_slice %arg7[%dma_wait3A_68, %dma_wait3A_69] : memref<10112x128xf32, #tpu.memory_space<vmem_shared>> -> memref<10112x128xf32, #tpu.memory_space<vmem_shared>>
        tpu.wait_indirect_dma semaphore(%run_scoped3A : memref<!tpu.dma_semaphore, #tpu.memory_space<semaphore_mem>>) src(%arg11 : memref<128x128xf32, #tpu.memory_space<vmem>>) dst(%dma_wait3A_70 : memref<10112x128xf32, #tpu.memory_space<vmem_shared>>)
        tpu.yield
      }) : () -> ()
    }
    %scan3A_24 = arith.constant 20 : i32
    %barrier3A_25 = arith.constant 0 : index
    tpu.barrier barrier_id(%barrier3A_25)
    %mul3A_26 = arith.constant 632 : i32
    %mul3A_27 = arith.muli %arg1, %mul3A_26 : i32
    %mul3A_28 = arith.constant 632 : i32
    %mul3A_29 = arith.muli %arg1, %mul3A_28 : i32
    "tpu.region"() ({
      %run_scoped3A = tpu.sem_alloc : memref<!tpu.dma_semaphore, #tpu.memory_space<semaphore_mem>>
      %dma_start3A_30 = arith.constant 0 : i32
      %dma_start3A_31 = tpu.memref_slice %arg6[%arg0, %mul3A_29, %dma_start3A_30] : memref<2x10112x128xf32, #tpu.memory_space<hbm>> -> memref<1x632x128xf32, #tpu.memory_space<hbm>>
      %dma_start3A_32 = tpu.memref_squeeze %dma_start3A_31 : memref<1x632x128xf32, #tpu.memory_space<hbm>> -> memref<632x128xf32, #tpu.memory_space<hbm>>
      %dma_start3A_33 = arith.constant 0 : i32
      %dma_start3A_34 = tpu.memref_slice %arg7[%mul3A_27, %dma_start3A_33] : memref<10112x128xf32, #tpu.memory_space<vmem_shared>> -> memref<632x128xf32, #tpu.memory_space<vmem_shared>>
      tpu.enqueue_dma source(%dma_start3A_34 : memref<632x128xf32, #tpu.memory_space<vmem_shared>>) target(%dma_start3A_32 : memref<632x128xf32, #tpu.memory_space<hbm>>) target_semaphore(%run_scoped3A : memref<!tpu.dma_semaphore, #tpu.memory_space<semaphore_mem>>)
      %dma_wait3A = arith.constant 0 : i32
      %dma_wait3A_35 = tpu.memref_slice %arg6[%arg0, %mul3A_29, %dma_wait3A] : memref<2x10112x128xf32, #tpu.memory_space<hbm>> -> memref<1x632x128xf32, #tpu.memory_space<hbm>>
      %dma_wait3A_36 = tpu.memref_squeeze %dma_wait3A_35 : memref<1x632x128xf32, #tpu.memory_space<hbm>> -> memref<632x128xf32, #tpu.memory_space<hbm>>
      %dma_wait3A_37 = arith.constant 0 : i32
      %dma_wait3A_38 = tpu.memref_slice %arg7[%mul3A_27, %dma_wait3A_37] : memref<10112x128xf32, #tpu.memory_space<vmem_shared>> -> memref<632x128xf32, #tpu.memory_space<vmem_shared>>
      tpu.wait_dma2 semaphore(%run_scoped3A : memref<!tpu.dma_semaphore, #tpu.memory_space<semaphore_mem>>) src(%dma_wait3A_38 : memref<632x128xf32, #tpu.memory_space<vmem_shared>>) dst(%dma_wait3A_36 : memref<632x128xf32, #tpu.memory_space<hbm>>)
      tpu.yield
    }) : () -> ()
    return
  }
}

module attributes {stable_mosaic.version = 14 : i64} {
  func.func @_proj_body(%arg0: i32, %arg1: memref<2000x384xf32, #tpu.memory_space<vmem>>, %arg2: memref<256x384xf32, #tpu.memory_space<vmem>>, %arg3: memref<1x256xf32, #tpu.memory_space<vmem>>, %arg4: memref<2000x128xf32, #tpu.memory_space<vmem>>, %arg5: memref<2000x128xf32, #tpu.memory_space<vmem>>) attributes {dimension_semantics = [#tpu.dimension_semantics<arbitrary>], iteration_bounds = array<i64: 5>, scalar_prefetch = 0 : i64, scratch_operands = 0 : i64, tpu.core_type = #tpu.core_type<tc>, window_params = [{transform_indices = @transform_0, window_bounds = array<i64: 2000, 384>}, {pipeline_mode = #tpu.pipeline_mode<synchronous>, transform_indices = @transform_1, window_bounds = array<i64: 256, 384>}, {pipeline_mode = #tpu.pipeline_mode<synchronous>, transform_indices = @transform_2, window_bounds = array<i64: 1, 256>}, {transform_indices = @transform_3, window_bounds = array<i64: 2000, 128>}, {transform_indices = @transform_4, window_bounds = array<i64: 2000, 128>}]} {
    %get3A = arith.constant 0 : index
    %get3A_0 = arith.constant 0 : index
    %get3A_1 = vector.load %arg1[%get3A, %get3A_0] : memref<2000x384xf32, #tpu.memory_space<vmem>>, vector<2000x384xf32>
    %get3A_2 = arith.constant 0 : index
    %get3A_3 = arith.constant 0 : index
    %get3A_4 = vector.load %arg2[%get3A_2, %get3A_3] : memref<256x384xf32, #tpu.memory_space<vmem>>, vector<256x384xf32>
    %dot_general3A = arith.constant dense<0.000000e+00> : vector<2000x256xf32>
    %dot_general3A_5 = tpu.matmul %get3A_1, %get3A_4, %dot_general3A {dimension_numbers = #tpu.dot_dimension_numbers<[1], [1], [0], [0], [0, 0, 1, 0], [], []>, transpose_lhs_hint = false} : vector<2000x384xf32>, vector<256x384xf32>, vector<2000x256xf32> -> vector<2000x256xf32>
    %get3A_6 = arith.constant 0 : index
    %get3A_7 = arith.constant 0 : index
    %get3A_8 = vector.load %arg3[%get3A_6, %get3A_7] : memref<1x256xf32, #tpu.memory_space<vmem>>, vector<1x256xf32>
    %add3A = vector.broadcast %get3A_8 : vector<1x256xf32> to vector<2000x256xf32>
    %add3A_9 = arith.addf %dot_general3A_5, %add3A : vector<2000x256xf32>
    %slice3A = vector.extract_strided_slice %add3A_9 {offsets = [0, 0], sizes = [2000, 128], strides = [1, 1]} : vector<2000x256xf32> to vector<2000x128xf32>
    %swap3A = arith.constant 0 : index
    %swap3A_10 = arith.constant 0 : index
    %swap3A_11 = vector.load %arg4[%swap3A, %swap3A_10] : memref<2000x128xf32, #tpu.memory_space<vmem>>, vector<2000x128xf32>
    tpu.vector_store %arg4[%swap3A, %swap3A_10], %slice3A {strides = array<i32>} : memref<2000x128xf32, #tpu.memory_space<vmem>>, vector<2000x128xf32>,
    %slice3A_12 = vector.extract_strided_slice %add3A_9 {offsets = [0, 128], sizes = [2000, 128], strides = [1, 1]} : vector<2000x256xf32> to vector<2000x128xf32>
    %swap3A_13 = arith.constant 0 : index
    %swap3A_14 = arith.constant 0 : index
    %swap3A_15 = vector.load %arg5[%swap3A_13, %swap3A_14] : memref<2000x128xf32, #tpu.memory_space<vmem>>, vector<2000x128xf32>
    tpu.vector_store %arg5[%swap3A_13, %swap3A_14], %slice3A_12 {strides = array<i32>} : memref<2000x128xf32, #tpu.memory_space<vmem>>, vector<2000x128xf32>,
    return
  }
  func.func @transform_0(%arg0: i32) -> (i32, i32) {
    %c0_i32 = arith.constant 0 : i32
    %c0_i32_0 = arith.constant 0 : i32
    return %arg0, %c0_i32 : i32, i32
  }
  func.func @transform_1(%arg0: i32) -> (i32, i32) {
    %c0_i32 = arith.constant 0 : i32
    %c0_i32_0 = arith.constant 0 : i32
    %c0_i32_1 = arith.constant 0 : i32
    return %c0_i32, %c0_i32_0 : i32, i32
  }
  func.func @transform_2(%arg0: i32) -> (i32, i32) {
    %c0_i32 = arith.constant 0 : i32
    %c0_i32_0 = arith.constant 0 : i32
    %c0_i32_1 = arith.constant 0 : i32
    return %c0_i32, %c0_i32_0 : i32, i32
  }
  func.func @transform_3(%arg0: i32) -> (i32, i32) {
    %c0_i32 = arith.constant 0 : i32
    %c0_i32_0 = arith.constant 0 : i32
    return %arg0, %c0_i32 : i32, i32
  }
  func.func @transform_4(%arg0: i32) -> (i32, i32) {
    %c0_i32 = arith.constant 0 : i32
    %c0_i32_0 = arith.constant 0 : i32
    return %arg0, %c0_i32 : i32, i32
  }
}

module attributes {stable_mosaic.version = 14 : i64} {
  func.func @_upd_body(%arg0: i32, %arg1: memref<1x2000x128xf32, #tpu.memory_space<vmem>>, %arg2: memref<1x2000x128xf32, #tpu.memory_space<vmem>>, %arg3: memref<2000x128xf32, #tpu.memory_space<vmem>>, %arg4: memref<2000x128xf32, #tpu.memory_space<vmem>>, %arg5: memref<2000x128xf32, #tpu.memory_space<vmem>>, %arg6: memref<256x256xf32, #tpu.memory_space<vmem>>, %arg7: memref<256x256xf32, #tpu.memory_space<vmem>>, %arg8: memref<1x256xf32, #tpu.memory_space<vmem>>, %arg9: memref<2000x128xf32, #tpu.memory_space<vmem>>, %arg10: memref<2000x128xf32, #tpu.memory_space<vmem>>) attributes {dimension_semantics = [#tpu.dimension_semantics<arbitrary>], iteration_bounds = array<i64: 5>, scalar_prefetch = 0 : i64, scratch_operands = 0 : i64, tpu.core_type = #tpu.core_type<tc>, window_params = [{transform_indices = @transform_0, window_bounds = array<i64: 1, 2000, 128>}, {transform_indices = @transform_1, window_bounds = array<i64: 1, 2000, 128>}, {transform_indices = @transform_2, window_bounds = array<i64: 2000, 128>}, {transform_indices = @transform_3, window_bounds = array<i64: 2000, 128>}, {transform_indices = @transform_4, window_bounds = array<i64: 2000, 128>}, {pipeline_mode = #tpu.pipeline_mode<synchronous>, transform_indices = @transform_5, window_bounds = array<i64: 256, 256>}, {pipeline_mode = #tpu.pipeline_mode<synchronous>, transform_indices = @transform_6, window_bounds = array<i64: 256, 256>}, {pipeline_mode = #tpu.pipeline_mode<synchronous>, transform_indices = @transform_7, window_bounds = array<i64: 1, 256>}, {transform_indices = @transform_8, window_bounds = array<i64: 2000, 128>}, {transform_indices = @transform_9, window_bounds = array<i64: 2000, 128>}]} {
    %get3A = arith.constant 0 : index
    %get3A_0 = arith.constant 0 : index
    %get3A_1 = vector.load %arg3[%get3A, %get3A_0] : memref<2000x128xf32, #tpu.memory_space<vmem>>, vector<2000x1xf32>
    %max3A = arith.constant 1.000000e+00 : f32
    %max3A_2 = vector.broadcast %max3A : f32 to vector<2000x1xf32>
    %max3A_3 = arith.maximumf %get3A_1, %max3A_2 : vector<2000x1xf32>
    %get3A_4 = arith.constant 0 : index
    %get3A_5 = arith.constant 0 : index
    %get3A_6 = arith.constant 0 : index
    %get3A_7 = vector.load %arg1[%get3A_4, %get3A_5, %get3A_6] : memref<1x2000x128xf32, #tpu.memory_space<vmem>>, vector<1x2000x128xf32>
    %get3A_8 = vector.shape_cast %get3A_7 : vector<1x2000x128xf32> to vector<2000x128xf32>
    %get3A_9 = arith.constant 0 : index
    %get3A_10 = arith.constant 0 : index
    %get3A_11 = arith.constant 0 : index
    %get3A_12 = vector.load %arg2[%get3A_9, %get3A_10, %get3A_11] : memref<1x2000x128xf32, #tpu.memory_space<vmem>>, vector<1x2000x128xf32>
    %get3A_13 = vector.shape_cast %get3A_12 : vector<1x2000x128xf32> to vector<2000x128xf32>
    %concatenate3A = tpu.concatenate %get3A_8, %get3A_13 in 1 : vector<2000x128xf32>, vector<2000x128xf32> -> vector<2000x256xf32>
    %div3A = vector.broadcast %max3A_3 : vector<2000x1xf32> to vector<2000x256xf32>
    %div3A_14 = arith.divf %concatenate3A, %div3A : vector<2000x256xf32>
    %get3A_15 = arith.constant 0 : index
    %get3A_16 = arith.constant 0 : index
    %get3A_17 = vector.load %arg4[%get3A_15, %get3A_16] : memref<2000x128xf32, #tpu.memory_space<vmem>>, vector<2000x128xf32>
    %get3A_18 = arith.constant 0 : index
    %get3A_19 = arith.constant 0 : index
    %get3A_20 = vector.load %arg5[%get3A_18, %get3A_19] : memref<2000x128xf32, #tpu.memory_space<vmem>>, vector<2000x128xf32>
    %concatenate3A_21 = tpu.concatenate %get3A_17, %get3A_20 in 1 : vector<2000x128xf32>, vector<2000x128xf32> -> vector<2000x256xf32>
    %get3A_22 = arith.constant 0 : index
    %get3A_23 = arith.constant 0 : index
    %get3A_24 = vector.load %arg6[%get3A_22, %get3A_23] : memref<256x256xf32, #tpu.memory_space<vmem>>, vector<256x256xf32>
    %dot_general3A = arith.constant dense<0.000000e+00> : vector<2000x256xf32>
    %dot_general3A_25 = tpu.matmul %div3A_14, %get3A_24, %dot_general3A {dimension_numbers = #tpu.dot_dimension_numbers<[1], [1], [0], [0], [0, 0, 1, 0], [], []>, transpose_lhs_hint = false} : vector<2000x256xf32>, vector<256x256xf32>, vector<2000x256xf32> -> vector<2000x256xf32>
    %get3A_26 = arith.constant 0 : index
    %get3A_27 = arith.constant 0 : index
    %get3A_28 = vector.load %arg7[%get3A_26, %get3A_27] : memref<256x256xf32, #tpu.memory_space<vmem>>, vector<256x256xf32>
    %dot_general3A_29 = arith.constant dense<0.000000e+00> : vector<2000x256xf32>
    %dot_general3A_30 = tpu.matmul %concatenate3A_21, %get3A_28, %dot_general3A_29 {dimension_numbers = #tpu.dot_dimension_numbers<[1], [1], [0], [0], [0, 0, 1, 0], [], []>, transpose_lhs_hint = false} : vector<2000x256xf32>, vector<256x256xf32>, vector<2000x256xf32> -> vector<2000x256xf32>
    %add3A = arith.addf %dot_general3A_25, %dot_general3A_30 : vector<2000x256xf32>
    %get3A_31 = arith.constant 0 : index
    %get3A_32 = arith.constant 0 : index
    %get3A_33 = vector.load %arg8[%get3A_31, %get3A_32] : memref<1x256xf32, #tpu.memory_space<vmem>>, vector<1x256xf32>
    %add3A_34 = vector.broadcast %get3A_33 : vector<1x256xf32> to vector<2000x256xf32>
    %add3A_35 = arith.addf %add3A, %add3A_34 : vector<2000x256xf32>
    %max3A_36 = arith.constant 0.000000e+00 : f32
    %max3A_37 = vector.broadcast %max3A_36 : f32 to vector<2000x256xf32>
    %max3A_38 = arith.maximumf %add3A_35, %max3A_37 : vector<2000x256xf32>
    %add3A_39 = arith.addf %max3A_38, %concatenate3A_21 : vector<2000x256xf32>
    %slice3A = vector.extract_strided_slice %add3A_39 {offsets = [0, 0], sizes = [2000, 128], strides = [1, 1]} : vector<2000x256xf32> to vector<2000x128xf32>
    %swap3A = arith.constant 0 : index
    %swap3A_40 = arith.constant 0 : index
    %swap3A_41 = vector.load %arg9[%swap3A, %swap3A_40] : memref<2000x128xf32, #tpu.memory_space<vmem>>, vector<2000x128xf32>
    tpu.vector_store %arg9[%swap3A, %swap3A_40], %slice3A {strides = array<i32>} : memref<2000x128xf32, #tpu.memory_space<vmem>>, vector<2000x128xf32>,
    %slice3A_42 = vector.extract_strided_slice %add3A_39 {offsets = [0, 128], sizes = [2000, 128], strides = [1, 1]} : vector<2000x256xf32> to vector<2000x128xf32>
    %swap3A_43 = arith.constant 0 : index
    %swap3A_44 = arith.constant 0 : index
    %swap3A_45 = vector.load %arg10[%swap3A_43, %swap3A_44] : memref<2000x128xf32, #tpu.memory_space<vmem>>, vector<2000x128xf32>
    tpu.vector_store %arg10[%swap3A_43, %swap3A_44], %slice3A_42 {strides = array<i32>} : memref<2000x128xf32, #tpu.memory_space<vmem>>, vector<2000x128xf32>,
    return
  }
  func.func @transform_0(%arg0: i32) -> (i32, i32, i32) {
    %c0_i32 = arith.constant 0 : i32
    %c0_i32_0 = arith.constant 0 : i32
    %c0_i32_1 = arith.constant 0 : i32
    return %c0_i32, %arg0, %c0_i32_0 : i32, i32, i32
  }
  func.func @transform_1(%arg0: i32) -> (i32, i32, i32) {
    %c1_i32 = arith.constant 1 : i32
    %c0_i32 = arith.constant 0 : i32
    %c0_i32_0 = arith.constant 0 : i32
    return %c1_i32, %arg0, %c0_i32 : i32, i32, i32
  }
  func.func @transform_2(%arg0: i32) -> (i32, i32) {
    %c0_i32 = arith.constant 0 : i32
    %c0_i32_0 = arith.constant 0 : i32
    return %arg0, %c0_i32 : i32, i32
  }
  func.func @transform_3(%arg0: i32) -> (i32, i32) {
    %c0_i32 = arith.constant 0 : i32
    %c0_i32_0 = arith.constant 0 : i32
    return %arg0, %c0_i32 : i32, i32
  }
  func.func @transform_4(%arg0: i32) -> (i32, i32) {
    %c0_i32 = arith.constant 0 : i32
    %c0_i32_0 = arith.constant 0 : i32
    return %arg0, %c0_i32 : i32, i32
  }
  func.func @transform_5(%arg0: i32) -> (i32, i32) {
    %c0_i32 = arith.constant 0 : i32
    %c0_i32_0 = arith.constant 0 : i32
    %c0_i32_1 = arith.constant 0 : i32
    return %c0_i32, %c0_i32_0 : i32, i32
  }
  func.func @transform_6(%arg0: i32) -> (i32, i32) {
    %c0_i32 = arith.constant 0 : i32
    %c0_i32_0 = arith.constant 0 : i32
    %c0_i32_1 = arith.constant 0 : i32
    return %c0_i32, %c0_i32_0 : i32, i32
  }
  func.func @transform_7(%arg0: i32) -> (i32, i32) {
    %c0_i32 = arith.constant 0 : i32
    %c0_i32_0 = arith.constant 0 : i32
    %c0_i32_1 = arith.constant 0 : i32
    return %c0_i32, %c0_i32_0 : i32, i32
  }
  func.func @transform_8(%arg0: i32) -> (i32, i32) {
    %c0_i32 = arith.constant 0 : i32
    %c0_i32_0 = arith.constant 0 : i32
    return %arg0, %c0_i32 : i32, i32
  }
  func.func @transform_9(%arg0: i32) -> (i32, i32) {
    %c0_i32 = arith.constant 0 : i32
    %c0_i32_0 = arith.constant 0 : i32
    return %arg0, %c0_i32 : i32, i32
  }
}

module attributes {stable_mosaic.version = 14 : i64} {
  func.func @_pool_body(%arg0: i32, %arg1: memref<1x1x2000xi32, #tpu.memory_space<vmem>>, %arg2: memref<1x1x2000xi32, #tpu.memory_space<vmem>>, %arg3: memref<2000x128xf32, #tpu.memory_space<vmem>>, %arg4: memref<2000x128xf32, #tpu.memory_space<vmem>>, %arg5: memref<2000x128xf32, #tpu.memory_space<vmem>>, %arg6: memref<2000x128xf32, #tpu.memory_space<vmem>>, %arg7: memref<256x256xf32, #tpu.memory_space<vmem>>, %arg8: memref<1x256xf32, #tpu.memory_space<vmem>>, %arg9: memref<64x256xf32, #tpu.memory_space<vmem>>, %arg10: memref<64x256xf32, #tpu.memory_space<vmem>>, %arg11: memref<64x256xf32, #tpu.memory_space<vmem>>, %arg12: memref<64x8xf32, #tpu.memory_space<vmem>>, %arg13: memref<64x8xf32, #tpu.memory_space<vmem>>) attributes {dimension_semantics = [#tpu.dimension_semantics<arbitrary>], iteration_bounds = array<i64: 5>, scalar_prefetch = 0 : i64, scratch_operands = 4 : i64, tpu.core_type = #tpu.core_type<tc>, window_params = [{transform_indices = @transform_0, window_bounds = array<i64: 1, 1, 2000>}, {transform_indices = @transform_1, window_bounds = array<i64: 1, 1, 2000>}, {transform_indices = @transform_2, window_bounds = array<i64: 2000, 128>}, {transform_indices = @transform_3, window_bounds = array<i64: 2000, 128>}, {transform_indices = @transform_4, window_bounds = array<i64: 2000, 128>}, {transform_indices = @transform_5, window_bounds = array<i64: 2000, 128>}, {pipeline_mode = #tpu.pipeline_mode<synchronous>, transform_indices = @transform_6, window_bounds = array<i64: 256, 256>}, {pipeline_mode = #tpu.pipeline_mode<synchronous>, transform_indices = @transform_7, window_bounds = array<i64: 1, 256>}, {pipeline_mode = #tpu.pipeline_mode<synchronous>, transform_indices = @transform_8, window_bounds = array<i64: 64, 256>}]} {
    %broadcast_in_dim3A = arith.constant 1.000000e+00 : f32
    %broadcast_in_dim3A_0 = vector.broadcast %broadcast_in_dim3A : f32 to vector<2000x8xf32>
    %iota3A = tpu.iota {dimensions = array<i32: 0>} : vector<64x2000xi32>
    %get3A = arith.constant 0 : index
    %get3A_1 = arith.constant 0 : index
    %get3A_2 = arith.constant 0 : index
    %get3A_3 = vector.load %arg1[%get3A, %get3A_1, %get3A_2] : memref<1x1x2000xi32, #tpu.memory_space<vmem>>, vector<1x1x2000xi32>
    %get3A_4 = vector.shape_cast %get3A_3 : vector<1x1x2000xi32> to vector<1x2000xi32>
    %eq3A = vector.broadcast %get3A_4 : vector<1x2000xi32> to vector<64x2000xi32>
    %eq3A_5 = arith.cmpi eq, %iota3A, %eq3A : vector<64x2000xi32>
    %convert_element_type3A = arith.extui %eq3A_5 : vector<64x2000xi1> to vector<64x2000xi32>
    %convert_element_type3A_6 = arith.sitofp %convert_element_type3A : vector<64x2000xi32> to vector<64x2000xf32>
    %get3A_7 = arith.constant 0 : index
    %get3A_8 = arith.constant 0 : index
    %get3A_9 = arith.constant 0 : index
    %get3A_10 = vector.load %arg2[%get3A_7, %get3A_8, %get3A_9] : memref<1x1x2000xi32, #tpu.memory_space<vmem>>, vector<1x1x2000xi32>
    %get3A_11 = vector.shape_cast %get3A_10 : vector<1x1x2000xi32> to vector<1x2000xi32>
    %eq3A_12 = vector.broadcast %get3A_11 : vector<1x2000xi32> to vector<64x2000xi32>
    %eq3A_13 = arith.cmpi eq, %iota3A, %eq3A_12 : vector<64x2000xi32>
    %convert_element_type3A_14 = arith.extui %eq3A_13 : vector<64x2000xi1> to vector<64x2000xi32>
    %convert_element_type3A_15 = arith.sitofp %convert_element_type3A_14 : vector<64x2000xi32> to vector<64x2000xf32>
    %get3A_16 = arith.constant 0 : index
    %get3A_17 = arith.constant 0 : index
    %get3A_18 = vector.load %arg3[%get3A_16, %get3A_17] : memref<2000x128xf32, #tpu.memory_space<vmem>>, vector<2000x128xf32>
    %get3A_19 = arith.constant 0 : index
    %get3A_20 = arith.constant 0 : index
    %get3A_21 = vector.load %arg4[%get3A_19, %get3A_20] : memref<2000x128xf32, #tpu.memory_space<vmem>>, vector<2000x128xf32>
    %concatenate3A = tpu.concatenate %get3A_18, %get3A_21 in 1 : vector<2000x128xf32>, vector<2000x128xf32> -> vector<2000x256xf32>
    %get3A_22 = arith.constant 0 : index
    %get3A_23 = arith.constant 0 : index
    %get3A_24 = vector.load %arg5[%get3A_22, %get3A_23] : memref<2000x128xf32, #tpu.memory_space<vmem>>, vector<2000x128xf32>
    %get3A_25 = arith.constant 0 : index
    %get3A_26 = arith.constant 0 : index
    %get3A_27 = vector.load %arg6[%get3A_25, %get3A_26] : memref<2000x128xf32, #tpu.memory_space<vmem>>, vector<2000x128xf32>
    %concatenate3A_28 = tpu.concatenate %get3A_24, %get3A_27 in 1 : vector<2000x128xf32>, vector<2000x128xf32> -> vector<2000x256xf32>
    %dot_general3A = arith.constant dense<0.000000e+00> : vector<64x256xf32>
    %dot_general3A_29 = tpu.matmul %convert_element_type3A_6, %concatenate3A, %dot_general3A {dimension_numbers = #tpu.dot_dimension_numbers<[1], [0], [0], [1], [0, 0, 1, 1], [], []>, transpose_lhs_hint = false} : vector<64x2000xf32>, vector<2000x256xf32>, vector<64x256xf32> -> vector<64x256xf32>
    %dot_general3A_30 = arith.constant dense<0.000000e+00> : vector<64x256xf32>
    %dot_general3A_31 = tpu.matmul %convert_element_type3A_15, %concatenate3A_28, %dot_general3A_30 {dimension_numbers = #tpu.dot_dimension_numbers<[1], [0], [0], [1], [0, 0, 1, 1], [], []>, transpose_lhs_hint = false} : vector<64x2000xf32>, vector<2000x256xf32>, vector<64x256xf32> -> vector<64x256xf32>
    %dot_general3A_32 = arith.constant dense<0.000000e+00> : vector<64x8xf32>
    %dot_general3A_33 = tpu.matmul %convert_element_type3A_6, %broadcast_in_dim3A_0, %dot_general3A_32 {dimension_numbers = #tpu.dot_dimension_numbers<[1], [0], [0], [1], [0, 0, 1, 1], [], []>, transpose_lhs_hint = false} : vector<64x2000xf32>, vector<2000x8xf32>, vector<64x8xf32> -> vector<64x8xf32>
    %dot_general3A_34 = arith.constant dense<0.000000e+00> : vector<64x8xf32>
    %dot_general3A_35 = tpu.matmul %convert_element_type3A_15, %broadcast_in_dim3A_0, %dot_general3A_34 {dimension_numbers = #tpu.dot_dimension_numbers<[1], [0], [0], [1], [0, 0, 1, 1], [], []>, transpose_lhs_hint = false} : vector<64x2000xf32>, vector<2000x8xf32>, vector<64x8xf32> -> vector<64x8xf32>
    %eq3A_36 = arith.constant 0 : i32
    %eq3A_37 = arith.cmpi eq, %arg0, %eq3A_36 : i32
    %convert_element_type3A_38 = arith.extui %eq3A_37 : i1 to i32
    %cond3A = arith.constant 0 : i32
    %cond3A_39 = arith.cmpi ne, %convert_element_type3A_38, %cond3A : i32
    scf.if %cond3A_39 {
      %swap3A = arith.constant 0 : index
      %swap3A_49 = arith.constant 0 : index
      %swap3A_50 = vector.load %arg10[%swap3A, %swap3A_49] : memref<64x256xf32, #tpu.memory_space<vmem>>, vector<64x256xf32>
      tpu.vector_store %arg10[%swap3A, %swap3A_49], %dot_general3A_29 {strides = array<i32>} : memref<64x256xf32, #tpu.memory_space<vmem>>, vector<64x256xf32>,
      %swap3A_51 = arith.constant 0 : index
      %swap3A_52 = arith.constant 0 : index
      %swap3A_53 = vector.load %arg11[%swap3A_51, %swap3A_52] : memref<64x256xf32, #tpu.memory_space<vmem>>, vector<64x256xf32>
      tpu.vector_store %arg11[%swap3A_51, %swap3A_52], %dot_general3A_31 {strides = array<i32>} : memref<64x256xf32, #tpu.memory_space<vmem>>, vector<64x256xf32>,
      %swap3A_54 = arith.constant 0 : index
      %swap3A_55 = arith.constant 0 : index
      %swap3A_56 = vector.load %arg12[%swap3A_54, %swap3A_55] : memref<64x8xf32, #tpu.memory_space<vmem>>, vector<64x8xf32>
      tpu.vector_store %arg12[%swap3A_54, %swap3A_55], %dot_general3A_33 {strides = array<i32>} : memref<64x8xf32, #tpu.memory_space<vmem>>, vector<64x8xf32>,
      %swap3A_57 = arith.constant 0 : index
      %swap3A_58 = arith.constant 0 : index
      %swap3A_59 = vector.load %arg13[%swap3A_57, %swap3A_58] : memref<64x8xf32, #tpu.memory_space<vmem>>, vector<64x8xf32>
      tpu.vector_store %arg13[%swap3A_57, %swap3A_58], %dot_general3A_35 {strides = array<i32>} : memref<64x8xf32, #tpu.memory_space<vmem>>, vector<64x8xf32>,
    } else {
    }
    %gt3A = arith.constant 0 : i32
    %gt3A_40 = arith.cmpi sgt, %arg0, %gt3A : i32
    %convert_element_type3A_41 = arith.extui %gt3A_40 : i1 to i32
    %cond3A_42 = arith.constant 0 : i32
    %cond3A_43 = arith.cmpi ne, %convert_element_type3A_41, %cond3A_42 : i32
    scf.if %cond3A_43 {
      %get3A_49 = arith.constant 0 : index
      %get3A_50 = arith.constant 0 : index
      %get3A_51 = vector.load %arg10[%get3A_49, %get3A_50] : memref<64x256xf32, #tpu.memory_space<vmem>>, vector<64x256xf32>
      %add3A = arith.addf %get3A_51, %dot_general3A_29 : vector<64x256xf32>
      %swap3A = arith.constant 0 : index
      %swap3A_52 = arith.constant 0 : index
      %swap3A_53 = vector.load %arg10[%swap3A, %swap3A_52] : memref<64x256xf32, #tpu.memory_space<vmem>>, vector<64x256xf32>
      tpu.vector_store %arg10[%swap3A, %swap3A_52], %add3A {strides = array<i32>} : memref<64x256xf32, #tpu.memory_space<vmem>>, vector<64x256xf32>,
      %get3A_54 = arith.constant 0 : index
      %get3A_55 = arith.constant 0 : index
      %get3A_56 = vector.load %arg11[%get3A_54, %get3A_55] : memref<64x256xf32, #tpu.memory_space<vmem>>, vector<64x256xf32>
      %add3A_57 = arith.addf %get3A_56, %dot_general3A_31 : vector<64x256xf32>
      %swap3A_58 = arith.constant 0 : index
      %swap3A_59 = arith.constant 0 : index
      %swap3A_60 = vector.load %arg11[%swap3A_58, %swap3A_59] : memref<64x256xf32, #tpu.memory_space<vmem>>, vector<64x256xf32>
      tpu.vector_store %arg11[%swap3A_58, %swap3A_59], %add3A_57 {strides = array<i32>} : memref<64x256xf32, #tpu.memory_space<vmem>>, vector<64x256xf32>,
      %get3A_61 = arith.constant 0 : index
      %get3A_62 = arith.constant 0 : index
      %get3A_63 = vector.load %arg12[%get3A_61, %get3A_62] : memref<64x8xf32, #tpu.memory_space<vmem>>, vector<64x8xf32>
      %add3A_64 = arith.addf %get3A_63, %dot_general3A_33 : vector<64x8xf32>
      %swap3A_65 = arith.constant 0 : index
      %swap3A_66 = arith.constant 0 : index
      %swap3A_67 = vector.load %arg12[%swap3A_65, %swap3A_66] : memref<64x8xf32, #tpu.memory_space<vmem>>, vector<64x8xf32>
      tpu.vector_store %arg12[%swap3A_65, %swap3A_66], %add3A_64 {strides = array<i32>} : memref<64x8xf32, #tpu.memory_space<vmem>>, vector<64x8xf32>,
      %get3A_68 = arith.constant 0 : index
      %get3A_69 = arith.constant 0 : index
      %get3A_70 = vector.load %arg13[%get3A_68, %get3A_69] : memref<64x8xf32, #tpu.memory_space<vmem>>, vector<64x8xf32>
      %add3A_71 = arith.addf %get3A_70, %dot_general3A_35 : vector<64x8xf32>
      %swap3A_72 = arith.constant 0 : index
      %swap3A_73 = arith.constant 0 : index
      %swap3A_74 = vector.load %arg13[%swap3A_72, %swap3A_73] : memref<64x8xf32, #tpu.memory_space<vmem>>, vector<64x8xf32>
      tpu.vector_store %arg13[%swap3A_72, %swap3A_73], %add3A_71 {strides = array<i32>} : memref<64x8xf32, #tpu.memory_space<vmem>>, vector<64x8xf32>,
    } else {
    }
    %eq3A_44 = arith.constant 4 : i32
    %eq3A_45 = arith.cmpi eq, %arg0, %eq3A_44 : i32
    %convert_element_type3A_46 = arith.extui %eq3A_45 : i1 to i32
    %cond3A_47 = arith.constant 0 : i32
    %cond3A_48 = arith.cmpi ne, %convert_element_type3A_46, %cond3A_47 : i32
    scf.if %cond3A_48 {
      %get3A_49 = arith.constant 0 : index
      %get3A_50 = arith.constant 0 : index
      %get3A_51 = vector.load %arg10[%get3A_49, %get3A_50] : memref<64x256xf32, #tpu.memory_space<vmem>>, vector<64x256xf32>
      %get3A_52 = arith.constant 0 : index
      %get3A_53 = arith.constant 0 : index
      %get3A_54 = vector.load %arg12[%get3A_52, %get3A_53] : memref<64x8xf32, #tpu.memory_space<vmem>>, vector<64x8xf32>
      %slice3A = vector.extract_strided_slice %get3A_54 {offsets = [0, 0], sizes = [64, 1], strides = [1, 1]} : vector<64x8xf32> to vector<64x1xf32>
      %max3A = arith.constant 1.000000e+00 : f32
      %max3A_55 = vector.broadcast %max3A : f32 to vector<64x1xf32>
      %max3A_56 = arith.maximumf %slice3A, %max3A_55 : vector<64x1xf32>
      %div3A = vector.broadcast %max3A_56 : vector<64x1xf32> to vector<64x256xf32>
      %div3A_57 = arith.divf %get3A_51, %div3A : vector<64x256xf32>
      %get3A_58 = arith.constant 0 : index
      %get3A_59 = arith.constant 0 : index
      %get3A_60 = vector.load %arg11[%get3A_58, %get3A_59] : memref<64x256xf32, #tpu.memory_space<vmem>>, vector<64x256xf32>
      %get3A_61 = arith.constant 0 : index
      %get3A_62 = arith.constant 0 : index
      %get3A_63 = vector.load %arg13[%get3A_61, %get3A_62] : memref<64x8xf32, #tpu.memory_space<vmem>>, vector<64x8xf32>
      %slice3A_64 = vector.extract_strided_slice %get3A_63 {offsets = [0, 0], sizes = [64, 1], strides = [1, 1]} : vector<64x8xf32> to vector<64x1xf32>
      %max3A_65 = arith.constant 1.000000e+00 : f32
      %max3A_66 = vector.broadcast %max3A_65 : f32 to vector<64x1xf32>
      %max3A_67 = arith.maximumf %slice3A_64, %max3A_66 : vector<64x1xf32>
      %div3A_68 = vector.broadcast %max3A_67 : vector<64x1xf32> to vector<64x256xf32>
      %div3A_69 = arith.divf %get3A_60, %div3A_68 : vector<64x256xf32>
      %add3A = arith.addf %div3A_57, %div3A_69 : vector<64x256xf32>
      %mul3A = arith.constant 5.000000e-01 : f32
      %mul3A_70 = vector.broadcast %mul3A : f32 to vector<64x256xf32>
      %mul3A_71 = arith.mulf %add3A, %mul3A_70 : vector<64x256xf32>
      %get3A_72 = arith.constant 0 : index
      %get3A_73 = arith.constant 0 : index
      %get3A_74 = vector.load %arg7[%get3A_72, %get3A_73] : memref<256x256xf32, #tpu.memory_space<vmem>>, vector<256x256xf32>
      %dot_general3A_75 = arith.constant dense<0.000000e+00> : vector<64x256xf32>
      %dot_general3A_76 = tpu.matmul %mul3A_71, %get3A_74, %dot_general3A_75 {dimension_numbers = #tpu.dot_dimension_numbers<[1], [1], [0], [0], [0, 0, 1, 0], [], []>, transpose_lhs_hint = false} : vector<64x256xf32>, vector<256x256xf32>, vector<64x256xf32> -> vector<64x256xf32>
      %get3A_77 = arith.constant 0 : index
      %get3A_78 = arith.constant 0 : index
      %get3A_79 = vector.load %arg8[%get3A_77, %get3A_78] : memref<1x256xf32, #tpu.memory_space<vmem>>, vector<1x256xf32>
      %add3A_80 = vector.broadcast %get3A_79 : vector<1x256xf32> to vector<64x256xf32>
      %add3A_81 = arith.addf %dot_general3A_76, %add3A_80 : vector<64x256xf32>
      %swap3A = arith.constant 0 : index
      %swap3A_82 = arith.constant 0 : index
      %swap3A_83 = vector.load %arg9[%swap3A, %swap3A_82] : memref<64x256xf32, #tpu.memory_space<vmem>>, vector<64x256xf32>
      tpu.vector_store %arg9[%swap3A, %swap3A_82], %add3A_81 {strides = array<i32>} : memref<64x256xf32, #tpu.memory_space<vmem>>, vector<64x256xf32>,
    } else {
    }
    return
  }
  func.func @transform_0(%arg0: i32) -> (i32, i32, i32) {
    %c0_i32 = arith.constant 0 : i32
    %c0_i32_0 = arith.constant 0 : i32
    %c0_i32_1 = arith.constant 0 : i32
    return %arg0, %c0_i32, %c0_i32_0 : i32, i32, i32
  }
  func.func @transform_1(%arg0: i32) -> (i32, i32, i32) {
    %c0_i32 = arith.constant 0 : i32
    %c0_i32_0 = arith.constant 0 : i32
    %c0_i32_1 = arith.constant 0 : i32
    return %arg0, %c0_i32, %c0_i32_0 : i32, i32, i32
  }
  func.func @transform_2(%arg0: i32) -> (i32, i32) {
    %c0_i32 = arith.constant 0 : i32
    %c0_i32_0 = arith.constant 0 : i32
    return %arg0, %c0_i32 : i32, i32
  }
  func.func @transform_3(%arg0: i32) -> (i32, i32) {
    %c0_i32 = arith.constant 0 : i32
    %c0_i32_0 = arith.constant 0 : i32
    return %arg0, %c0_i32 : i32, i32
  }
  func.func @transform_4(%arg0: i32) -> (i32, i32) {
    %c0_i32 = arith.constant 0 : i32
    %c0_i32_0 = arith.constant 0 : i32
    return %arg0, %c0_i32 : i32, i32
  }
  func.func @transform_5(%arg0: i32) -> (i32, i32) {
    %c0_i32 = arith.constant 0 : i32
    %c0_i32_0 = arith.constant 0 : i32
    return %arg0, %c0_i32 : i32, i32
  }
  func.func @transform_6(%arg0: i32) -> (i32, i32) {
    %c0_i32 = arith.constant 0 : i32
    %c0_i32_0 = arith.constant 0 : i32
    %c0_i32_1 = arith.constant 0 : i32
    return %c0_i32, %c0_i32_0 : i32, i32
  }
  func.func @transform_7(%arg0: i32) -> (i32, i32) {
    %c0_i32 = arith.constant 0 : i32
    %c0_i32_0 = arith.constant 0 : i32
    %c0_i32_1 = arith.constant 0 : i32
    return %c0_i32, %c0_i32_0 : i32, i32
  }
  func.func @transform_8(%arg0: i32) -> (i32, i32) {
    %c0_i32 = arith.constant 0 : i32
    %c0_i32_0 = arith.constant 0 : i32
    %c0_i32_1 = arith.constant 0 : i32
    return %c0_i32, %c0_i32_0 : i32, i32
  }
}

</mosaic_0001>

<sc_bundles>
// kernel: kernel.15.cloned.1.call-start
scs
__scs_entry_jumppad:
0x0: {  	(pc) =	sbr.rel $0x88, $3  }
0x1: {  	(tag) =	ssettag $0x0;
	lr =	simm.s32 $0x1  }
0x2: {  	[smem:$0x3F85] =	sst lr;
	_ =	strace $0xD0000000  }
0x3: {  	_ = 	snop  }
0x4: {  	_ = 	snop  }
0x5: {  	_ = 	snop  }
0x6: {  	_ = 	snop  }
0x7: {  	_ = 	snop  }
__scs_overlays_trampoline_lowered:
0x8: {  	[smem:$0x3F94] =	sst s0  }
0x9: {  	[smem:$0x3F95] =	sst s1  }
0xa: {  	[smem:$0x3F96] =	sst s2  }
0xb: {  	[smem:$0x3F97] =	sst s3  }
0xc: {  	[smem:$0x3F98] =	sst s4  }
0xd: {  	[smem:$0x3F99] =	sst s5  }
0xe: {  	[smem:$0x3F9A] =	sst s6  }
0xf: {  	[smem:$0x3F9B] =	sst s7  }
0x10: {  	[smem:$0x3F9C] =	sst s8  }
0x11: {  	[smem:$0x3F9D] =	sst s9;
	s0 =	simm.s32 @!p0 $0x0  }
0x12: {  	s1 =	sld [smem:$0x3F83];
	s0 =	simm.s32 @p0 $0x1  }
0x13: {  	[smem:$0x3F9E] =	sst s0;
	s0 =	simm.s32 @!p1 $0x0  }
0x14: {  	s2 =	sld [smem:$0x3F82];
	s0 =	simm.s32 @p1 $0x1  }
0x15: {  	[smem:$0x3F9F] =	sst s0;
	s0 =	simm.s32 @!p2 $0x0  }
0x16: {  	s3 =	sld [smem:$0x3FDB];
	s0 =	simm.s32 @p2 $0x1  }
0x17: {  	s4 =	simm.s32 $0x1BF5;
	[smem:$0x3FA1] =	sst s0  }
0x18: {  	s0 =	sld [smem:$0x3F84];
	_ =	swait.ge [sflag:s4], $0x0  }
0x19: {  	s7 =	sld [smem:$0x3F85]  }
0x1a: {  	s8 =	sadd.s32 $0xFFFFE003, lr  }
0x1b: {  	s9 =	sadd.s32 $0xFFFFFEF7, lr;
	s5 =	simm.s32 $0xFFFFFFFF;
	p2 =	slt.u32 s8, $0xFFFFF086  }
0x1c: {  	p1 =	slt.u32 s9, $0xF7A;
	s5 =	simm.s32 @!p2 $0x0  }
0x1d: {  	s5 =	simm.s32 @p1 $0x1;
	p0 =	seq.s32 s7, s2  }
0x1e: {  	s7 =	smul.u32 @!p0 $0xF7A, s2;
	p2 =	seq.s32 @!p0 s5, $0x0  }
0x1f: {  	s9 =	smul.u32 $0xF7A, s1;
	s8 =	simm.s32 @!p0 $0x1BF5;
	p2 =	por !p2, p0  }
0x20: {  	[sflag:s8] =	ssyncset.s32 @!p0 $0xFFFFF086;
	s6 =	sadd.s32 @!p0 s3, s7;
	s7 =	simm.s32 @!p0 $0x108  }
0x21: {  	s3 =	sadd.s32 s3, s9;
	s6 =	sadd.s32 @!p0 $0x88, s6;
	s7 =	simm.s32 @p2 $0x1082  }
0x22: {  	[simem:s7], [sflag:s8] =	dma.local @!p0 [hbm:s6], $0xF7A  }
0x23: {  	s9 =	sor.u32 $0xD0000000, s2;
	s6 =	simm.s32 $0x108;
	_ =	swait.ge @!p0 [sflag:s8], $0x0  }
0x24: {  	s3 =	sadd.s32 $0x88, s3;
	s6 =	simm.s32 @!p1 $0x1082;
	[sflag:s4] =	ssyncset.s32 $0xFFFFF086  }
0x25: {  	[simem:s6], [sflag:s4] =	dma.local [hbm:s3], $0xF7A  }
0x26: {  	[smem:$0x3F85] =	sst s1;
	(tag) =	ssettag s2;
	_ =	strace s9  }
0x27: {  	s1 =	sld [smem:$0x3F95]  }
0x28: {  	s2 =	sld [smem:$0x3F96]  }
0x29: {  	s4 =	sld [smem:$0x3F98]  }
0x2a: {  	p0 =	seq.s32 s5, $0x0;
	s5 =	sld [smem:$0x3F99]  }
0x2b: {  	s6 =	sld [smem:$0x3F9A]  }
0x2c: {  	s7 =	sld [smem:$0x3F9B]  }
0x2d: {  	s3 =	simm.s32 $0x108;
	s8 =	sld [smem:$0x3F9C]  }
0x2e: {  	s3 =	simm.s32 @!p0 $0x1082;
	s9 =	sld [smem:$0x3F9D]  }
0x2f: {  	lr =	sadd.s32 s0, s3;
	s0 =	sld [smem:$0x3F94]  }
0x30: {  	s3 =	sld [smem:$0x3F97]  }
0x31: {  	[smem:$0x3FA0] =	sst s10  }
0x32: {  	s10 =	sld [smem:$0x3F9E];
	_ =	sdelay $0x3  }
0x33: {  	p0 =	seq.s32 s10, $0x1;
	s10 =	sld [smem:$0x3FA0];
	_ =	sdelay $0x3  }
0x34: {  	[smem:$0x3FA0] =	sst s10  }
0x35: {  	s10 =	sld [smem:$0x3F9F];
	_ =	sdelay $0x3  }
0x36: {  	p1 =	seq.s32 s10, $0x1;
	s10 =	sld [smem:$0x3FA0];
	_ =	sdelay $0x3  }
0x37: {  	[smem:$0x3FA0] =	sst s10  }
0x38: {  	s10 =	sld [smem:$0x3FA1]  }
0x39: {  	_ = 	snop;
	(pc) =	sbr.ind lr, $3  }
0x3a: {  	_ = 	snop  }
0x3b: {  	_ = 	snop  }
0x3c: {  	p2 =	seq.s32 s10, $0x1;
	s10 =	sld [smem:$0x3FA0]  }
0x3d: {  	_ =	shalt  }
0x3e: {  	_ =	shalt  }
0x3f: {  	_ =	shalt  }
0x40: {  	_ =	shalt  }
0x41: {  	_ =	shalt  }
0x42: {  	_ =	shalt  }
0x43: {  	_ =	shalt  }
0x44: {  	_ =	shalt  }
0x45: {  	_ =	shalt  }
0x46: {  	_ =	shalt  }
0x47: {  	_ =	shalt  }
0x48: {  	_ =	shalt  }
0x49: {  	_ =	shalt  }
0x4a: {  	_ =	shalt  }
0x4b: {  	_ =	shalt  }
0x4c: {  	_ =	shalt  }
0x4d: {  	_ =	shalt  }
0x4e: {  	_ =	shalt  }
0x4f: {  	_ =	shalt  }
0x50: {  	_ =	shalt  }
0x51: {  	_ =	shalt  }
0x52: {  	_ =	shalt  }
0x53: {  	_ =	shalt  }
0x54: {  	_ =	shalt  }
0x55: {  	_ =	shalt  }
0x56: {  	_ =	shalt  }
0x57: {  	_ =	shalt  }
0x58: {  	_ =	shalt  }
0x59: {  	_ =	shalt  }
0x5a: {  	_ =	shalt  }
0x5b: {  	_ =	shalt  }
0x5c: {  	_ =	shalt  }
0x5d: {  	_ =	shalt  }
0x5e: {  	_ =	shalt  }
0x5f: {  	_ =	shalt  }
0x60: {  	_ =	shalt  }
0x61: {  	_ =	shalt  }
0x62: {  	_ =	shalt  }
0x63: {  	_ =	shalt  }
0x64: {  	_ =	shalt  }
0x65: {  	_ =	shalt  }
0x66: {  	_ =	shalt  }
0x67: {  	_ =	shalt  }
0x68: {  	_ =	shalt  }
0x69: {  	_ =	shalt  }
0x6a: {  	_ =	shalt  }
0x6b: {  	_ =	shalt  }
0x6c: {  	_ =	shalt  }
0x6d: {  	_ =	shalt  }
0x6e: {  	_ =	shalt  }
0x6f: {  	_ =	shalt  }
0x70: {  	_ =	shalt  }
0x71: {  	_ =	shalt  }
0x72: {  	_ =	shalt  }
0x73: {  	_ =	shalt  }
0x74: {  	_ =	shalt  }
0x75: {  	_ =	shalt  }
0x76: {  	_ =	shalt  }
0x77: {  	_ =	shalt  }
0x78: {  	_ =	shalt  }
0x79: {  	_ =	shalt  }
0x7a: {  	_ =	shalt  }
0x7b: {  	_ =	shalt  }
0x7c: {  	_ =	shalt  }
0x7d: {  	_ =	shalt  }
0x7e: {  	_ =	shalt  }
0x7f: {  	_ =	shalt  }
0x80: {  	_ =	shalt  }
0x81: {  	_ =	shalt  }
0x82: {  	_ =	shalt  }
0x83: {  	_ =	shalt  }
0x84: {  	_ =	shalt  }
0x85: {  	_ =	shalt  }
0x86: {  	_ =	shalt  }
0x87: {  	_ =	shalt  }
.Lfunc_end0:
.L_simem_size_0:
called_computation_lowered:
.L_overlay_start_0:
0x88: {  	s2 =	sld [smem:$0x3FD9]  }
0x89: {  	s3 =	sld [smem:$0x3FFE];
	_ =	sdelay $0x1  }
0x8a: {  	s1 =	srdreg.scid  }
0x8b: {  	s0 =	sand.u32 $0x1, s1  }
0x8c: {  	s17 =	sshll.u32 s0, $0xA;
	s2 =	sadd.s32 s3, s2  }
0x8d: {  	s2 =	sadd.s32 s2, s17  }
0x8e: {  	[smem:$0x3FAC] =	sst s2  }
0x8f: {  	_ = 	snop  }
0x90: {  	s18 =	sld [smem:$0x3FD0];
	(tm) =	ssettm $0x1  }
0x91: {  	s19 =	sld [smem:$0x3FFB];
	_ =	sdelay $0x3  }
0x92: {  	_ =	strace s19  }
0x93: {  	s2 =	sld [smem:$0x3FFC];
	_ =	sdelay $0x3  }
0x94: {  	_ =	strace s2  }
0x95: {  	s2 =	sld [smem:$0x3FFD];
	_ =	sdelay $0x3  }
0x96: {  	_ =	strace s2  }
0x97: {  	_ =	strace $0x8FFFFFFF  }
0x98: {  	s20 =	sld [smem:$0x3FDB];
	_ =	sdelay $0x1  }
0x99: {  	s4 =	simm.s32 $_scs_section_size  }
0x9a: {  	s5 =	simm.s32 $_size__tile_overlayer_lowered;
	s6 =	simm.s32 $_tile_overlayer_lowered  }
0x9b: {  	s7 =	simm.s32 $0x1BFF;
	s21 =	sshll.u32 s6, $0x1;
	s4 =	sadd.s32 s4, s20  }
0x9c: {  	s22 =	simm.s32 $0x0;
	s5 =	sshll.u32 s5, $0x1;
	s6 =	sadd.s32 s21, s4  }
0x9d: {  	[timem:s22], [sflag:s7] =	dma.local [hbm:s6], s5  }
0x9e: {  	_ =	swait.ge [sflag:s7], s5  }
0x9f: {  	s5 =	ssub.s32 $0x0, s5;
	[sflag:s7] =	ssyncset.done $0x0  }
0xa0: {  	[sflag:s7] =	ssyncadd.s32 s5;
	_ =	sdelay $0x1  }
0xa1: {  	s23 =	simm.s32 $0x1B8B  }
0xa2: {  	_ =	swait.ge [sflag:s23], $0x1  }
0xa3: {  	[sflag:s23] =	ssyncset.done $0x0  }
0xa4: {  	[sflag:s23] =	ssyncadd.s32 $0xFFFFFFFF  }
0xa5: {  	s5 =	sld [smem:$0x0]  }
0xa6: {  	s6 =	sand.u32 $0xFFFFFFFE, s1  }
0xa7: {  	p0 =	sne.s32 s1, s6  }
0xa8: {  	s6 =	sshll.u32 @p0 s6, $0xE  }
0xa9: {  	s6 =	sadd.s32 @p0 $0x11B8D, s6;
	s7 =	sshll.u32 @p0 s5, $0x11  }
0xaa: {  	s6 =	sor.u32 @p0 s7, s6  }
0xab: {  	[sflag:s6] =	ssyncadd.remote.s32 @p0 $0x1;
	_ =	sdelay $0x1  }
0xac: {  	s6 =	simm.s32 @p0 $0x1B8D  }
0xad: {  	_ =	swait.eq @p0 [sflag:s6], $0x1  }
0xae: {  	[sflag:s6] =	ssyncadd.s32 @p0 $0xFFFFFFFF  }
0xaf: {  	s7 =	sshll.u32 @!p0 s1, $0xE  }
0xb0: {  	s7 =	sor.u32 @!p0 $0x4000, s7;
	s6 =	simm.s32 @!p0 $0x1B8D  }
0xb1: {  	s5 =	sshll.u32 @!p0 s5, $0x11;
	s7 =	sadd.s32 @!p0 $0x11B8D, s7;
	_ =	swait.eq @!p0 [sflag:s6], $0x1  }
0xb2: {  	s5 =	sor.u32 @!p0 s5, s7;
	[sflag:s6] =	ssyncadd.s32 @!p0 $0xFFFFFFFF  }
0xb3: {  	s25 =	simm.s32 $0x1B8E;
	s24 =	sld [smem:$0x3FFE];
	[sflag:s5] =	ssyncadd.remote.s32 @!p0 $0x1  }
0xb4: {  	s26 =	simm.s32 $execute0_lowered;
	[smem:$0x3FD2] =	sst s25  }
0xb5: {  	s6 =	sshll.u32 s26, $0x1;
	_ =	strace $0x8000004C;
	[dreg:$0x1] =	wrdreg $0xFFFFFFFF  }
0xb6: {  	s28 =	simm.s32 $_size_execute0_lowered;
	s4 =	sadd.s32 s4, s6;
	[dreg:$0x0] =	wrdreg $0x0  }
0xb7: {  	s6 =	sshll.u32 s28, $0x1;
	[dreg:$0x2] =	wrdreg s4  }
0xb8: {  	[dreg:$0x3] =	wrdreg s6  }
0xb9: {  	[dreg:$0x4] =	wrdreg $0xC0  }
0xba: {  	_ =	task [dreg:s22], $0x5FFFF  }
0xbb: {  	[dreg:$0x1] =	wrdreg $0xFFFFFFFF  }
0xbc: {  	[dreg:$0x0] =	wrdreg $0x60  }
0xbd: {  	[dreg:$0x2] =	wrdreg s24  }
0xbe: {  	[dreg:$0x3] =	wrdreg s18  }
0xbf: {  	[dreg:$0x4] =	wrdreg $0x0  }
0xc0: {  	[dreg:$0x5] =	wrdreg $0x9  }
0xc1: {  	_ =	task.clear_ibuf [dreg:s22], $0x6FFFF;
	_ =	strace $0x9000004C  }
0xc2: {  	s29 =	simm.s32 $0x9;
	_ =	strace $0x8000004E  }
0xc3: {  	_ =	swait.ge [sflag:s29], $0x1  }
0xc4: {  	[sflag:s29] =	ssyncadd.s32 $0xFFFFFFFF  }
0xc5: {  	_ =	strace $0x9000004E  }
0xc6: {  	_ =	sfence  }
0xc7: {  	s30 =	sld [smem:$0x0];
	_ =	sdelay $0x2  }
0xc8: {  	s31 =	sshll.u32 s1, $0xD;
	s1 =	sshrl.u32 s1, $0x2  }
0xc9: {  	s4 =	sand.u32 $0x4000, s31;
	s1 =	sadd.s32 s1, s30  }
0xca: {  	s0 =	sor.u32 s4, s0;
	s1 =	sshll.u32 s1, $0x11  }
0xcb: {  	s0 =	sor.u32 s1, s0  }
0xcc: {  	s0 =	sadd.s32 $0x8F2B, s0  }
0xcd: {  	[sflag:s0] =	ssyncadd.remote.s32 $0x1  }
0xce: {  	_ =	sfence.sel $0xFFFF  }
0xcf: {  	[dreg:$0x0] =	wrdreg $0xFFFFFFFF;
	(pc) =	sbr.abs _section_cstart, $3  }
0xd0: {  	[dreg:$0x1] =	wrdreg $0xFFFFFFFF  }
0xd1: {  	_ =	task.clear_ibuf [dreg:s22], $0x2FFFF;
	_ =	strace $0x9FFFFFFF  }
0xd2: {  	(tm) =	ssettm $0x7FFFFFFF  }
0xd3: {  	_ =	shalt  }
tec
execute0_lowered:
.L_overlay_start_1:
0x0: {  	(tag) =	ssettag $0x1  }
0x1: {  	s6 =	rddreg [dreg:$0x0]  }
0x2: {  	s2 =	rddreg [dreg:$0x1]  }
0x3: {  	s3 =	rddreg [dreg:$0x2]  }
0x4: {  	s0 =	rddreg [dreg:$0x3];
	s1 =	stileid.u32;
	s4 =	simm.s32 $0x0  }
0x5: {  	s7 =	srdreg.scid;
	s13 =	simm.s32 $0x16400;
	s5 =	smul.u32 $0x500, s1  }
0x6: {  	s14 =	simm.s32 $0x80;
	[smem:$0x7FF] =	sst s4;
	s8 =	smul.u32 $0x2780, s1  }
0x7: {  	s9 =	sand.u32 $0x1, s7;
	s10 =	smul.u32 $0x4F000, s1;
	s31 =	sshll.u32 s1, $0x6  }
0x8: {  	_ =	strace $0x8000004D;
	s7 =	ssub.s32 $0x2, s9;
	p0 =	sne.s32 s9, $0x0  }
.Ltmp0:
0x9: {  	s9 =	sor.u32 $0x1C01, s31;
	s11 =	sadd.s32 s5, s6;
	(pc) =	sbr.rel .LBB2_1-.Ltmp0, $4  }
0xa: {  	s5 =	sadd.s32 $0xBA00, s6;
	s12 =	sshrl.u32 s7, $0x1;
	s30 =	sshrl.u32 s10, $0x2  }
0xb: {  	s8 =	sadd.s32 s8, s6;
	s12 =	ssub.s32 s7, s12;
	s10 =	sadd.s32 s30, s3  }
0xc: {  	s6 =	sadd.s32 $0x12B000, s11;
	s7 =	sadd.s32 $0x130000, s8;
	s11 =	simm.s32 $0x1  }
0xd: {  	s8 =	smax.u32 s12, $0x1;
	s10 =	sshrl.u32 s10, $0x3;
	s12 =	simm.s32 $0x13C00  }
.LBB2_7:
0xe: {  	[bflag:$0x0] =	sbarrier.arrive $0xFFFF  }
0xf: {  	[bflag:$0x0] =	sbarrier.arrive $0xFFFF  }
.LBB2_5:
0x10: {  	s4 =	sadd.s32 $0x1, s4  }
0x11: {  	p1 =	sne.s32 s4, s8  }
.Ltmp1:
0x12: {  	_ = 	snop;
	(pc) =	sbr.rel @!p1 .LBB2_6-.Ltmp1, $1  }
0x13: {  	_ =	sdelay $0x3  }
.LBB2_1:
.Ltmp2:
0x14: {  	(pc) =	sbr.rel @p0 .LBB2_7-.Ltmp2, $1  }
0x15: {  	_ =	sdelay $0x3  }
0x16: {  	[spmem:s10], [sflag:s9] =	dma.local [hbm:s5], $0x2780  }
0x17: {  	_ =	swait.ge [sflag:s11], $0x2780  }
0x18: {  	[sflag:s11] =	ssyncset.done $0x0  }
0x19: {  	s15 =	simm.s32 $0x0;
	[sflag:s11] =	ssyncadd.s32 $0xFFFFD880  }
0x1a: {  	[tilespmem:s12], [sflag:$0x1] =	stream.linear.gather [hbm4b:s6+s15], $0x2800, $0x38;
	[tilespmem:$0x1A400] =	vst v63  }
0x1b: {  	_ =	swait.ge [sflag:s11], $0x2800  }
0x1c: {  	[sflag:s11] =	ssyncset.done $0x0  }
0x1d: {  	[sflag:s11] =	ssyncadd.s32 $0xFFFFD800  }
0x1e: {  	[tilespmem:s13], [sflag:$0x1] =	stream.linear.gather [hbm4b:s2+s15], $0x4000, $0x38;
	[tilespmem:$0x1A400] =	vst v63  }
0x1f: {  	_ =	swait.ge [sflag:s11], $0x4000  }
0x20: {  	[sflag:s11] =	ssyncset.done $0x0  }
0x21: {  	[sflag:s11] =	ssyncadd.s32 $0xFFFFC000  }
0x22: {  	s31 =	simm.s32 $0x13C00;
	[bflag:$0x0] =	sbarrier.arrive $0xFFFF  }
0x23: {  	[spmem:s3] =	stream.indirect.scatter.add.f32 [tilespmem:s13], [sflag:$0x1], $0x80, s31, s14, $0xb8;
	[tilespmem:$0x1A400] =	vst v63  }
0x24: {  	s15 =	simm.s32 $0x200;
	_ =	swait.ge [sflag:s11], $0x4000  }
.LBB2_3:
0x25: {  	s16 =	sshra.s32 s15, $0x2;
	[sflag:s11] =	ssyncset.done $0x0;
	p1 =	seq.s32 s15, $0x9E00  }
.Ltmp3:
0x26: {  	s16 =	sadd.s32 $0x13C00, s16;
	[sflag:s11] =	ssyncadd.s32 $0xFFFFC000;
	(pc) =	sbr.rel @!p1 .LBB2_3-.Ltmp3, $3  }
0x27: {  	[spmem:s3] =	stream.indirect.scatter.add.f32 [tilespmem:s13], [sflag:$0x1], $0x80, s16, s14, $0xb8;
	[tilespmem:$0x1A400] =	vst v63  }
0x28: {  	s15 =	sadd.s32 $0x200, s15;
	_ =	sdelay $0x1  }
0x29: {  	_ =	swait.ge [sflag:s11], $0x4000  }
0x2a: {  	[sflag:s11] =	ssyncset.done $0x0  }
0x2b: {  	[sflag:s11] =	ssyncadd.s32 $0xFFFFC000  }
.Ltmp4:
0x2c: {  	[bflag:$0x0] =	sbarrier.arrive $0xFFFF;
	(pc) =	sbr.rel .LBB2_5-.Ltmp4, $4  }
0x2d: {  	[hbm:s7], [sflag:s9] =	dma.local [spmem:s10], $0x2780  }
0x2e: {  	_ =	swait.ge [sflag:s11], $0x2780  }
0x2f: {  	[sflag:s11] =	ssyncset.done $0x0  }
0x30: {  	[sflag:s11] =	ssyncadd.s32 $0xFFFFD880  }
.LBB2_6:
0x31: {  	_ =	sfence.sel $0x180000  }
0x32: {  	[bflag:$0x0] =	sbarrier.arrive $0xFFFF  }
0x33: {  	p0 =	sne.s32 s1, $0x0;
	_ =	strace $0x9000004D  }
0x34: {  	s0 =	sadd.s32 @!p0 $0x100000, s0;
	[bflag:$0x2] =	sbarrier.arrive $0xFFFF  }
0x35: {  	[sflag:s0] =	ssyncadd.tile.s32 @!p0 $0x1;
	_ =	shalt  }
.Lfunc_end2:
_tile_overlayer_lowered:
.L_overlay_start_2:
0x36: {  	(tag) =	ssettag $0x2  }
0x37: {  	s0 =	rddreg [dreg:$0x0];
	s2 =	stileid.u32  }
0x38: {  	s1 =	rddreg [dreg:$0x1];
	p0 =	sne.s32 s2, $0x0  }
0x39: {  	s3 =	rddreg [dreg:$0x2];
	[bflag:$0x3] =	sbarrier.arrive $0xFFFF;
	s2 =	simm.s32 @!p0 $0x1C01  }
0x3a: {  	[timem:s3], [sflag:s2] =	dma.local @!p0 [hbm:s0], s1  }
0x3b: {  	s0 =	simm.s32 @!p0 $0x1  }
0x3c: {  	_ =	swait.ge @!p0 [sflag:s0], s1  }
0x3d: {  	s1 =	ssub.s32 @!p0 $0x0, s1;
	[sflag:s0] =	ssyncset.done @!p0 $0x0  }
0x3e: {  	[sflag:s0] =	ssyncadd.s32 @!p0 s1  }
0x3f: {  	[bflag:$0x3] =	sbarrier.arrive $0xFFFF  }
0x40: {  	_ =	shalt  }

// kernel: kernel.18.cloned.1.call-start
scs
__scs_entry_jumppad:
0x0: {  	(pc) =	sbr.rel $0x88, $3  }
0x1: {  	(tag) =	ssettag $0x0;
	lr =	simm.s32 $0x1  }
0x2: {  	[smem:$0x3F85] =	sst lr;
	_ =	strace $0xD0000000  }
0x3: {  	_ = 	snop  }
0x4: {  	_ = 	snop  }
0x5: {  	_ = 	snop  }
0x6: {  	_ = 	snop  }
0x7: {  	_ = 	snop  }
__scs_overlays_trampoline_lowered:
0x8: {  	[smem:$0x3F94] =	sst s0  }
0x9: {  	[smem:$0x3F95] =	sst s1  }
0xa: {  	[smem:$0x3F96] =	sst s2  }
0xb: {  	[smem:$0x3F97] =	sst s3  }
0xc: {  	[smem:$0x3F98] =	sst s4  }
0xd: {  	[smem:$0x3F99] =	sst s5  }
0xe: {  	[smem:$0x3F9A] =	sst s6  }
0xf: {  	[smem:$0x3F9B] =	sst s7  }
0x10: {  	[smem:$0x3F9C] =	sst s8  }
0x11: {  	[smem:$0x3F9D] =	sst s9;
	s0 =	simm.s32 @!p0 $0x0  }
0x12: {  	s1 =	sld [smem:$0x3F83];
	s0 =	simm.s32 @p0 $0x1  }
0x13: {  	[smem:$0x3F9E] =	sst s0;
	s0 =	simm.s32 @!p1 $0x0  }
0x14: {  	s2 =	sld [smem:$0x3F82];
	s0 =	simm.s32 @p1 $0x1  }
0x15: {  	[smem:$0x3F9F] =	sst s0;
	s0 =	simm.s32 @!p2 $0x0  }
0x16: {  	s3 =	sld [smem:$0x3FDB];
	s0 =	simm.s32 @p2 $0x1  }
0x17: {  	s4 =	simm.s32 $0x1BF5;
	[smem:$0x3FA1] =	sst s0  }
0x18: {  	s0 =	sld [smem:$0x3F84];
	_ =	swait.ge [sflag:s4], $0x0  }
0x19: {  	s7 =	sld [smem:$0x3F85]  }
0x1a: {  	s8 =	sadd.s32 $0xFFFFE003, lr  }
0x1b: {  	s9 =	sadd.s32 $0xFFFFFEF7, lr;
	s5 =	simm.s32 $0xFFFFFFFF;
	p2 =	slt.u32 s8, $0xFFFFF086  }
0x1c: {  	p1 =	slt.u32 s9, $0xF7A;
	s5 =	simm.s32 @!p2 $0x0  }
0x1d: {  	s5 =	simm.s32 @p1 $0x1;
	p0 =	seq.s32 s7, s2  }
0x1e: {  	s7 =	smul.u32 @!p0 $0xF7A, s2;
	p2 =	seq.s32 @!p0 s5, $0x0  }
0x1f: {  	s9 =	smul.u32 $0xF7A, s1;
	s8 =	simm.s32 @!p0 $0x1BF5;
	p2 =	por !p2, p0  }
0x20: {  	[sflag:s8] =	ssyncset.s32 @!p0 $0xFFFFF086;
	s6 =	sadd.s32 @!p0 s3, s7;
	s7 =	simm.s32 @!p0 $0x108  }
0x21: {  	s3 =	sadd.s32 s3, s9;
	s6 =	sadd.s32 @!p0 $0x88, s6;
	s7 =	simm.s32 @p2 $0x1082  }
0x22: {  	[simem:s7], [sflag:s8] =	dma.local @!p0 [hbm:s6], $0xF7A  }
0x23: {  	s9 =	sor.u32 $0xD0000000, s2;
	s6 =	simm.s32 $0x108;
	_ =	swait.ge @!p0 [sflag:s8], $0x0  }
0x24: {  	s3 =	sadd.s32 $0x88, s3;
	s6 =	simm.s32 @!p1 $0x1082;
	[sflag:s4] =	ssyncset.s32 $0xFFFFF086  }
0x25: {  	[simem:s6], [sflag:s4] =	dma.local [hbm:s3], $0xF7A  }
0x26: {  	[smem:$0x3F85] =	sst s1;
	(tag) =	ssettag s2;
	_ =	strace s9  }
0x27: {  	s1 =	sld [smem:$0x3F95]  }
0x28: {  	s2 =	sld [smem:$0x3F96]  }
0x29: {  	s4 =	sld [smem:$0x3F98]  }
0x2a: {  	p0 =	seq.s32 s5, $0x0;
	s5 =	sld [smem:$0x3F99]  }
0x2b: {  	s6 =	sld [smem:$0x3F9A]  }
0x2c: {  	s7 =	sld [smem:$0x3F9B]  }
0x2d: {  	s3 =	simm.s32 $0x108;
	s8 =	sld [smem:$0x3F9C]  }
0x2e: {  	s3 =	simm.s32 @!p0 $0x1082;
	s9 =	sld [smem:$0x3F9D]  }
0x2f: {  	lr =	sadd.s32 s0, s3;
	s0 =	sld [smem:$0x3F94]  }
0x30: {  	s3 =	sld [smem:$0x3F97]  }
0x31: {  	[smem:$0x3FA0] =	sst s10  }
0x32: {  	s10 =	sld [smem:$0x3F9E];
	_ =	sdelay $0x3  }
0x33: {  	p0 =	seq.s32 s10, $0x1;
	s10 =	sld [smem:$0x3FA0];
	_ =	sdelay $0x3  }
0x34: {  	[smem:$0x3FA0] =	sst s10  }
0x35: {  	s10 =	sld [smem:$0x3F9F];
	_ =	sdelay $0x3  }
0x36: {  	p1 =	seq.s32 s10, $0x1;
	s10 =	sld [smem:$0x3FA0];
	_ =	sdelay $0x3  }
0x37: {  	[smem:$0x3FA0] =	sst s10  }
0x38: {  	s10 =	sld [smem:$0x3FA1]  }
0x39: {  	_ = 	snop;
	(pc) =	sbr.ind lr, $3  }
0x3a: {  	_ = 	snop  }
0x3b: {  	_ = 	snop  }
0x3c: {  	p2 =	seq.s32 s10, $0x1;
	s10 =	sld [smem:$0x3FA0]  }
0x3d: {  	_ =	shalt  }
0x3e: {  	_ =	shalt  }
0x3f: {  	_ =	shalt  }
0x40: {  	_ =	shalt  }
0x41: {  	_ =	shalt  }
0x42: {  	_ =	shalt  }
0x43: {  	_ =	shalt  }
0x44: {  	_ =	shalt  }
0x45: {  	_ =	shalt  }
0x46: {  	_ =	shalt  }
0x47: {  	_ =	shalt  }
0x48: {  	_ =	shalt  }
0x49: {  	_ =	shalt  }
0x4a: {  	_ =	shalt  }
0x4b: {  	_ =	shalt  }
0x4c: {  	_ =	shalt  }
0x4d: {  	_ =	shalt  }
0x4e: {  	_ =	shalt  }
0x4f: {  	_ =	shalt  }
0x50: {  	_ =	shalt  }
0x51: {  	_ =	shalt  }
0x52: {  	_ =	shalt  }
0x53: {  	_ =	shalt  }
0x54: {  	_ =	shalt  }
0x55: {  	_ =	shalt  }
0x56: {  	_ =	shalt  }
0x57: {  	_ =	shalt  }
0x58: {  	_ =	shalt  }
0x59: {  	_ =	shalt  }
0x5a: {  	_ =	shalt  }
0x5b: {  	_ =	shalt  }
0x5c: {  	_ =	shalt  }
0x5d: {  	_ =	shalt  }
0x5e: {  	_ =	shalt  }
0x5f: {  	_ =	shalt  }
0x60: {  	_ =	shalt  }
0x61: {  	_ =	shalt  }
0x62: {  	_ =	shalt  }
0x63: {  	_ =	shalt  }
0x64: {  	_ =	shalt  }
0x65: {  	_ =	shalt  }
0x66: {  	_ =	shalt  }
0x67: {  	_ =	shalt  }
0x68: {  	_ =	shalt  }
0x69: {  	_ =	shalt  }
0x6a: {  	_ =	shalt  }
0x6b: {  	_ =	shalt  }
0x6c: {  	_ =	shalt  }
0x6d: {  	_ =	shalt  }
0x6e: {  	_ =	shalt  }
0x6f: {  	_ =	shalt  }
0x70: {  	_ =	shalt  }
0x71: {  	_ =	shalt  }
0x72: {  	_ =	shalt  }
0x73: {  	_ =	shalt  }
0x74: {  	_ =	shalt  }
0x75: {  	_ =	shalt  }
0x76: {  	_ =	shalt  }
0x77: {  	_ =	shalt  }
0x78: {  	_ =	shalt  }
0x79: {  	_ =	shalt  }
0x7a: {  	_ =	shalt  }
0x7b: {  	_ =	shalt  }
0x7c: {  	_ =	shalt  }
0x7d: {  	_ =	shalt  }
0x7e: {  	_ =	shalt  }
0x7f: {  	_ =	shalt  }
0x80: {  	_ =	shalt  }
0x81: {  	_ =	shalt  }
0x82: {  	_ =	shalt  }
0x83: {  	_ =	shalt  }
0x84: {  	_ =	shalt  }
0x85: {  	_ =	shalt  }
0x86: {  	_ =	shalt  }
0x87: {  	_ =	shalt  }
.Lfunc_end0:
.L_simem_size_0:
called_computation.1_lowered:
.L_overlay_start_0:
0x88: {  	s2 =	sld [smem:$0x3FD9]  }
0x89: {  	s3 =	sld [smem:$0x3FFE];
	_ =	sdelay $0x1  }
0x8a: {  	s1 =	srdreg.scid  }
0x8b: {  	s0 =	sand.u32 $0x1, s1  }
0x8c: {  	s17 =	sshll.u32 s0, $0xA;
	s2 =	sadd.s32 s3, s2  }
0x8d: {  	s2 =	sadd.s32 s2, s17  }
0x8e: {  	[smem:$0x3FAC] =	sst s2  }
0x8f: {  	_ = 	snop  }
0x90: {  	s2 =	sld [smem:$0x3FD0];
	(tm) =	ssettm $0x1  }
0x91: {  	s18 =	sld [smem:$0x3FFB];
	_ =	sdelay $0x3  }
0x92: {  	_ =	strace s18  }
0x93: {  	s3 =	sld [smem:$0x3FFC];
	_ =	sdelay $0x3  }
0x94: {  	_ =	strace s3  }
0x95: {  	s3 =	sld [smem:$0x3FFD];
	_ =	sdelay $0x3  }
0x96: {  	_ =	strace s3  }
0x97: {  	_ =	strace $0x8FFFFFFF  }
0x98: {  	s19 =	sld [smem:$0x3FDB];
	_ =	sdelay $0x1  }
0x99: {  	s4 =	simm.s32 $_scs_section_size  }
0x9a: {  	s5 =	simm.s32 $_size__tile_overlayer_lowered;
	s6 =	simm.s32 $_tile_overlayer_lowered  }
0x9b: {  	s22 =	simm.s32 $0x1BFF;
	s21 =	sshll.u32 s6, $0x1;
	s3 =	sadd.s32 s4, s19  }
0x9c: {  	s7 =	simm.s32 $0x0;
	s20 =	sshll.u32 s5, $0x1;
	s5 =	sadd.s32 s21, s3  }
0x9d: {  	[timem:s7], [sflag:s22] =	dma.local [hbm:s5], s20  }
0x9e: {  	_ =	swait.ge [sflag:s22], s20  }
0x9f: {  	s4 =	ssub.s32 $0x0, s20;
	[sflag:s22] =	ssyncset.done $0x0  }
0xa0: {  	[sflag:s22] =	ssyncadd.s32 s4;
	_ =	sdelay $0x1  }
0xa1: {  	s23 =	simm.s32 $0x1B8B  }
0xa2: {  	_ =	swait.ge [sflag:s23], $0x1  }
0xa3: {  	[sflag:s23] =	ssyncset.done $0x0  }
0xa4: {  	s25 =	simm.s32 $0x1B8E;
	s24 =	sld [smem:$0x3FFE];
	[sflag:s23] =	ssyncadd.s32 $0xFFFFFFFF  }
0xa5: {  	s26 =	simm.s32 $execute0_lowered;
	[smem:$0x3FD2] =	sst s25  }
0xa6: {  	s5 =	sshll.u32 s26, $0x1;
	_ =	strace $0x80000046;
	[dreg:$0x1] =	wrdreg $0xFFFFFFFF  }
0xa7: {  	s28 =	simm.s32 $_size_execute0_lowered;
	s3 =	sadd.s32 s3, s5;
	[dreg:$0x0] =	wrdreg $0x0  }
0xa8: {  	s5 =	sshll.u32 s28, $0x1;
	[dreg:$0x2] =	wrdreg s3  }
0xa9: {  	[dreg:$0x3] =	wrdreg s5  }
0xaa: {  	[dreg:$0x4] =	wrdreg $0xC0  }
0xab: {  	_ =	task [dreg:s7], $0x5FFFF  }
0xac: {  	[dreg:$0x1] =	wrdreg $0xFFFFFFFF  }
0xad: {  	[dreg:$0x0] =	wrdreg $0x60  }
0xae: {  	[dreg:$0x2] =	wrdreg s24  }
0xaf: {  	[dreg:$0x3] =	wrdreg s2  }
0xb0: {  	[dreg:$0x4] =	wrdreg $0x0  }
0xb1: {  	[dreg:$0x5] =	wrdreg $0xB  }
0xb2: {  	_ =	task.clear_ibuf [dreg:s7], $0x6FFFF;
	_ =	strace $0x90000046  }
0xb3: {  	s29 =	simm.s32 $0xB;
	_ =	strace $0x80000048  }
0xb4: {  	_ =	swait.ge [sflag:s29], $0x1  }
0xb5: {  	[sflag:s29] =	ssyncadd.s32 $0xFFFFFFFF  }
0xb6: {  	_ =	strace $0x90000048  }
0xb7: {  	_ =	sfence  }
0xb8: {  	s30 =	sld [smem:$0x0];
	_ =	sdelay $0x2  }
0xb9: {  	s31 =	sshll.u32 s1, $0xD;
	s1 =	sshrl.u32 s1, $0x2  }
0xba: {  	s3 =	sand.u32 $0x4000, s31;
	s1 =	sadd.s32 s1, s30  }
0xbb: {  	s0 =	sor.u32 s3, s0;
	s1 =	sshll.u32 s1, $0x11  }
0xbc: {  	s0 =	sor.u32 s1, s0  }
0xbd: {  	s0 =	sadd.s32 $0x8F2B, s0  }
0xbe: {  	[sflag:s0] =	ssyncadd.remote.s32 $0x1  }
0xbf: {  	_ =	sfence.sel $0xFFFF  }
0xc0: {  	[dreg:$0x0] =	wrdreg $0xFFFFFFFF;
	(pc) =	sbr.abs _section_cstart, $3  }
0xc1: {  	[dreg:$0x1] =	wrdreg $0xFFFFFFFF  }
0xc2: {  	_ =	task.clear_ibuf [dreg:s7], $0x2FFFF;
	_ =	strace $0x9FFFFFFF  }
0xc3: {  	(tm) =	ssettm $0x7FFFFFFF  }
tec
execute0_lowered:
.L_overlay_start_1:
0x0: {  	(tag) =	ssettag $0x1  }
0x1: {  	s6 =	rddreg [dreg:$0x0]  }
0x2: {  	s2 =	rddreg [dreg:$0x1]  }
0x3: {  	s3 =	rddreg [dreg:$0x2]  }
0x4: {  	s0 =	rddreg [dreg:$0x3];
	s1 =	stileid.u32;
	s4 =	simm.s32 $0x0  }
0x5: {  	s7 =	srdreg.scid;
	s13 =	simm.s32 $0x16400;
	s5 =	smul.u32 $0x500, s1  }
0x6: {  	s14 =	simm.s32 $0x80;
	[smem:$0x7FF] =	sst s4;
	s8 =	smul.u32 $0x2780, s1  }
0x7: {  	s9 =	sand.u32 $0x1, s7;
	s10 =	smul.u32 $0x4F000, s1;
	s31 =	sshll.u32 s1, $0x6  }
0x8: {  	_ =	strace $0x80000047;
	s7 =	ssub.s32 $0x2, s9;
	p0 =	sne.s32 s9, $0x0  }
.Ltmp0:
0x9: {  	s9 =	sor.u32 $0x1C01, s31;
	s11 =	sadd.s32 s5, s6;
	(pc) =	sbr.rel .LBB2_1-.Ltmp0, $4  }
0xa: {  	s5 =	sadd.s32 $0xBA00, s6;
	s12 =	sshrl.u32 s7, $0x1;
	s30 =	sshrl.u32 s10, $0x2  }
0xb: {  	s8 =	sadd.s32 s8, s6;
	s12 =	ssub.s32 s7, s12;
	s10 =	sadd.s32 s30, s3  }
0xc: {  	s6 =	sadd.s32 $0x6A00, s11;
	s7 =	sadd.s32 $0xE200, s8;
	s11 =	simm.s32 $0x1  }
0xd: {  	s8 =	smax.u32 s12, $0x1;
	s10 =	sshrl.u32 s10, $0x3;
	s12 =	simm.s32 $0x13C00  }
.LBB2_7:
0xe: {  	[bflag:$0x0] =	sbarrier.arrive $0xFFFF  }
0xf: {  	[bflag:$0x0] =	sbarrier.arrive $0xFFFF  }
.LBB2_5:
0x10: {  	s4 =	sadd.s32 $0x1, s4  }
0x11: {  	p1 =	sne.s32 s4, s8  }
.Ltmp1:
0x12: {  	_ = 	snop;
	(pc) =	sbr.rel @!p1 .LBB2_6-.Ltmp1, $1  }
0x13: {  	_ =	sdelay $0x3  }
.LBB2_1:
.Ltmp2:
0x14: {  	(pc) =	sbr.rel @p0 .LBB2_7-.Ltmp2, $1  }
0x15: {  	_ =	sdelay $0x3  }
0x16: {  	[spmem:s10], [sflag:s9] =	dma.local [hbm:s5], $0x2780  }
0x17: {  	_ =	swait.ge [sflag:s11], $0x2780  }
0x18: {  	[sflag:s11] =	ssyncset.done $0x0  }
0x19: {  	s15 =	simm.s32 $0x0;
	[sflag:s11] =	ssyncadd.s32 $0xFFFFD880  }
0x1a: {  	[tilespmem:s12], [sflag:$0x1] =	stream.linear.gather [hbm4b:s6+s15], $0x2800, $0x38;
	[tilespmem:$0x1A400] =	vst v63  }
0x1b: {  	_ =	swait.ge [sflag:s11], $0x2800  }
0x1c: {  	[sflag:s11] =	ssyncset.done $0x0  }
0x1d: {  	[sflag:s11] =	ssyncadd.s32 $0xFFFFD800  }
0x1e: {  	[tilespmem:s13], [sflag:$0x1] =	stream.linear.gather [hbm4b:s2+s15], $0x4000, $0x38;
	[tilespmem:$0x1A400] =	vst v63  }
0x1f: {  	_ =	swait.ge [sflag:s11], $0x4000  }
0x20: {  	[sflag:s11] =	ssyncset.done $0x0  }
0x21: {  	[sflag:s11] =	ssyncadd.s32 $0xFFFFC000  }
0x22: {  	s31 =	simm.s32 $0x13C00;
	[bflag:$0x0] =	sbarrier.arrive $0xFFFF  }
0x23: {  	[spmem:s3] =	stream.indirect.scatter.add.f32 [tilespmem:s13], [sflag:$0x1], $0x80, s31, s14, $0xb8;
	[tilespmem:$0x1A400] =	vst v63  }
0x24: {  	s15 =	simm.s32 $0x200;
	_ =	swait.ge [sflag:s11], $0x4000  }
.LBB2_3:
0x25: {  	s16 =	sshra.s32 s15, $0x2;
	[sflag:s11] =	ssyncset.done $0x0;
	p1 =	seq.s32 s15, $0x9E00  }
.Ltmp3:
0x26: {  	s16 =	sadd.s32 $0x13C00, s16;
	[sflag:s11] =	ssyncadd.s32 $0xFFFFC000;
	(pc) =	sbr.rel @!p1 .LBB2_3-.Ltmp3, $3  }
0x27: {  	[spmem:s3] =	stream.indirect.scatter.add.f32 [tilespmem:s13], [sflag:$0x1], $0x80, s16, s14, $0xb8;
	[tilespmem:$0x1A400] =	vst v63  }
0x28: {  	s15 =	sadd.s32 $0x200, s15;
	_ =	sdelay $0x1  }
0x29: {  	_ =	swait.ge [sflag:s11], $0x4000  }
0x2a: {  	[sflag:s11] =	ssyncset.done $0x0  }
0x2b: {  	[sflag:s11] =	ssyncadd.s32 $0xFFFFC000  }
.Ltmp4:
0x2c: {  	[bflag:$0x0] =	sbarrier.arrive $0xFFFF;
	(pc) =	sbr.rel .LBB2_5-.Ltmp4, $4  }
0x2d: {  	[hbm:s7], [sflag:s9] =	dma.local [spmem:s10], $0x2780  }
0x2e: {  	_ =	swait.ge [sflag:s11], $0x2780  }
0x2f: {  	[sflag:s11] =	ssyncset.done $0x0  }
0x30: {  	[sflag:s11] =	ssyncadd.s32 $0xFFFFD880  }
.LBB2_6:
0x31: {  	_ =	sfence.sel $0x180000  }
0x32: {  	[bflag:$0x0] =	sbarrier.arrive $0xFFFF  }
0x33: {  	p0 =	sne.s32 s1, $0x0;
	_ =	strace $0x90000047  }
0x34: {  	s0 =	sadd.s32 @!p0 $0x100000, s0;
	[bflag:$0x2] =	sbarrier.arrive $0xFFFF  }
0x35: {  	[sflag:s0] =	ssyncadd.tile.s32 @!p0 $0x1;
	_ =	shalt  }
.Lfunc_end2:
_tile_overlayer_lowered:
.L_overlay_start_2:
0x36: {  	(tag) =	ssettag $0x2  }
0x37: {  	s0 =	rddreg [dreg:$0x0];
	s2 =	stileid.u32  }
0x38: {  	s1 =	rddreg [dreg:$0x1];
	p0 =	sne.s32 s2, $0x0  }
0x39: {  	s3 =	rddreg [dreg:$0x2];
	[bflag:$0x3] =	sbarrier.arrive $0xFFFF;
	s2 =	simm.s32 @!p0 $0x1C01  }
0x3a: {  	[timem:s3], [sflag:s2] =	dma.local @!p0 [hbm:s0], s1  }
0x3b: {  	s0 =	simm.s32 @!p0 $0x1  }
0x3c: {  	_ =	swait.ge @!p0 [sflag:s0], s1  }
0x3d: {  	s1 =	ssub.s32 @!p0 $0x0, s1;
	[sflag:s0] =	ssyncset.done @!p0 $0x0  }
0x3e: {  	[sflag:s0] =	ssyncadd.s32 @!p0 s1  }
0x3f: {  	[bflag:$0x3] =	sbarrier.arrive $0xFFFF  }
0x40: {  	_ =	shalt  }

// kernel: kernel.21.cloned.1.call-start
scs
__scs_entry_jumppad:
0x0: {  	(pc) =	sbr.rel $0x88, $3  }
0x1: {  	(tag) =	ssettag $0x0;
	lr =	simm.s32 $0x1  }
0x2: {  	[smem:$0x3F85] =	sst lr;
	_ =	strace $0xD0000000  }
0x3: {  	_ = 	snop  }
0x4: {  	_ = 	snop  }
0x5: {  	_ = 	snop  }
0x6: {  	_ = 	snop  }
0x7: {  	_ = 	snop  }
__scs_overlays_trampoline_lowered:
0x8: {  	[smem:$0x3F94] =	sst s0  }
0x9: {  	[smem:$0x3F95] =	sst s1  }
0xa: {  	[smem:$0x3F96] =	sst s2  }
0xb: {  	[smem:$0x3F97] =	sst s3  }
0xc: {  	[smem:$0x3F98] =	sst s4  }
0xd: {  	[smem:$0x3F99] =	sst s5  }
0xe: {  	[smem:$0x3F9A] =	sst s6  }
0xf: {  	[smem:$0x3F9B] =	sst s7  }
0x10: {  	[smem:$0x3F9C] =	sst s8  }
0x11: {  	[smem:$0x3F9D] =	sst s9;
	s0 =	simm.s32 @!p0 $0x0  }
0x12: {  	s1 =	sld [smem:$0x3F83];
	s0 =	simm.s32 @p0 $0x1  }
0x13: {  	[smem:$0x3F9E] =	sst s0;
	s0 =	simm.s32 @!p1 $0x0  }
0x14: {  	s2 =	sld [smem:$0x3F82];
	s0 =	simm.s32 @p1 $0x1  }
0x15: {  	[smem:$0x3F9F] =	sst s0;
	s0 =	simm.s32 @!p2 $0x0  }
0x16: {  	s3 =	sld [smem:$0x3FDB];
	s0 =	simm.s32 @p2 $0x1  }
0x17: {  	s4 =	simm.s32 $0x1BF5;
	[smem:$0x3FA1] =	sst s0  }
0x18: {  	s0 =	sld [smem:$0x3F84];
	_ =	swait.ge [sflag:s4], $0x0  }
0x19: {  	s7 =	sld [smem:$0x3F85]  }
0x1a: {  	s8 =	sadd.s32 $0xFFFFE003, lr  }
0x1b: {  	s9 =	sadd.s32 $0xFFFFFEF7, lr;
	s5 =	simm.s32 $0xFFFFFFFF;
	p2 =	slt.u32 s8, $0xFFFFF086  }
0x1c: {  	p1 =	slt.u32 s9, $0xF7A;
	s5 =	simm.s32 @!p2 $0x0  }
0x1d: {  	s5 =	simm.s32 @p1 $0x1;
	p0 =	seq.s32 s7, s2  }
0x1e: {  	s7 =	smul.u32 @!p0 $0xF7A, s2;
	p2 =	seq.s32 @!p0 s5, $0x0  }
0x1f: {  	s9 =	smul.u32 $0xF7A, s1;
	s8 =	simm.s32 @!p0 $0x1BF5;
	p2 =	por !p2, p0  }
0x20: {  	[sflag:s8] =	ssyncset.s32 @!p0 $0xFFFFF086;
	s6 =	sadd.s32 @!p0 s3, s7;
	s7 =	simm.s32 @!p0 $0x108  }
0x21: {  	s3 =	sadd.s32 s3, s9;
	s6 =	sadd.s32 @!p0 $0x88, s6;
	s7 =	simm.s32 @p2 $0x1082  }
0x22: {  	[simem:s7], [sflag:s8] =	dma.local @!p0 [hbm:s6], $0xF7A  }
0x23: {  	s9 =	sor.u32 $0xD0000000, s2;
	s6 =	simm.s32 $0x108;
	_ =	swait.ge @!p0 [sflag:s8], $0x0  }
0x24: {  	s3 =	sadd.s32 $0x88, s3;
	s6 =	simm.s32 @!p1 $0x1082;
	[sflag:s4] =	ssyncset.s32 $0xFFFFF086  }
0x25: {  	[simem:s6], [sflag:s4] =	dma.local [hbm:s3], $0xF7A  }
0x26: {  	[smem:$0x3F85] =	sst s1;
	(tag) =	ssettag s2;
	_ =	strace s9  }
0x27: {  	s1 =	sld [smem:$0x3F95]  }
0x28: {  	s2 =	sld [smem:$0x3F96]  }
0x29: {  	s4 =	sld [smem:$0x3F98]  }
0x2a: {  	p0 =	seq.s32 s5, $0x0;
	s5 =	sld [smem:$0x3F99]  }
0x2b: {  	s6 =	sld [smem:$0x3F9A]  }
0x2c: {  	s7 =	sld [smem:$0x3F9B]  }
0x2d: {  	s3 =	simm.s32 $0x108;
	s8 =	sld [smem:$0x3F9C]  }
0x2e: {  	s3 =	simm.s32 @!p0 $0x1082;
	s9 =	sld [smem:$0x3F9D]  }
0x2f: {  	lr =	sadd.s32 s0, s3;
	s0 =	sld [smem:$0x3F94]  }
0x30: {  	s3 =	sld [smem:$0x3F97]  }
0x31: {  	[smem:$0x3FA0] =	sst s10  }
0x32: {  	s10 =	sld [smem:$0x3F9E];
	_ =	sdelay $0x3  }
0x33: {  	p0 =	seq.s32 s10, $0x1;
	s10 =	sld [smem:$0x3FA0];
	_ =	sdelay $0x3  }
0x34: {  	[smem:$0x3FA0] =	sst s10  }
0x35: {  	s10 =	sld [smem:$0x3F9F];
	_ =	sdelay $0x3  }
0x36: {  	p1 =	seq.s32 s10, $0x1;
	s10 =	sld [smem:$0x3FA0];
	_ =	sdelay $0x3  }
0x37: {  	[smem:$0x3FA0] =	sst s10  }
0x38: {  	s10 =	sld [smem:$0x3FA1]  }
0x39: {  	_ = 	snop;
	(pc) =	sbr.ind lr, $3  }
0x3a: {  	_ = 	snop  }
0x3b: {  	_ = 	snop  }
0x3c: {  	p2 =	seq.s32 s10, $0x1;
	s10 =	sld [smem:$0x3FA0]  }
0x3d: {  	_ =	shalt  }
0x3e: {  	_ =	shalt  }
0x3f: {  	_ =	shalt  }
0x40: {  	_ =	shalt  }
0x41: {  	_ =	shalt  }
0x42: {  	_ =	shalt  }
0x43: {  	_ =	shalt  }
0x44: {  	_ =	shalt  }
0x45: {  	_ =	shalt  }
0x46: {  	_ =	shalt  }
0x47: {  	_ =	shalt  }
0x48: {  	_ =	shalt  }
0x49: {  	_ =	shalt  }
0x4a: {  	_ =	shalt  }
0x4b: {  	_ =	shalt  }
0x4c: {  	_ =	shalt  }
0x4d: {  	_ =	shalt  }
0x4e: {  	_ =	shalt  }
0x4f: {  	_ =	shalt  }
0x50: {  	_ =	shalt  }
0x51: {  	_ =	shalt  }
0x52: {  	_ =	shalt  }
0x53: {  	_ =	shalt  }
0x54: {  	_ =	shalt  }
0x55: {  	_ =	shalt  }
0x56: {  	_ =	shalt  }
0x57: {  	_ =	shalt  }
0x58: {  	_ =	shalt  }
0x59: {  	_ =	shalt  }
0x5a: {  	_ =	shalt  }
0x5b: {  	_ =	shalt  }
0x5c: {  	_ =	shalt  }
0x5d: {  	_ =	shalt  }
0x5e: {  	_ =	shalt  }
0x5f: {  	_ =	shalt  }
0x60: {  	_ =	shalt  }
0x61: {  	_ =	shalt  }
0x62: {  	_ =	shalt  }
0x63: {  	_ =	shalt  }
0x64: {  	_ =	shalt  }
0x65: {  	_ =	shalt  }
0x66: {  	_ =	shalt  }
0x67: {  	_ =	shalt  }
0x68: {  	_ =	shalt  }
0x69: {  	_ =	shalt  }
0x6a: {  	_ =	shalt  }
0x6b: {  	_ =	shalt  }
0x6c: {  	_ =	shalt  }
0x6d: {  	_ =	shalt  }
0x6e: {  	_ =	shalt  }
0x6f: {  	_ =	shalt  }
0x70: {  	_ =	shalt  }
0x71: {  	_ =	shalt  }
0x72: {  	_ =	shalt  }
0x73: {  	_ =	shalt  }
0x74: {  	_ =	shalt  }
0x75: {  	_ =	shalt  }
0x76: {  	_ =	shalt  }
0x77: {  	_ =	shalt  }
0x78: {  	_ =	shalt  }
0x79: {  	_ =	shalt  }
0x7a: {  	_ =	shalt  }
0x7b: {  	_ =	shalt  }
0x7c: {  	_ =	shalt  }
0x7d: {  	_ =	shalt  }
0x7e: {  	_ =	shalt  }
0x7f: {  	_ =	shalt  }
0x80: {  	_ =	shalt  }
0x81: {  	_ =	shalt  }
0x82: {  	_ =	shalt  }
0x83: {  	_ =	shalt  }
0x84: {  	_ =	shalt  }
0x85: {  	_ =	shalt  }
0x86: {  	_ =	shalt  }
0x87: {  	_ =	shalt  }
.Lfunc_end0:
.L_simem_size_0:
called_computation.2_lowered:
.L_overlay_start_0:
0x88: {  	s2 =	sld [smem:$0x3FD9]  }
0x89: {  	s3 =	sld [smem:$0x3FFE];
	_ =	sdelay $0x1  }
0x8a: {  	s1 =	srdreg.scid  }
0x8b: {  	s0 =	sand.u32 $0x1, s1  }
0x8c: {  	s17 =	sshll.u32 s0, $0xA;
	s2 =	sadd.s32 s3, s2  }
0x8d: {  	s2 =	sadd.s32 s2, s17  }
0x8e: {  	[smem:$0x3FAC] =	sst s2  }
0x8f: {  	_ = 	snop  }
0x90: {  	(tm) =	ssettm $0x1  }
0x91: {  	s18 =	sld [smem:$0x3FFB];
	_ =	sdelay $0x3  }
0x92: {  	_ =	strace s18  }
0x93: {  	s2 =	sld [smem:$0x3FFC];
	_ =	sdelay $0x3  }
0x94: {  	_ =	strace s2  }
0x95: {  	s2 =	sld [smem:$0x3FFD];
	_ =	sdelay $0x3  }
0x96: {  	_ =	strace s2  }
0x97: {  	_ =	strace $0x8FFFFFFF  }
0x98: {  	s19 =	sld [smem:$0x3FDB];
	_ =	sdelay $0x1  }
0x99: {  	s20 =	simm.s32 $_scs_section_size  }
0x9a: {  	s4 =	simm.s32 $_size__tile_overlayer_lowered;
	s5 =	simm.s32 $_tile_overlayer_lowered  }
0x9b: {  	s6 =	simm.s32 $0x1BFF;
	s21 =	sshll.u32 s5, $0x1;
	s3 =	sadd.s32 s20, s19  }
0x9c: {  	s22 =	simm.s32 $0x0;
	s4 =	sshll.u32 s4, $0x1;
	s5 =	sadd.s32 s21, s3  }
0x9d: {  	[timem:s22], [sflag:s6] =	dma.local [hbm:s5], s4  }
0x9e: {  	_ =	swait.ge [sflag:s6], s4  }
0x9f: {  	s4 =	ssub.s32 $0x0, s4;
	[sflag:s6] =	ssyncset.done $0x0  }
0xa0: {  	[sflag:s6] =	ssyncadd.s32 s4;
	_ =	sdelay $0x1  }
0xa1: {  	s23 =	simm.s32 $0x1B8B  }
0xa2: {  	_ =	swait.ge [sflag:s23], $0x1  }
0xa3: {  	[sflag:s23] =	ssyncset.done $0x0  }
0xa4: {  	[sflag:s23] =	ssyncadd.s32 $0xFFFFFFFF  }
0xa5: {  	s4 =	sld [smem:$0x0]  }
0xa6: {  	s5 =	sand.u32 $0xFFFFFFFE, s1  }
0xa7: {  	p0 =	sne.s32 s1, s5  }
0xa8: {  	s5 =	sshll.u32 @p0 s5, $0xE  }
0xa9: {  	s5 =	sadd.s32 @p0 $0x11B8D, s5;
	s6 =	sshll.u32 @p0 s4, $0x11  }
0xaa: {  	s5 =	sor.u32 @p0 s6, s5  }
0xab: {  	[sflag:s5] =	ssyncadd.remote.s32 @p0 $0x1;
	_ =	sdelay $0x1  }
0xac: {  	s5 =	simm.s32 @p0 $0x1B8D  }
0xad: {  	_ =	swait.eq @p0 [sflag:s5], $0x1  }
0xae: {  	[sflag:s5] =	ssyncadd.s32 @p0 $0xFFFFFFFF  }
0xaf: {  	s6 =	sshll.u32 @!p0 s1, $0xE  }
0xb0: {  	s6 =	sor.u32 @!p0 $0x4000, s6;
	s5 =	simm.s32 @!p0 $0x1B8D  }
0xb1: {  	s4 =	sshll.u32 @!p0 s4, $0x11;
	s6 =	sadd.s32 @!p0 $0x11B8D, s6;
	_ =	swait.eq @!p0 [sflag:s5], $0x1  }
0xb2: {  	s4 =	sor.u32 @!p0 s4, s6;
	[sflag:s5] =	ssyncadd.s32 @!p0 $0xFFFFFFFF  }
0xb3: {  	s25 =	simm.s32 $0x1B8E;
	s24 =	sld [smem:$0x3FFE];
	[sflag:s4] =	ssyncadd.remote.s32 @!p0 $0x1  }
0xb4: {  	s26 =	simm.s32 $execute0_lowered;
	[smem:$0x3FD2] =	sst s25  }
0xb5: {  	s5 =	sshll.u32 s26, $0x1;
	_ =	strace $0x8000004F;
	[dreg:$0x1] =	wrdreg $0xFFFFFFFF  }
0xb6: {  	s28 =	simm.s32 $_size_execute0_lowered;
	s3 =	sadd.s32 s3, s5;
	[dreg:$0x0] =	wrdreg $0x0  }
0xb7: {  	s5 =	sshll.u32 s28, $0x1;
	[dreg:$0x2] =	wrdreg s3  }
0xb8: {  	[dreg:$0x3] =	wrdreg s5  }
0xb9: {  	[dreg:$0x4] =	wrdreg $0xC0  }
0xba: {  	_ =	task [dreg:s22], $0x5FFFF  }
0xbb: {  	[dreg:$0x1] =	wrdreg $0xFFFFFFFF  }
0xbc: {  	[dreg:$0x0] =	wrdreg $0x60  }
0xbd: {  	[dreg:$0x2] =	wrdreg s24  }
0xbe: {  	[dreg:$0x3] =	wrdreg $0x0  }
0xbf: {  	[dreg:$0x4] =	wrdreg $0xA  }
0xc0: {  	_ =	task.clear_ibuf [dreg:s22], $0x5FFFF;
	_ =	strace $0x9000004F  }
0xc1: {  	s29 =	simm.s32 $0xA;
	_ =	strace $0x80000051  }
0xc2: {  	_ =	swait.ge [sflag:s29], $0x1  }
0xc3: {  	[sflag:s29] =	ssyncadd.s32 $0xFFFFFFFF  }
0xc4: {  	_ =	strace $0x90000051  }
0xc5: {  	_ =	sfence  }
0xc6: {  	s30 =	sld [smem:$0x0];
	_ =	sdelay $0x2  }
0xc7: {  	s31 =	sshll.u32 s1, $0xD;
	s1 =	sshrl.u32 s1, $0x2  }
0xc8: {  	s4 =	sand.u32 $0x4000, s31;
	s1 =	sadd.s32 s1, s30  }
0xc9: {  	s0 =	sor.u32 s4, s0;
	s1 =	sshll.u32 s1, $0x11  }
0xca: {  	s0 =	sor.u32 s1, s0  }
0xcb: {  	s0 =	sadd.s32 $0x8F2B, s0  }
0xcc: {  	[sflag:s0] =	ssyncadd.remote.s32 $0x1  }
0xcd: {  	_ =	sfence.sel $0xFFFF  }
0xce: {  	[dreg:$0x0] =	wrdreg $0xFFFFFFFF;
	(pc) =	sbr.abs _section_cstart, $3  }
0xcf: {  	[dreg:$0x1] =	wrdreg $0xFFFFFFFF  }
0xd0: {  	_ =	task.clear_ibuf [dreg:s22], $0x2FFFF;
	_ =	strace $0x9FFFFFFF  }
0xd1: {  	(tm) =	ssettm $0x7FFFFFFF  }
tec
execute0_lowered:
.L_overlay_start_1:
0x0: {  	(tag) =	ssettag $0x1  }
0x1: {  	s6 =	rddreg [dreg:$0x0];
	s0 =	srdreg.scid  }
0x2: {  	s2 =	rddreg [dreg:$0x1];
	s1 =	stileid.u32;
	s3 =	simm.s32 $0x0  }
0x3: {  	s15 =	simm.s32 $0x13C00;
	s16 =	simm.s32 $0x15000;
	s17 =	simm.s32 $0x80  }
0x4: {  	s18 =	simm.s32 $0x16400;
	s19 =	simm.s32 $0x1A400;
	s20 =	simm.s32 $0x1  }
0x5: {  	s21 =	simm.s32 $0x2;
	s22 =	simm.s32 $0x14F80;
	s7 =	smul.u32 $0x2800, s1  }
0x6: {  	s23 =	simm.s32 $0x16300;
	s24 =	simm.s32 $0x16380;
	s10 =	smul.u32 $0x13C00, s1  }
0x7: {  	s5 =	sand.u32 $0x1, s0;
	s0 =	rddreg [dreg:$0x2];
	s29 =	smul.u32 $0x4F000, s1  }
0x8: {  	s25 =	simm.s32 $0x0;
	[smem:$0x7FF] =	sst s3;
	s4 =	smul.u32 $0x28000, s5  }
0x9: {  	s31 =	sshll.u32 s1, $0x6;
	s8 =	smul.u32 $0x13C000, s5;
	s28 =	ssub.s32 $0x2, s5  }
0xa: {  	_ =	strace $0x80000050;
	s5 =	sadd.s32 $0xBA00, s6;
	s30 =	sshrl.u32 s28, $0x1  }
0xb: {  	s9 =	sadd.s32 s7, s4;
	s4 =	sadd.s32 $0x188A00, s6;
	s7 =	sshrl.u32 s7, $0x3  }
0xc: {  	s26 =	sadd.s32 s10, s8;
	s10 =	sshrl.u32 s29, $0x2;
	s9 =	sshrl.u32 s9, $0x3  }
0xd: {  	s11 =	sadd.s32 s7, s6;
	s7 =	sshrl.u32 s26, $0x3;
	s9 =	sadd.s32 s9, s6  }
0xe: {  	s12 =	sadd.s32 s7, s6;
	s6 =	sor.u32 $0x1C03, s31;
	s8 =	sadd.s32 $0x12B000, s11  }
0xf: {  	s14 =	sadd.s32 s10, s2;
	s10 =	sadd.s32 $0x12B280, s11;
	s7 =	sadd.s32 $0x17EA00, s9  }
0x10: {  	s13 =	ssub.s32 s28, s30;
	s9 =	sadd.s32 $0x17EC80, s9;
	s11 =	sadd.s32 $0x1D6C00, s12  }
0x11: {  	s12 =	smax.u32 s13, $0x1;
	s13 =	sshrl.u32 s14, $0x3;
	s14 =	simm.s32 $0x3  }
.LBB2_1:
0x12: {  	[spmem:s13], [sflag:s6] =	dma.local [hbm:s5], $0x2780  }
0x13: {  	_ =	swait.ge [sflag:s14], $0x2780  }
0x14: {  	[sflag:s14] =	ssyncset.done $0x0  }
0x15: {  	[sflag:s14] =	ssyncadd.s32 $0xFFFFD880  }
0x16: {  	[bflag:$0x0] =	sbarrier.arrive $0xFFFF  }
0x17: {  	[tilespmem:s15], [sflag:$0x3] =	stream.linear.gather [hbm4b:s7+s3], $0x1400, $0x38;
	[tilespmem:$0x1E400] =	vst v63  }
0x18: {  	_ =	swait.ge [sflag:s14], $0x1400  }
0x19: {  	[sflag:s14] =	ssyncset.done $0x0  }
0x1a: {  	[sflag:s14] =	ssyncadd.s32 $0xFFFFEC00  }
0x1b: {  	[tilespmem:s16], [sflag:$0x3] =	stream.linear.gather [hbm4b:s8+s3], $0x1400, $0x38;
	[tilespmem:$0x1E400] =	vst v63  }
0x1c: {  	_ =	swait.ge [sflag:s14], $0x1400  }
0x1d: {  	[sflag:s14] =	ssyncset.done $0x0  }
0x1e: {  	[sflag:s14] =	ssyncadd.s32 $0xFFFFEC00  }
0x1f: {  	[tilespmem:s18], [sflag:$0x1] =	stream.indirect.gather [hbm4b:s4+s17], $0x80, s15, s17, $0xb8;
	[tilespmem:$0x1E400] =	vst v63  }
0x20: {  	s26 =	simm.s32 $0x13C80  }
0x21: {  	[tilespmem:s19], [sflag:$0x2] =	stream.indirect.gather [hbm4b:s4+s17], $0x80, s26, s17, $0xb8;
	[tilespmem:$0x1E400] =	vst v63  }
0x22: {  	_ =	swait.ge [sflag:s20], $0x4000  }
0x23: {  	[sflag:s20] =	ssyncset.done $0x0  }
0x24: {  	s29 =	simm.s32 $0x15000;
	[sflag:s20] =	ssyncadd.s32 $0xFFFFC000  }
0x25: {  	[spmem:s2] =	stream.indirect.scatter.add.f32 [tilespmem:s18], [sflag:$0x3], $0x80, s29, s17, $0xb8;
	[tilespmem:$0x1E400] =	vst v63  }
0x26: {  	_ =	swait.ge [sflag:s14], $0x4000  }
0x27: {  	[sflag:s14] =	ssyncset.done $0x0  }
0x28: {  	s30 =	simm.s32 $0x13D00;
	[sflag:s14] =	ssyncadd.s32 $0xFFFFC000  }
0x29: {  	[tilespmem:s18], [sflag:$0x1] =	stream.indirect.gather [hbm4b:s4+s17], $0x80, s30, s17, $0xb8;
	[tilespmem:$0x1E400] =	vst v63  }
0x2a: {  	_ =	swait.ge [sflag:s21], $0x4000  }
0x2b: {  	[sflag:s21] =	ssyncset.done $0x0  }
0x2c: {  	s31 =	simm.s32 $0x15080;
	[sflag:s21] =	ssyncadd.s32 $0xFFFFC000  }
0x2d: {  	[spmem:s2] =	stream.indirect.scatter.add.f32 [tilespmem:s19], [sflag:$0x3], $0x80, s31, s17, $0xb8;
	[tilespmem:$0x1E400] =	vst v63  }
0x2e: {  	_ =	swait.ge [sflag:s14], $0x4000  }
0x2f: {  	s28 =	simm.s32 $0x800;
	s26 =	simm.s32 $0x100;
	[sflag:s14] =	ssyncset.done $0x0  }
.LBB2_2:
0x30: {  	s29 =	sadd.s32 $0x13C80, s26  }
0x31: {  	[sflag:s14] =	ssyncadd.s32 $0xFFFFC000;
	s30 =	smov.u32 s28;
	s31 =	sadd.s32 $0x400, s28  }
0x32: {  	[tilespmem:s19], [sflag:$0x2] =	stream.indirect.gather [hbm4b:s4+s17], $0x80, s29, s17, $0xb8;
	[tilespmem:$0x1E400] =	vst v63  }
0x33: {  	p0 =	sne.s32 s28, $0x4800;
	_ =	swait.ge [sflag:s20], $0x4000  }
0x34: {  	[sflag:s20] =	ssyncset.done $0x0  }
0x35: {  	s28 =	sadd.s32 $0x15000, s26;
	[sflag:s20] =	ssyncadd.s32 $0xFFFFC000  }
0x36: {  	[spmem:s2] =	stream.indirect.scatter.add.f32 [tilespmem:s18], [sflag:$0x3], $0x80, s28, s17, $0xb8;
	[tilespmem:$0x1E400] =	vst v63  }
0x37: {  	_ =	swait.ge [sflag:s14], $0x4000  }
0x38: {  	[sflag:s14] =	ssyncset.done $0x0  }
0x39: {  	s28 =	sadd.s32 $0x13D00, s26;
	[sflag:s14] =	ssyncadd.s32 $0xFFFFC000  }
0x3a: {  	[tilespmem:s18], [sflag:$0x1] =	stream.indirect.gather [hbm4b:s4+s17], $0x80, s28, s17, $0xb8;
	[tilespmem:$0x1E400] =	vst v63  }
0x3b: {  	_ =	swait.ge [sflag:s21], $0x4000  }
.Ltmp0:
0x3c: {  	[sflag:s21] =	ssyncset.done $0x0;
	(pc) =	sbr.rel @p0 .LBB2_2-.Ltmp0, $4  }
0x3d: {  	s26 =	sadd.s32 $0x15080, s26;
	[sflag:s21] =	ssyncadd.s32 $0xFFFFC000  }
0x3e: {  	[spmem:s2] =	stream.indirect.scatter.add.f32 [tilespmem:s19], [sflag:$0x3], $0x80, s26, s17, $0xb8;
	[tilespmem:$0x1E400] =	vst v63  }
0x3f: {  	_ =	swait.ge [sflag:s14], $0x4000  }
0x40: {  	s28 =	smov.u32 s31;
	s26 =	sshra.s32 s30, $0x2;
	[sflag:s14] =	ssyncset.done $0x0  }
0x41: {  	s28 =	sadd.s32 $0x13C80, s26;
	[sflag:s14] =	ssyncadd.s32 $0xFFFFC000  }
0x42: {  	[tilespmem:s19], [sflag:$0x2] =	stream.indirect.gather [hbm4b:s4+s17], $0x80, s28, s17, $0xb8;
	[tilespmem:$0x1E400] =	vst v63  }
0x43: {  	_ =	swait.ge [sflag:s20], $0x4000  }
0x44: {  	[sflag:s20] =	ssyncset.done $0x0  }
0x45: {  	s28 =	sadd.s32 $0x15000, s26;
	[sflag:s20] =	ssyncadd.s32 $0xFFFFC000  }
0x46: {  	[spmem:s2] =	stream.indirect.scatter.add.f32 [tilespmem:s18], [sflag:$0x3], $0x80, s28, s17, $0xb8;
	[tilespmem:$0x1E400] =	vst v63  }
0x47: {  	_ =	swait.ge [sflag:s14], $0x4000  }
0x48: {  	[sflag:s14] =	ssyncset.done $0x0  }
0x49: {  	s28 =	sadd.s32 $0x13D00, s26;
	[sflag:s14] =	ssyncadd.s32 $0xFFFFC000  }
0x4a: {  	[tilespmem:s18], [sflag:$0x1] =	stream.indirect.gather [hbm4b:s4+s17], $0x80, s28, s17, $0xb8;
	[tilespmem:$0x1E400] =	vst v63  }
0x4b: {  	_ =	swait.ge [sflag:s21], $0x4000  }
0x4c: {  	[sflag:s21] =	ssyncset.done $0x0  }
0x4d: {  	s29 =	sadd.s32 $0x15080, s26;
	[sflag:s21] =	ssyncadd.s32 $0xFFFFC000  }
0x4e: {  	[spmem:s2] =	stream.indirect.scatter.add.f32 [tilespmem:s19], [sflag:$0x3], $0x80, s29, s17, $0xb8;
	[tilespmem:$0x1E400] =	vst v63  }
0x4f: {  	_ =	swait.ge [sflag:s14], $0x4000  }
0x50: {  	[sflag:s14] =	ssyncset.done $0x0  }
0x51: {  	[sflag:s14] =	ssyncadd.s32 $0xFFFFC000  }
0x52: {  	[tilespmem:s19], [sflag:$0x2] =	stream.indirect.gather [hbm4b:s4+s17], $0x80, s22, s17, $0xb8;
	[tilespmem:$0x1E400] =	vst v63  }
0x53: {  	_ =	swait.ge [sflag:s20], $0x4000  }
0x54: {  	[sflag:s20] =	ssyncset.done $0x0  }
0x55: {  	[sflag:s20] =	ssyncadd.s32 $0xFFFFC000  }
0x56: {  	[spmem:s2] =	stream.indirect.scatter.add.f32 [tilespmem:s18], [sflag:$0x3], $0x80, s23, s17, $0xb8;
	[tilespmem:$0x1E400] =	vst v63  }
0x57: {  	_ =	swait.ge [sflag:s14], $0x4000  }
0x58: {  	[sflag:s14] =	ssyncset.done $0x0  }
0x59: {  	[sflag:s14] =	ssyncadd.s32 $0xFFFFC000  }
0x5a: {  	_ =	swait.ge [sflag:s21], $0x4000  }
0x5b: {  	[sflag:s21] =	ssyncset.done $0x0  }
0x5c: {  	[sflag:s21] =	ssyncadd.s32 $0xFFFFC000  }
0x5d: {  	[spmem:s2] =	stream.indirect.scatter.add.f32 [tilespmem:s19], [sflag:$0x3], $0x80, s24, s17, $0xb8;
	[tilespmem:$0x1E400] =	vst v63  }
0x5e: {  	_ =	swait.ge [sflag:s14], $0x4000  }
0x5f: {  	[sflag:s14] =	ssyncset.done $0x0  }
0x60: {  	s30 =	simm.s32 $0x0;
	[sflag:s14] =	ssyncadd.s32 $0xFFFFC000  }
0x61: {  	[tilespmem:s15], [sflag:$0x3] =	stream.linear.gather [hbm4b:s9+s30], $0x1400, $0x38;
	[tilespmem:$0x1E400] =	vst v63  }
0x62: {  	_ =	swait.ge [sflag:s14], $0x1400  }
0x63: {  	[sflag:s14] =	ssyncset.done $0x0  }
0x64: {  	[sflag:s14] =	ssyncadd.s32 $0xFFFFEC00  }
0x65: {  	[tilespmem:s16], [sflag:$0x3] =	stream.linear.gather [hbm4b:s10+s30], $0x1400, $0x38;
	[tilespmem:$0x1E400] =	vst v63  }
0x66: {  	_ =	swait.ge [sflag:s14], $0x1400  }
0x67: {  	[sflag:s14] =	ssyncset.done $0x0  }
0x68: {  	[sflag:s14] =	ssyncadd.s32 $0xFFFFEC00  }
0x69: {  	[tilespmem:s18], [sflag:$0x1] =	stream.indirect.gather [hbm4b:s4+s17], $0x80, s15, s17, $0xb8;
	[tilespmem:$0x1E400] =	vst v63  }
0x6a: {  	s31 =	simm.s32 $0x13C80  }
0x6b: {  	[tilespmem:s19], [sflag:$0x2] =	stream.indirect.gather [hbm4b:s4+s17], $0x80, s31, s17, $0xb8;
	[tilespmem:$0x1E400] =	vst v63  }
0x6c: {  	_ =	swait.ge [sflag:s20], $0x4000  }
0x6d: {  	[sflag:s20] =	ssyncset.done $0x0  }
0x6e: {  	s29 =	simm.s32 $0x15000;
	[sflag:s20] =	ssyncadd.s32 $0xFFFFC000  }
0x6f: {  	[spmem:s2] =	stream.indirect.scatter.add.f32 [tilespmem:s18], [sflag:$0x3], $0x80, s29, s17, $0xb8;
	[tilespmem:$0x1E400] =	vst v63  }
0x70: {  	_ =	swait.ge [sflag:s14], $0x4000  }
0x71: {  	[sflag:s14] =	ssyncset.done $0x0  }
0x72: {  	s30 =	simm.s32 $0x13D00;
	[sflag:s14] =	ssyncadd.s32 $0xFFFFC000  }
0x73: {  	[tilespmem:s18], [sflag:$0x1] =	stream.indirect.gather [hbm4b:s4+s17], $0x80, s30, s17, $0xb8;
	[tilespmem:$0x1E400] =	vst v63  }
0x74: {  	_ =	swait.ge [sflag:s21], $0x4000  }
0x75: {  	[sflag:s21] =	ssyncset.done $0x0  }
0x76: {  	s31 =	simm.s32 $0x15080;
	[sflag:s21] =	ssyncadd.s32 $0xFFFFC000  }
0x77: {  	[spmem:s2] =	stream.indirect.scatter.add.f32 [tilespmem:s19], [sflag:$0x3], $0x80, s31, s17, $0xb8;
	[tilespmem:$0x1E400] =	vst v63  }
0x78: {  	_ =	swait.ge [sflag:s14], $0x4000  }
0x79: {  	s26 =	simm.s32 $0x100;
	s28 =	simm.s32 $0x800;
	[sflag:s14] =	ssyncset.done $0x0  }
.LBB2_4:
0x7a: {  	s29 =	sadd.s32 $0x13C80, s26  }
0x7b: {  	[sflag:s14] =	ssyncadd.s32 $0xFFFFC000;
	s30 =	smov.u32 s28;
	s31 =	sadd.s32 $0x400, s28  }
0x7c: {  	[tilespmem:s19], [sflag:$0x2] =	stream.indirect.gather [hbm4b:s4+s17], $0x80, s29, s17, $0xb8;
	[tilespmem:$0x1E400] =	vst v63  }
0x7d: {  	p0 =	sne.s32 s28, $0x4800;
	_ =	swait.ge [sflag:s20], $0x4000  }
0x7e: {  	[sflag:s20] =	ssyncset.done $0x0  }
0x7f: {  	s28 =	sadd.s32 $0x15000, s26;
	[sflag:s20] =	ssyncadd.s32 $0xFFFFC000  }
0x80: {  	[spmem:s2] =	stream.indirect.scatter.add.f32 [tilespmem:s18], [sflag:$0x3], $0x80, s28, s17, $0xb8;
	[tilespmem:$0x1E400] =	vst v63  }
0x81: {  	_ =	swait.ge [sflag:s14], $0x4000  }
0x82: {  	[sflag:s14] =	ssyncset.done $0x0  }
0x83: {  	s28 =	sadd.s32 $0x13D00, s26;
	[sflag:s14] =	ssyncadd.s32 $0xFFFFC000  }
0x84: {  	[tilespmem:s18], [sflag:$0x1] =	stream.indirect.gather [hbm4b:s4+s17], $0x80, s28, s17, $0xb8;
	[tilespmem:$0x1E400] =	vst v63  }
0x85: {  	_ =	swait.ge [sflag:s21], $0x4000  }
.Ltmp1:
0x86: {  	[sflag:s21] =	ssyncset.done $0x0;
	(pc) =	sbr.rel @p0 .LBB2_4-.Ltmp1, $4  }
0x87: {  	s26 =	sadd.s32 $0x15080, s26;
	[sflag:s21] =	ssyncadd.s32 $0xFFFFC000  }
0x88: {  	[spmem:s2] =	stream.indirect.scatter.add.f32 [tilespmem:s19], [sflag:$0x3], $0x80, s26, s17, $0xb8;
	[tilespmem:$0x1E400] =	vst v63  }
0x89: {  	_ =	swait.ge [sflag:s14], $0x4000  }
0x8a: {  	s28 =	smov.u32 s31;
	s26 =	sshra.s32 s30, $0x2;
	[sflag:s14] =	ssyncset.done $0x0  }
0x8b: {  	s28 =	sadd.s32 $0x13C80, s26;
	[sflag:s14] =	ssyncadd.s32 $0xFFFFC000  }
0x8c: {  	[tilespmem:s19], [sflag:$0x2] =	stream.indirect.gather [hbm4b:s4+s17], $0x80, s28, s17, $0xb8;
	[tilespmem:$0x1E400] =	vst v63  }
0x8d: {  	_ =	swait.ge [sflag:s20], $0x4000  }
0x8e: {  	[sflag:s20] =	ssyncset.done $0x0  }
0x8f: {  	s29 =	sadd.s32 $0x15000, s26;
	[sflag:s20] =	ssyncadd.s32 $0xFFFFC000  }
0x90: {  	[spmem:s2] =	stream.indirect.scatter.add.f32 [tilespmem:s18], [sflag:$0x3], $0x80, s29, s17, $0xb8;
	[tilespmem:$0x1E400] =	vst v63  }
0x91: {  	_ =	swait.ge [sflag:s14], $0x4000  }
0x92: {  	[sflag:s14] =	ssyncset.done $0x0  }
0x93: {  	s30 =	sadd.s32 $0x13D00, s26;
	[sflag:s14] =	ssyncadd.s32 $0xFFFFC000  }
0x94: {  	[tilespmem:s18], [sflag:$0x1] =	stream.indirect.gather [hbm4b:s4+s17], $0x80, s30, s17, $0xb8;
	[tilespmem:$0x1E400] =	vst v63  }
0x95: {  	_ =	swait.ge [sflag:s21], $0x4000  }
0x96: {  	[sflag:s21] =	ssyncset.done $0x0  }
0x97: {  	s31 =	sadd.s32 $0x15080, s26;
	[sflag:s21] =	ssyncadd.s32 $0xFFFFC000  }
0x98: {  	[spmem:s2] =	stream.indirect.scatter.add.f32 [tilespmem:s19], [sflag:$0x3], $0x80, s31, s17, $0xb8;
	[tilespmem:$0x1E400] =	vst v63  }
0x99: {  	_ =	swait.ge [sflag:s14], $0x4000  }
0x9a: {  	[sflag:s14] =	ssyncset.done $0x0  }
0x9b: {  	[sflag:s14] =	ssyncadd.s32 $0xFFFFC000  }
0x9c: {  	[tilespmem:s19], [sflag:$0x2] =	stream.indirect.gather [hbm4b:s4+s17], $0x80, s22, s17, $0xb8;
	[tilespmem:$0x1E400] =	vst v63  }
0x9d: {  	_ =	swait.ge [sflag:s20], $0x4000  }
0x9e: {  	[sflag:s20] =	ssyncset.done $0x0  }
0x9f: {  	[sflag:s20] =	ssyncadd.s32 $0xFFFFC000  }
0xa0: {  	[spmem:s2] =	stream.indirect.scatter.add.f32 [tilespmem:s18], [sflag:$0x3], $0x80, s23, s17, $0xb8;
	[tilespmem:$0x1E400] =	vst v63  }
0xa1: {  	_ =	swait.ge [sflag:s14], $0x4000  }
0xa2: {  	[sflag:s14] =	ssyncset.done $0x0  }
0xa3: {  	[sflag:s14] =	ssyncadd.s32 $0xFFFFC000  }
0xa4: {  	_ =	swait.ge [sflag:s21], $0x4000  }
0xa5: {  	[sflag:s21] =	ssyncset.done $0x0  }
0xa6: {  	[sflag:s21] =	ssyncadd.s32 $0xFFFFC000  }
0xa7: {  	[spmem:s2] =	stream.indirect.scatter.add.f32 [tilespmem:s19], [sflag:$0x3], $0x80, s24, s17, $0xb8;
	[tilespmem:$0x1E400] =	vst v63  }
0xa8: {  	_ =	swait.ge [sflag:s14], $0x4000  }
0xa9: {  	s25 =	sadd.s32 $0x1, s25;
	[sflag:s14] =	ssyncset.done $0x0  }
0xaa: {  	p0 =	sne.s32 s25, s12;
	[sflag:s14] =	ssyncadd.s32 $0xFFFFC000  }
.Ltmp2:
0xab: {  	[bflag:$0x0] =	sbarrier.arrive $0xFFFF;
	(pc) =	sbr.rel @p0 .LBB2_1-.Ltmp2, $4  }
0xac: {  	[hbm:s11], [sflag:s6] =	dma.local [spmem:s13], $0x2780  }
0xad: {  	_ =	swait.ge [sflag:s14], $0x2780  }
0xae: {  	[sflag:s14] =	ssyncset.done $0x0  }
0xaf: {  	[sflag:s14] =	ssyncadd.s32 $0xFFFFD880  }
0xb0: {  	_ =	sfence.sel $0x180000  }
0xb1: {  	[bflag:$0x0] =	sbarrier.arrive $0xFFFF  }
0xb2: {  	p0 =	sne.s32 s1, $0x0;
	_ =	strace $0x90000050  }
0xb3: {  	s0 =	sadd.s32 @!p0 $0x100000, s0;
	[bflag:$0x2] =	sbarrier.arrive $0xFFFF  }
0xb4: {  	[sflag:s0] =	ssyncadd.tile.s32 @!p0 $0x1;
	_ =	shalt  }
.Lfunc_end2:
_tile_overlayer_lowered:
.L_overlay_start_2:
0xb5: {  	(tag) =	ssettag $0x2  }
0xb6: {  	s0 =	rddreg [dreg:$0x0];
	s2 =	stileid.u32  }
0xb7: {  	s1 =	rddreg [dreg:$0x1];
	p0 =	sne.s32 s2, $0x0  }
0xb8: {  	s3 =	rddreg [dreg:$0x2];
	[bflag:$0x3] =	sbarrier.arrive $0xFFFF;
	s2 =	simm.s32 @!p0 $0x1C03  }
0xb9: {  	[timem:s3], [sflag:s2] =	dma.local @!p0 [hbm:s0], s1  }
0xba: {  	s0 =	simm.s32 @!p0 $0x3  }
0xbb: {  	_ =	swait.ge @!p0 [sflag:s0], s1  }
0xbc: {  	s1 =	ssub.s32 @!p0 $0x0, s1;
	[sflag:s0] =	ssyncset.done @!p0 $0x0  }
0xbd: {  	[sflag:s0] =	ssyncadd.s32 @!p0 s1  }
0xbe: {  	[bflag:$0x3] =	sbarrier.arrive $0xFFFF  }
0xbf: {  	_ =	shalt  }

// kernel: kernel.24.cloned.1.call-start
scs
__scs_entry_jumppad:
0x0: {  	(pc) =	sbr.rel $0x88, $3  }
0x1: {  	(tag) =	ssettag $0x0;
	lr =	simm.s32 $0x1  }
0x2: {  	[smem:$0x3F85] =	sst lr;
	_ =	strace $0xD0000000  }
0x3: {  	_ = 	snop  }
0x4: {  	_ = 	snop  }
0x5: {  	_ = 	snop  }
0x6: {  	_ = 	snop  }
0x7: {  	_ = 	snop  }
__scs_overlays_trampoline_lowered:
0x8: {  	[smem:$0x3F94] =	sst s0  }
0x9: {  	[smem:$0x3F95] =	sst s1  }
0xa: {  	[smem:$0x3F96] =	sst s2  }
0xb: {  	[smem:$0x3F97] =	sst s3  }
0xc: {  	[smem:$0x3F98] =	sst s4  }
0xd: {  	[smem:$0x3F99] =	sst s5  }
0xe: {  	[smem:$0x3F9A] =	sst s6  }
0xf: {  	[smem:$0x3F9B] =	sst s7  }
0x10: {  	[smem:$0x3F9C] =	sst s8  }
0x11: {  	[smem:$0x3F9D] =	sst s9;
	s0 =	simm.s32 @!p0 $0x0  }
0x12: {  	s1 =	sld [smem:$0x3F83];
	s0 =	simm.s32 @p0 $0x1  }
0x13: {  	[smem:$0x3F9E] =	sst s0;
	s0 =	simm.s32 @!p1 $0x0  }
0x14: {  	s2 =	sld [smem:$0x3F82];
	s0 =	simm.s32 @p1 $0x1  }
0x15: {  	[smem:$0x3F9F] =	sst s0;
	s0 =	simm.s32 @!p2 $0x0  }
0x16: {  	s3 =	sld [smem:$0x3FDB];
	s0 =	simm.s32 @p2 $0x1  }
0x17: {  	s4 =	simm.s32 $0x1BF5;
	[smem:$0x3FA1] =	sst s0  }
0x18: {  	s0 =	sld [smem:$0x3F84];
	_ =	swait.ge [sflag:s4], $0x0  }
0x19: {  	s7 =	sld [smem:$0x3F85]  }
0x1a: {  	s8 =	sadd.s32 $0xFFFFE003, lr  }
0x1b: {  	s9 =	sadd.s32 $0xFFFFFEF7, lr;
	s5 =	simm.s32 $0xFFFFFFFF;
	p2 =	slt.u32 s8, $0xFFFFF086  }
0x1c: {  	p1 =	slt.u32 s9, $0xF7A;
	s5 =	simm.s32 @!p2 $0x0  }
0x1d: {  	s5 =	simm.s32 @p1 $0x1;
	p0 =	seq.s32 s7, s2  }
0x1e: {  	s7 =	smul.u32 @!p0 $0xF7A, s2;
	p2 =	seq.s32 @!p0 s5, $0x0  }
0x1f: {  	s9 =	smul.u32 $0xF7A, s1;
	s8 =	simm.s32 @!p0 $0x1BF5;
	p2 =	por !p2, p0  }
0x20: {  	[sflag:s8] =	ssyncset.s32 @!p0 $0xFFFFF086;
	s6 =	sadd.s32 @!p0 s3, s7;
	s7 =	simm.s32 @!p0 $0x108  }
0x21: {  	s3 =	sadd.s32 s3, s9;
	s6 =	sadd.s32 @!p0 $0x88, s6;
	s7 =	simm.s32 @p2 $0x1082  }
0x22: {  	[simem:s7], [sflag:s8] =	dma.local @!p0 [hbm:s6], $0xF7A  }
0x23: {  	s9 =	sor.u32 $0xD0000000, s2;
	s6 =	simm.s32 $0x108;
	_ =	swait.ge @!p0 [sflag:s8], $0x0  }
0x24: {  	s3 =	sadd.s32 $0x88, s3;
	s6 =	simm.s32 @!p1 $0x1082;
	[sflag:s4] =	ssyncset.s32 $0xFFFFF086  }
0x25: {  	[simem:s6], [sflag:s4] =	dma.local [hbm:s3], $0xF7A  }
0x26: {  	[smem:$0x3F85] =	sst s1;
	(tag) =	ssettag s2;
	_ =	strace s9  }
0x27: {  	s1 =	sld [smem:$0x3F95]  }
0x28: {  	s2 =	sld [smem:$0x3F96]  }
0x29: {  	s4 =	sld [smem:$0x3F98]  }
0x2a: {  	p0 =	seq.s32 s5, $0x0;
	s5 =	sld [smem:$0x3F99]  }
0x2b: {  	s6 =	sld [smem:$0x3F9A]  }
0x2c: {  	s7 =	sld [smem:$0x3F9B]  }
0x2d: {  	s3 =	simm.s32 $0x108;
	s8 =	sld [smem:$0x3F9C]  }
0x2e: {  	s3 =	simm.s32 @!p0 $0x1082;
	s9 =	sld [smem:$0x3F9D]  }
0x2f: {  	lr =	sadd.s32 s0, s3;
	s0 =	sld [smem:$0x3F94]  }
0x30: {  	s3 =	sld [smem:$0x3F97]  }
0x31: {  	[smem:$0x3FA0] =	sst s10  }
0x32: {  	s10 =	sld [smem:$0x3F9E];
	_ =	sdelay $0x3  }
0x33: {  	p0 =	seq.s32 s10, $0x1;
	s10 =	sld [smem:$0x3FA0];
	_ =	sdelay $0x3  }
0x34: {  	[smem:$0x3FA0] =	sst s10  }
0x35: {  	s10 =	sld [smem:$0x3F9F];
	_ =	sdelay $0x3  }
0x36: {  	p1 =	seq.s32 s10, $0x1;
	s10 =	sld [smem:$0x3FA0];
	_ =	sdelay $0x3  }
0x37: {  	[smem:$0x3FA0] =	sst s10  }
0x38: {  	s10 =	sld [smem:$0x3FA1]  }
0x39: {  	_ = 	snop;
	(pc) =	sbr.ind lr, $3  }
0x3a: {  	_ = 	snop  }
0x3b: {  	_ = 	snop  }
0x3c: {  	p2 =	seq.s32 s10, $0x1;
	s10 =	sld [smem:$0x3FA0]  }
0x3d: {  	_ =	shalt  }
0x3e: {  	_ =	shalt  }
0x3f: {  	_ =	shalt  }
0x40: {  	_ =	shalt  }
0x41: {  	_ =	shalt  }
0x42: {  	_ =	shalt  }
0x43: {  	_ =	shalt  }
0x44: {  	_ =	shalt  }
0x45: {  	_ =	shalt  }
0x46: {  	_ =	shalt  }
0x47: {  	_ =	shalt  }
0x48: {  	_ =	shalt  }
0x49: {  	_ =	shalt  }
0x4a: {  	_ =	shalt  }
0x4b: {  	_ =	shalt  }
0x4c: {  	_ =	shalt  }
0x4d: {  	_ =	shalt  }
0x4e: {  	_ =	shalt  }
0x4f: {  	_ =	shalt  }
0x50: {  	_ =	shalt  }
0x51: {  	_ =	shalt  }
0x52: {  	_ =	shalt  }
0x53: {  	_ =	shalt  }
0x54: {  	_ =	shalt  }
0x55: {  	_ =	shalt  }
0x56: {  	_ =	shalt  }
0x57: {  	_ =	shalt  }
0x58: {  	_ =	shalt  }
0x59: {  	_ =	shalt  }
0x5a: {  	_ =	shalt  }
0x5b: {  	_ =	shalt  }
0x5c: {  	_ =	shalt  }
0x5d: {  	_ =	shalt  }
0x5e: {  	_ =	shalt  }
0x5f: {  	_ =	shalt  }
0x60: {  	_ =	shalt  }
0x61: {  	_ =	shalt  }
0x62: {  	_ =	shalt  }
0x63: {  	_ =	shalt  }
0x64: {  	_ =	shalt  }
0x65: {  	_ =	shalt  }
0x66: {  	_ =	shalt  }
0x67: {  	_ =	shalt  }
0x68: {  	_ =	shalt  }
0x69: {  	_ =	shalt  }
0x6a: {  	_ =	shalt  }
0x6b: {  	_ =	shalt  }
0x6c: {  	_ =	shalt  }
0x6d: {  	_ =	shalt  }
0x6e: {  	_ =	shalt  }
0x6f: {  	_ =	shalt  }
0x70: {  	_ =	shalt  }
0x71: {  	_ =	shalt  }
0x72: {  	_ =	shalt  }
0x73: {  	_ =	shalt  }
0x74: {  	_ =	shalt  }
0x75: {  	_ =	shalt  }
0x76: {  	_ =	shalt  }
0x77: {  	_ =	shalt  }
0x78: {  	_ =	shalt  }
0x79: {  	_ =	shalt  }
0x7a: {  	_ =	shalt  }
0x7b: {  	_ =	shalt  }
0x7c: {  	_ =	shalt  }
0x7d: {  	_ =	shalt  }
0x7e: {  	_ =	shalt  }
0x7f: {  	_ =	shalt  }
0x80: {  	_ =	shalt  }
0x81: {  	_ =	shalt  }
0x82: {  	_ =	shalt  }
0x83: {  	_ =	shalt  }
0x84: {  	_ =	shalt  }
0x85: {  	_ =	shalt  }
0x86: {  	_ =	shalt  }
0x87: {  	_ =	shalt  }
.Lfunc_end0:
.L_simem_size_0:
called_computation.3_lowered:
.L_overlay_start_0:
0x88: {  	s2 =	sld [smem:$0x3FD9]  }
0x89: {  	s3 =	sld [smem:$0x3FFE];
	_ =	sdelay $0x1  }
0x8a: {  	s1 =	srdreg.scid  }
0x8b: {  	s0 =	sand.u32 $0x1, s1  }
0x8c: {  	s17 =	sshll.u32 s0, $0xA;
	s2 =	sadd.s32 s3, s2  }
0x8d: {  	s2 =	sadd.s32 s2, s17  }
0x8e: {  	[smem:$0x3FAC] =	sst s2  }
0x8f: {  	_ = 	snop  }
0x90: {  	(tm) =	ssettm $0x1  }
0x91: {  	s18 =	sld [smem:$0x3FFB];
	_ =	sdelay $0x3  }
0x92: {  	_ =	strace s18  }
0x93: {  	s2 =	sld [smem:$0x3FFC];
	_ =	sdelay $0x3  }
0x94: {  	_ =	strace s2  }
0x95: {  	s2 =	sld [smem:$0x3FFD];
	_ =	sdelay $0x3  }
0x96: {  	_ =	strace s2  }
0x97: {  	_ =	strace $0x8FFFFFFF  }
0x98: {  	s19 =	sld [smem:$0x3FDB];
	_ =	sdelay $0x1  }
0x99: {  	s20 =	simm.s32 $_scs_section_size  }
0x9a: {  	s4 =	simm.s32 $_size__tile_overlayer_lowered;
	s5 =	simm.s32 $_tile_overlayer_lowered  }
0x9b: {  	s6 =	simm.s32 $0x1BFF;
	s21 =	sshll.u32 s5, $0x1;
	s3 =	sadd.s32 s20, s19  }
0x9c: {  	s22 =	simm.s32 $0x0;
	s4 =	sshll.u32 s4, $0x1;
	s5 =	sadd.s32 s21, s3  }
0x9d: {  	[timem:s22], [sflag:s6] =	dma.local [hbm:s5], s4  }
0x9e: {  	_ =	swait.ge [sflag:s6], s4  }
0x9f: {  	s4 =	ssub.s32 $0x0, s4;
	[sflag:s6] =	ssyncset.done $0x0  }
0xa0: {  	[sflag:s6] =	ssyncadd.s32 s4;
	_ =	sdelay $0x1  }
0xa1: {  	s23 =	simm.s32 $0x1B8B  }
0xa2: {  	_ =	swait.ge [sflag:s23], $0x1  }
0xa3: {  	[sflag:s23] =	ssyncset.done $0x0  }
0xa4: {  	[sflag:s23] =	ssyncadd.s32 $0xFFFFFFFF  }
0xa5: {  	s4 =	sld [smem:$0x0]  }
0xa6: {  	s5 =	sand.u32 $0xFFFFFFFE, s1  }
0xa7: {  	p0 =	sne.s32 s1, s5  }
0xa8: {  	s5 =	sshll.u32 @p0 s5, $0xE  }
0xa9: {  	s5 =	sadd.s32 @p0 $0x11B8D, s5;
	s6 =	sshll.u32 @p0 s4, $0x11  }
0xaa: {  	s5 =	sor.u32 @p0 s6, s5  }
0xab: {  	[sflag:s5] =	ssyncadd.remote.s32 @p0 $0x1;
	_ =	sdelay $0x1  }
0xac: {  	s5 =	simm.s32 @p0 $0x1B8D  }
0xad: {  	_ =	swait.eq @p0 [sflag:s5], $0x1  }
0xae: {  	[sflag:s5] =	ssyncadd.s32 @p0 $0xFFFFFFFF  }
0xaf: {  	s6 =	sshll.u32 @!p0 s1, $0xE  }
0xb0: {  	s6 =	sor.u32 @!p0 $0x4000, s6;
	s5 =	simm.s32 @!p0 $0x1B8D  }
0xb1: {  	s4 =	sshll.u32 @!p0 s4, $0x11;
	s6 =	sadd.s32 @!p0 $0x11B8D, s6;
	_ =	swait.eq @!p0 [sflag:s5], $0x1  }
0xb2: {  	s4 =	sor.u32 @!p0 s4, s6;
	[sflag:s5] =	ssyncadd.s32 @!p0 $0xFFFFFFFF  }
0xb3: {  	s25 =	simm.s32 $0x1B8E;
	s24 =	sld [smem:$0x3FFE];
	[sflag:s4] =	ssyncadd.remote.s32 @!p0 $0x1  }
0xb4: {  	s26 =	simm.s32 $execute0_lowered;
	[smem:$0x3FD2] =	sst s25  }
0xb5: {  	s5 =	sshll.u32 s26, $0x1;
	_ =	strace $0x80000049;
	[dreg:$0x1] =	wrdreg $0xFFFFFFFF  }
0xb6: {  	s28 =	simm.s32 $_size_execute0_lowered;
	s3 =	sadd.s32 s3, s5;
	[dreg:$0x0] =	wrdreg $0x0  }
0xb7: {  	s5 =	sshll.u32 s28, $0x1;
	[dreg:$0x2] =	wrdreg s3  }
0xb8: {  	[dreg:$0x3] =	wrdreg s5  }
0xb9: {  	[dreg:$0x4] =	wrdreg $0xC0  }
0xba: {  	_ =	task [dreg:s22], $0x5FFFF  }
0xbb: {  	[dreg:$0x1] =	wrdreg $0xFFFFFFFF  }
0xbc: {  	[dreg:$0x0] =	wrdreg $0x60  }
0xbd: {  	[dreg:$0x2] =	wrdreg s24  }
0xbe: {  	[dreg:$0x3] =	wrdreg $0x0  }
0xbf: {  	[dreg:$0x4] =	wrdreg $0xC  }
0xc0: {  	_ =	task.clear_ibuf [dreg:s22], $0x5FFFF;
	_ =	strace $0x90000049  }
0xc1: {  	s29 =	simm.s32 $0xC;
	_ =	strace $0x8000004B  }
0xc2: {  	_ =	swait.ge [sflag:s29], $0x1  }
0xc3: {  	[sflag:s29] =	ssyncadd.s32 $0xFFFFFFFF  }
0xc4: {  	_ =	strace $0x9000004B  }
0xc5: {  	_ =	sfence  }
0xc6: {  	s30 =	sld [smem:$0x0];
	_ =	sdelay $0x2  }
0xc7: {  	s31 =	sshll.u32 s1, $0xD;
	s1 =	sshrl.u32 s1, $0x2  }
0xc8: {  	s4 =	sand.u32 $0x4000, s31;
	s1 =	sadd.s32 s1, s30  }
0xc9: {  	s0 =	sor.u32 s4, s0;
	s1 =	sshll.u32 s1, $0x11  }
0xca: {  	s0 =	sor.u32 s1, s0  }
0xcb: {  	s0 =	sadd.s32 $0x8F2B, s0  }
0xcc: {  	[sflag:s0] =	ssyncadd.remote.s32 $0x1  }
0xcd: {  	_ =	sfence.sel $0xFFFF  }
0xce: {  	[dreg:$0x0] =	wrdreg $0xFFFFFFFF;
	(pc) =	sbr.abs _section_cstart, $3  }
0xcf: {  	[dreg:$0x1] =	wrdreg $0xFFFFFFFF  }
0xd0: {  	_ =	task.clear_ibuf [dreg:s22], $0x2FFFF;
	_ =	strace $0x9FFFFFFF  }
0xd1: {  	(tm) =	ssettm $0x7FFFFFFF  }
tec
execute0_lowered:
.L_overlay_start_1:
0x0: {  	(tag) =	ssettag $0x1  }
0x1: {  	s6 =	rddreg [dreg:$0x0];
	s0 =	srdreg.scid  }
0x2: {  	s2 =	rddreg [dreg:$0x1];
	s1 =	stileid.u32;
	s3 =	simm.s32 $0x0  }
0x3: {  	s15 =	simm.s32 $0x13C00;
	s16 =	simm.s32 $0x15000;
	s17 =	simm.s32 $0x80  }
0x4: {  	s18 =	simm.s32 $0x16400;
	s19 =	simm.s32 $0x1A400;
	s20 =	simm.s32 $0x1  }
0x5: {  	s21 =	simm.s32 $0x2;
	s22 =	simm.s32 $0x14F80;
	s7 =	smul.u32 $0x2800, s1  }
0x6: {  	s23 =	simm.s32 $0x16300;
	s24 =	simm.s32 $0x16380;
	s10 =	smul.u32 $0x13C00, s1  }
0x7: {  	s5 =	sand.u32 $0x1, s0;
	s0 =	rddreg [dreg:$0x2];
	s28 =	smul.u32 $0x4F000, s1  }
0x8: {  	[smem:$0x7FF] =	sst s3;
	s31 =	sshll.u32 s1, $0x6;
	s4 =	smul.u32 $0x28000, s5  }
0x9: {  	s8 =	smul.u32 $0x13C000, s5;
	_ =	strace $0x8000004A;
	s26 =	ssub.s32 $0x2, s5  }
0xa: {  	s5 =	sadd.s32 $0xBA00, s6;
	s29 =	sshrl.u32 s26, $0x1;
	s30 =	sshrl.u32 s28, $0x2  }
0xb: {  	s9 =	sadd.s32 s7, s4;
	s4 =	sadd.s32 $0x8DE00, s6;
	s7 =	sshrl.u32 s7, $0x3  }
0xc: {  	s25 =	sadd.s32 s10, s8;
	s13 =	ssub.s32 s26, s29;
	s14 =	sadd.s32 s30, s2  }
0xd: {  	s9 =	sshrl.u32 s9, $0x3;
	s11 =	sadd.s32 s7, s6;
	s7 =	sshrl.u32 s25, $0x3  }
0xe: {  	s25 =	simm.s32 $0x0;
	s9 =	sadd.s32 s9, s6;
	s12 =	sadd.s32 s7, s6  }
0xf: {  	s6 =	sor.u32 $0x1C03, s31;
	s8 =	sadd.s32 $0x6A00, s11;
	s10 =	sadd.s32 $0x6C80, s11  }
0x10: {  	s7 =	sadd.s32 $0x83E00, s9;
	s9 =	sadd.s32 $0x84080, s9;
	s11 =	sadd.s32 $0xDC000, s12  }
0x11: {  	s12 =	smax.u32 s13, $0x1;
	s13 =	sshrl.u32 s14, $0x3;
	s14 =	simm.s32 $0x3  }
.LBB2_1:
0x12: {  	[spmem:s13], [sflag:s6] =	dma.local [hbm:s5], $0x2780  }
0x13: {  	_ =	swait.ge [sflag:s14], $0x2780  }
0x14: {  	[sflag:s14] =	ssyncset.done $0x0  }
0x15: {  	[sflag:s14] =	ssyncadd.s32 $0xFFFFD880  }
0x16: {  	[bflag:$0x0] =	sbarrier.arrive $0xFFFF  }
0x17: {  	[tilespmem:s15], [sflag:$0x3] =	stream.linear.gather [hbm4b:s7+s3], $0x1400, $0x38;
	[tilespmem:$0x1E400] =	vst v63  }
0x18: {  	_ =	swait.ge [sflag:s14], $0x1400  }
0x19: {  	[sflag:s14] =	ssyncset.done $0x0  }
0x1a: {  	[sflag:s14] =	ssyncadd.s32 $0xFFFFEC00  }
0x1b: {  	[tilespmem:s16], [sflag:$0x3] =	stream.linear.gather [hbm4b:s8+s3], $0x1400, $0x38;
	[tilespmem:$0x1E400] =	vst v63  }
0x1c: {  	_ =	swait.ge [sflag:s14], $0x1400  }
0x1d: {  	[sflag:s14] =	ssyncset.done $0x0  }
0x1e: {  	[sflag:s14] =	ssyncadd.s32 $0xFFFFEC00  }
0x1f: {  	[tilespmem:s18], [sflag:$0x1] =	stream.indirect.gather [hbm4b:s4+s17], $0x80, s15, s17, $0xb8;
	[tilespmem:$0x1E400] =	vst v63  }
0x20: {  	s26 =	simm.s32 $0x13C80  }
0x21: {  	[tilespmem:s19], [sflag:$0x2] =	stream.indirect.gather [hbm4b:s4+s17], $0x80, s26, s17, $0xb8;
	[tilespmem:$0x1E400] =	vst v63  }
0x22: {  	_ =	swait.ge [sflag:s20], $0x4000  }
0x23: {  	[sflag:s20] =	ssyncset.done $0x0  }
0x24: {  	s29 =	simm.s32 $0x15000;
	[sflag:s20] =	ssyncadd.s32 $0xFFFFC000  }
0x25: {  	[spmem:s2] =	stream.indirect.scatter.add.f32 [tilespmem:s18], [sflag:$0x3], $0x80, s29, s17, $0xb8;
	[tilespmem:$0x1E400] =	vst v63  }
0x26: {  	_ =	swait.ge [sflag:s14], $0x4000  }
0x27: {  	[sflag:s14] =	ssyncset.done $0x0  }
0x28: {  	s30 =	simm.s32 $0x13D00;
	[sflag:s14] =	ssyncadd.s32 $0xFFFFC000  }
0x29: {  	[tilespmem:s18], [sflag:$0x1] =	stream.indirect.gather [hbm4b:s4+s17], $0x80, s30, s17, $0xb8;
	[tilespmem:$0x1E400] =	vst v63  }
0x2a: {  	_ =	swait.ge [sflag:s21], $0x4000  }
0x2b: {  	[sflag:s21] =	ssyncset.done $0x0  }
0x2c: {  	s31 =	simm.s32 $0x15080;
	[sflag:s21] =	ssyncadd.s32 $0xFFFFC000  }
0x2d: {  	[spmem:s2] =	stream.indirect.scatter.add.f32 [tilespmem:s19], [sflag:$0x3], $0x80, s31, s17, $0xb8;
	[tilespmem:$0x1E400] =	vst v63  }
0x2e: {  	_ =	swait.ge [sflag:s14], $0x4000  }
0x2f: {  	s28 =	simm.s32 $0x800;
	s26 =	simm.s32 $0x100;
	[sflag:s14] =	ssyncset.done $0x0  }
.LBB2_2:
0x30: {  	s29 =	sadd.s32 $0x13C80, s26  }
0x31: {  	[sflag:s14] =	ssyncadd.s32 $0xFFFFC000;
	s30 =	smov.u32 s28;
	s31 =	sadd.s32 $0x400, s28  }
0x32: {  	[tilespmem:s19], [sflag:$0x2] =	stream.indirect.gather [hbm4b:s4+s17], $0x80, s29, s17, $0xb8;
	[tilespmem:$0x1E400] =	vst v63  }
0x33: {  	p0 =	sne.s32 s28, $0x4800;
	_ =	swait.ge [sflag:s20], $0x4000  }
0x34: {  	[sflag:s20] =	ssyncset.done $0x0  }
0x35: {  	s28 =	sadd.s32 $0x15000, s26;
	[sflag:s20] =	ssyncadd.s32 $0xFFFFC000  }
0x36: {  	[spmem:s2] =	stream.indirect.scatter.add.f32 [tilespmem:s18], [sflag:$0x3], $0x80, s28, s17, $0xb8;
	[tilespmem:$0x1E400] =	vst v63  }
0x37: {  	_ =	swait.ge [sflag:s14], $0x4000  }
0x38: {  	[sflag:s14] =	ssyncset.done $0x0  }
0x39: {  	s28 =	sadd.s32 $0x13D00, s26;
	[sflag:s14] =	ssyncadd.s32 $0xFFFFC000  }
0x3a: {  	[tilespmem:s18], [sflag:$0x1] =	stream.indirect.gather [hbm4b:s4+s17], $0x80, s28, s17, $0xb8;
	[tilespmem:$0x1E400] =	vst v63  }
0x3b: {  	_ =	swait.ge [sflag:s21], $0x4000  }
.Ltmp0:
0x3c: {  	[sflag:s21] =	ssyncset.done $0x0;
	(pc) =	sbr.rel @p0 .LBB2_2-.Ltmp0, $4  }
0x3d: {  	s26 =	sadd.s32 $0x15080, s26;
	[sflag:s21] =	ssyncadd.s32 $0xFFFFC000  }
0x3e: {  	[spmem:s2] =	stream.indirect.scatter.add.f32 [tilespmem:s19], [sflag:$0x3], $0x80, s26, s17, $0xb8;
	[tilespmem:$0x1E400] =	vst v63  }
0x3f: {  	_ =	swait.ge [sflag:s14], $0x4000  }
0x40: {  	s28 =	smov.u32 s31;
	s26 =	sshra.s32 s30, $0x2;
	[sflag:s14] =	ssyncset.done $0x0  }
0x41: {  	s28 =	sadd.s32 $0x13C80, s26;
	[sflag:s14] =	ssyncadd.s32 $0xFFFFC000  }
0x42: {  	[tilespmem:s19], [sflag:$0x2] =	stream.indirect.gather [hbm4b:s4+s17], $0x80, s28, s17, $0xb8;
	[tilespmem:$0x1E400] =	vst v63  }
0x43: {  	_ =	swait.ge [sflag:s20], $0x4000  }
0x44: {  	[sflag:s20] =	ssyncset.done $0x0  }
0x45: {  	s28 =	sadd.s32 $0x15000, s26;
	[sflag:s20] =	ssyncadd.s32 $0xFFFFC000  }
0x46: {  	[spmem:s2] =	stream.indirect.scatter.add.f32 [tilespmem:s18], [sflag:$0x3], $0x80, s28, s17, $0xb8;
	[tilespmem:$0x1E400] =	vst v63  }
0x47: {  	_ =	swait.ge [sflag:s14], $0x4000  }
0x48: {  	[sflag:s14] =	ssyncset.done $0x0  }
0x49: {  	s28 =	sadd.s32 $0x13D00, s26;
	[sflag:s14] =	ssyncadd.s32 $0xFFFFC000  }
0x4a: {  	[tilespmem:s18], [sflag:$0x1] =	stream.indirect.gather [hbm4b:s4+s17], $0x80, s28, s17, $0xb8;
	[tilespmem:$0x1E400] =	vst v63  }
0x4b: {  	_ =	swait.ge [sflag:s21], $0x4000  }
0x4c: {  	[sflag:s21] =	ssyncset.done $0x0  }
0x4d: {  	s29 =	sadd.s32 $0x15080, s26;
	[sflag:s21] =	ssyncadd.s32 $0xFFFFC000  }
0x4e: {  	[spmem:s2] =	stream.indirect.scatter.add.f32 [tilespmem:s19], [sflag:$0x3], $0x80, s29, s17, $0xb8;
	[tilespmem:$0x1E400] =	vst v63  }
0x4f: {  	_ =	swait.ge [sflag:s14], $0x4000  }
0x50: {  	[sflag:s14] =	ssyncset.done $0x0  }
0x51: {  	[sflag:s14] =	ssyncadd.s32 $0xFFFFC000  }
0x52: {  	[tilespmem:s19], [sflag:$0x2] =	stream.indirect.gather [hbm4b:s4+s17], $0x80, s22, s17, $0xb8;
	[tilespmem:$0x1E400] =	vst v63  }
0x53: {  	_ =	swait.ge [sflag:s20], $0x4000  }
0x54: {  	[sflag:s20] =	ssyncset.done $0x0  }
0x55: {  	[sflag:s20] =	ssyncadd.s32 $0xFFFFC000  }
0x56: {  	[spmem:s2] =	stream.indirect.scatter.add.f32 [tilespmem:s18], [sflag:$0x3], $0x80, s23, s17, $0xb8;
	[tilespmem:$0x1E400] =	vst v63  }
0x57: {  	_ =	swait.ge [sflag:s14], $0x4000  }
0x58: {  	[sflag:s14] =	ssyncset.done $0x0  }
0x59: {  	[sflag:s14] =	ssyncadd.s32 $0xFFFFC000  }
0x5a: {  	_ =	swait.ge [sflag:s21], $0x4000  }
0x5b: {  	[sflag:s21] =	ssyncset.done $0x0  }
0x5c: {  	[sflag:s21] =	ssyncadd.s32 $0xFFFFC000  }
0x5d: {  	[spmem:s2] =	stream.indirect.scatter.add.f32 [tilespmem:s19], [sflag:$0x3], $0x80, s24, s17, $0xb8;
	[tilespmem:$0x1E400] =	vst v63  }
0x5e: {  	_ =	swait.ge [sflag:s14], $0x4000  }
0x5f: {  	[sflag:s14] =	ssyncset.done $0x0  }
0x60: {  	s30 =	simm.s32 $0x0;
	[sflag:s14] =	ssyncadd.s32 $0xFFFFC000  }
0x61: {  	[tilespmem:s15], [sflag:$0x3] =	stream.linear.gather [hbm4b:s9+s30], $0x1400, $0x38;
	[tilespmem:$0x1E400] =	vst v63  }
0x62: {  	_ =	swait.ge [sflag:s14], $0x1400  }
0x63: {  	[sflag:s14] =	ssyncset.done $0x0  }
0x64: {  	[sflag:s14] =	ssyncadd.s32 $0xFFFFEC00  }
0x65: {  	[tilespmem:s16], [sflag:$0x3] =	stream.linear.gather [hbm4b:s10+s30], $0x1400, $0x38;
	[tilespmem:$0x1E400] =	vst v63  }
0x66: {  	_ =	swait.ge [sflag:s14], $0x1400  }
0x67: {  	[sflag:s14] =	ssyncset.done $0x0  }
0x68: {  	[sflag:s14] =	ssyncadd.s32 $0xFFFFEC00  }
0x69: {  	[tilespmem:s18], [sflag:$0x1] =	stream.indirect.gather [hbm4b:s4+s17], $0x80, s15, s17, $0xb8;
	[tilespmem:$0x1E400] =	vst v63  }
0x6a: {  	s31 =	simm.s32 $0x13C80  }
0x6b: {  	[tilespmem:s19], [sflag:$0x2] =	stream.indirect.gather [hbm4b:s4+s17], $0x80, s31, s17, $0xb8;
	[tilespmem:$0x1E400] =	vst v63  }
0x6c: {  	_ =	swait.ge [sflag:s20], $0x4000  }
0x6d: {  	[sflag:s20] =	ssyncset.done $0x0  }
0x6e: {  	s29 =	simm.s32 $0x15000;
	[sflag:s20] =	ssyncadd.s32 $0xFFFFC000  }
0x6f: {  	[spmem:s2] =	stream.indirect.scatter.add.f32 [tilespmem:s18], [sflag:$0x3], $0x80, s29, s17, $0xb8;
	[tilespmem:$0x1E400] =	vst v63  }
0x70: {  	_ =	swait.ge [sflag:s14], $0x4000  }
0x71: {  	[sflag:s14] =	ssyncset.done $0x0  }
0x72: {  	s30 =	simm.s32 $0x13D00;
	[sflag:s14] =	ssyncadd.s32 $0xFFFFC000  }
0x73: {  	[tilespmem:s18], [sflag:$0x1] =	stream.indirect.gather [hbm4b:s4+s17], $0x80, s30, s17, $0xb8;
	[tilespmem:$0x1E400] =	vst v63  }
0x74: {  	_ =	swait.ge [sflag:s21], $0x4000  }
0x75: {  	[sflag:s21] =	ssyncset.done $0x0  }
0x76: {  	s31 =	simm.s32 $0x15080;
	[sflag:s21] =	ssyncadd.s32 $0xFFFFC000  }
0x77: {  	[spmem:s2] =	stream.indirect.scatter.add.f32 [tilespmem:s19], [sflag:$0x3], $0x80, s31, s17, $0xb8;
	[tilespmem:$0x1E400] =	vst v63  }
0x78: {  	_ =	swait.ge [sflag:s14], $0x4000  }
0x79: {  	s26 =	simm.s32 $0x100;
	s28 =	simm.s32 $0x800;
	[sflag:s14] =	ssyncset.done $0x0  }
.LBB2_4:
0x7a: {  	s29 =	sadd.s32 $0x13C80, s26  }
0x7b: {  	[sflag:s14] =	ssyncadd.s32 $0xFFFFC000;
	s30 =	smov.u32 s28;
	s31 =	sadd.s32 $0x400, s28  }
0x7c: {  	[tilespmem:s19], [sflag:$0x2] =	stream.indirect.gather [hbm4b:s4+s17], $0x80, s29, s17, $0xb8;
	[tilespmem:$0x1E400] =	vst v63  }
0x7d: {  	p0 =	sne.s32 s28, $0x4800;
	_ =	swait.ge [sflag:s20], $0x4000  }
0x7e: {  	[sflag:s20] =	ssyncset.done $0x0  }
0x7f: {  	s28 =	sadd.s32 $0x15000, s26;
	[sflag:s20] =	ssyncadd.s32 $0xFFFFC000  }
0x80: {  	[spmem:s2] =	stream.indirect.scatter.add.f32 [tilespmem:s18], [sflag:$0x3], $0x80, s28, s17, $0xb8;
	[tilespmem:$0x1E400] =	vst v63  }
0x81: {  	_ =	swait.ge [sflag:s14], $0x4000  }
0x82: {  	[sflag:s14] =	ssyncset.done $0x0  }
0x83: {  	s28 =	sadd.s32 $0x13D00, s26;
	[sflag:s14] =	ssyncadd.s32 $0xFFFFC000  }
0x84: {  	[tilespmem:s18], [sflag:$0x1] =	stream.indirect.gather [hbm4b:s4+s17], $0x80, s28, s17, $0xb8;
	[tilespmem:$0x1E400] =	vst v63  }
0x85: {  	_ =	swait.ge [sflag:s21], $0x4000  }
.Ltmp1:
0x86: {  	[sflag:s21] =	ssyncset.done $0x0;
	(pc) =	sbr.rel @p0 .LBB2_4-.Ltmp1, $4  }
0x87: {  	s26 =	sadd.s32 $0x15080, s26;
	[sflag:s21] =	ssyncadd.s32 $0xFFFFC000  }
0x88: {  	[spmem:s2] =	stream.indirect.scatter.add.f32 [tilespmem:s19], [sflag:$0x3], $0x80, s26, s17, $0xb8;
	[tilespmem:$0x1E400] =	vst v63  }
0x89: {  	_ =	swait.ge [sflag:s14], $0x4000  }
0x8a: {  	s28 =	smov.u32 s31;
	s26 =	sshra.s32 s30, $0x2;
	[sflag:s14] =	ssyncset.done $0x0  }
0x8b: {  	s28 =	sadd.s32 $0x13C80, s26;
	[sflag:s14] =	ssyncadd.s32 $0xFFFFC000  }
0x8c: {  	[tilespmem:s19], [sflag:$0x2] =	stream.indirect.gather [hbm4b:s4+s17], $0x80, s28, s17, $0xb8;
	[tilespmem:$0x1E400] =	vst v63  }
0x8d: {  	_ =	swait.ge [sflag:s20], $0x4000  }
0x8e: {  	[sflag:s20] =	ssyncset.done $0x0  }
0x8f: {  	s29 =	sadd.s32 $0x15000, s26;
	[sflag:s20] =	ssyncadd.s32 $0xFFFFC000  }
0x90: {  	[spmem:s2] =	stream.indirect.scatter.add.f32 [tilespmem:s18], [sflag:$0x3], $0x80, s29, s17, $0xb8;
	[tilespmem:$0x1E400] =	vst v63  }
0x91: {  	_ =	swait.ge [sflag:s14], $0x4000  }
0x92: {  	[sflag:s14] =	ssyncset.done $0x0  }
0x93: {  	s30 =	sadd.s32 $0x13D00, s26;
	[sflag:s14] =	ssyncadd.s32 $0xFFFFC000  }
0x94: {  	[tilespmem:s18], [sflag:$0x1] =	stream.indirect.gather [hbm4b:s4+s17], $0x80, s30, s17, $0xb8;
	[tilespmem:$0x1E400] =	vst v63  }
0x95: {  	_ =	swait.ge [sflag:s21], $0x4000  }
0x96: {  	[sflag:s21] =	ssyncset.done $0x0  }
0x97: {  	s31 =	sadd.s32 $0x15080, s26;
	[sflag:s21] =	ssyncadd.s32 $0xFFFFC000  }
0x98: {  	[spmem:s2] =	stream.indirect.scatter.add.f32 [tilespmem:s19], [sflag:$0x3], $0x80, s31, s17, $0xb8;
	[tilespmem:$0x1E400] =	vst v63  }
0x99: {  	_ =	swait.ge [sflag:s14], $0x4000  }
0x9a: {  	[sflag:s14] =	ssyncset.done $0x0  }
0x9b: {  	[sflag:s14] =	ssyncadd.s32 $0xFFFFC000  }
0x9c: {  	[tilespmem:s19], [sflag:$0x2] =	stream.indirect.gather [hbm4b:s4+s17], $0x80, s22, s17, $0xb8;
	[tilespmem:$0x1E400] =	vst v63  }
0x9d: {  	_ =	swait.ge [sflag:s20], $0x4000  }
0x9e: {  	[sflag:s20] =	ssyncset.done $0x0  }
0x9f: {  	[sflag:s20] =	ssyncadd.s32 $0xFFFFC000  }
0xa0: {  	[spmem:s2] =	stream.indirect.scatter.add.f32 [tilespmem:s18], [sflag:$0x3], $0x80, s23, s17, $0xb8;
	[tilespmem:$0x1E400] =	vst v63  }
0xa1: {  	_ =	swait.ge [sflag:s14], $0x4000  }
0xa2: {  	[sflag:s14] =	ssyncset.done $0x0  }
0xa3: {  	[sflag:s14] =	ssyncadd.s32 $0xFFFFC000  }
0xa4: {  	_ =	swait.ge [sflag:s21], $0x4000  }
0xa5: {  	[sflag:s21] =	ssyncset.done $0x0  }
0xa6: {  	[sflag:s21] =	ssyncadd.s32 $0xFFFFC000  }
0xa7: {  	[spmem:s2] =	stream.indirect.scatter.add.f32 [tilespmem:s19], [sflag:$0x3], $0x80, s24, s17, $0xb8;
	[tilespmem:$0x1E400] =	vst v63  }
0xa8: {  	_ =	swait.ge [sflag:s14], $0x4000  }
0xa9: {  	s25 =	sadd.s32 $0x1, s25;
	[sflag:s14] =	ssyncset.done $0x0  }
0xaa: {  	p0 =	sne.s32 s25, s12;
	[sflag:s14] =	ssyncadd.s32 $0xFFFFC000  }
.Ltmp2:
0xab: {  	[bflag:$0x0] =	sbarrier.arrive $0xFFFF;
	(pc) =	sbr.rel @p0 .LBB2_1-.Ltmp2, $4  }
0xac: {  	[hbm:s11], [sflag:s6] =	dma.local [spmem:s13], $0x2780  }
0xad: {  	_ =	swait.ge [sflag:s14], $0x2780  }
0xae: {  	[sflag:s14] =	ssyncset.done $0x0  }
0xaf: {  	[sflag:s14] =	ssyncadd.s32 $0xFFFFD880  }
0xb0: {  	_ =	sfence.sel $0x180000  }
0xb1: {  	[bflag:$0x0] =	sbarrier.arrive $0xFFFF  }
0xb2: {  	p0 =	sne.s32 s1, $0x0;
	_ =	strace $0x9000004A  }
0xb3: {  	s0 =	sadd.s32 @!p0 $0x100000, s0;
	[bflag:$0x2] =	sbarrier.arrive $0xFFFF  }
0xb4: {  	[sflag:s0] =	ssyncadd.tile.s32 @!p0 $0x1;
	_ =	shalt  }
.Lfunc_end2:
_tile_overlayer_lowered:
.L_overlay_start_2:
0xb5: {  	(tag) =	ssettag $0x2  }
0xb6: {  	s0 =	rddreg [dreg:$0x0];
	s2 =	stileid.u32  }
0xb7: {  	s1 =	rddreg [dreg:$0x1];
	p0 =	sne.s32 s2, $0x0  }
0xb8: {  	s3 =	rddreg [dreg:$0x2];
	[bflag:$0x3] =	sbarrier.arrive $0xFFFF;
	s2 =	simm.s32 @!p0 $0x1C03  }
0xb9: {  	[timem:s3], [sflag:s2] =	dma.local @!p0 [hbm:s0], s1  }
0xba: {  	s0 =	simm.s32 @!p0 $0x3  }
0xbb: {  	_ =	swait.ge @!p0 [sflag:s0], s1  }
0xbc: {  	s1 =	ssub.s32 @!p0 $0x0, s1;
	[sflag:s0] =	ssyncset.done @!p0 $0x0  }
0xbd: {  	[sflag:s0] =	ssyncadd.s32 @!p0 s1  }
0xbe: {  	[bflag:$0x3] =	sbarrier.arrive $0xFFFF  }
0xbf: {  	_ =	shalt  }

// kernel: kernel.27.cloned.1.call-start
scs
__scs_entry_jumppad:
0x0: {  	(pc) =	sbr.rel $0x88, $3  }
0x1: {  	(tag) =	ssettag $0x0;
	lr =	simm.s32 $0x1  }
0x2: {  	[smem:$0x3F85] =	sst lr;
	_ =	strace $0xD0000000  }
0x3: {  	_ = 	snop  }
0x4: {  	_ = 	snop  }
0x5: {  	_ = 	snop  }
0x6: {  	_ = 	snop  }
0x7: {  	_ = 	snop  }
__scs_overlays_trampoline_lowered:
0x8: {  	[smem:$0x3F94] =	sst s0  }
0x9: {  	[smem:$0x3F95] =	sst s1  }
0xa: {  	[smem:$0x3F96] =	sst s2  }
0xb: {  	[smem:$0x3F97] =	sst s3  }
0xc: {  	[smem:$0x3F98] =	sst s4  }
0xd: {  	[smem:$0x3F99] =	sst s5  }
0xe: {  	[smem:$0x3F9A] =	sst s6  }
0xf: {  	[smem:$0x3F9B] =	sst s7  }
0x10: {  	[smem:$0x3F9C] =	sst s8  }
0x11: {  	[smem:$0x3F9D] =	sst s9;
	s0 =	simm.s32 @!p0 $0x0  }
0x12: {  	s1 =	sld [smem:$0x3F83];
	s0 =	simm.s32 @p0 $0x1  }
0x13: {  	[smem:$0x3F9E] =	sst s0;
	s0 =	simm.s32 @!p1 $0x0  }
0x14: {  	s2 =	sld [smem:$0x3F82];
	s0 =	simm.s32 @p1 $0x1  }
0x15: {  	[smem:$0x3F9F] =	sst s0;
	s0 =	simm.s32 @!p2 $0x0  }
0x16: {  	s3 =	sld [smem:$0x3FDB];
	s0 =	simm.s32 @p2 $0x1  }
0x17: {  	s4 =	simm.s32 $0x1BF5;
	[smem:$0x3FA1] =	sst s0  }
0x18: {  	s0 =	sld [smem:$0x3F84];
	_ =	swait.ge [sflag:s4], $0x0  }
0x19: {  	s7 =	sld [smem:$0x3F85]  }
0x1a: {  	s8 =	sadd.s32 $0xFFFFE003, lr  }
0x1b: {  	s9 =	sadd.s32 $0xFFFFFEF7, lr;
	s5 =	simm.s32 $0xFFFFFFFF;
	p2 =	slt.u32 s8, $0xFFFFF086  }
0x1c: {  	p1 =	slt.u32 s9, $0xF7A;
	s5 =	simm.s32 @!p2 $0x0  }
0x1d: {  	s5 =	simm.s32 @p1 $0x1;
	p0 =	seq.s32 s7, s2  }
0x1e: {  	s7 =	smul.u32 @!p0 $0xF7A, s2;
	p2 =	seq.s32 @!p0 s5, $0x0  }
0x1f: {  	s9 =	smul.u32 $0xF7A, s1;
	s8 =	simm.s32 @!p0 $0x1BF5;
	p2 =	por !p2, p0  }
0x20: {  	[sflag:s8] =	ssyncset.s32 @!p0 $0xFFFFF086;
	s6 =	sadd.s32 @!p0 s3, s7;
	s7 =	simm.s32 @!p0 $0x108  }
0x21: {  	s3 =	sadd.s32 s3, s9;
	s6 =	sadd.s32 @!p0 $0x88, s6;
	s7 =	simm.s32 @p2 $0x1082  }
0x22: {  	[simem:s7], [sflag:s8] =	dma.local @!p0 [hbm:s6], $0xF7A  }
0x23: {  	s9 =	sor.u32 $0xD0000000, s2;
	s6 =	simm.s32 $0x108;
	_ =	swait.ge @!p0 [sflag:s8], $0x0  }
0x24: {  	s3 =	sadd.s32 $0x88, s3;
	s6 =	simm.s32 @!p1 $0x1082;
	[sflag:s4] =	ssyncset.s32 $0xFFFFF086  }
0x25: {  	[simem:s6], [sflag:s4] =	dma.local [hbm:s3], $0xF7A  }
0x26: {  	[smem:$0x3F85] =	sst s1;
	(tag) =	ssettag s2;
	_ =	strace s9  }
0x27: {  	s1 =	sld [smem:$0x3F95]  }
0x28: {  	s2 =	sld [smem:$0x3F96]  }
0x29: {  	s4 =	sld [smem:$0x3F98]  }
0x2a: {  	p0 =	seq.s32 s5, $0x0;
	s5 =	sld [smem:$0x3F99]  }
0x2b: {  	s6 =	sld [smem:$0x3F9A]  }
0x2c: {  	s7 =	sld [smem:$0x3F9B]  }
0x2d: {  	s3 =	simm.s32 $0x108;
	s8 =	sld [smem:$0x3F9C]  }
0x2e: {  	s3 =	simm.s32 @!p0 $0x1082;
	s9 =	sld [smem:$0x3F9D]  }
0x2f: {  	lr =	sadd.s32 s0, s3;
	s0 =	sld [smem:$0x3F94]  }
0x30: {  	s3 =	sld [smem:$0x3F97]  }
0x31: {  	[smem:$0x3FA0] =	sst s10  }
0x32: {  	s10 =	sld [smem:$0x3F9E];
	_ =	sdelay $0x3  }
0x33: {  	p0 =	seq.s32 s10, $0x1;
	s10 =	sld [smem:$0x3FA0];
	_ =	sdelay $0x3  }
0x34: {  	[smem:$0x3FA0] =	sst s10  }
0x35: {  	s10 =	sld [smem:$0x3F9F];
	_ =	sdelay $0x3  }
0x36: {  	p1 =	seq.s32 s10, $0x1;
	s10 =	sld [smem:$0x3FA0];
	_ =	sdelay $0x3  }
0x37: {  	[smem:$0x3FA0] =	sst s10  }
0x38: {  	s10 =	sld [smem:$0x3FA1]  }
0x39: {  	_ = 	snop;
	(pc) =	sbr.ind lr, $3  }
0x3a: {  	_ = 	snop  }
0x3b: {  	_ = 	snop  }
0x3c: {  	p2 =	seq.s32 s10, $0x1;
	s10 =	sld [smem:$0x3FA0]  }
0x3d: {  	_ =	shalt  }
0x3e: {  	_ =	shalt  }
0x3f: {  	_ =	shalt  }
0x40: {  	_ =	shalt  }
0x41: {  	_ =	shalt  }
0x42: {  	_ =	shalt  }
0x43: {  	_ =	shalt  }
0x44: {  	_ =	shalt  }
0x45: {  	_ =	shalt  }
0x46: {  	_ =	shalt  }
0x47: {  	_ =	shalt  }
0x48: {  	_ =	shalt  }
0x49: {  	_ =	shalt  }
0x4a: {  	_ =	shalt  }
0x4b: {  	_ =	shalt  }
0x4c: {  	_ =	shalt  }
0x4d: {  	_ =	shalt  }
0x4e: {  	_ =	shalt  }
0x4f: {  	_ =	shalt  }
0x50: {  	_ =	shalt  }
0x51: {  	_ =	shalt  }
0x52: {  	_ =	shalt  }
0x53: {  	_ =	shalt  }
0x54: {  	_ =	shalt  }
0x55: {  	_ =	shalt  }
0x56: {  	_ =	shalt  }
0x57: {  	_ =	shalt  }
0x58: {  	_ =	shalt  }
0x59: {  	_ =	shalt  }
0x5a: {  	_ =	shalt  }
0x5b: {  	_ =	shalt  }
0x5c: {  	_ =	shalt  }
0x5d: {  	_ =	shalt  }
0x5e: {  	_ =	shalt  }
0x5f: {  	_ =	shalt  }
0x60: {  	_ =	shalt  }
0x61: {  	_ =	shalt  }
0x62: {  	_ =	shalt  }
0x63: {  	_ =	shalt  }
0x64: {  	_ =	shalt  }
0x65: {  	_ =	shalt  }
0x66: {  	_ =	shalt  }
0x67: {  	_ =	shalt  }
0x68: {  	_ =	shalt  }
0x69: {  	_ =	shalt  }
0x6a: {  	_ =	shalt  }
0x6b: {  	_ =	shalt  }
0x6c: {  	_ =	shalt  }
0x6d: {  	_ =	shalt  }
0x6e: {  	_ =	shalt  }
0x6f: {  	_ =	shalt  }
0x70: {  	_ =	shalt  }
0x71: {  	_ =	shalt  }
0x72: {  	_ =	shalt  }
0x73: {  	_ =	shalt  }
0x74: {  	_ =	shalt  }
0x75: {  	_ =	shalt  }
0x76: {  	_ =	shalt  }
0x77: {  	_ =	shalt  }
0x78: {  	_ =	shalt  }
0x79: {  	_ =	shalt  }
0x7a: {  	_ =	shalt  }
0x7b: {  	_ =	shalt  }
0x7c: {  	_ =	shalt  }
0x7d: {  	_ =	shalt  }
0x7e: {  	_ =	shalt  }
0x7f: {  	_ =	shalt  }
0x80: {  	_ =	shalt  }
0x81: {  	_ =	shalt  }
0x82: {  	_ =	shalt  }
0x83: {  	_ =	shalt  }
0x84: {  	_ =	shalt  }
0x85: {  	_ =	shalt  }
0x86: {  	_ =	shalt  }
0x87: {  	_ =	shalt  }
.Lfunc_end0:
.L_simem_size_0:
called_computation.4_lowered:
.L_overlay_start_0:
0x88: {  	s2 =	sld [smem:$0x3FD9]  }
0x89: {  	s3 =	sld [smem:$0x3FFE];
	_ =	sdelay $0x1  }
0x8a: {  	s1 =	srdreg.scid  }
0x8b: {  	s0 =	sand.u32 $0x1, s1  }
0x8c: {  	s17 =	sshll.u32 s0, $0xA;
	s2 =	sadd.s32 s3, s2  }
0x8d: {  	s2 =	sadd.s32 s2, s17  }
0x8e: {  	[smem:$0x3FAC] =	sst s2  }
0x8f: {  	_ = 	snop  }
0x90: {  	(tm) =	ssettm $0x1  }
0x91: {  	s18 =	sld [smem:$0x3FFB];
	_ =	sdelay $0x3  }
0x92: {  	_ =	strace s18  }
0x93: {  	s2 =	sld [smem:$0x3FFC];
	_ =	sdelay $0x3  }
0x94: {  	_ =	strace s2  }
0x95: {  	s2 =	sld [smem:$0x3FFD];
	_ =	sdelay $0x3  }
0x96: {  	_ =	strace s2  }
0x97: {  	_ =	strace $0x8FFFFFFF  }
0x98: {  	s19 =	sld [smem:$0x3FDB];
	_ =	sdelay $0x1  }
0x99: {  	s20 =	simm.s32 $_scs_section_size  }
0x9a: {  	s4 =	simm.s32 $_size__tile_overlayer_lowered;
	s5 =	simm.s32 $_tile_overlayer_lowered  }
0x9b: {  	s6 =	simm.s32 $0x1BFF;
	s21 =	sshll.u32 s5, $0x1;
	s3 =	sadd.s32 s20, s19  }
0x9c: {  	s22 =	simm.s32 $0x0;
	s4 =	sshll.u32 s4, $0x1;
	s5 =	sadd.s32 s21, s3  }
0x9d: {  	[timem:s22], [sflag:s6] =	dma.local [hbm:s5], s4  }
0x9e: {  	_ =	swait.ge [sflag:s6], s4  }
0x9f: {  	s4 =	ssub.s32 $0x0, s4;
	[sflag:s6] =	ssyncset.done $0x0  }
0xa0: {  	[sflag:s6] =	ssyncadd.s32 s4;
	_ =	sdelay $0x1  }
0xa1: {  	s23 =	simm.s32 $0x1B8B  }
0xa2: {  	_ =	swait.ge [sflag:s23], $0x1  }
0xa3: {  	[sflag:s23] =	ssyncset.done $0x0  }
0xa4: {  	[sflag:s23] =	ssyncadd.s32 $0xFFFFFFFF  }
0xa5: {  	s4 =	sld [smem:$0x0]  }
0xa6: {  	s5 =	sand.u32 $0xFFFFFFFE, s1  }
0xa7: {  	p0 =	sne.s32 s1, s5  }
0xa8: {  	s5 =	sshll.u32 @p0 s5, $0xE  }
0xa9: {  	s5 =	sadd.s32 @p0 $0x11B8D, s5;
	s6 =	sshll.u32 @p0 s4, $0x11  }
0xaa: {  	s5 =	sor.u32 @p0 s6, s5  }
0xab: {  	[sflag:s5] =	ssyncadd.remote.s32 @p0 $0x1;
	_ =	sdelay $0x1  }
0xac: {  	s5 =	simm.s32 @p0 $0x1B8D  }
0xad: {  	_ =	swait.eq @p0 [sflag:s5], $0x1  }
0xae: {  	[sflag:s5] =	ssyncadd.s32 @p0 $0xFFFFFFFF  }
0xaf: {  	s6 =	sshll.u32 @!p0 s1, $0xE  }
0xb0: {  	s6 =	sor.u32 @!p0 $0x4000, s6;
	s5 =	simm.s32 @!p0 $0x1B8D  }
0xb1: {  	s4 =	sshll.u32 @!p0 s4, $0x11;
	s6 =	sadd.s32 @!p0 $0x11B8D, s6;
	_ =	swait.eq @!p0 [sflag:s5], $0x1  }
0xb2: {  	s4 =	sor.u32 @!p0 s4, s6;
	[sflag:s5] =	ssyncadd.s32 @!p0 $0xFFFFFFFF  }
0xb3: {  	s25 =	simm.s32 $0x1B8E;
	s24 =	sld [smem:$0x3FFE];
	[sflag:s4] =	ssyncadd.remote.s32 @!p0 $0x1  }
0xb4: {  	s26 =	simm.s32 $execute0_lowered;
	[smem:$0x3FD2] =	sst s25  }
0xb5: {  	s5 =	sshll.u32 s26, $0x1;
	_ =	strace $0x80000052;
	[dreg:$0x1] =	wrdreg $0xFFFFFFFF  }
0xb6: {  	s28 =	simm.s32 $_size_execute0_lowered;
	s3 =	sadd.s32 s3, s5;
	[dreg:$0x0] =	wrdreg $0x0  }
0xb7: {  	s5 =	sshll.u32 s28, $0x1;
	[dreg:$0x2] =	wrdreg s3  }
0xb8: {  	[dreg:$0x3] =	wrdreg s5  }
0xb9: {  	[dreg:$0x4] =	wrdreg $0xC0  }
0xba: {  	_ =	task [dreg:s22], $0x5FFFF  }
0xbb: {  	[dreg:$0x1] =	wrdreg $0xFFFFFFFF  }
0xbc: {  	[dreg:$0x0] =	wrdreg $0x60  }
0xbd: {  	[dreg:$0x2] =	wrdreg s24  }
0xbe: {  	[dreg:$0x3] =	wrdreg $0x0  }
0xbf: {  	[dreg:$0x4] =	wrdreg $0xB  }
0xc0: {  	_ =	task.clear_ibuf [dreg:s22], $0x5FFFF;
	_ =	strace $0x90000052  }
0xc1: {  	s29 =	simm.s32 $0xB;
	_ =	strace $0x80000054  }
0xc2: {  	_ =	swait.ge [sflag:s29], $0x1  }
0xc3: {  	[sflag:s29] =	ssyncadd.s32 $0xFFFFFFFF  }
0xc4: {  	_ =	strace $0x90000054  }
0xc5: {  	_ =	sfence  }
0xc6: {  	s30 =	sld [smem:$0x0];
	_ =	sdelay $0x2  }
0xc7: {  	s31 =	sshll.u32 s1, $0xD;
	s1 =	sshrl.u32 s1, $0x2  }
0xc8: {  	s4 =	sand.u32 $0x4000, s31;
	s1 =	sadd.s32 s1, s30  }
0xc9: {  	s0 =	sor.u32 s4, s0;
	s1 =	sshll.u32 s1, $0x11  }
0xca: {  	s0 =	sor.u32 s1, s0  }
0xcb: {  	s0 =	sadd.s32 $0x8F2B, s0  }
0xcc: {  	[sflag:s0] =	ssyncadd.remote.s32 $0x1  }
0xcd: {  	_ =	sfence.sel $0xFFFF  }
0xce: {  	[dreg:$0x0] =	wrdreg $0xFFFFFFFF;
	(pc) =	sbr.abs _section_cstart, $3  }
0xcf: {  	[dreg:$0x1] =	wrdreg $0xFFFFFFFF  }
0xd0: {  	_ =	task.clear_ibuf [dreg:s22], $0x2FFFF;
	_ =	strace $0x9FFFFFFF  }
0xd1: {  	(tm) =	ssettm $0x7FFFFFFF  }
tec
execute0_lowered:
.L_overlay_start_1:
0x0: {  	(tag) =	ssettag $0x1  }
0x1: {  	s6 =	rddreg [dreg:$0x0];
	s0 =	srdreg.scid  }
0x2: {  	s2 =	rddreg [dreg:$0x1];
	s1 =	stileid.u32;
	s3 =	simm.s32 $0x0  }
0x3: {  	s15 =	simm.s32 $0x13C00;
	s16 =	simm.s32 $0x15000;
	s17 =	simm.s32 $0x80  }
0x4: {  	s18 =	simm.s32 $0x16400;
	s19 =	simm.s32 $0x1A400;
	s20 =	simm.s32 $0x1  }
0x5: {  	s21 =	simm.s32 $0x2;
	s22 =	simm.s32 $0x14F80;
	s7 =	smul.u32 $0x2800, s1  }
0x6: {  	s23 =	simm.s32 $0x16300;
	s24 =	simm.s32 $0x16380;
	s10 =	smul.u32 $0x13C00, s1  }
0x7: {  	s5 =	sand.u32 $0x1, s0;
	s0 =	rddreg [dreg:$0x2];
	s29 =	smul.u32 $0x4F000, s1  }
0x8: {  	s25 =	simm.s32 $0x0;
	[smem:$0x7FF] =	sst s3;
	s4 =	smul.u32 $0x28000, s5  }
0x9: {  	s31 =	sshll.u32 s1, $0x6;
	s8 =	smul.u32 $0x13C000, s5;
	s28 =	ssub.s32 $0x2, s5  }
0xa: {  	_ =	strace $0x80000053;
	s5 =	sadd.s32 $0xBA00, s6;
	s30 =	sshrl.u32 s28, $0x1  }
0xb: {  	s9 =	sadd.s32 s7, s4;
	s4 =	sadd.s32 $0x8DE00, s6;
	s7 =	sshrl.u32 s7, $0x3  }
0xc: {  	s26 =	sadd.s32 s10, s8;
	s13 =	ssub.s32 s28, s30;
	s10 =	sshrl.u32 s29, $0x2  }
0xd: {  	s9 =	sshrl.u32 s9, $0x3;
	s11 =	sadd.s32 s7, s6;
	s7 =	sshrl.u32 s26, $0x3  }
0xe: {  	s9 =	sadd.s32 s9, s6;
	s12 =	sadd.s32 s7, s6;
	s6 =	sor.u32 $0x1C03, s31  }
0xf: {  	s14 =	sadd.s32 s10, s2;
	s10 =	sadd.s32 $0x12B280, s11;
	s7 =	sadd.s32 $0x17EA00, s9  }
0x10: {  	s8 =	sadd.s32 $0x12B000, s11;
	s9 =	sadd.s32 $0x17EC80, s9;
	s11 =	sadd.s32 $0xDC000, s12  }
0x11: {  	s12 =	smax.u32 s13, $0x1;
	s13 =	sshrl.u32 s14, $0x3;
	s14 =	simm.s32 $0x3  }
.LBB2_1:
0x12: {  	[spmem:s13], [sflag:s6] =	dma.local [hbm:s5], $0x2780  }
0x13: {  	_ =	swait.ge [sflag:s14], $0x2780  }
0x14: {  	[sflag:s14] =	ssyncset.done $0x0  }
0x15: {  	[sflag:s14] =	ssyncadd.s32 $0xFFFFD880  }
0x16: {  	[bflag:$0x0] =	sbarrier.arrive $0xFFFF  }
0x17: {  	[tilespmem:s15], [sflag:$0x3] =	stream.linear.gather [hbm4b:s7+s3], $0x1400, $0x38;
	[tilespmem:$0x1E400] =	vst v63  }
0x18: {  	_ =	swait.ge [sflag:s14], $0x1400  }
0x19: {  	[sflag:s14] =	ssyncset.done $0x0  }
0x1a: {  	[sflag:s14] =	ssyncadd.s32 $0xFFFFEC00  }
0x1b: {  	[tilespmem:s16], [sflag:$0x3] =	stream.linear.gather [hbm4b:s8+s3], $0x1400, $0x38;
	[tilespmem:$0x1E400] =	vst v63  }
0x1c: {  	_ =	swait.ge [sflag:s14], $0x1400  }
0x1d: {  	[sflag:s14] =	ssyncset.done $0x0  }
0x1e: {  	[sflag:s14] =	ssyncadd.s32 $0xFFFFEC00  }
0x1f: {  	[tilespmem:s18], [sflag:$0x1] =	stream.indirect.gather [hbm4b:s4+s17], $0x80, s15, s17, $0xb8;
	[tilespmem:$0x1E400] =	vst v63  }
0x20: {  	s26 =	simm.s32 $0x13C80  }
0x21: {  	[tilespmem:s19], [sflag:$0x2] =	stream.indirect.gather [hbm4b:s4+s17], $0x80, s26, s17, $0xb8;
	[tilespmem:$0x1E400] =	vst v63  }
0x22: {  	_ =	swait.ge [sflag:s20], $0x4000  }
0x23: {  	[sflag:s20] =	ssyncset.done $0x0  }
0x24: {  	s29 =	simm.s32 $0x15000;
	[sflag:s20] =	ssyncadd.s32 $0xFFFFC000  }
0x25: {  	[spmem:s2] =	stream.indirect.scatter.add.f32 [tilespmem:s18], [sflag:$0x3], $0x80, s29, s17, $0xb8;
	[tilespmem:$0x1E400] =	vst v63  }
0x26: {  	_ =	swait.ge [sflag:s14], $0x4000  }
0x27: {  	[sflag:s14] =	ssyncset.done $0x0  }
0x28: {  	s30 =	simm.s32 $0x13D00;
	[sflag:s14] =	ssyncadd.s32 $0xFFFFC000  }
0x29: {  	[tilespmem:s18], [sflag:$0x1] =	stream.indirect.gather [hbm4b:s4+s17], $0x80, s30, s17, $0xb8;
	[tilespmem:$0x1E400] =	vst v63  }
0x2a: {  	_ =	swait.ge [sflag:s21], $0x4000  }
0x2b: {  	[sflag:s21] =	ssyncset.done $0x0  }
0x2c: {  	s31 =	simm.s32 $0x15080;
	[sflag:s21] =	ssyncadd.s32 $0xFFFFC000  }
0x2d: {  	[spmem:s2] =	stream.indirect.scatter.add.f32 [tilespmem:s19], [sflag:$0x3], $0x80, s31, s17, $0xb8;
	[tilespmem:$0x1E400] =	vst v63  }
0x2e: {  	_ =	swait.ge [sflag:s14], $0x4000  }
0x2f: {  	s28 =	simm.s32 $0x800;
	s26 =	simm.s32 $0x100;
	[sflag:s14] =	ssyncset.done $0x0  }
.LBB2_2:
0x30: {  	s29 =	sadd.s32 $0x13C80, s26  }
0x31: {  	[sflag:s14] =	ssyncadd.s32 $0xFFFFC000;
	s30 =	smov.u32 s28;
	s31 =	sadd.s32 $0x400, s28  }
0x32: {  	[tilespmem:s19], [sflag:$0x2] =	stream.indirect.gather [hbm4b:s4+s17], $0x80, s29, s17, $0xb8;
	[tilespmem:$0x1E400] =	vst v63  }
0x33: {  	p0 =	sne.s32 s28, $0x4800;
	_ =	swait.ge [sflag:s20], $0x4000  }
0x34: {  	[sflag:s20] =	ssyncset.done $0x0  }
0x35: {  	s28 =	sadd.s32 $0x15000, s26;
	[sflag:s20] =	ssyncadd.s32 $0xFFFFC000  }
0x36: {  	[spmem:s2] =	stream.indirect.scatter.add.f32 [tilespmem:s18], [sflag:$0x3], $0x80, s28, s17, $0xb8;
	[tilespmem:$0x1E400] =	vst v63  }
0x37: {  	_ =	swait.ge [sflag:s14], $0x4000  }
0x38: {  	[sflag:s14] =	ssyncset.done $0x0  }
0x39: {  	s28 =	sadd.s32 $0x13D00, s26;
	[sflag:s14] =	ssyncadd.s32 $0xFFFFC000  }
0x3a: {  	[tilespmem:s18], [sflag:$0x1] =	stream.indirect.gather [hbm4b:s4+s17], $0x80, s28, s17, $0xb8;
	[tilespmem:$0x1E400] =	vst v63  }
0x3b: {  	_ =	swait.ge [sflag:s21], $0x4000  }
.Ltmp0:
0x3c: {  	[sflag:s21] =	ssyncset.done $0x0;
	(pc) =	sbr.rel @p0 .LBB2_2-.Ltmp0, $4  }
0x3d: {  	s26 =	sadd.s32 $0x15080, s26;
	[sflag:s21] =	ssyncadd.s32 $0xFFFFC000  }
0x3e: {  	[spmem:s2] =	stream.indirect.scatter.add.f32 [tilespmem:s19], [sflag:$0x3], $0x80, s26, s17, $0xb8;
	[tilespmem:$0x1E400] =	vst v63  }
0x3f: {  	_ =	swait.ge [sflag:s14], $0x4000  }
0x40: {  	s28 =	smov.u32 s31;
	s26 =	sshra.s32 s30, $0x2;
	[sflag:s14] =	ssyncset.done $0x0  }
0x41: {  	s28 =	sadd.s32 $0x13C80, s26;
	[sflag:s14] =	ssyncadd.s32 $0xFFFFC000  }
0x42: {  	[tilespmem:s19], [sflag:$0x2] =	stream.indirect.gather [hbm4b:s4+s17], $0x80, s28, s17, $0xb8;
	[tilespmem:$0x1E400] =	vst v63  }
0x43: {  	_ =	swait.ge [sflag:s20], $0x4000  }
0x44: {  	[sflag:s20] =	ssyncset.done $0x0  }
0x45: {  	s28 =	sadd.s32 $0x15000, s26;
	[sflag:s20] =	ssyncadd.s32 $0xFFFFC000  }
0x46: {  	[spmem:s2] =	stream.indirect.scatter.add.f32 [tilespmem:s18], [sflag:$0x3], $0x80, s28, s17, $0xb8;
	[tilespmem:$0x1E400] =	vst v63  }
0x47: {  	_ =	swait.ge [sflag:s14], $0x4000  }
0x48: {  	[sflag:s14] =	ssyncset.done $0x0  }
0x49: {  	s28 =	sadd.s32 $0x13D00, s26;
	[sflag:s14] =	ssyncadd.s32 $0xFFFFC000  }
0x4a: {  	[tilespmem:s18], [sflag:$0x1] =	stream.indirect.gather [hbm4b:s4+s17], $0x80, s28, s17, $0xb8;
	[tilespmem:$0x1E400] =	vst v63  }
0x4b: {  	_ =	swait.ge [sflag:s21], $0x4000  }
0x4c: {  	[sflag:s21] =	ssyncset.done $0x0  }
0x4d: {  	s29 =	sadd.s32 $0x15080, s26;
	[sflag:s21] =	ssyncadd.s32 $0xFFFFC000  }
0x4e: {  	[spmem:s2] =	stream.indirect.scatter.add.f32 [tilespmem:s19], [sflag:$0x3], $0x80, s29, s17, $0xb8;
	[tilespmem:$0x1E400] =	vst v63  }
0x4f: {  	_ =	swait.ge [sflag:s14], $0x4000  }
0x50: {  	[sflag:s14] =	ssyncset.done $0x0  }
0x51: {  	[sflag:s14] =	ssyncadd.s32 $0xFFFFC000  }
0x52: {  	[tilespmem:s19], [sflag:$0x2] =	stream.indirect.gather [hbm4b:s4+s17], $0x80, s22, s17, $0xb8;
	[tilespmem:$0x1E400] =	vst v63  }
0x53: {  	_ =	swait.ge [sflag:s20], $0x4000  }
0x54: {  	[sflag:s20] =	ssyncset.done $0x0  }
0x55: {  	[sflag:s20] =	ssyncadd.s32 $0xFFFFC000  }
0x56: {  	[spmem:s2] =	stream.indirect.scatter.add.f32 [tilespmem:s18], [sflag:$0x3], $0x80, s23, s17, $0xb8;
	[tilespmem:$0x1E400] =	vst v63  }
0x57: {  	_ =	swait.ge [sflag:s14], $0x4000  }
0x58: {  	[sflag:s14] =	ssyncset.done $0x0  }
0x59: {  	[sflag:s14] =	ssyncadd.s32 $0xFFFFC000  }
0x5a: {  	_ =	swait.ge [sflag:s21], $0x4000  }
0x5b: {  	[sflag:s21] =	ssyncset.done $0x0  }
0x5c: {  	[sflag:s21] =	ssyncadd.s32 $0xFFFFC000  }
0x5d: {  	[spmem:s2] =	stream.indirect.scatter.add.f32 [tilespmem:s19], [sflag:$0x3], $0x80, s24, s17, $0xb8;
	[tilespmem:$0x1E400] =	vst v63  }
0x5e: {  	_ =	swait.ge [sflag:s14], $0x4000  }
0x5f: {  	[sflag:s14] =	ssyncset.done $0x0  }
0x60: {  	s30 =	simm.s32 $0x0;
	[sflag:s14] =	ssyncadd.s32 $0xFFFFC000  }
0x61: {  	[tilespmem:s15], [sflag:$0x3] =	stream.linear.gather [hbm4b:s9+s30], $0x1400, $0x38;
	[tilespmem:$0x1E400] =	vst v63  }
0x62: {  	_ =	swait.ge [sflag:s14], $0x1400  }
0x63: {  	[sflag:s14] =	ssyncset.done $0x0  }
0x64: {  	[sflag:s14] =	ssyncadd.s32 $0xFFFFEC00  }
0x65: {  	[tilespmem:s16], [sflag:$0x3] =	stream.linear.gather [hbm4b:s10+s30], $0x1400, $0x38;
	[tilespmem:$0x1E400] =	vst v63  }
0x66: {  	_ =	swait.ge [sflag:s14], $0x1400  }
0x67: {  	[sflag:s14] =	ssyncset.done $0x0  }
0x68: {  	[sflag:s14] =	ssyncadd.s32 $0xFFFFEC00  }
0x69: {  	[tilespmem:s18], [sflag:$0x1] =	stream.indirect.gather [hbm4b:s4+s17], $0x80, s15, s17, $0xb8;
	[tilespmem:$0x1E400] =	vst v63  }
0x6a: {  	s31 =	simm.s32 $0x13C80  }
0x6b: {  	[tilespmem:s19], [sflag:$0x2] =	stream.indirect.gather [hbm4b:s4+s17], $0x80, s31, s17, $0xb8;
	[tilespmem:$0x1E400] =	vst v63  }
0x6c: {  	_ =	swait.ge [sflag:s20], $0x4000  }
0x6d: {  	[sflag:s20] =	ssyncset.done $0x0  }
0x6e: {  	s29 =	simm.s32 $0x15000;
	[sflag:s20] =	ssyncadd.s32 $0xFFFFC000  }
0x6f: {  	[spmem:s2] =	stream.indirect.scatter.add.f32 [tilespmem:s18], [sflag:$0x3], $0x80, s29, s17, $0xb8;
	[tilespmem:$0x1E400] =	vst v63  }
0x70: {  	_ =	swait.ge [sflag:s14], $0x4000  }
0x71: {  	[sflag:s14] =	ssyncset.done $0x0  }
0x72: {  	s30 =	simm.s32 $0x13D00;
	[sflag:s14] =	ssyncadd.s32 $0xFFFFC000  }
0x73: {  	[tilespmem:s18], [sflag:$0x1] =	stream.indirect.gather [hbm4b:s4+s17], $0x80, s30, s17, $0xb8;
	[tilespmem:$0x1E400] =	vst v63  }
0x74: {  	_ =	swait.ge [sflag:s21], $0x4000  }
0x75: {  	[sflag:s21] =	ssyncset.done $0x0  }
0x76: {  	s31 =	simm.s32 $0x15080;
	[sflag:s21] =	ssyncadd.s32 $0xFFFFC000  }
0x77: {  	[spmem:s2] =	stream.indirect.scatter.add.f32 [tilespmem:s19], [sflag:$0x3], $0x80, s31, s17, $0xb8;
	[tilespmem:$0x1E400] =	vst v63  }
0x78: {  	_ =	swait.ge [sflag:s14], $0x4000  }
0x79: {  	s26 =	simm.s32 $0x100;
	s28 =	simm.s32 $0x800;
	[sflag:s14] =	ssyncset.done $0x0  }
.LBB2_4:
0x7a: {  	s29 =	sadd.s32 $0x13C80, s26  }
0x7b: {  	[sflag:s14] =	ssyncadd.s32 $0xFFFFC000;
	s30 =	smov.u32 s28;
	s31 =	sadd.s32 $0x400, s28  }
0x7c: {  	[tilespmem:s19], [sflag:$0x2] =	stream.indirect.gather [hbm4b:s4+s17], $0x80, s29, s17, $0xb8;
	[tilespmem:$0x1E400] =	vst v63  }
0x7d: {  	p0 =	sne.s32 s28, $0x4800;
	_ =	swait.ge [sflag:s20], $0x4000  }
0x7e: {  	[sflag:s20] =	ssyncset.done $0x0  }
0x7f: {  	s28 =	sadd.s32 $0x15000, s26;
	[sflag:s20] =	ssyncadd.s32 $0xFFFFC000  }
0x80: {  	[spmem:s2] =	stream.indirect.scatter.add.f32 [tilespmem:s18], [sflag:$0x3], $0x80, s28, s17, $0xb8;
	[tilespmem:$0x1E400] =	vst v63  }
0x81: {  	_ =	swait.ge [sflag:s14], $0x4000  }
0x82: {  	[sflag:s14] =	ssyncset.done $0x0  }
0x83: {  	s28 =	sadd.s32 $0x13D00, s26;
	[sflag:s14] =	ssyncadd.s32 $0xFFFFC000  }
0x84: {  	[tilespmem:s18], [sflag:$0x1] =	stream.indirect.gather [hbm4b:s4+s17], $0x80, s28, s17, $0xb8;
	[tilespmem:$0x1E400] =	vst v63  }
0x85: {  	_ =	swait.ge [sflag:s21], $0x4000  }
.Ltmp1:
0x86: {  	[sflag:s21] =	ssyncset.done $0x0;
	(pc) =	sbr.rel @p0 .LBB2_4-.Ltmp1, $4  }
0x87: {  	s26 =	sadd.s32 $0x15080, s26;
	[sflag:s21] =	ssyncadd.s32 $0xFFFFC000  }
0x88: {  	[spmem:s2] =	stream.indirect.scatter.add.f32 [tilespmem:s19], [sflag:$0x3], $0x80, s26, s17, $0xb8;
	[tilespmem:$0x1E400] =	vst v63  }
0x89: {  	_ =	swait.ge [sflag:s14], $0x4000  }
0x8a: {  	s28 =	smov.u32 s31;
	s26 =	sshra.s32 s30, $0x2;
	[sflag:s14] =	ssyncset.done $0x0  }
0x8b: {  	s28 =	sadd.s32 $0x13C80, s26;
	[sflag:s14] =	ssyncadd.s32 $0xFFFFC000  }
0x8c: {  	[tilespmem:s19], [sflag:$0x2] =	stream.indirect.gather [hbm4b:s4+s17], $0x80, s28, s17, $0xb8;
	[tilespmem:$0x1E400] =	vst v63  }
0x8d: {  	_ =	swait.ge [sflag:s20], $0x4000  }
0x8e: {  	[sflag:s20] =	ssyncset.done $0x0  }
0x8f: {  	s29 =	sadd.s32 $0x15000, s26;
	[sflag:s20] =	ssyncadd.s32 $0xFFFFC000  }
0x90: {  	[spmem:s2] =	stream.indirect.scatter.add.f32 [tilespmem:s18], [sflag:$0x3], $0x80, s29, s17, $0xb8;
	[tilespmem:$0x1E400] =	vst v63  }
0x91: {  	_ =	swait.ge [sflag:s14], $0x4000  }
0x92: {  	[sflag:s14] =	ssyncset.done $0x0  }
0x93: {  	s30 =	sadd.s32 $0x13D00, s26;
	[sflag:s14] =	ssyncadd.s32 $0xFFFFC000  }
0x94: {  	[tilespmem:s18], [sflag:$0x1] =	stream.indirect.gather [hbm4b:s4+s17], $0x80, s30, s17, $0xb8;
	[tilespmem:$0x1E400] =	vst v63  }
0x95: {  	_ =	swait.ge [sflag:s21], $0x4000  }
0x96: {  	[sflag:s21] =	ssyncset.done $0x0  }
0x97: {  	s31 =	sadd.s32 $0x15080, s26;
	[sflag:s21] =	ssyncadd.s32 $0xFFFFC000  }
0x98: {  	[spmem:s2] =	stream.indirect.scatter.add.f32 [tilespmem:s19], [sflag:$0x3], $0x80, s31, s17, $0xb8;
	[tilespmem:$0x1E400] =	vst v63  }
0x99: {  	_ =	swait.ge [sflag:s14], $0x4000  }
0x9a: {  	[sflag:s14] =	ssyncset.done $0x0  }
0x9b: {  	[sflag:s14] =	ssyncadd.s32 $0xFFFFC000  }
0x9c: {  	[tilespmem:s19], [sflag:$0x2] =	stream.indirect.gather [hbm4b:s4+s17], $0x80, s22, s17, $0xb8;
	[tilespmem:$0x1E400] =	vst v63  }
0x9d: {  	_ =	swait.ge [sflag:s20], $0x4000  }
0x9e: {  	[sflag:s20] =	ssyncset.done $0x0  }
0x9f: {  	[sflag:s20] =	ssyncadd.s32 $0xFFFFC000  }
0xa0: {  	[spmem:s2] =	stream.indirect.scatter.add.f32 [tilespmem:s18], [sflag:$0x3], $0x80, s23, s17, $0xb8;
	[tilespmem:$0x1E400] =	vst v63  }
0xa1: {  	_ =	swait.ge [sflag:s14], $0x4000  }
0xa2: {  	[sflag:s14] =	ssyncset.done $0x0  }
0xa3: {  	[sflag:s14] =	ssyncadd.s32 $0xFFFFC000  }
0xa4: {  	_ =	swait.ge [sflag:s21], $0x4000  }
0xa5: {  	[sflag:s21] =	ssyncset.done $0x0  }
0xa6: {  	[sflag:s21] =	ssyncadd.s32 $0xFFFFC000  }
0xa7: {  	[spmem:s2] =	stream.indirect.scatter.add.f32 [tilespmem:s19], [sflag:$0x3], $0x80, s24, s17, $0xb8;
	[tilespmem:$0x1E400] =	vst v63  }
0xa8: {  	_ =	swait.ge [sflag:s14], $0x4000  }
0xa9: {  	s25 =	sadd.s32 $0x1, s25;
	[sflag:s14] =	ssyncset.done $0x0  }
0xaa: {  	p0 =	sne.s32 s25, s12;
	[sflag:s14] =	ssyncadd.s32 $0xFFFFC000  }
.Ltmp2:
0xab: {  	[bflag:$0x0] =	sbarrier.arrive $0xFFFF;
	(pc) =	sbr.rel @p0 .LBB2_1-.Ltmp2, $4  }
0xac: {  	[hbm:s11], [sflag:s6] =	dma.local [spmem:s13], $0x2780  }
0xad: {  	_ =	swait.ge [sflag:s14], $0x2780  }
0xae: {  	[sflag:s14] =	ssyncset.done $0x0  }
0xaf: {  	[sflag:s14] =	ssyncadd.s32 $0xFFFFD880  }
0xb0: {  	_ =	sfence.sel $0x180000  }
0xb1: {  	[bflag:$0x0] =	sbarrier.arrive $0xFFFF  }
0xb2: {  	p0 =	sne.s32 s1, $0x0;
	_ =	strace $0x90000053  }
0xb3: {  	s0 =	sadd.s32 @!p0 $0x100000, s0;
	[bflag:$0x2] =	sbarrier.arrive $0xFFFF  }
0xb4: {  	[sflag:s0] =	ssyncadd.tile.s32 @!p0 $0x1;
	_ =	shalt  }
.Lfunc_end2:
_tile_overlayer_lowered:
.L_overlay_start_2:
0xb5: {  	(tag) =	ssettag $0x2  }
0xb6: {  	s0 =	rddreg [dreg:$0x0];
	s2 =	stileid.u32  }
0xb7: {  	s1 =	rddreg [dreg:$0x1];
	p0 =	sne.s32 s2, $0x0  }
0xb8: {  	s3 =	rddreg [dreg:$0x2];
	[bflag:$0x3] =	sbarrier.arrive $0xFFFF;
	s2 =	simm.s32 @!p0 $0x1C03  }
0xb9: {  	[timem:s3], [sflag:s2] =	dma.local @!p0 [hbm:s0], s1  }
0xba: {  	s0 =	simm.s32 @!p0 $0x3  }
0xbb: {  	_ =	swait.ge @!p0 [sflag:s0], s1  }
0xbc: {  	s1 =	ssub.s32 @!p0 $0x0, s1;
	[sflag:s0] =	ssyncset.done @!p0 $0x0  }
0xbd: {  	[sflag:s0] =	ssyncadd.s32 @!p0 s1  }
0xbe: {  	[bflag:$0x3] =	sbarrier.arrive $0xFFFF  }
0xbf: {  	_ =	shalt  }

// kernel: kernel.30.cloned.1.call-start
scs
__scs_entry_jumppad:
0x0: {  	(pc) =	sbr.rel $0x88, $3  }
0x1: {  	(tag) =	ssettag $0x0;
	lr =	simm.s32 $0x1  }
0x2: {  	[smem:$0x3F85] =	sst lr;
	_ =	strace $0xD0000000  }
0x3: {  	_ = 	snop  }
0x4: {  	_ = 	snop  }
0x5: {  	_ = 	snop  }
0x6: {  	_ = 	snop  }
0x7: {  	_ = 	snop  }
__scs_overlays_trampoline_lowered:
0x8: {  	[smem:$0x3F94] =	sst s0  }
0x9: {  	[smem:$0x3F95] =	sst s1  }
0xa: {  	[smem:$0x3F96] =	sst s2  }
0xb: {  	[smem:$0x3F97] =	sst s3  }
0xc: {  	[smem:$0x3F98] =	sst s4  }
0xd: {  	[smem:$0x3F99] =	sst s5  }
0xe: {  	[smem:$0x3F9A] =	sst s6  }
0xf: {  	[smem:$0x3F9B] =	sst s7  }
0x10: {  	[smem:$0x3F9C] =	sst s8  }
0x11: {  	[smem:$0x3F9D] =	sst s9;
	s0 =	simm.s32 @!p0 $0x0  }
0x12: {  	s1 =	sld [smem:$0x3F83];
	s0 =	simm.s32 @p0 $0x1  }
0x13: {  	[smem:$0x3F9E] =	sst s0;
	s0 =	simm.s32 @!p1 $0x0  }
0x14: {  	s2 =	sld [smem:$0x3F82];
	s0 =	simm.s32 @p1 $0x1  }
0x15: {  	[smem:$0x3F9F] =	sst s0;
	s0 =	simm.s32 @!p2 $0x0  }
0x16: {  	s3 =	sld [smem:$0x3FDB];
	s0 =	simm.s32 @p2 $0x1  }
0x17: {  	s4 =	simm.s32 $0x1BF5;
	[smem:$0x3FA1] =	sst s0  }
0x18: {  	s0 =	sld [smem:$0x3F84];
	_ =	swait.ge [sflag:s4], $0x0  }
0x19: {  	s7 =	sld [smem:$0x3F85]  }
0x1a: {  	s8 =	sadd.s32 $0xFFFFE003, lr  }
0x1b: {  	s9 =	sadd.s32 $0xFFFFFEF7, lr;
	s5 =	simm.s32 $0xFFFFFFFF;
	p2 =	slt.u32 s8, $0xFFFFF086  }
0x1c: {  	p1 =	slt.u32 s9, $0xF7A;
	s5 =	simm.s32 @!p2 $0x0  }
0x1d: {  	s5 =	simm.s32 @p1 $0x1;
	p0 =	seq.s32 s7, s2  }
0x1e: {  	s7 =	smul.u32 @!p0 $0xF7A, s2;
	p2 =	seq.s32 @!p0 s5, $0x0  }
0x1f: {  	s9 =	smul.u32 $0xF7A, s1;
	s8 =	simm.s32 @!p0 $0x1BF5;
	p2 =	por !p2, p0  }
0x20: {  	[sflag:s8] =	ssyncset.s32 @!p0 $0xFFFFF086;
	s6 =	sadd.s32 @!p0 s3, s7;
	s7 =	simm.s32 @!p0 $0x108  }
0x21: {  	s3 =	sadd.s32 s3, s9;
	s6 =	sadd.s32 @!p0 $0x88, s6;
	s7 =	simm.s32 @p2 $0x1082  }
0x22: {  	[simem:s7], [sflag:s8] =	dma.local @!p0 [hbm:s6], $0xF7A  }
0x23: {  	s9 =	sor.u32 $0xD0000000, s2;
	s6 =	simm.s32 $0x108;
	_ =	swait.ge @!p0 [sflag:s8], $0x0  }
0x24: {  	s3 =	sadd.s32 $0x88, s3;
	s6 =	simm.s32 @!p1 $0x1082;
	[sflag:s4] =	ssyncset.s32 $0xFFFFF086  }
0x25: {  	[simem:s6], [sflag:s4] =	dma.local [hbm:s3], $0xF7A  }
0x26: {  	[smem:$0x3F85] =	sst s1;
	(tag) =	ssettag s2;
	_ =	strace s9  }
0x27: {  	s1 =	sld [smem:$0x3F95]  }
0x28: {  	s2 =	sld [smem:$0x3F96]  }
0x29: {  	s4 =	sld [smem:$0x3F98]  }
0x2a: {  	p0 =	seq.s32 s5, $0x0;
	s5 =	sld [smem:$0x3F99]  }
0x2b: {  	s6 =	sld [smem:$0x3F9A]  }
0x2c: {  	s7 =	sld [smem:$0x3F9B]  }
0x2d: {  	s3 =	simm.s32 $0x108;
	s8 =	sld [smem:$0x3F9C]  }
0x2e: {  	s3 =	simm.s32 @!p0 $0x1082;
	s9 =	sld [smem:$0x3F9D]  }
0x2f: {  	lr =	sadd.s32 s0, s3;
	s0 =	sld [smem:$0x3F94]  }
0x30: {  	s3 =	sld [smem:$0x3F97]  }
0x31: {  	[smem:$0x3FA0] =	sst s10  }
0x32: {  	s10 =	sld [smem:$0x3F9E];
	_ =	sdelay $0x3  }
0x33: {  	p0 =	seq.s32 s10, $0x1;
	s10 =	sld [smem:$0x3FA0];
	_ =	sdelay $0x3  }
0x34: {  	[smem:$0x3FA0] =	sst s10  }
0x35: {  	s10 =	sld [smem:$0x3F9F];
	_ =	sdelay $0x3  }
0x36: {  	p1 =	seq.s32 s10, $0x1;
	s10 =	sld [smem:$0x3FA0];
	_ =	sdelay $0x3  }
0x37: {  	[smem:$0x3FA0] =	sst s10  }
0x38: {  	s10 =	sld [smem:$0x3FA1]  }
0x39: {  	_ = 	snop;
	(pc) =	sbr.ind lr, $3  }
0x3a: {  	_ = 	snop  }
0x3b: {  	_ = 	snop  }
0x3c: {  	p2 =	seq.s32 s10, $0x1;
	s10 =	sld [smem:$0x3FA0]  }
0x3d: {  	_ =	shalt  }
0x3e: {  	_ =	shalt  }
0x3f: {  	_ =	shalt  }
0x40: {  	_ =	shalt  }
0x41: {  	_ =	shalt  }
0x42: {  	_ =	shalt  }
0x43: {  	_ =	shalt  }
0x44: {  	_ =	shalt  }
0x45: {  	_ =	shalt  }
0x46: {  	_ =	shalt  }
0x47: {  	_ =	shalt  }
0x48: {  	_ =	shalt  }
0x49: {  	_ =	shalt  }
0x4a: {  	_ =	shalt  }
0x4b: {  	_ =	shalt  }
0x4c: {  	_ =	shalt  }
0x4d: {  	_ =	shalt  }
0x4e: {  	_ =	shalt  }
0x4f: {  	_ =	shalt  }
0x50: {  	_ =	shalt  }
0x51: {  	_ =	shalt  }
0x52: {  	_ =	shalt  }
0x53: {  	_ =	shalt  }
0x54: {  	_ =	shalt  }
0x55: {  	_ =	shalt  }
0x56: {  	_ =	shalt  }
0x57: {  	_ =	shalt  }
0x58: {  	_ =	shalt  }
0x59: {  	_ =	shalt  }
0x5a: {  	_ =	shalt  }
0x5b: {  	_ =	shalt  }
0x5c: {  	_ =	shalt  }
0x5d: {  	_ =	shalt  }
0x5e: {  	_ =	shalt  }
0x5f: {  	_ =	shalt  }
0x60: {  	_ =	shalt  }
0x61: {  	_ =	shalt  }
0x62: {  	_ =	shalt  }
0x63: {  	_ =	shalt  }
0x64: {  	_ =	shalt  }
0x65: {  	_ =	shalt  }
0x66: {  	_ =	shalt  }
0x67: {  	_ =	shalt  }
0x68: {  	_ =	shalt  }
0x69: {  	_ =	shalt  }
0x6a: {  	_ =	shalt  }
0x6b: {  	_ =	shalt  }
0x6c: {  	_ =	shalt  }
0x6d: {  	_ =	shalt  }
0x6e: {  	_ =	shalt  }
0x6f: {  	_ =	shalt  }
0x70: {  	_ =	shalt  }
0x71: {  	_ =	shalt  }
0x72: {  	_ =	shalt  }
0x73: {  	_ =	shalt  }
0x74: {  	_ =	shalt  }
0x75: {  	_ =	shalt  }
0x76: {  	_ =	shalt  }
0x77: {  	_ =	shalt  }
0x78: {  	_ =	shalt  }
0x79: {  	_ =	shalt  }
0x7a: {  	_ =	shalt  }
0x7b: {  	_ =	shalt  }
0x7c: {  	_ =	shalt  }
0x7d: {  	_ =	shalt  }
0x7e: {  	_ =	shalt  }
0x7f: {  	_ =	shalt  }
0x80: {  	_ =	shalt  }
0x81: {  	_ =	shalt  }
0x82: {  	_ =	shalt  }
0x83: {  	_ =	shalt  }
0x84: {  	_ =	shalt  }
0x85: {  	_ =	shalt  }
0x86: {  	_ =	shalt  }
0x87: {  	_ =	shalt  }
.Lfunc_end0:
.L_simem_size_0:
called_computation.5_lowered:
.L_overlay_start_0:
0x88: {  	s2 =	sld [smem:$0x3FD9]  }
0x89: {  	s3 =	sld [smem:$0x3FFE];
	_ =	sdelay $0x1  }
0x8a: {  	s1 =	srdreg.scid  }
0x8b: {  	s0 =	sand.u32 $0x1, s1  }
0x8c: {  	s17 =	sshll.u32 s0, $0xA;
	s2 =	sadd.s32 s3, s2  }
0x8d: {  	s2 =	sadd.s32 s2, s17  }
0x8e: {  	[smem:$0x3FAC] =	sst s2  }
0x8f: {  	_ = 	snop  }
0x90: {  	(tm) =	ssettm $0x1  }
0x91: {  	s18 =	sld [smem:$0x3FFB];
	_ =	sdelay $0x3  }
0x92: {  	_ =	strace s18  }
0x93: {  	s2 =	sld [smem:$0x3FFC];
	_ =	sdelay $0x3  }
0x94: {  	_ =	strace s2  }
0x95: {  	s2 =	sld [smem:$0x3FFD];
	_ =	sdelay $0x3  }
0x96: {  	_ =	strace s2  }
0x97: {  	_ =	strace $0x8FFFFFFF  }
0x98: {  	s19 =	sld [smem:$0x3FDB];
	_ =	sdelay $0x1  }
0x99: {  	s20 =	simm.s32 $_scs_section_size  }
0x9a: {  	s4 =	simm.s32 $_size__tile_overlayer_lowered;
	s5 =	simm.s32 $_tile_overlayer_lowered  }
0x9b: {  	s6 =	simm.s32 $0x1BFF;
	s21 =	sshll.u32 s5, $0x1;
	s3 =	sadd.s32 s20, s19  }
0x9c: {  	s22 =	simm.s32 $0x0;
	s4 =	sshll.u32 s4, $0x1;
	s5 =	sadd.s32 s21, s3  }
0x9d: {  	[timem:s22], [sflag:s6] =	dma.local [hbm:s5], s4  }
0x9e: {  	_ =	swait.ge [sflag:s6], s4  }
0x9f: {  	s4 =	ssub.s32 $0x0, s4;
	[sflag:s6] =	ssyncset.done $0x0  }
0xa0: {  	[sflag:s6] =	ssyncadd.s32 s4;
	_ =	sdelay $0x1  }
0xa1: {  	s23 =	simm.s32 $0x1B8B  }
0xa2: {  	_ =	swait.ge [sflag:s23], $0x1  }
0xa3: {  	[sflag:s23] =	ssyncset.done $0x0  }
0xa4: {  	[sflag:s23] =	ssyncadd.s32 $0xFFFFFFFF  }
0xa5: {  	s4 =	sld [smem:$0x0]  }
0xa6: {  	s5 =	sand.u32 $0xFFFFFFFE, s1  }
0xa7: {  	p0 =	sne.s32 s1, s5  }
0xa8: {  	s5 =	sshll.u32 @p0 s5, $0xE  }
0xa9: {  	s5 =	sadd.s32 @p0 $0x11B8D, s5;
	s6 =	sshll.u32 @p0 s4, $0x11  }
0xaa: {  	s5 =	sor.u32 @p0 s6, s5  }
0xab: {  	[sflag:s5] =	ssyncadd.remote.s32 @p0 $0x1;
	_ =	sdelay $0x1  }
0xac: {  	s5 =	simm.s32 @p0 $0x1B8D  }
0xad: {  	_ =	swait.eq @p0 [sflag:s5], $0x1  }
0xae: {  	[sflag:s5] =	ssyncadd.s32 @p0 $0xFFFFFFFF  }
0xaf: {  	s6 =	sshll.u32 @!p0 s1, $0xE  }
0xb0: {  	s6 =	sor.u32 @!p0 $0x4000, s6;
	s5 =	simm.s32 @!p0 $0x1B8D  }
0xb1: {  	s4 =	sshll.u32 @!p0 s4, $0x11;
	s6 =	sadd.s32 @!p0 $0x11B8D, s6;
	_ =	swait.eq @!p0 [sflag:s5], $0x1  }
0xb2: {  	s4 =	sor.u32 @!p0 s4, s6;
	[sflag:s5] =	ssyncadd.s32 @!p0 $0xFFFFFFFF  }
0xb3: {  	s25 =	simm.s32 $0x1B8E;
	s24 =	sld [smem:$0x3FFE];
	[sflag:s4] =	ssyncadd.remote.s32 @!p0 $0x1  }
0xb4: {  	s26 =	simm.s32 $execute0_lowered;
	[smem:$0x3FD2] =	sst s25  }
0xb5: {  	s5 =	sshll.u32 s26, $0x1;
	_ =	strace $0x80000055;
	[dreg:$0x1] =	wrdreg $0xFFFFFFFF  }
0xb6: {  	s28 =	simm.s32 $_size_execute0_lowered;
	s3 =	sadd.s32 s3, s5;
	[dreg:$0x0] =	wrdreg $0x0  }
0xb7: {  	s5 =	sshll.u32 s28, $0x1;
	[dreg:$0x2] =	wrdreg s3  }
0xb8: {  	[dreg:$0x3] =	wrdreg s5  }
0xb9: {  	[dreg:$0x4] =	wrdreg $0xC0  }
0xba: {  	_ =	task [dreg:s22], $0x5FFFF  }
0xbb: {  	[dreg:$0x1] =	wrdreg $0xFFFFFFFF  }
0xbc: {  	[dreg:$0x0] =	wrdreg $0x60  }
0xbd: {  	[dreg:$0x2] =	wrdreg s24  }
0xbe: {  	[dreg:$0x3] =	wrdreg $0x0  }
0xbf: {  	[dreg:$0x4] =	wrdreg $0x9  }
0xc0: {  	_ =	task.clear_ibuf [dreg:s22], $0x5FFFF;
	_ =	strace $0x90000055  }
0xc1: {  	s29 =	simm.s32 $0x9;
	_ =	strace $0x80000057  }
0xc2: {  	_ =	swait.ge [sflag:s29], $0x1  }
0xc3: {  	[sflag:s29] =	ssyncadd.s32 $0xFFFFFFFF  }
0xc4: {  	_ =	strace $0x90000057  }
0xc5: {  	_ =	sfence  }
0xc6: {  	s30 =	sld [smem:$0x0];
	_ =	sdelay $0x2  }
0xc7: {  	s31 =	sshll.u32 s1, $0xD;
	s1 =	sshrl.u32 s1, $0x2  }
0xc8: {  	s4 =	sand.u32 $0x4000, s31;
	s1 =	sadd.s32 s1, s30  }
0xc9: {  	s0 =	sor.u32 s4, s0;
	s1 =	sshll.u32 s1, $0x11  }
0xca: {  	s0 =	sor.u32 s1, s0  }
0xcb: {  	s0 =	sadd.s32 $0x8F2B, s0  }
0xcc: {  	[sflag:s0] =	ssyncadd.remote.s32 $0x1  }
0xcd: {  	_ =	sfence.sel $0xFFFF  }
0xce: {  	[dreg:$0x0] =	wrdreg $0xFFFFFFFF;
	(pc) =	sbr.abs _section_cstart, $3  }
0xcf: {  	[dreg:$0x1] =	wrdreg $0xFFFFFFFF  }
0xd0: {  	_ =	task.clear_ibuf [dreg:s22], $0x2FFFF;
	_ =	strace $0x9FFFFFFF  }
0xd1: {  	(tm) =	ssettm $0x7FFFFFFF  }
tec
execute0_lowered:
.L_overlay_start_1:
0x0: {  	(tag) =	ssettag $0x1  }
0x1: {  	s6 =	rddreg [dreg:$0x0];
	s0 =	srdreg.scid  }
0x2: {  	s2 =	rddreg [dreg:$0x1];
	s1 =	stileid.u32;
	s3 =	simm.s32 $0x0  }
0x3: {  	s15 =	simm.s32 $0x13C00;
	s16 =	simm.s32 $0x15000;
	s17 =	simm.s32 $0x80  }
0x4: {  	s18 =	simm.s32 $0x16400;
	s19 =	simm.s32 $0x1A400;
	s20 =	simm.s32 $0x1  }
0x5: {  	s21 =	simm.s32 $0x2;
	s22 =	simm.s32 $0x14F80;
	s7 =	smul.u32 $0x2800, s1  }
0x6: {  	s23 =	simm.s32 $0x16300;
	s24 =	simm.s32 $0x16380;
	s10 =	smul.u32 $0x13C00, s1  }
0x7: {  	s5 =	sand.u32 $0x1, s0;
	s0 =	rddreg [dreg:$0x2];
	s28 =	smul.u32 $0x4F000, s1  }
0x8: {  	[smem:$0x7FF] =	sst s3;
	s31 =	sshll.u32 s1, $0x6;
	s4 =	smul.u32 $0x28000, s5  }
0x9: {  	s8 =	smul.u32 $0x13C000, s5;
	_ =	strace $0x80000056;
	s26 =	ssub.s32 $0x2, s5  }
0xa: {  	s5 =	sadd.s32 $0xBA00, s6;
	s29 =	sshrl.u32 s26, $0x1;
	s30 =	sshrl.u32 s28, $0x2  }
0xb: {  	s9 =	sadd.s32 s7, s4;
	s4 =	sadd.s32 $0x35400, s6;
	s7 =	sshrl.u32 s7, $0x3  }
0xc: {  	s25 =	sadd.s32 s10, s8;
	s13 =	ssub.s32 s26, s29;
	s14 =	sadd.s32 s30, s2  }
0xd: {  	s9 =	sshrl.u32 s9, $0x3;
	s11 =	sadd.s32 s7, s6;
	s7 =	sshrl.u32 s25, $0x3  }
0xe: {  	s25 =	simm.s32 $0x0;
	s9 =	sadd.s32 s9, s6;
	s12 =	sadd.s32 s7, s6  }
0xf: {  	s6 =	sor.u32 $0x1C03, s31;
	s8 =	sadd.s32 $0x6A00, s11;
	s10 =	sadd.s32 $0x6C80, s11  }
0x10: {  	s7 =	sadd.s32 $0x83E00, s9;
	s9 =	sadd.s32 $0x84080, s9;
	s11 =	sadd.s32 $0x188A00, s12  }
0x11: {  	s12 =	smax.u32 s13, $0x1;
	s13 =	sshrl.u32 s14, $0x3;
	s14 =	simm.s32 $0x3  }
.LBB2_1:
0x12: {  	[spmem:s13], [sflag:s6] =	dma.local [hbm:s5], $0x2780  }
0x13: {  	_ =	swait.ge [sflag:s14], $0x2780  }
0x14: {  	[sflag:s14] =	ssyncset.done $0x0  }
0x15: {  	[sflag:s14] =	ssyncadd.s32 $0xFFFFD880  }
0x16: {  	[bflag:$0x0] =	sbarrier.arrive $0xFFFF  }
0x17: {  	[tilespmem:s15], [sflag:$0x3] =	stream.linear.gather [hbm4b:s7+s3], $0x1400, $0x38;
	[tilespmem:$0x1E400] =	vst v63  }
0x18: {  	_ =	swait.ge [sflag:s14], $0x1400  }
0x19: {  	[sflag:s14] =	ssyncset.done $0x0  }
0x1a: {  	[sflag:s14] =	ssyncadd.s32 $0xFFFFEC00  }
0x1b: {  	[tilespmem:s16], [sflag:$0x3] =	stream.linear.gather [hbm4b:s8+s3], $0x1400, $0x38;
	[tilespmem:$0x1E400] =	vst v63  }
0x1c: {  	_ =	swait.ge [sflag:s14], $0x1400  }
0x1d: {  	[sflag:s14] =	ssyncset.done $0x0  }
0x1e: {  	[sflag:s14] =	ssyncadd.s32 $0xFFFFEC00  }
0x1f: {  	[tilespmem:s18], [sflag:$0x1] =	stream.indirect.gather [hbm4b:s4+s17], $0x80, s15, s17, $0xb8;
	[tilespmem:$0x1E400] =	vst v63  }
0x20: {  	s26 =	simm.s32 $0x13C80  }
0x21: {  	[tilespmem:s19], [sflag:$0x2] =	stream.indirect.gather [hbm4b:s4+s17], $0x80, s26, s17, $0xb8;
	[tilespmem:$0x1E400] =	vst v63  }
0x22: {  	_ =	swait.ge [sflag:s20], $0x4000  }
0x23: {  	[sflag:s20] =	ssyncset.done $0x0  }
0x24: {  	s29 =	simm.s32 $0x15000;
	[sflag:s20] =	ssyncadd.s32 $0xFFFFC000  }
0x25: {  	[spmem:s2] =	stream.indirect.scatter.add.f32 [tilespmem:s18], [sflag:$0x3], $0x80, s29, s17, $0xb8;
	[tilespmem:$0x1E400] =	vst v63  }
0x26: {  	_ =	swait.ge [sflag:s14], $0x4000  }
0x27: {  	[sflag:s14] =	ssyncset.done $0x0  }
0x28: {  	s30 =	simm.s32 $0x13D00;
	[sflag:s14] =	ssyncadd.s32 $0xFFFFC000  }
0x29: {  	[tilespmem:s18], [sflag:$0x1] =	stream.indirect.gather [hbm4b:s4+s17], $0x80, s30, s17, $0xb8;
	[tilespmem:$0x1E400] =	vst v63  }
0x2a: {  	_ =	swait.ge [sflag:s21], $0x4000  }
0x2b: {  	[sflag:s21] =	ssyncset.done $0x0  }
0x2c: {  	s31 =	simm.s32 $0x15080;
	[sflag:s21] =	ssyncadd.s32 $0xFFFFC000  }
0x2d: {  	[spmem:s2] =	stream.indirect.scatter.add.f32 [tilespmem:s19], [sflag:$0x3], $0x80, s31, s17, $0xb8;
	[tilespmem:$0x1E400] =	vst v63  }
0x2e: {  	_ =	swait.ge [sflag:s14], $0x4000  }
0x2f: {  	s28 =	simm.s32 $0x800;
	s26 =	simm.s32 $0x100;
	[sflag:s14] =	ssyncset.done $0x0  }
.LBB2_2:
0x30: {  	s29 =	sadd.s32 $0x13C80, s26  }
0x31: {  	[sflag:s14] =	ssyncadd.s32 $0xFFFFC000;
	s30 =	smov.u32 s28;
	s31 =	sadd.s32 $0x400, s28  }
0x32: {  	[tilespmem:s19], [sflag:$0x2] =	stream.indirect.gather [hbm4b:s4+s17], $0x80, s29, s17, $0xb8;
	[tilespmem:$0x1E400] =	vst v63  }
0x33: {  	p0 =	sne.s32 s28, $0x4800;
	_ =	swait.ge [sflag:s20], $0x4000  }
0x34: {  	[sflag:s20] =	ssyncset.done $0x0  }
0x35: {  	s28 =	sadd.s32 $0x15000, s26;
	[sflag:s20] =	ssyncadd.s32 $0xFFFFC000  }
0x36: {  	[spmem:s2] =	stream.indirect.scatter.add.f32 [tilespmem:s18], [sflag:$0x3], $0x80, s28, s17, $0xb8;
	[tilespmem:$0x1E400] =	vst v63  }
0x37: {  	_ =	swait.ge [sflag:s14], $0x4000  }
0x38: {  	[sflag:s14] =	ssyncset.done $0x0  }
0x39: {  	s28 =	sadd.s32 $0x13D00, s26;
	[sflag:s14] =	ssyncadd.s32 $0xFFFFC000  }
0x3a: {  	[tilespmem:s18], [sflag:$0x1] =	stream.indirect.gather [hbm4b:s4+s17], $0x80, s28, s17, $0xb8;
	[tilespmem:$0x1E400] =	vst v63  }
0x3b: {  	_ =	swait.ge [sflag:s21], $0x4000  }
.Ltmp0:
0x3c: {  	[sflag:s21] =	ssyncset.done $0x0;
	(pc) =	sbr.rel @p0 .LBB2_2-.Ltmp0, $4  }
0x3d: {  	s26 =	sadd.s32 $0x15080, s26;
	[sflag:s21] =	ssyncadd.s32 $0xFFFFC000  }
0x3e: {  	[spmem:s2] =	stream.indirect.scatter.add.f32 [tilespmem:s19], [sflag:$0x3], $0x80, s26, s17, $0xb8;
	[tilespmem:$0x1E400] =	vst v63  }
0x3f: {  	_ =	swait.ge [sflag:s14], $0x4000  }
0x40: {  	s28 =	smov.u32 s31;
	s26 =	sshra.s32 s30, $0x2;
	[sflag:s14] =	ssyncset.done $0x0  }
0x41: {  	s28 =	sadd.s32 $0x13C80, s26;
	[sflag:s14] =	ssyncadd.s32 $0xFFFFC000  }
0x42: {  	[tilespmem:s19], [sflag:$0x2] =	stream.indirect.gather [hbm4b:s4+s17], $0x80, s28, s17, $0xb8;
	[tilespmem:$0x1E400] =	vst v63  }
0x43: {  	_ =	swait.ge [sflag:s20], $0x4000  }
0x44: {  	[sflag:s20] =	ssyncset.done $0x0  }
0x45: {  	s28 =	sadd.s32 $0x15000, s26;
	[sflag:s20] =	ssyncadd.s32 $0xFFFFC000  }
0x46: {  	[spmem:s2] =	stream.indirect.scatter.add.f32 [tilespmem:s18], [sflag:$0x3], $0x80, s28, s17, $0xb8;
	[tilespmem:$0x1E400] =	vst v63  }
0x47: {  	_ =	swait.ge [sflag:s14], $0x4000  }
0x48: {  	[sflag:s14] =	ssyncset.done $0x0  }
0x49: {  	s28 =	sadd.s32 $0x13D00, s26;
	[sflag:s14] =	ssyncadd.s32 $0xFFFFC000  }
0x4a: {  	[tilespmem:s18], [sflag:$0x1] =	stream.indirect.gather [hbm4b:s4+s17], $0x80, s28, s17, $0xb8;
	[tilespmem:$0x1E400] =	vst v63  }
0x4b: {  	_ =	swait.ge [sflag:s21], $0x4000  }
0x4c: {  	[sflag:s21] =	ssyncset.done $0x0  }
0x4d: {  	s29 =	sadd.s32 $0x15080, s26;
	[sflag:s21] =	ssyncadd.s32 $0xFFFFC000  }
0x4e: {  	[spmem:s2] =	stream.indirect.scatter.add.f32 [tilespmem:s19], [sflag:$0x3], $0x80, s29, s17, $0xb8;
	[tilespmem:$0x1E400] =	vst v63  }
0x4f: {  	_ =	swait.ge [sflag:s14], $0x4000  }
0x50: {  	[sflag:s14] =	ssyncset.done $0x0  }
0x51: {  	[sflag:s14] =	ssyncadd.s32 $0xFFFFC000  }
0x52: {  	[tilespmem:s19], [sflag:$0x2] =	stream.indirect.gather [hbm4b:s4+s17], $0x80, s22, s17, $0xb8;
	[tilespmem:$0x1E400] =	vst v63  }
0x53: {  	_ =	swait.ge [sflag:s20], $0x4000  }
0x54: {  	[sflag:s20] =	ssyncset.done $0x0  }
0x55: {  	[sflag:s20] =	ssyncadd.s32 $0xFFFFC000  }
0x56: {  	[spmem:s2] =	stream.indirect.scatter.add.f32 [tilespmem:s18], [sflag:$0x3], $0x80, s23, s17, $0xb8;
	[tilespmem:$0x1E400] =	vst v63  }
0x57: {  	_ =	swait.ge [sflag:s14], $0x4000  }
0x58: {  	[sflag:s14] =	ssyncset.done $0x0  }
0x59: {  	[sflag:s14] =	ssyncadd.s32 $0xFFFFC000  }
0x5a: {  	_ =	swait.ge [sflag:s21], $0x4000  }
0x5b: {  	[sflag:s21] =	ssyncset.done $0x0  }
0x5c: {  	[sflag:s21] =	ssyncadd.s32 $0xFFFFC000  }
0x5d: {  	[spmem:s2] =	stream.indirect.scatter.add.f32 [tilespmem:s19], [sflag:$0x3], $0x80, s24, s17, $0xb8;
	[tilespmem:$0x1E400] =	vst v63  }
0x5e: {  	_ =	swait.ge [sflag:s14], $0x4000  }
0x5f: {  	[sflag:s14] =	ssyncset.done $0x0  }
0x60: {  	s30 =	simm.s32 $0x0;
	[sflag:s14] =	ssyncadd.s32 $0xFFFFC000  }
0x61: {  	[tilespmem:s15], [sflag:$0x3] =	stream.linear.gather [hbm4b:s9+s30], $0x1400, $0x38;
	[tilespmem:$0x1E400] =	vst v63  }
0x62: {  	_ =	swait.ge [sflag:s14], $0x1400  }
0x63: {  	[sflag:s14] =	ssyncset.done $0x0  }
0x64: {  	[sflag:s14] =	ssyncadd.s32 $0xFFFFEC00  }
0x65: {  	[tilespmem:s16], [sflag:$0x3] =	stream.linear.gather [hbm4b:s10+s30], $0x1400, $0x38;
	[tilespmem:$0x1E400] =	vst v63  }
0x66: {  	_ =	swait.ge [sflag:s14], $0x1400  }
0x67: {  	[sflag:s14] =	ssyncset.done $0x0  }
0x68: {  	[sflag:s14] =	ssyncadd.s32 $0xFFFFEC00  }
0x69: {  	[tilespmem:s18], [sflag:$0x1] =	stream.indirect.gather [hbm4b:s4+s17], $0x80, s15, s17, $0xb8;
	[tilespmem:$0x1E400] =	vst v63  }
0x6a: {  	s31 =	simm.s32 $0x13C80  }
0x6b: {  	[tilespmem:s19], [sflag:$0x2] =	stream.indirect.gather [hbm4b:s4+s17], $0x80, s31, s17, $0xb8;
	[tilespmem:$0x1E400] =	vst v63  }
0x6c: {  	_ =	swait.ge [sflag:s20], $0x4000  }
0x6d: {  	[sflag:s20] =	ssyncset.done $0x0  }
0x6e: {  	s29 =	simm.s32 $0x15000;
	[sflag:s20] =	ssyncadd.s32 $0xFFFFC000  }
0x6f: {  	[spmem:s2] =	stream.indirect.scatter.add.f32 [tilespmem:s18], [sflag:$0x3], $0x80, s29, s17, $0xb8;
	[tilespmem:$0x1E400] =	vst v63  }
0x70: {  	_ =	swait.ge [sflag:s14], $0x4000  }
0x71: {  	[sflag:s14] =	ssyncset.done $0x0  }
0x72: {  	s30 =	simm.s32 $0x13D00;
	[sflag:s14] =	ssyncadd.s32 $0xFFFFC000  }
0x73: {  	[tilespmem:s18], [sflag:$0x1] =	stream.indirect.gather [hbm4b:s4+s17], $0x80, s30, s17, $0xb8;
	[tilespmem:$0x1E400] =	vst v63  }
0x74: {  	_ =	swait.ge [sflag:s21], $0x4000  }
0x75: {  	[sflag:s21] =	ssyncset.done $0x0  }
0x76: {  	s31 =	simm.s32 $0x15080;
	[sflag:s21] =	ssyncadd.s32 $0xFFFFC000  }
0x77: {  	[spmem:s2] =	stream.indirect.scatter.add.f32 [tilespmem:s19], [sflag:$0x3], $0x80, s31, s17, $0xb8;
	[tilespmem:$0x1E400] =	vst v63  }
0x78: {  	_ =	swait.ge [sflag:s14], $0x4000  }
0x79: {  	s26 =	simm.s32 $0x100;
	s28 =	simm.s32 $0x800;
	[sflag:s14] =	ssyncset.done $0x0  }
.LBB2_4:
0x7a: {  	s29 =	sadd.s32 $0x13C80, s26  }
0x7b: {  	[sflag:s14] =	ssyncadd.s32 $0xFFFFC000;
	s30 =	smov.u32 s28;
	s31 =	sadd.s32 $0x400, s28  }
0x7c: {  	[tilespmem:s19], [sflag:$0x2] =	stream.indirect.gather [hbm4b:s4+s17], $0x80, s29, s17, $0xb8;
	[tilespmem:$0x1E400] =	vst v63  }
0x7d: {  	p0 =	sne.s32 s28, $0x4800;
	_ =	swait.ge [sflag:s20], $0x4000  }
0x7e: {  	[sflag:s20] =	ssyncset.done $0x0  }
0x7f: {  	s28 =	sadd.s32 $0x15000, s26;
	[sflag:s20] =	ssyncadd.s32 $0xFFFFC000  }
0x80: {  	[spmem:s2] =	stream.indirect.scatter.add.f32 [tilespmem:s18], [sflag:$0x3], $0x80, s28, s17, $0xb8;
	[tilespmem:$0x1E400] =	vst v63  }
0x81: {  	_ =	swait.ge [sflag:s14], $0x4000  }
0x82: {  	[sflag:s14] =	ssyncset.done $0x0  }
0x83: {  	s28 =	sadd.s32 $0x13D00, s26;
	[sflag:s14] =	ssyncadd.s32 $0xFFFFC000  }
0x84: {  	[tilespmem:s18], [sflag:$0x1] =	stream.indirect.gather [hbm4b:s4+s17], $0x80, s28, s17, $0xb8;
	[tilespmem:$0x1E400] =	vst v63  }
0x85: {  	_ =	swait.ge [sflag:s21], $0x4000  }
.Ltmp1:
0x86: {  	[sflag:s21] =	ssyncset.done $0x0;
	(pc) =	sbr.rel @p0 .LBB2_4-.Ltmp1, $4  }
0x87: {  	s26 =	sadd.s32 $0x15080, s26;
	[sflag:s21] =	ssyncadd.s32 $0xFFFFC000  }
0x88: {  	[spmem:s2] =	stream.indirect.scatter.add.f32 [tilespmem:s19], [sflag:$0x3], $0x80, s26, s17, $0xb8;
	[tilespmem:$0x1E400] =	vst v63  }
0x89: {  	_ =	swait.ge [sflag:s14], $0x4000  }
0x8a: {  	s28 =	smov.u32 s31;
	s26 =	sshra.s32 s30, $0x2;
	[sflag:s14] =	ssyncset.done $0x0  }
0x8b: {  	s28 =	sadd.s32 $0x13C80, s26;
	[sflag:s14] =	ssyncadd.s32 $0xFFFFC000  }
0x8c: {  	[tilespmem:s19], [sflag:$0x2] =	stream.indirect.gather [hbm4b:s4+s17], $0x80, s28, s17, $0xb8;
	[tilespmem:$0x1E400] =	vst v63  }
0x8d: {  	_ =	swait.ge [sflag:s20], $0x4000  }
0x8e: {  	[sflag:s20] =	ssyncset.done $0x0  }
0x8f: {  	s29 =	sadd.s32 $0x15000, s26;
	[sflag:s20] =	ssyncadd.s32 $0xFFFFC000  }
0x90: {  	[spmem:s2] =	stream.indirect.scatter.add.f32 [tilespmem:s18], [sflag:$0x3], $0x80, s29, s17, $0xb8;
	[tilespmem:$0x1E400] =	vst v63  }
0x91: {  	_ =	swait.ge [sflag:s14], $0x4000  }
0x92: {  	[sflag:s14] =	ssyncset.done $0x0  }
0x93: {  	s30 =	sadd.s32 $0x13D00, s26;
	[sflag:s14] =	ssyncadd.s32 $0xFFFFC000  }
0x94: {  	[tilespmem:s18], [sflag:$0x1] =	stream.indirect.gather [hbm4b:s4+s17], $0x80, s30, s17, $0xb8;
	[tilespmem:$0x1E400] =	vst v63  }
0x95: {  	_ =	swait.ge [sflag:s21], $0x4000  }
0x96: {  	[sflag:s21] =	ssyncset.done $0x0  }
0x97: {  	s31 =	sadd.s32 $0x15080, s26;
	[sflag:s21] =	ssyncadd.s32 $0xFFFFC000  }
0x98: {  	[spmem:s2] =	stream.indirect.scatter.add.f32 [tilespmem:s19], [sflag:$0x3], $0x80, s31, s17, $0xb8;
	[tilespmem:$0x1E400] =	vst v63  }
0x99: {  	_ =	swait.ge [sflag:s14], $0x4000  }
0x9a: {  	[sflag:s14] =	ssyncset.done $0x0  }
0x9b: {  	[sflag:s14] =	ssyncadd.s32 $0xFFFFC000  }
0x9c: {  	[tilespmem:s19], [sflag:$0x2] =	stream.indirect.gather [hbm4b:s4+s17], $0x80, s22, s17, $0xb8;
	[tilespmem:$0x1E400] =	vst v63  }
0x9d: {  	_ =	swait.ge [sflag:s20], $0x4000  }
0x9e: {  	[sflag:s20] =	ssyncset.done $0x0  }
0x9f: {  	[sflag:s20] =	ssyncadd.s32 $0xFFFFC000  }
0xa0: {  	[spmem:s2] =	stream.indirect.scatter.add.f32 [tilespmem:s18], [sflag:$0x3], $0x80, s23, s17, $0xb8;
	[tilespmem:$0x1E400] =	vst v63  }
0xa1: {  	_ =	swait.ge [sflag:s14], $0x4000  }
0xa2: {  	[sflag:s14] =	ssyncset.done $0x0  }
0xa3: {  	[sflag:s14] =	ssyncadd.s32 $0xFFFFC000  }
0xa4: {  	_ =	swait.ge [sflag:s21], $0x4000  }
0xa5: {  	[sflag:s21] =	ssyncset.done $0x0  }
0xa6: {  	[sflag:s21] =	ssyncadd.s32 $0xFFFFC000  }
0xa7: {  	[spmem:s2] =	stream.indirect.scatter.add.f32 [tilespmem:s19], [sflag:$0x3], $0x80, s24, s17, $0xb8;
	[tilespmem:$0x1E400] =	vst v63  }
0xa8: {  	_ =	swait.ge [sflag:s14], $0x4000  }
0xa9: {  	s25 =	sadd.s32 $0x1, s25;
	[sflag:s14] =	ssyncset.done $0x0  }
0xaa: {  	p0 =	sne.s32 s25, s12;
	[sflag:s14] =	ssyncadd.s32 $0xFFFFC000  }
.Ltmp2:
0xab: {  	[bflag:$0x0] =	sbarrier.arrive $0xFFFF;
	(pc) =	sbr.rel @p0 .LBB2_1-.Ltmp2, $4  }
0xac: {  	[hbm:s11], [sflag:s6] =	dma.local [spmem:s13], $0x2780  }
0xad: {  	_ =	swait.ge [sflag:s14], $0x2780  }
0xae: {  	[sflag:s14] =	ssyncset.done $0x0  }
0xaf: {  	[sflag:s14] =	ssyncadd.s32 $0xFFFFD880  }
0xb0: {  	_ =	sfence.sel $0x180000  }
0xb1: {  	[bflag:$0x0] =	sbarrier.arrive $0xFFFF  }
0xb2: {  	p0 =	sne.s32 s1, $0x0;
	_ =	strace $0x90000056  }
0xb3: {  	s0 =	sadd.s32 @!p0 $0x100000, s0;
	[bflag:$0x2] =	sbarrier.arrive $0xFFFF  }
0xb4: {  	[sflag:s0] =	ssyncadd.tile.s32 @!p0 $0x1;
	_ =	shalt  }
.Lfunc_end2:
_tile_overlayer_lowered:
.L_overlay_start_2:
0xb5: {  	(tag) =	ssettag $0x2  }
0xb6: {  	s0 =	rddreg [dreg:$0x0];
	s2 =	stileid.u32  }
0xb7: {  	s1 =	rddreg [dreg:$0x1];
	p0 =	sne.s32 s2, $0x0  }
0xb8: {  	s3 =	rddreg [dreg:$0x2];
	[bflag:$0x3] =	sbarrier.arrive $0xFFFF;
	s2 =	simm.s32 @!p0 $0x1C03  }
0xb9: {  	[timem:s3], [sflag:s2] =	dma.local @!p0 [hbm:s0], s1  }
0xba: {  	s0 =	simm.s32 @!p0 $0x3  }
0xbb: {  	_ =	swait.ge @!p0 [sflag:s0], s1  }
0xbc: {  	s1 =	ssub.s32 @!p0 $0x0, s1;
	[sflag:s0] =	ssyncset.done @!p0 $0x0  }
0xbd: {  	[sflag:s0] =	ssyncadd.s32 @!p0 s1  }
0xbe: {  	[bflag:$0x3] =	sbarrier.arrive $0xFFFF  }
0xbf: {  	_ =	shalt  }

</sc_bundles>
